<compile_context>
chip_gen: v7x
topology: tpu7x:2x2x1
jax: 0.10.2.dev20260603
libtpu: 0.0.44.dev20260713+nightly
codegen_flags: <defaults>
</compile_context>

<pallas_src>
import functools

import jax
import jax.numpy as jnp
from jax import lax
from jax.experimental import pallas as pl
from jax.experimental.pallas import tpu as pltpu
from jax.experimental.pallas import tpu_sc as plsc

_DIM = 128
_BATCH = 16384
_GAMMA = 12.0
_RHO = 0.5
_BETA = 0.5
_GAMMA_2 = 1.0

_NW = 32
_PER_W = _BATCH // _NW
_G = 64
_NCHUNK = _PER_W // _G
_L = 16


def _vsqrt(x):
    i = lax.bitcast_convert_type(x, jnp.int32)
    i = jnp.int32(0x5F3759DF) - lax.shift_right_logical(i, 1)
    y = lax.bitcast_convert_type(i, jnp.float32)
    y = y * (1.5 - 0.5 * x * y * y)
    y = y * (1.5 - 0.5 * x * y * y)
    y = y * (1.5 - 0.5 * x * y * y)
    return jnp.where(x > 0.0, x * y, 0.0)


def _sc_kernel(rel_hbm, eint_hbm, text_hbm, hidx_hbm, ridx_hbm, tidx_hbm,
               out_hbm,
               hidx_v, ridx_v, tidx_v,
               rel0, hi0, ti0, ht0, tt0,
               rel1, hi1, ti1, ht1, tt1,
               out_v,
               isem, sem0, sem1):
    wid = lax.axis_index("s") * 2 + lax.axis_index("c")
    wbase = wid * _PER_W

    wsl = pl.ds(wbase, _PER_W)
    idx_cps = [
        pltpu.async_copy(hidx_hbm.at[wsl], hidx_v, isem),
        pltpu.async_copy(ridx_hbm.at[wsl], ridx_v, isem),
        pltpu.async_copy(tidx_hbm.at[wsl], tidx_v, isem),
    ]
    for cp in idx_cps:
        cp.wait()

    bufs = [(rel0, hi0, ti0, ht0, tt0), (rel1, hi1, ti1, ht1, tt1)]
    sems = [sem0, sem1]
    iota = lax.iota(jnp.int32, _L)

    def descs(c, b):
        o = pl.ds(c * _G, _G)
        rel_v, hi_v, ti_v, ht_v, tt_v = bufs[b]
        return [
            pltpu.make_async_copy(rel_hbm.at[ridx_v.at[o]], rel_v, sems[b]),
            pltpu.make_async_copy(eint_hbm.at[hidx_v.at[o]], hi_v, sems[b]),
            pltpu.make_async_copy(eint_hbm.at[tidx_v.at[o]], ti_v, sems[b]),
            pltpu.make_async_copy(text_hbm.at[hidx_v.at[o]], ht_v, sems[b]),
            pltpu.make_async_copy(text_hbm.at[tidx_v.at[o]], tt_v, sems[b]),
        ]

    def fire(c, b):
        for cp in descs(c, b):
            cp.start()

    def drain(c, b):
        for cp in descs(c, b):
            cp.wait()

    def compute(c, b):
        rel_v, hi_v, ti_v, ht_v, tt_v = bufs[b]
        obase = c * _G

        def body(i, carry):
            l1acc, hdacc, tdacc = carry
            l1 = jnp.zeros((_L,), jnp.float32)
            hd = jnp.zeros((_L,), jnp.float32)
            td = jnp.zeros((_L,), jnp.float32)
            for j in range(_DIM // _L):
                sl = pl.ds(j * _L, _L)
                r = rel_v[i, sl]
                hi = hi_v[i, sl]
                ti = ti_v[i, sl]
                ht = ht_v[i, sl]
                tt = tt_v[i, sl]
                w = 0.5 * ((hi + ht) - (ti + tt)) + r
                l1 = l1 + jnp.abs(w)
                dh = hi - ht
                dt = ti - tt
                hd = hd + dh * dh
                td = td + dt * dt
            m = iota == (i & (_L - 1))
            l1acc = jnp.where(m, jnp.sum(l1), l1acc)
            hdacc = jnp.where(m, jnp.sum(hd), hdacc)
            tdacc = jnp.where(m, jnp.sum(td), tdacc)

            @pl.when((i & (_L - 1)) == (_L - 1))
            def _():
                score = (_GAMMA_2 * (_GAMMA - l1acc)
                         - _BETA * 0.5 * (_vsqrt(hdacc) + _vsqrt(tdacc)))
                out_v[pl.ds(obase + i - (_L - 1), _L)] = score

            return (l1acc, hdacc, tdacc)

        zeros = jnp.zeros((_L,), jnp.float32)
        lax.fori_loop(0, _G, body, (zeros, zeros, zeros), unroll=4)

    fire(0, 0)
    fire(1, 1)

    def pair(p, carry):
        c0 = 2 * p
        drain(c0, 0)
        compute(c0, 0)

        @pl.when(p < _NCHUNK // 2 - 1)
        def _():
            fire(c0 + 2, 0)

        drain(c0 + 1, 1)
        compute(c0 + 1, 1)

        @pl.when(p < _NCHUNK // 2 - 1)
        def _():
            fire(c0 + 3, 1)

        return carry

    lax.fori_loop(0, _NCHUNK // 2, pair, 0)

    pltpu.sync_copy(out_v, out_hbm.at[wsl])


@jax.jit
def kernel(sample, relation_embedding, entity_embedding_init,
           entity_text_embeddings):
    h_idx = sample[:, 0]
    r_idx = sample[:, 1]
    t_idx = sample[:, 2]

    mesh = plsc.VectorSubcoreMesh(core_axis_name="c", subcore_axis_name="s")
    row = pltpu.VMEM((_G, _DIM), jnp.float32)
    run = functools.partial(
        pl.kernel,
        out_type=jax.ShapeDtypeStruct((_BATCH,), jnp.float32),
        mesh=mesh,
        compiler_params=pltpu.CompilerParams(needs_layout_passes=False),
        scratch_types=[
            pltpu.VMEM((_PER_W,), jnp.int32),
            pltpu.VMEM((_PER_W,), jnp.int32),
            pltpu.VMEM((_PER_W,), jnp.int32),
            row, row, row, row, row,
            row, row, row, row, row,
            pltpu.VMEM((_PER_W,), jnp.float32),
            pltpu.SemaphoreType.DMA,
            pltpu.SemaphoreType.DMA,
            pltpu.SemaphoreType.DMA,
        ],
    )(_sc_kernel)
    score = run(relation_embedding, entity_embedding_init,
                entity_text_embeddings, h_idx, r_idx, t_idx)
    return score[:, None]

# --- scband reference (transcript-rebuilt; emitter-appended) ---
"""Pipeline reference for scband-kgfit-25357486915919 (READ-ONLY COPY).

The authoritative reference and input builder live on the scoring server;
editing this copy changes nothing except your own understanding.
"""

import jax, jax.numpy as jnp
import numpy as np

NENT = 100000
NREL = 100000
DIM = 128
BATCH = 16384
GAMMA = 12.0
EPS = 2.0
RHO = 0.5
BETA = 0.5
GAMMA_2 = 1.0
RNG = (GAMMA + EPS) / DIM


def setup_inputs(seed: int = 0) -> dict:
    key = jax.random.key(seed)
    k1, k2, k3, k4 = jax.random.split(key, 4)
    sample = jax.random.randint(k1, (BATCH, 3), 0, NENT, dtype=jnp.int32)
    relation_embedding = jax.random.uniform(k2, (NREL, DIM), minval=-RNG, maxval=RNG, dtype=jnp.float32)
    entity_embedding_init = jax.random.uniform(k3, (NENT, DIM), minval=-RNG, maxval=RNG, dtype=jnp.float32)
    entity_text_embeddings = jax.random.uniform(k4, (NENT, DIM), minval=-RNG, maxval=RNG, dtype=jnp.float32)
    return {
        "sample": sample,
        "relation_embedding": relation_embedding,
        "entity_embedding_init": entity_embedding_init,
        "entity_text_embeddings": entity_text_embeddings,
    }


def reference(sample, relation_embedding, entity_embedding_init, entity_text_embeddings):
    # Embedding lookups (SparseCore gathers), mode='single'
    relation = jnp.take(relation_embedding, sample[:, 1], axis=0)[:, None, :]
    head_init = jnp.take(entity_embedding_init, sample[:, 0], axis=0)[:, None, :]
    tail_init = jnp.take(entity_embedding_init, sample[:, 2], axis=0)[:, None, :]
    head_text = jnp.take(entity_text_embeddings, sample[:, 0], axis=0)[:, None, :]
    tail_text = jnp.take(entity_text_embeddings, sample[:, 2], axis=0)[:, None, :]
    # rho-blend of structural and text embeddings
    head_combined = RHO * head_init + (1.0 - RHO) * head_text
    tail_combined = RHO * tail_init + (1.0 - RHO) * tail_text
    # text-anchor distances (L2)
    head_text_dist = jnp.linalg.norm(head_combined - head_text, axis=-1)
    tail_text_dist = jnp.linalg.norm(tail_combined - tail_text, axis=-1)
    # TransE score: gamma - ||h + r - t||_1
    true_triple_score = GAMMA - jnp.sum(jnp.abs(head_combined + relation - tail_combined), axis=-1)
    score = GAMMA_2 * true_triple_score - BETA * (head_text_dist + tail_text_dist)
    return score

if __name__ == "__main__":
    import jax
    _d = setup_inputs()
    print(jax.jit(kernel)(*tuple(_d.values())))

</pallas_src>

<mosaic_0001>
#map = affine_map<(d0, d1) -> (0, 0)>
#map1 = affine_map<(d0, d1) -> (0)>
module attributes {stable_mosaic.version = 14 : i64} {
  func.func @_sc_kernel(%arg0: i32, %arg1: i32, %arg2: memref<100000x128xf32, #tpu.memory_space<hbm>>, %arg3: memref<100000x128xf32, #tpu.memory_space<hbm>>, %arg4: memref<100000x128xf32, #tpu.memory_space<hbm>>, %arg5: memref<16384xi32, #tpu.memory_space<hbm>>, %arg6: memref<16384xi32, #tpu.memory_space<hbm>>, %arg7: memref<16384xi32, #tpu.memory_space<hbm>>, %arg8: memref<16384xf32, #tpu.memory_space<hbm>>, %arg9: memref<512xi32, #tpu.memory_space<vmem>>, %arg10: memref<512xi32, #tpu.memory_space<vmem>>, %arg11: memref<512xi32, #tpu.memory_space<vmem>>, %arg12: memref<64x128xf32, #tpu.memory_space<vmem>>, %arg13: memref<64x128xf32, #tpu.memory_space<vmem>>, %arg14: memref<64x128xf32, #tpu.memory_space<vmem>>, %arg15: memref<64x128xf32, #tpu.memory_space<vmem>>, %arg16: memref<64x128xf32, #tpu.memory_space<vmem>>, %arg17: memref<64x128xf32, #tpu.memory_space<vmem>>, %arg18: memref<64x128xf32, #tpu.memory_space<vmem>>, %arg19: memref<64x128xf32, #tpu.memory_space<vmem>>, %arg20: memref<64x128xf32, #tpu.memory_space<vmem>>, %arg21: memref<64x128xf32, #tpu.memory_space<vmem>>, %arg22: memref<512xf32, #tpu.memory_space<vmem>>, %arg23: memref<!tpu.dma_semaphore, #tpu.memory_space<semaphore_mem>>, %arg24: memref<!tpu.dma_semaphore, #tpu.memory_space<semaphore_mem>>, %arg25: memref<!tpu.dma_semaphore, #tpu.memory_space<semaphore_mem>>) attributes {dimension_semantics = [#tpu.dimension_semantics<core_parallel>, #tpu.dimension_semantics<subcore_parallel>], iteration_bounds = array<i64: 2, 16>, scalar_prefetch = 0 : i64, scratch_operands = 17 : i64, tpu.core_type = #tpu.core_type<sc_vector_subcore>, window_params = [{transform_indices = #map}, {transform_indices = #map}, {transform_indices = #map}, {transform_indices = #map1}, {transform_indices = #map1}, {transform_indices = #map1}, {transform_indices = #map1}]} {
    %mul3A = arith.constant 2 : i32
    %mul3A_0 = arith.muli %arg1, %mul3A : i32
    %add3A = arith.addi %mul3A_0, %arg0 : i32
    %mul3A_1 = arith.constant 512 : i32
    %mul3A_2 = arith.muli %add3A, %mul3A_1 : i32
    %dma_start3A = tpu.memref_slice %arg5[%mul3A_2] : memref<16384xi32, #tpu.memory_space<hbm>> -> memref<512xi32, #tpu.memory_space<hbm>>
    %dma_start3A_3 = tpu.memref_slice %arg5[%mul3A_2] : memref<16384xi32, #tpu.memory_space<hbm>> -> memref<512xi32, #tpu.memory_space<hbm>>
    tpu.enqueue_dma source(%dma_start3A_3 : memref<512xi32, #tpu.memory_space<hbm>>) target(%arg9 : memref<512xi32, #tpu.memory_space<vmem>>) target_semaphore(%arg23 : memref<!tpu.dma_semaphore, #tpu.memory_space<semaphore_mem>>)
    %dma_start3A_4 = tpu.memref_slice %arg6[%mul3A_2] : memref<16384xi32, #tpu.memory_space<hbm>> -> memref<512xi32, #tpu.memory_space<hbm>>
    %dma_start3A_5 = tpu.memref_slice %arg6[%mul3A_2] : memref<16384xi32, #tpu.memory_space<hbm>> -> memref<512xi32, #tpu.memory_space<hbm>>
    tpu.enqueue_dma source(%dma_start3A_5 : memref<512xi32, #tpu.memory_space<hbm>>) target(%arg10 : memref<512xi32, #tpu.memory_space<vmem>>) target_semaphore(%arg23 : memref<!tpu.dma_semaphore, #tpu.memory_space<semaphore_mem>>)
    %dma_start3A_6 = tpu.memref_slice %arg7[%mul3A_2] : memref<16384xi32, #tpu.memory_space<hbm>> -> memref<512xi32, #tpu.memory_space<hbm>>
    %dma_start3A_7 = tpu.memref_slice %arg7[%mul3A_2] : memref<16384xi32, #tpu.memory_space<hbm>> -> memref<512xi32, #tpu.memory_space<hbm>>
    tpu.enqueue_dma source(%dma_start3A_7 : memref<512xi32, #tpu.memory_space<hbm>>) target(%arg11 : memref<512xi32, #tpu.memory_space<vmem>>) target_semaphore(%arg23 : memref<!tpu.dma_semaphore, #tpu.memory_space<semaphore_mem>>)
    %dma_wait3A = tpu.memref_slice %arg5[%mul3A_2] : memref<16384xi32, #tpu.memory_space<hbm>> -> memref<512xi32, #tpu.memory_space<hbm>>
    %dma_wait3A_8 = tpu.memref_slice %arg5[%mul3A_2] : memref<16384xi32, #tpu.memory_space<hbm>> -> memref<512xi32, #tpu.memory_space<hbm>>
    tpu.wait_dma2 semaphore(%arg23 : memref<!tpu.dma_semaphore, #tpu.memory_space<semaphore_mem>>) src(%dma_wait3A_8 : memref<512xi32, #tpu.memory_space<hbm>>) dst(%arg9 : memref<512xi32, #tpu.memory_space<vmem>>)
    %dma_wait3A_9 = tpu.memref_slice %arg6[%mul3A_2] : memref<16384xi32, #tpu.memory_space<hbm>> -> memref<512xi32, #tpu.memory_space<hbm>>
    %dma_wait3A_10 = tpu.memref_slice %arg6[%mul3A_2] : memref<16384xi32, #tpu.memory_space<hbm>> -> memref<512xi32, #tpu.memory_space<hbm>>
    tpu.wait_dma2 semaphore(%arg23 : memref<!tpu.dma_semaphore, #tpu.memory_space<semaphore_mem>>) src(%dma_wait3A_10 : memref<512xi32, #tpu.memory_space<hbm>>) dst(%arg10 : memref<512xi32, #tpu.memory_space<vmem>>)
    %dma_wait3A_11 = tpu.memref_slice %arg7[%mul3A_2] : memref<16384xi32, #tpu.memory_space<hbm>> -> memref<512xi32, #tpu.memory_space<hbm>>
    %dma_wait3A_12 = tpu.memref_slice %arg7[%mul3A_2] : memref<16384xi32, #tpu.memory_space<hbm>> -> memref<512xi32, #tpu.memory_space<hbm>>
    tpu.wait_dma2 semaphore(%arg23 : memref<!tpu.dma_semaphore, #tpu.memory_space<semaphore_mem>>) src(%dma_wait3A_12 : memref<512xi32, #tpu.memory_space<hbm>>) dst(%arg11 : memref<512xi32, #tpu.memory_space<vmem>>)
    %iota3A = tpu.iota {dimensions = array<i32: 0>} : vector<16xi32>
    %dma_start3A_13 = arith.constant 0 : i32
    %dma_start3A_14 = tpu.memref_slice %arg10[%dma_start3A_13] : memref<512xi32, #tpu.memory_space<vmem>> -> memref<64xi32, #tpu.memory_space<vmem>>
    %dma_start3A_15 = arith.constant 0 : i32
    %dma_start3A_16 = arith.constant 0 : i32
    %dma_start3A_17 = tpu.memref_slice %arg2[%dma_start3A_15, %dma_start3A_16] : memref<100000x128xf32, #tpu.memory_space<hbm>> -> memref<100000x128xf32, #tpu.memory_space<hbm>>
    tpu.enqueue_indirect_dma source(%dma_start3A_17 : memref<100000x128xf32, #tpu.memory_space<hbm>>) target(%arg12 : memref<64x128xf32, #tpu.memory_space<vmem>>) offsets(%dma_start3A_14 : memref<64xi32, #tpu.memory_space<vmem>>) semaphore(%arg24 : memref<!tpu.dma_semaphore, #tpu.memory_space<semaphore_mem>>)
    %dma_start3A_18 = arith.constant 0 : i32
    %dma_start3A_19 = tpu.memref_slice %arg9[%dma_start3A_18] : memref<512xi32, #tpu.memory_space<vmem>> -> memref<64xi32, #tpu.memory_space<vmem>>
    %dma_start3A_20 = arith.constant 0 : i32
    %dma_start3A_21 = arith.constant 0 : i32
    %dma_start3A_22 = tpu.memref_slice %arg3[%dma_start3A_20, %dma_start3A_21] : memref<100000x128xf32, #tpu.memory_space<hbm>> -> memref<100000x128xf32, #tpu.memory_space<hbm>>
    tpu.enqueue_indirect_dma source(%dma_start3A_22 : memref<100000x128xf32, #tpu.memory_space<hbm>>) target(%arg13 : memref<64x128xf32, #tpu.memory_space<vmem>>) offsets(%dma_start3A_19 : memref<64xi32, #tpu.memory_space<vmem>>) semaphore(%arg24 : memref<!tpu.dma_semaphore, #tpu.memory_space<semaphore_mem>>)
    %dma_start3A_23 = arith.constant 0 : i32
    %dma_start3A_24 = tpu.memref_slice %arg11[%dma_start3A_23] : memref<512xi32, #tpu.memory_space<vmem>> -> memref<64xi32, #tpu.memory_space<vmem>>
    %dma_start3A_25 = arith.constant 0 : i32
    %dma_start3A_26 = arith.constant 0 : i32
    %dma_start3A_27 = tpu.memref_slice %arg3[%dma_start3A_25, %dma_start3A_26] : memref<100000x128xf32, #tpu.memory_space<hbm>> -> memref<100000x128xf32, #tpu.memory_space<hbm>>
    tpu.enqueue_indirect_dma source(%dma_start3A_27 : memref<100000x128xf32, #tpu.memory_space<hbm>>) target(%arg14 : memref<64x128xf32, #tpu.memory_space<vmem>>) offsets(%dma_start3A_24 : memref<64xi32, #tpu.memory_space<vmem>>) semaphore(%arg24 : memref<!tpu.dma_semaphore, #tpu.memory_space<semaphore_mem>>)
    %dma_start3A_28 = arith.constant 0 : i32
    %dma_start3A_29 = tpu.memref_slice %arg9[%dma_start3A_28] : memref<512xi32, #tpu.memory_space<vmem>> -> memref<64xi32, #tpu.memory_space<vmem>>
    %dma_start3A_30 = arith.constant 0 : i32
    %dma_start3A_31 = arith.constant 0 : i32
    %dma_start3A_32 = tpu.memref_slice %arg4[%dma_start3A_30, %dma_start3A_31] : memref<100000x128xf32, #tpu.memory_space<hbm>> -> memref<100000x128xf32, #tpu.memory_space<hbm>>
    tpu.enqueue_indirect_dma source(%dma_start3A_32 : memref<100000x128xf32, #tpu.memory_space<hbm>>) target(%arg15 : memref<64x128xf32, #tpu.memory_space<vmem>>) offsets(%dma_start3A_29 : memref<64xi32, #tpu.memory_space<vmem>>) semaphore(%arg24 : memref<!tpu.dma_semaphore, #tpu.memory_space<semaphore_mem>>)
    %dma_start3A_33 = arith.constant 0 : i32
    %dma_start3A_34 = tpu.memref_slice %arg11[%dma_start3A_33] : memref<512xi32, #tpu.memory_space<vmem>> -> memref<64xi32, #tpu.memory_space<vmem>>
    %dma_start3A_35 = arith.constant 0 : i32
    %dma_start3A_36 = arith.constant 0 : i32
    %dma_start3A_37 = tpu.memref_slice %arg4[%dma_start3A_35, %dma_start3A_36] : memref<100000x128xf32, #tpu.memory_space<hbm>> -> memref<100000x128xf32, #tpu.memory_space<hbm>>
    tpu.enqueue_indirect_dma source(%dma_start3A_37 : memref<100000x128xf32, #tpu.memory_space<hbm>>) target(%arg16 : memref<64x128xf32, #tpu.memory_space<vmem>>) offsets(%dma_start3A_34 : memref<64xi32, #tpu.memory_space<vmem>>) semaphore(%arg24 : memref<!tpu.dma_semaphore, #tpu.memory_space<semaphore_mem>>)
    %dma_start3A_38 = arith.constant 64 : i32
    %dma_start3A_39 = tpu.memref_slice %arg10[%dma_start3A_38] : memref<512xi32, #tpu.memory_space<vmem>> -> memref<64xi32, #tpu.memory_space<vmem>>
    %dma_start3A_40 = arith.constant 0 : i32
    %dma_start3A_41 = arith.constant 0 : i32
    %dma_start3A_42 = tpu.memref_slice %arg2[%dma_start3A_40, %dma_start3A_41] : memref<100000x128xf32, #tpu.memory_space<hbm>> -> memref<100000x128xf32, #tpu.memory_space<hbm>>
    tpu.enqueue_indirect_dma source(%dma_start3A_42 : memref<100000x128xf32, #tpu.memory_space<hbm>>) target(%arg17 : memref<64x128xf32, #tpu.memory_space<vmem>>) offsets(%dma_start3A_39 : memref<64xi32, #tpu.memory_space<vmem>>) semaphore(%arg25 : memref<!tpu.dma_semaphore, #tpu.memory_space<semaphore_mem>>)
    %dma_start3A_43 = arith.constant 64 : i32
    %dma_start3A_44 = tpu.memref_slice %arg9[%dma_start3A_43] : memref<512xi32, #tpu.memory_space<vmem>> -> memref<64xi32, #tpu.memory_space<vmem>>
    %dma_start3A_45 = arith.constant 0 : i32
    %dma_start3A_46 = arith.constant 0 : i32
    %dma_start3A_47 = tpu.memref_slice %arg3[%dma_start3A_45, %dma_start3A_46] : memref<100000x128xf32, #tpu.memory_space<hbm>> -> memref<100000x128xf32, #tpu.memory_space<hbm>>
    tpu.enqueue_indirect_dma source(%dma_start3A_47 : memref<100000x128xf32, #tpu.memory_space<hbm>>) target(%arg18 : memref<64x128xf32, #tpu.memory_space<vmem>>) offsets(%dma_start3A_44 : memref<64xi32, #tpu.memory_space<vmem>>) semaphore(%arg25 : memref<!tpu.dma_semaphore, #tpu.memory_space<semaphore_mem>>)
    %dma_start3A_48 = arith.constant 64 : i32
    %dma_start3A_49 = tpu.memref_slice %arg11[%dma_start3A_48] : memref<512xi32, #tpu.memory_space<vmem>> -> memref<64xi32, #tpu.memory_space<vmem>>
    %dma_start3A_50 = arith.constant 0 : i32
    %dma_start3A_51 = arith.constant 0 : i32
    %dma_start3A_52 = tpu.memref_slice %arg3[%dma_start3A_50, %dma_start3A_51] : memref<100000x128xf32, #tpu.memory_space<hbm>> -> memref<100000x128xf32, #tpu.memory_space<hbm>>
    tpu.enqueue_indirect_dma source(%dma_start3A_52 : memref<100000x128xf32, #tpu.memory_space<hbm>>) target(%arg19 : memref<64x128xf32, #tpu.memory_space<vmem>>) offsets(%dma_start3A_49 : memref<64xi32, #tpu.memory_space<vmem>>) semaphore(%arg25 : memref<!tpu.dma_semaphore, #tpu.memory_space<semaphore_mem>>)
    %dma_start3A_53 = arith.constant 64 : i32
    %dma_start3A_54 = tpu.memref_slice %arg9[%dma_start3A_53] : memref<512xi32, #tpu.memory_space<vmem>> -> memref<64xi32, #tpu.memory_space<vmem>>
    %dma_start3A_55 = arith.constant 0 : i32
    %dma_start3A_56 = arith.constant 0 : i32
    %dma_start3A_57 = tpu.memref_slice %arg4[%dma_start3A_55, %dma_start3A_56] : memref<100000x128xf32, #tpu.memory_space<hbm>> -> memref<100000x128xf32, #tpu.memory_space<hbm>>
    tpu.enqueue_indirect_dma source(%dma_start3A_57 : memref<100000x128xf32, #tpu.memory_space<hbm>>) target(%arg20 : memref<64x128xf32, #tpu.memory_space<vmem>>) offsets(%dma_start3A_54 : memref<64xi32, #tpu.memory_space<vmem>>) semaphore(%arg25 : memref<!tpu.dma_semaphore, #tpu.memory_space<semaphore_mem>>)
    %dma_start3A_58 = arith.constant 64 : i32
    %dma_start3A_59 = tpu.memref_slice %arg11[%dma_start3A_58] : memref<512xi32, #tpu.memory_space<vmem>> -> memref<64xi32, #tpu.memory_space<vmem>>
    %dma_start3A_60 = arith.constant 0 : i32
    %dma_start3A_61 = arith.constant 0 : i32
    %dma_start3A_62 = tpu.memref_slice %arg4[%dma_start3A_60, %dma_start3A_61] : memref<100000x128xf32, #tpu.memory_space<hbm>> -> memref<100000x128xf32, #tpu.memory_space<hbm>>
    tpu.enqueue_indirect_dma source(%dma_start3A_62 : memref<100000x128xf32, #tpu.memory_space<hbm>>) target(%arg21 : memref<64x128xf32, #tpu.memory_space<vmem>>) offsets(%dma_start3A_59 : memref<64xi32, #tpu.memory_space<vmem>>) semaphore(%arg25 : memref<!tpu.dma_semaphore, #tpu.memory_space<semaphore_mem>>)
    %scan3A = arith.constant 0 : i32
    %scan3A_63 = arith.constant 0 : i32
    %scan3A_64 = arith.constant 4 : i32
    %scan3A_65 = arith.addi %scan3A_63, %scan3A_64 : i32
    %scan3A_66 = arith.constant 1 : i32
    scf.for %scan3A_68 = %scan3A_63 to %scan3A_65 step %scan3A_66  : i32 {
      %mul3A_69 = arith.constant 2 : i32
      %mul3A_70 = arith.muli %mul3A_69, %scan3A_68 : i32
      %mul3A_71 = arith.constant 64 : i32
      %mul3A_72 = arith.muli %mul3A_70, %mul3A_71 : i32
      %dma_wait3A_73 = tpu.memref_slice %arg10[%mul3A_72] : memref<512xi32, #tpu.memory_space<vmem>> -> memref<64xi32, #tpu.memory_space<vmem>>
      %dma_wait3A_74 = arith.constant 0 : i32
      %dma_wait3A_75 = arith.constant 0 : i32
      %dma_wait3A_76 = tpu.memref_slice %arg2[%dma_wait3A_74, %dma_wait3A_75] : memref<100000x128xf32, #tpu.memory_space<hbm>> -> memref<100000x128xf32, #tpu.memory_space<hbm>>
      tpu.wait_indirect_dma semaphore(%arg24 : memref<!tpu.dma_semaphore, #tpu.memory_space<semaphore_mem>>) src(%dma_wait3A_76 : memref<100000x128xf32, #tpu.memory_space<hbm>>) dst(%arg12 : memref<64x128xf32, #tpu.memory_space<vmem>>)
      %dma_wait3A_77 = tpu.memref_slice %arg9[%mul3A_72] : memref<512xi32, #tpu.memory_space<vmem>> -> memref<64xi32, #tpu.memory_space<vmem>>
      %dma_wait3A_78 = arith.constant 0 : i32
      %dma_wait3A_79 = arith.constant 0 : i32
      %dma_wait3A_80 = tpu.memref_slice %arg3[%dma_wait3A_78, %dma_wait3A_79] : memref<100000x128xf32, #tpu.memory_space<hbm>> -> memref<100000x128xf32, #tpu.memory_space<hbm>>
      tpu.wait_indirect_dma semaphore(%arg24 : memref<!tpu.dma_semaphore, #tpu.memory_space<semaphore_mem>>) src(%dma_wait3A_80 : memref<100000x128xf32, #tpu.memory_space<hbm>>) dst(%arg13 : memref<64x128xf32, #tpu.memory_space<vmem>>)
      %dma_wait3A_81 = tpu.memref_slice %arg11[%mul3A_72] : memref<512xi32, #tpu.memory_space<vmem>> -> memref<64xi32, #tpu.memory_space<vmem>>
      %dma_wait3A_82 = arith.constant 0 : i32
      %dma_wait3A_83 = arith.constant 0 : i32
      %dma_wait3A_84 = tpu.memref_slice %arg3[%dma_wait3A_82, %dma_wait3A_83] : memref<100000x128xf32, #tpu.memory_space<hbm>> -> memref<100000x128xf32, #tpu.memory_space<hbm>>
      tpu.wait_indirect_dma semaphore(%arg24 : memref<!tpu.dma_semaphore, #tpu.memory_space<semaphore_mem>>) src(%dma_wait3A_84 : memref<100000x128xf32, #tpu.memory_space<hbm>>) dst(%arg14 : memref<64x128xf32, #tpu.memory_space<vmem>>)
      %dma_wait3A_85 = tpu.memref_slice %arg9[%mul3A_72] : memref<512xi32, #tpu.memory_space<vmem>> -> memref<64xi32, #tpu.memory_space<vmem>>
      %dma_wait3A_86 = arith.constant 0 : i32
      %dma_wait3A_87 = arith.constant 0 : i32
      %dma_wait3A_88 = tpu.memref_slice %arg4[%dma_wait3A_86, %dma_wait3A_87] : memref<100000x128xf32, #tpu.memory_space<hbm>> -> memref<100000x128xf32, #tpu.memory_space<hbm>>
      tpu.wait_indirect_dma semaphore(%arg24 : memref<!tpu.dma_semaphore, #tpu.memory_space<semaphore_mem>>) src(%dma_wait3A_88 : memref<100000x128xf32, #tpu.memory_space<hbm>>) dst(%arg15 : memref<64x128xf32, #tpu.memory_space<vmem>>)
      %dma_wait3A_89 = tpu.memref_slice %arg11[%mul3A_72] : memref<512xi32, #tpu.memory_space<vmem>> -> memref<64xi32, #tpu.memory_space<vmem>>
      %dma_wait3A_90 = arith.constant 0 : i32
      %dma_wait3A_91 = arith.constant 0 : i32
      %dma_wait3A_92 = tpu.memref_slice %arg4[%dma_wait3A_90, %dma_wait3A_91] : memref<100000x128xf32, #tpu.memory_space<hbm>> -> memref<100000x128xf32, #tpu.memory_space<hbm>>
      tpu.wait_indirect_dma semaphore(%arg24 : memref<!tpu.dma_semaphore, #tpu.memory_space<semaphore_mem>>) src(%dma_wait3A_92 : memref<100000x128xf32, #tpu.memory_space<hbm>>) dst(%arg16 : memref<64x128xf32, #tpu.memory_space<vmem>>)
      %mul3A_93 = arith.constant 64 : i32
      %mul3A_94 = arith.muli %mul3A_70, %mul3A_93 : i32
      %broadcast_in_dim3A = arith.constant 0.000000e+00 : f32
      %broadcast_in_dim3A_95 = vector.broadcast %broadcast_in_dim3A : f32 to vector<16xf32>
      %scan3A_96 = arith.constant 0 : i32
      %scan3A_97 = arith.constant 64 : i32
      %scan3A_98 = arith.addi %scan3A_96, %scan3A_97 : i32
      %scan3A_99 = arith.constant 4 : i32
      %scan3A_100:3 = scf.for %scan3A_145 = %scan3A_96 to %scan3A_98 step %scan3A_99 iter_args(%scan3A_146 = %broadcast_in_dim3A_95, %scan3A_147 = %broadcast_in_dim3A_95, %scan3A_148 = %broadcast_in_dim3A_95) -> (vector<16xf32>, vector<16xf32>, vector<16xf32>)  : i32 {
        %broadcast_in_dim3A_149 = arith.constant 0.000000e+00 : f32
        %broadcast_in_dim3A_150 = vector.broadcast %broadcast_in_dim3A_149 : f32 to vector<16xf32>
        %broadcast_in_dim3A_151 = arith.constant 0.000000e+00 : f32
        %broadcast_in_dim3A_152 = vector.broadcast %broadcast_in_dim3A_151 : f32 to vector<16xf32>
        %broadcast_in_dim3A_153 = arith.constant 0.000000e+00 : f32
        %broadcast_in_dim3A_154 = vector.broadcast %broadcast_in_dim3A_153 : f32 to vector<16xf32>
        %get3A = arith.index_cast %scan3A_145 : i32 to index
        %get3A_155 = arith.constant 0 : index
        %get3A_156 = tpu.vector_load %arg12[%get3A, %get3A_155] {strides = array<i32>} : memref<64x128xf32, #tpu.memory_space<vmem>>, vector<16xf32>,
        %get3A_157 = arith.index_cast %scan3A_145 : i32 to index
        %get3A_158 = arith.constant 0 : index
        %get3A_159 = tpu.vector_load %arg13[%get3A_157, %get3A_158] {strides = array<i32>} : memref<64x128xf32, #tpu.memory_space<vmem>>, vector<16xf32>,
        %get3A_160 = arith.index_cast %scan3A_145 : i32 to index
        %get3A_161 = arith.constant 0 : index
        %get3A_162 = tpu.vector_load %arg14[%get3A_160, %get3A_161] {strides = array<i32>} : memref<64x128xf32, #tpu.memory_space<vmem>>, vector<16xf32>,
        %get3A_163 = arith.index_cast %scan3A_145 : i32 to index
        %get3A_164 = arith.constant 0 : index
        %get3A_165 = tpu.vector_load %arg15[%get3A_163, %get3A_164] {strides = array<i32>} : memref<64x128xf32, #tpu.memory_space<vmem>>, vector<16xf32>,
        %get3A_166 = arith.index_cast %scan3A_145 : i32 to index
        %get3A_167 = arith.constant 0 : index
        %get3A_168 = tpu.vector_load %arg16[%get3A_166, %get3A_167] {strides = array<i32>} : memref<64x128xf32, #tpu.memory_space<vmem>>, vector<16xf32>,
        %add3A_169 = arith.addf %get3A_159, %get3A_165 : vector<16xf32>
        %add3A_170 = arith.addf %get3A_162, %get3A_168 : vector<16xf32>
        %sub3A = arith.subf %add3A_169, %add3A_170 : vector<16xf32>
        %mul3A_171 = arith.constant 5.000000e-01 : f32
        %mul3A_172 = vector.broadcast %mul3A_171 : f32 to vector<16xf32>
        %mul3A_173 = arith.mulf %mul3A_172, %sub3A : vector<16xf32>
        %add3A_174 = arith.addf %mul3A_173, %get3A_156 : vector<16xf32>
        %abs3A = math.absf %add3A_174 : vector<16xf32>
        %add3A_175 = arith.addf %broadcast_in_dim3A_150, %abs3A : vector<16xf32>
        %sub3A_176 = arith.subf %get3A_159, %get3A_165 : vector<16xf32>
        %sub3A_177 = arith.subf %get3A_162, %get3A_168 : vector<16xf32>
        %mul3A_178 = arith.mulf %sub3A_176, %sub3A_176 : vector<16xf32>
        %add3A_179 = arith.addf %broadcast_in_dim3A_152, %mul3A_178 : vector<16xf32>
        %mul3A_180 = arith.mulf %sub3A_177, %sub3A_177 : vector<16xf32>
        %add3A_181 = arith.addf %broadcast_in_dim3A_154, %mul3A_180 : vector<16xf32>
        %get3A_182 = arith.index_cast %scan3A_145 : i32 to index
        %get3A_183 = arith.constant 16 : index
        %get3A_184 = tpu.vector_load %arg12[%get3A_182, %get3A_183] {strides = array<i32>} : memref<64x128xf32, #tpu.memory_space<vmem>>, vector<16xf32>,
        %get3A_185 = arith.index_cast %scan3A_145 : i32 to index
        %get3A_186 = arith.constant 16 : index
        %get3A_187 = tpu.vector_load %arg13[%get3A_185, %get3A_186] {strides = array<i32>} : memref<64x128xf32, #tpu.memory_space<vmem>>, vector<16xf32>,
        %get3A_188 = arith.index_cast %scan3A_145 : i32 to index
        %get3A_189 = arith.constant 16 : index
        %get3A_190 = tpu.vector_load %arg14[%get3A_188, %get3A_189] {strides = array<i32>} : memref<64x128xf32, #tpu.memory_space<vmem>>, vector<16xf32>,
        %get3A_191 = arith.index_cast %scan3A_145 : i32 to index
        %get3A_192 = arith.constant 16 : index
        %get3A_193 = tpu.vector_load %arg15[%get3A_191, %get3A_192] {strides = array<i32>} : memref<64x128xf32, #tpu.memory_space<vmem>>, vector<16xf32>,
        %get3A_194 = arith.index_cast %scan3A_145 : i32 to index
        %get3A_195 = arith.constant 16 : index
        %get3A_196 = tpu.vector_load %arg16[%get3A_194, %get3A_195] {strides = array<i32>} : memref<64x128xf32, #tpu.memory_space<vmem>>, vector<16xf32>,
        %add3A_197 = arith.addf %get3A_187, %get3A_193 : vector<16xf32>
        %add3A_198 = arith.addf %get3A_190, %get3A_196 : vector<16xf32>
        %sub3A_199 = arith.subf %add3A_197, %add3A_198 : vector<16xf32>
        %mul3A_200 = arith.constant 5.000000e-01 : f32
        %mul3A_201 = vector.broadcast %mul3A_200 : f32 to vector<16xf32>
        %mul3A_202 = arith.mulf %mul3A_201, %sub3A_199 : vector<16xf32>
        %add3A_203 = arith.addf %mul3A_202, %get3A_184 : vector<16xf32>
        %abs3A_204 = math.absf %add3A_203 : vector<16xf32>
        %add3A_205 = arith.addf %add3A_175, %abs3A_204 : vector<16xf32>
        %sub3A_206 = arith.subf %get3A_187, %get3A_193 : vector<16xf32>
        %sub3A_207 = arith.subf %get3A_190, %get3A_196 : vector<16xf32>
        %mul3A_208 = arith.mulf %sub3A_206, %sub3A_206 : vector<16xf32>
        %add3A_209 = arith.addf %add3A_179, %mul3A_208 : vector<16xf32>
        %mul3A_210 = arith.mulf %sub3A_207, %sub3A_207 : vector<16xf32>
        %add3A_211 = arith.addf %add3A_181, %mul3A_210 : vector<16xf32>
        %get3A_212 = arith.index_cast %scan3A_145 : i32 to index
        %get3A_213 = arith.constant 32 : index
        %get3A_214 = tpu.vector_load %arg12[%get3A_212, %get3A_213] {strides = array<i32>} : memref<64x128xf32, #tpu.memory_space<vmem>>, vector<16xf32>,
        %get3A_215 = arith.index_cast %scan3A_145 : i32 to index
        %get3A_216 = arith.constant 32 : index
        %get3A_217 = tpu.vector_load %arg13[%get3A_215, %get3A_216] {strides = array<i32>} : memref<64x128xf32, #tpu.memory_space<vmem>>, vector<16xf32>,
        %get3A_218 = arith.index_cast %scan3A_145 : i32 to index
        %get3A_219 = arith.constant 32 : index
        %get3A_220 = tpu.vector_load %arg14[%get3A_218, %get3A_219] {strides = array<i32>} : memref<64x128xf32, #tpu.memory_space<vmem>>, vector<16xf32>,
        %get3A_221 = arith.index_cast %scan3A_145 : i32 to index
        %get3A_222 = arith.constant 32 : index
        %get3A_223 = tpu.vector_load %arg15[%get3A_221, %get3A_222] {strides = array<i32>} : memref<64x128xf32, #tpu.memory_space<vmem>>, vector<16xf32>,
        %get3A_224 = arith.index_cast %scan3A_145 : i32 to index
        %get3A_225 = arith.constant 32 : index
        %get3A_226 = tpu.vector_load %arg16[%get3A_224, %get3A_225] {strides = array<i32>} : memref<64x128xf32, #tpu.memory_space<vmem>>, vector<16xf32>,
        %add3A_227 = arith.addf %get3A_217, %get3A_223 : vector<16xf32>
        %add3A_228 = arith.addf %get3A_220, %get3A_226 : vector<16xf32>
        %sub3A_229 = arith.subf %add3A_227, %add3A_228 : vector<16xf32>
        %mul3A_230 = arith.constant 5.000000e-01 : f32
        %mul3A_231 = vector.broadcast %mul3A_230 : f32 to vector<16xf32>
        %mul3A_232 = arith.mulf %mul3A_231, %sub3A_229 : vector<16xf32>
        %add3A_233 = arith.addf %mul3A_232, %get3A_214 : vector<16xf32>
        %abs3A_234 = math.absf %add3A_233 : vector<16xf32>
        %add3A_235 = arith.addf %add3A_205, %abs3A_234 : vector<16xf32>
        %sub3A_236 = arith.subf %get3A_217, %get3A_223 : vector<16xf32>
        %sub3A_237 = arith.subf %get3A_220, %get3A_226 : vector<16xf32>
        %mul3A_238 = arith.mulf %sub3A_236, %sub3A_236 : vector<16xf32>
        %add3A_239 = arith.addf %add3A_209, %mul3A_238 : vector<16xf32>
        %mul3A_240 = arith.mulf %sub3A_237, %sub3A_237 : vector<16xf32>
        %add3A_241 = arith.addf %add3A_211, %mul3A_240 : vector<16xf32>
        %get3A_242 = arith.index_cast %scan3A_145 : i32 to index
        %get3A_243 = arith.constant 48 : index
        %get3A_244 = tpu.vector_load %arg12[%get3A_242, %get3A_243] {strides = array<i32>} : memref<64x128xf32, #tpu.memory_space<vmem>>, vector<16xf32>,
        %get3A_245 = arith.index_cast %scan3A_145 : i32 to index
        %get3A_246 = arith.constant 48 : index
        %get3A_247 = tpu.vector_load %arg13[%get3A_245, %get3A_246] {strides = array<i32>} : memref<64x128xf32, #tpu.memory_space<vmem>>, vector<16xf32>,
        %get3A_248 = arith.index_cast %scan3A_145 : i32 to index
        %get3A_249 = arith.constant 48 : index
        %get3A_250 = tpu.vector_load %arg14[%get3A_248, %get3A_249] {strides = array<i32>} : memref<64x128xf32, #tpu.memory_space<vmem>>, vector<16xf32>,
        %get3A_251 = arith.index_cast %scan3A_145 : i32 to index
        %get3A_252 = arith.constant 48 : index
        %get3A_253 = tpu.vector_load %arg15[%get3A_251, %get3A_252] {strides = array<i32>} : memref<64x128xf32, #tpu.memory_space<vmem>>, vector<16xf32>,
        %get3A_254 = arith.index_cast %scan3A_145 : i32 to index
        %get3A_255 = arith.constant 48 : index
        %get3A_256 = tpu.vector_load %arg16[%get3A_254, %get3A_255] {strides = array<i32>} : memref<64x128xf32, #tpu.memory_space<vmem>>, vector<16xf32>,
        %add3A_257 = arith.addf %get3A_247, %get3A_253 : vector<16xf32>
        %add3A_258 = arith.addf %get3A_250, %get3A_256 : vector<16xf32>
        %sub3A_259 = arith.subf %add3A_257, %add3A_258 : vector<16xf32>
        %mul3A_260 = arith.constant 5.000000e-01 : f32
        %mul3A_261 = vector.broadcast %mul3A_260 : f32 to vector<16xf32>
        %mul3A_262 = arith.mulf %mul3A_261, %sub3A_259 : vector<16xf32>
        %add3A_263 = arith.addf %mul3A_262, %get3A_244 : vector<16xf32>
        %abs3A_264 = math.absf %add3A_263 : vector<16xf32>
        %add3A_265 = arith.addf %add3A_235, %abs3A_264 : vector<16xf32>
        %sub3A_266 = arith.subf %get3A_247, %get3A_253 : vector<16xf32>
        %sub3A_267 = arith.subf %get3A_250, %get3A_256 : vector<16xf32>
        %mul3A_268 = arith.mulf %sub3A_266, %sub3A_266 : vector<16xf32>
        %add3A_269 = arith.addf %add3A_239, %mul3A_268 : vector<16xf32>
        %mul3A_270 = arith.mulf %sub3A_267, %sub3A_267 : vector<16xf32>
        %add3A_271 = arith.addf %add3A_241, %mul3A_270 : vector<16xf32>
        %get3A_272 = arith.index_cast %scan3A_145 : i32 to index
        %get3A_273 = arith.constant 64 : index
        %get3A_274 = tpu.vector_load %arg12[%get3A_272, %get3A_273] {strides = array<i32>} : memref<64x128xf32, #tpu.memory_space<vmem>>, vector<16xf32>,
        %get3A_275 = arith.index_cast %scan3A_145 : i32 to index
        %get3A_276 = arith.constant 64 : index
        %get3A_277 = tpu.vector_load %arg13[%get3A_275, %get3A_276] {strides = array<i32>} : memref<64x128xf32, #tpu.memory_space<vmem>>, vector<16xf32>,
        %get3A_278 = arith.index_cast %scan3A_145 : i32 to index
        %get3A_279 = arith.constant 64 : index
        %get3A_280 = tpu.vector_load %arg14[%get3A_278, %get3A_279] {strides = array<i32>} : memref<64x128xf32, #tpu.memory_space<vmem>>, vector<16xf32>,
        %get3A_281 = arith.index_cast %scan3A_145 : i32 to index
        %get3A_282 = arith.constant 64 : index
        %get3A_283 = tpu.vector_load %arg15[%get3A_281, %get3A_282] {strides = array<i32>} : memref<64x128xf32, #tpu.memory_space<vmem>>, vector<16xf32>,
        %get3A_284 = arith.index_cast %scan3A_145 : i32 to index
        %get3A_285 = arith.constant 64 : index
        %get3A_286 = tpu.vector_load %arg16[%get3A_284, %get3A_285] {strides = array<i32>} : memref<64x128xf32, #tpu.memory_space<vmem>>, vector<16xf32>,
        %add3A_287 = arith.addf %get3A_277, %get3A_283 : vector<16xf32>
        %add3A_288 = arith.addf %get3A_280, %get3A_286 : vector<16xf32>
        %sub3A_289 = arith.subf %add3A_287, %add3A_288 : vector<16xf32>
        %mul3A_290 = arith.constant 5.000000e-01 : f32
        %mul3A_291 = vector.broadcast %mul3A_290 : f32 to vector<16xf32>
        %mul3A_292 = arith.mulf %mul3A_291, %sub3A_289 : vector<16xf32>
        %add3A_293 = arith.addf %mul3A_292, %get3A_274 : vector<16xf32>
        %abs3A_294 = math.absf %add3A_293 : vector<16xf32>
        %add3A_295 = arith.addf %add3A_265, %abs3A_294 : vector<16xf32>
        %sub3A_296 = arith.subf %get3A_277, %get3A_283 : vector<16xf32>
        %sub3A_297 = arith.subf %get3A_280, %get3A_286 : vector<16xf32>
        %mul3A_298 = arith.mulf %sub3A_296, %sub3A_296 : vector<16xf32>
        %add3A_299 = arith.addf %add3A_269, %mul3A_298 : vector<16xf32>
        %mul3A_300 = arith.mulf %sub3A_297, %sub3A_297 : vector<16xf32>
        %add3A_301 = arith.addf %add3A_271, %mul3A_300 : vector<16xf32>
        %get3A_302 = arith.index_cast %scan3A_145 : i32 to index
        %get3A_303 = arith.constant 80 : index
        %get3A_304 = tpu.vector_load %arg12[%get3A_302, %get3A_303] {strides = array<i32>} : memref<64x128xf32, #tpu.memory_space<vmem>>, vector<16xf32>,
        %get3A_305 = arith.index_cast %scan3A_145 : i32 to index
        %get3A_306 = arith.constant 80 : index
        %get3A_307 = tpu.vector_load %arg13[%get3A_305, %get3A_306] {strides = array<i32>} : memref<64x128xf32, #tpu.memory_space<vmem>>, vector<16xf32>,
        %get3A_308 = arith.index_cast %scan3A_145 : i32 to index
        %get3A_309 = arith.constant 80 : index
        %get3A_310 = tpu.vector_load %arg14[%get3A_308, %get3A_309] {strides = array<i32>} : memref<64x128xf32, #tpu.memory_space<vmem>>, vector<16xf32>,
        %get3A_311 = arith.index_cast %scan3A_145 : i32 to index
        %get3A_312 = arith.constant 80 : index
        %get3A_313 = tpu.vector_load %arg15[%get3A_311, %get3A_312] {strides = array<i32>} : memref<64x128xf32, #tpu.memory_space<vmem>>, vector<16xf32>,
        %get3A_314 = arith.index_cast %scan3A_145 : i32 to index
        %get3A_315 = arith.constant 80 : index
        %get3A_316 = tpu.vector_load %arg16[%get3A_314, %get3A_315] {strides = array<i32>} : memref<64x128xf32, #tpu.memory_space<vmem>>, vector<16xf32>,
        %add3A_317 = arith.addf %get3A_307, %get3A_313 : vector<16xf32>
        %add3A_318 = arith.addf %get3A_310, %get3A_316 : vector<16xf32>
        %sub3A_319 = arith.subf %add3A_317, %add3A_318 : vector<16xf32>
        %mul3A_320 = arith.constant 5.000000e-01 : f32
        %mul3A_321 = vector.broadcast %mul3A_320 : f32 to vector<16xf32>
        %mul3A_322 = arith.mulf %mul3A_321, %sub3A_319 : vector<16xf32>
        %add3A_323 = arith.addf %mul3A_322, %get3A_304 : vector<16xf32>
        %abs3A_324 = math.absf %add3A_323 : vector<16xf32>
        %add3A_325 = arith.addf %add3A_295, %abs3A_324 : vector<16xf32>
        %sub3A_326 = arith.subf %get3A_307, %get3A_313 : vector<16xf32>
        %sub3A_327 = arith.subf %get3A_310, %get3A_316 : vector<16xf32>
        %mul3A_328 = arith.mulf %sub3A_326, %sub3A_326 : vector<16xf32>
        %add3A_329 = arith.addf %add3A_299, %mul3A_328 : vector<16xf32>
        %mul3A_330 = arith.mulf %sub3A_327, %sub3A_327 : vector<16xf32>
        %add3A_331 = arith.addf %add3A_301, %mul3A_330 : vector<16xf32>
        %get3A_332 = arith.index_cast %scan3A_145 : i32 to index
        %get3A_333 = arith.constant 96 : index
        %get3A_334 = tpu.vector_load %arg12[%get3A_332, %get3A_333] {strides = array<i32>} : memref<64x128xf32, #tpu.memory_space<vmem>>, vector<16xf32>,
        %get3A_335 = arith.index_cast %scan3A_145 : i32 to index
        %get3A_336 = arith.constant 96 : index
        %get3A_337 = tpu.vector_load %arg13[%get3A_335, %get3A_336] {strides = array<i32>} : memref<64x128xf32, #tpu.memory_space<vmem>>, vector<16xf32>,
        %get3A_338 = arith.index_cast %scan3A_145 : i32 to index
        %get3A_339 = arith.constant 96 : index
        %get3A_340 = tpu.vector_load %arg14[%get3A_338, %get3A_339] {strides = array<i32>} : memref<64x128xf32, #tpu.memory_space<vmem>>, vector<16xf32>,
        %get3A_341 = arith.index_cast %scan3A_145 : i32 to index
        %get3A_342 = arith.constant 96 : index
        %get3A_343 = tpu.vector_load %arg15[%get3A_341, %get3A_342] {strides = array<i32>} : memref<64x128xf32, #tpu.memory_space<vmem>>, vector<16xf32>,
        %get3A_344 = arith.index_cast %scan3A_145 : i32 to index
        %get3A_345 = arith.constant 96 : index
        %get3A_346 = tpu.vector_load %arg16[%get3A_344, %get3A_345] {strides = array<i32>} : memref<64x128xf32, #tpu.memory_space<vmem>>, vector<16xf32>,
        %add3A_347 = arith.addf %get3A_337, %get3A_343 : vector<16xf32>
        %add3A_348 = arith.addf %get3A_340, %get3A_346 : vector<16xf32>
        %sub3A_349 = arith.subf %add3A_347, %add3A_348 : vector<16xf32>
        %mul3A_350 = arith.constant 5.000000e-01 : f32
        %mul3A_351 = vector.broadcast %mul3A_350 : f32 to vector<16xf32>
        %mul3A_352 = arith.mulf %mul3A_351, %sub3A_349 : vector<16xf32>
        %add3A_353 = arith.addf %mul3A_352, %get3A_334 : vector<16xf32>
        %abs3A_354 = math.absf %add3A_353 : vector<16xf32>
        %add3A_355 = arith.addf %add3A_325, %abs3A_354 : vector<16xf32>
        %sub3A_356 = arith.subf %get3A_337, %get3A_343 : vector<16xf32>
        %sub3A_357 = arith.subf %get3A_340, %get3A_346 : vector<16xf32>
        %mul3A_358 = arith.mulf %sub3A_356, %sub3A_356 : vector<16xf32>
        %add3A_359 = arith.addf %add3A_329, %mul3A_358 : vector<16xf32>
        %mul3A_360 = arith.mulf %sub3A_357, %sub3A_357 : vector<16xf32>
        %add3A_361 = arith.addf %add3A_331, %mul3A_360 : vector<16xf32>
        %get3A_362 = arith.index_cast %scan3A_145 : i32 to index
        %get3A_363 = arith.constant 112 : index
        %get3A_364 = tpu.vector_load %arg12[%get3A_362, %get3A_363] {strides = array<i32>} : memref<64x128xf32, #tpu.memory_space<vmem>>, vector<16xf32>,
        %get3A_365 = arith.index_cast %scan3A_145 : i32 to index
        %get3A_366 = arith.constant 112 : index
        %get3A_367 = tpu.vector_load %arg13[%get3A_365, %get3A_366] {strides = array<i32>} : memref<64x128xf32, #tpu.memory_space<vmem>>, vector<16xf32>,
        %get3A_368 = arith.index_cast %scan3A_145 : i32 to index
        %get3A_369 = arith.constant 112 : index
        %get3A_370 = tpu.vector_load %arg14[%get3A_368, %get3A_369] {strides = array<i32>} : memref<64x128xf32, #tpu.memory_space<vmem>>, vector<16xf32>,
        %get3A_371 = arith.index_cast %scan3A_145 : i32 to index
        %get3A_372 = arith.constant 112 : index
        %get3A_373 = tpu.vector_load %arg15[%get3A_371, %get3A_372] {strides = array<i32>} : memref<64x128xf32, #tpu.memory_space<vmem>>, vector<16xf32>,
        %get3A_374 = arith.index_cast %scan3A_145 : i32 to index
        %get3A_375 = arith.constant 112 : index
        %get3A_376 = tpu.vector_load %arg16[%get3A_374, %get3A_375] {strides = array<i32>} : memref<64x128xf32, #tpu.memory_space<vmem>>, vector<16xf32>,
        %add3A_377 = arith.addf %get3A_367, %get3A_373 : vector<16xf32>
        %add3A_378 = arith.addf %get3A_370, %get3A_376 : vector<16xf32>
        %sub3A_379 = arith.subf %add3A_377, %add3A_378 : vector<16xf32>
        %mul3A_380 = arith.constant 5.000000e-01 : f32
        %mul3A_381 = vector.broadcast %mul3A_380 : f32 to vector<16xf32>
        %mul3A_382 = arith.mulf %mul3A_381, %sub3A_379 : vector<16xf32>
        %add3A_383 = arith.addf %mul3A_382, %get3A_364 : vector<16xf32>
        %abs3A_384 = math.absf %add3A_383 : vector<16xf32>
        %add3A_385 = arith.addf %add3A_355, %abs3A_384 : vector<16xf32>
        %sub3A_386 = arith.subf %get3A_367, %get3A_373 : vector<16xf32>
        %sub3A_387 = arith.subf %get3A_370, %get3A_376 : vector<16xf32>
        %mul3A_388 = arith.mulf %sub3A_386, %sub3A_386 : vector<16xf32>
        %add3A_389 = arith.addf %add3A_359, %mul3A_388 : vector<16xf32>
        %mul3A_390 = arith.mulf %sub3A_387, %sub3A_387 : vector<16xf32>
        %add3A_391 = arith.addf %add3A_361, %mul3A_390 : vector<16xf32>
        %and3A = arith.constant 15 : i32
        %and3A_392 = arith.andi %scan3A_145, %and3A : i32
        %eq3A = vector.broadcast %and3A_392 : i32 to vector<16xi32>
        %eq3A_393 = arith.cmpi eq, %iota3A, %eq3A : vector<16xi32>
        %reduce_sum3A = arith.constant true
        %reduce_sum3A_394 = vector.broadcast %reduce_sum3A : i1 to vector<16xi1>
        %reduce_sum3A_395 = tpu.scan <sum>, %add3A_385 masked %reduce_sum3A_394 : vector<16xf32>, vector<16xi1> -> vector<16xf32>
        %reduce_sum3A_396 = vector.extract %reduce_sum3A_395[15] : f32 from vector<16xf32>
        %broadcast_in_dim3A_397 = vector.broadcast %reduce_sum3A_396 : f32 to vector<16xf32>
        %select_n3A = arith.select %eq3A_393, %broadcast_in_dim3A_397, %scan3A_146 : vector<16xi1>, vector<16xf32>
        %reduce_sum3A_398 = arith.constant true
        %reduce_sum3A_399 = vector.broadcast %reduce_sum3A_398 : i1 to vector<16xi1>
        %reduce_sum3A_400 = tpu.scan <sum>, %add3A_389 masked %reduce_sum3A_399 : vector<16xf32>, vector<16xi1> -> vector<16xf32>
        %reduce_sum3A_401 = vector.extract %reduce_sum3A_400[15] : f32 from vector<16xf32>
        %broadcast_in_dim3A_402 = vector.broadcast %reduce_sum3A_401 : f32 to vector<16xf32>
        %select_n3A_403 = arith.select %eq3A_393, %broadcast_in_dim3A_402, %scan3A_147 : vector<16xi1>, vector<16xf32>
        %reduce_sum3A_404 = arith.constant true
        %reduce_sum3A_405 = vector.broadcast %reduce_sum3A_404 : i1 to vector<16xi1>
        %reduce_sum3A_406 = tpu.scan <sum>, %add3A_391 masked %reduce_sum3A_405 : vector<16xf32>, vector<16xi1> -> vector<16xf32>
        %reduce_sum3A_407 = vector.extract %reduce_sum3A_406[15] : f32 from vector<16xf32>
        %broadcast_in_dim3A_408 = vector.broadcast %reduce_sum3A_407 : f32 to vector<16xf32>
        %select_n3A_409 = arith.select %eq3A_393, %broadcast_in_dim3A_408, %scan3A_148 : vector<16xi1>, vector<16xf32>
        %and3A_410 = arith.constant 15 : i32
        %and3A_411 = arith.andi %scan3A_145, %and3A_410 : i32
        %eq3A_412 = arith.constant 15 : i32
        %eq3A_413 = arith.cmpi eq, %and3A_411, %eq3A_412 : i32
        %convert_element_type3A_414 = arith.extui %eq3A_413 : i1 to i32
        %cond3A_415 = arith.constant 0 : i32
        %cond3A_416 = arith.cmpi ne, %convert_element_type3A_414, %cond3A_415 : i32
        scf.if %cond3A_416 {
          %sub3A_1248 = arith.constant 1.200000e+01 : f32
          %sub3A_1249 = vector.broadcast %sub3A_1248 : f32 to vector<16xf32>
          %sub3A_1250 = arith.subf %sub3A_1249, %select_n3A : vector<16xf32>
          %mul3A_1251 = arith.constant 1.000000e+00 : f32
          %mul3A_1252 = vector.broadcast %mul3A_1251 : f32 to vector<16xf32>
          %mul3A_1253 = arith.mulf %mul3A_1252, %sub3A_1250 : vector<16xf32>
          %bitcast_convert_type3A = tpu.bitcast %select_n3A_403 : vector<16xf32> -> vector<16xi32>
          %shift_right_logical3A = arith.constant 1 : i32
          %shift_right_logical3A_1254 = vector.broadcast %shift_right_logical3A : i32 to vector<16xi32>
          %shift_right_logical3A_1255 = arith.shrui %bitcast_convert_type3A, %shift_right_logical3A_1254 : vector<16xi32>
          %sub3A_1256 = arith.constant 1597463007 : i32
          %sub3A_1257 = vector.broadcast %sub3A_1256 : i32 to vector<16xi32>
          %sub3A_1258 = arith.subi %sub3A_1257, %shift_right_logical3A_1255 : vector<16xi32>
          %bitcast_convert_type3A_1259 = tpu.bitcast %sub3A_1258 : vector<16xi32> -> vector<16xf32>
          %mul3A_1260 = arith.constant 5.000000e-01 : f32
          %mul3A_1261 = vector.broadcast %mul3A_1260 : f32 to vector<16xf32>
          %mul3A_1262 = arith.mulf %mul3A_1261, %select_n3A_403 : vector<16xf32>
          %mul3A_1263 = arith.mulf %mul3A_1262, %bitcast_convert_type3A_1259 : vector<16xf32>
          %mul3A_1264 = arith.mulf %mul3A_1263, %bitcast_convert_type3A_1259 : vector<16xf32>
          %sub3A_1265 = arith.constant 1.500000e+00 : f32
          %sub3A_1266 = vector.broadcast %sub3A_1265 : f32 to vector<16xf32>
          %sub3A_1267 = arith.subf %sub3A_1266, %mul3A_1264 : vector<16xf32>
          %mul3A_1268 = arith.mulf %bitcast_convert_type3A_1259, %sub3A_1267 : vector<16xf32>
          %mul3A_1269 = arith.constant 5.000000e-01 : f32
          %mul3A_1270 = vector.broadcast %mul3A_1269 : f32 to vector<16xf32>
          %mul3A_1271 = arith.mulf %mul3A_1270, %select_n3A_403 : vector<16xf32>
          %mul3A_1272 = arith.mulf %mul3A_1271, %mul3A_1268 : vector<16xf32>
          %mul3A_1273 = arith.mulf %mul3A_1272, %mul3A_1268 : vector<16xf32>
          %sub3A_1274 = arith.constant 1.500000e+00 : f32
          %sub3A_1275 = vector.broadcast %sub3A_1274 : f32 to vector<16xf32>
          %sub3A_1276 = arith.subf %sub3A_1275, %mul3A_1273 : vector<16xf32>
          %mul3A_1277 = arith.mulf %mul3A_1268, %sub3A_1276 : vector<16xf32>
          %mul3A_1278 = arith.constant 5.000000e-01 : f32
          %mul3A_1279 = vector.broadcast %mul3A_1278 : f32 to vector<16xf32>
          %mul3A_1280 = arith.mulf %mul3A_1279, %select_n3A_403 : vector<16xf32>
          %mul3A_1281 = arith.mulf %mul3A_1280, %mul3A_1277 : vector<16xf32>
          %mul3A_1282 = arith.mulf %mul3A_1281, %mul3A_1277 : vector<16xf32>
          %sub3A_1283 = arith.constant 1.500000e+00 : f32
          %sub3A_1284 = vector.broadcast %sub3A_1283 : f32 to vector<16xf32>
          %sub3A_1285 = arith.subf %sub3A_1284, %mul3A_1282 : vector<16xf32>
          %mul3A_1286 = arith.mulf %mul3A_1277, %sub3A_1285 : vector<16xf32>
          %gt3A = arith.constant 0.000000e+00 : f32
          %gt3A_1287 = vector.broadcast %gt3A : f32 to vector<16xf32>
          %gt3A_1288 = arith.cmpf ogt, %select_n3A_403, %gt3A_1287 : vector<16xf32>
          %mul3A_1289 = arith.mulf %select_n3A_403, %mul3A_1286 : vector<16xf32>
          %jit3A = arith.constant 0.000000e+00 : f32
          %broadcast_in_dim3A_1290 = vector.broadcast %jit3A : f32 to vector<16xf32>
          %select_n3A_1291 = arith.select %gt3A_1288, %mul3A_1289, %broadcast_in_dim3A_1290 : vector<16xi1>, vector<16xf32>
          %bitcast_convert_type3A_1292 = tpu.bitcast %select_n3A_409 : vector<16xf32> -> vector<16xi32>
          %shift_right_logical3A_1293 = arith.constant 1 : i32
          %shift_right_logical3A_1294 = vector.broadcast %shift_right_logical3A_1293 : i32 to vector<16xi32>
          %shift_right_logical3A_1295 = arith.shrui %bitcast_convert_type3A_1292, %shift_right_logical3A_1294 : vector<16xi32>
          %sub3A_1296 = arith.constant 1597463007 : i32
          %sub3A_1297 = vector.broadcast %sub3A_1296 : i32 to vector<16xi32>
          %sub3A_1298 = arith.subi %sub3A_1297, %shift_right_logical3A_1295 : vector<16xi32>
          %bitcast_convert_type3A_1299 = tpu.bitcast %sub3A_1298 : vector<16xi32> -> vector<16xf32>
          %mul3A_1300 = arith.constant 5.000000e-01 : f32
          %mul3A_1301 = vector.broadcast %mul3A_1300 : f32 to vector<16xf32>
          %mul3A_1302 = arith.mulf %mul3A_1301, %select_n3A_409 : vector<16xf32>
          %mul3A_1303 = arith.mulf %mul3A_1302, %bitcast_convert_type3A_1299 : vector<16xf32>
          %mul3A_1304 = arith.mulf %mul3A_1303, %bitcast_convert_type3A_1299 : vector<16xf32>
          %sub3A_1305 = arith.constant 1.500000e+00 : f32
          %sub3A_1306 = vector.broadcast %sub3A_1305 : f32 to vector<16xf32>
          %sub3A_1307 = arith.subf %sub3A_1306, %mul3A_1304 : vector<16xf32>
          %mul3A_1308 = arith.mulf %bitcast_convert_type3A_1299, %sub3A_1307 : vector<16xf32>
          %mul3A_1309 = arith.constant 5.000000e-01 : f32
          %mul3A_1310 = vector.broadcast %mul3A_1309 : f32 to vector<16xf32>
          %mul3A_1311 = arith.mulf %mul3A_1310, %select_n3A_409 : vector<16xf32>
          %mul3A_1312 = arith.mulf %mul3A_1311, %mul3A_1308 : vector<16xf32>
          %mul3A_1313 = arith.mulf %mul3A_1312, %mul3A_1308 : vector<16xf32>
          %sub3A_1314 = arith.constant 1.500000e+00 : f32
          %sub3A_1315 = vector.broadcast %sub3A_1314 : f32 to vector<16xf32>
          %sub3A_1316 = arith.subf %sub3A_1315, %mul3A_1313 : vector<16xf32>
          %mul3A_1317 = arith.mulf %mul3A_1308, %sub3A_1316 : vector<16xf32>
          %mul3A_1318 = arith.constant 5.000000e-01 : f32
          %mul3A_1319 = vector.broadcast %mul3A_1318 : f32 to vector<16xf32>
          %mul3A_1320 = arith.mulf %mul3A_1319, %select_n3A_409 : vector<16xf32>
          %mul3A_1321 = arith.mulf %mul3A_1320, %mul3A_1317 : vector<16xf32>
          %mul3A_1322 = arith.mulf %mul3A_1321, %mul3A_1317 : vector<16xf32>
          %sub3A_1323 = arith.constant 1.500000e+00 : f32
          %sub3A_1324 = vector.broadcast %sub3A_1323 : f32 to vector<16xf32>
          %sub3A_1325 = arith.subf %sub3A_1324, %mul3A_1322 : vector<16xf32>
          %mul3A_1326 = arith.mulf %mul3A_1317, %sub3A_1325 : vector<16xf32>
          %gt3A_1327 = arith.constant 0.000000e+00 : f32
          %gt3A_1328 = vector.broadcast %gt3A_1327 : f32 to vector<16xf32>
          %gt3A_1329 = arith.cmpf ogt, %select_n3A_409, %gt3A_1328 : vector<16xf32>
          %mul3A_1330 = arith.mulf %select_n3A_409, %mul3A_1326 : vector<16xf32>
          %jit3A_1331 = arith.constant 0.000000e+00 : f32
          %broadcast_in_dim3A_1332 = vector.broadcast %jit3A_1331 : f32 to vector<16xf32>
          %select_n3A_1333 = arith.select %gt3A_1329, %mul3A_1330, %broadcast_in_dim3A_1332 : vector<16xi1>, vector<16xf32>
          %add3A_1334 = arith.addf %select_n3A_1291, %select_n3A_1333 : vector<16xf32>
          %mul3A_1335 = arith.constant 2.500000e-01 : f32
          %mul3A_1336 = vector.broadcast %mul3A_1335 : f32 to vector<16xf32>
          %mul3A_1337 = arith.mulf %mul3A_1336, %add3A_1334 : vector<16xf32>
          %sub3A_1338 = arith.subf %mul3A_1253, %mul3A_1337 : vector<16xf32>
          %add3A_1339 = arith.addi %mul3A_94, %scan3A_145 : i32
          %sub3A_1340 = arith.constant 15 : i32
          %sub3A_1341 = arith.subi %add3A_1339, %sub3A_1340 : i32
          %swap3A = arith.index_cast %sub3A_1341 : i32 to index
          %swap3A_1342 = tpu.vector_load %arg22[%swap3A] {strides = array<i32>} : memref<512xf32, #tpu.memory_space<vmem>>, vector<16xf32>,
          tpu.vector_store %arg22[%swap3A], %sub3A_1338 {strides = array<i32>} : memref<512xf32, #tpu.memory_space<vmem>>, vector<16xf32>,
        } else {
        }
        %scan3A_417 = arith.constant 1 : i32
        %scan3A_418 = arith.addi %scan3A_145, %scan3A_417 : i32
        %broadcast_in_dim3A_419 = arith.constant 0.000000e+00 : f32
        %broadcast_in_dim3A_420 = vector.broadcast %broadcast_in_dim3A_419 : f32 to vector<16xf32>
        %broadcast_in_dim3A_421 = arith.constant 0.000000e+00 : f32
        %broadcast_in_dim3A_422 = vector.broadcast %broadcast_in_dim3A_421 : f32 to vector<16xf32>
        %broadcast_in_dim3A_423 = arith.constant 0.000000e+00 : f32
        %broadcast_in_dim3A_424 = vector.broadcast %broadcast_in_dim3A_423 : f32 to vector<16xf32>
        %get3A_425 = arith.index_cast %scan3A_418 : i32 to index
        %get3A_426 = arith.constant 0 : index
        %get3A_427 = tpu.vector_load %arg12[%get3A_425, %get3A_426] {strides = array<i32>} : memref<64x128xf32, #tpu.memory_space<vmem>>, vector<16xf32>,
        %get3A_428 = arith.index_cast %scan3A_418 : i32 to index
        %get3A_429 = arith.constant 0 : index
        %get3A_430 = tpu.vector_load %arg13[%get3A_428, %get3A_429] {strides = array<i32>} : memref<64x128xf32, #tpu.memory_space<vmem>>, vector<16xf32>,
        %get3A_431 = arith.index_cast %scan3A_418 : i32 to index
        %get3A_432 = arith.constant 0 : index
        %get3A_433 = tpu.vector_load %arg14[%get3A_431, %get3A_432] {strides = array<i32>} : memref<64x128xf32, #tpu.memory_space<vmem>>, vector<16xf32>,
        %get3A_434 = arith.index_cast %scan3A_418 : i32 to index
        %get3A_435 = arith.constant 0 : index
        %get3A_436 = tpu.vector_load %arg15[%get3A_434, %get3A_435] {strides = array<i32>} : memref<64x128xf32, #tpu.memory_space<vmem>>, vector<16xf32>,
        %get3A_437 = arith.index_cast %scan3A_418 : i32 to index
        %get3A_438 = arith.constant 0 : index
        %get3A_439 = tpu.vector_load %arg16[%get3A_437, %get3A_438] {strides = array<i32>} : memref<64x128xf32, #tpu.memory_space<vmem>>, vector<16xf32>,
        %add3A_440 = arith.addf %get3A_430, %get3A_436 : vector<16xf32>
        %add3A_441 = arith.addf %get3A_433, %get3A_439 : vector<16xf32>
        %sub3A_442 = arith.subf %add3A_440, %add3A_441 : vector<16xf32>
        %mul3A_443 = arith.constant 5.000000e-01 : f32
        %mul3A_444 = vector.broadcast %mul3A_443 : f32 to vector<16xf32>
        %mul3A_445 = arith.mulf %mul3A_444, %sub3A_442 : vector<16xf32>
        %add3A_446 = arith.addf %mul3A_445, %get3A_427 : vector<16xf32>
        %abs3A_447 = math.absf %add3A_446 : vector<16xf32>
        %add3A_448 = arith.addf %broadcast_in_dim3A_420, %abs3A_447 : vector<16xf32>
        %sub3A_449 = arith.subf %get3A_430, %get3A_436 : vector<16xf32>
        %sub3A_450 = arith.subf %get3A_433, %get3A_439 : vector<16xf32>
        %mul3A_451 = arith.mulf %sub3A_449, %sub3A_449 : vector<16xf32>
        %add3A_452 = arith.addf %broadcast_in_dim3A_422, %mul3A_451 : vector<16xf32>
        %mul3A_453 = arith.mulf %sub3A_450, %sub3A_450 : vector<16xf32>
        %add3A_454 = arith.addf %broadcast_in_dim3A_424, %mul3A_453 : vector<16xf32>
        %get3A_455 = arith.index_cast %scan3A_418 : i32 to index
        %get3A_456 = arith.constant 16 : index
        %get3A_457 = tpu.vector_load %arg12[%get3A_455, %get3A_456] {strides = array<i32>} : memref<64x128xf32, #tpu.memory_space<vmem>>, vector<16xf32>,
        %get3A_458 = arith.index_cast %scan3A_418 : i32 to index
        %get3A_459 = arith.constant 16 : index
        %get3A_460 = tpu.vector_load %arg13[%get3A_458, %get3A_459] {strides = array<i32>} : memref<64x128xf32, #tpu.memory_space<vmem>>, vector<16xf32>,
        %get3A_461 = arith.index_cast %scan3A_418 : i32 to index
        %get3A_462 = arith.constant 16 : index
        %get3A_463 = tpu.vector_load %arg14[%get3A_461, %get3A_462] {strides = array<i32>} : memref<64x128xf32, #tpu.memory_space<vmem>>, vector<16xf32>,
        %get3A_464 = arith.index_cast %scan3A_418 : i32 to index
        %get3A_465 = arith.constant 16 : index
        %get3A_466 = tpu.vector_load %arg15[%get3A_464, %get3A_465] {strides = array<i32>} : memref<64x128xf32, #tpu.memory_space<vmem>>, vector<16xf32>,
        %get3A_467 = arith.index_cast %scan3A_418 : i32 to index
        %get3A_468 = arith.constant 16 : index
        %get3A_469 = tpu.vector_load %arg16[%get3A_467, %get3A_468] {strides = array<i32>} : memref<64x128xf32, #tpu.memory_space<vmem>>, vector<16xf32>,
        %add3A_470 = arith.addf %get3A_460, %get3A_466 : vector<16xf32>
        %add3A_471 = arith.addf %get3A_463, %get3A_469 : vector<16xf32>
        %sub3A_472 = arith.subf %add3A_470, %add3A_471 : vector<16xf32>
        %mul3A_473 = arith.constant 5.000000e-01 : f32
        %mul3A_474 = vector.broadcast %mul3A_473 : f32 to vector<16xf32>
        %mul3A_475 = arith.mulf %mul3A_474, %sub3A_472 : vector<16xf32>
        %add3A_476 = arith.addf %mul3A_475, %get3A_457 : vector<16xf32>
        %abs3A_477 = math.absf %add3A_476 : vector<16xf32>
        %add3A_478 = arith.addf %add3A_448, %abs3A_477 : vector<16xf32>
        %sub3A_479 = arith.subf %get3A_460, %get3A_466 : vector<16xf32>
        %sub3A_480 = arith.subf %get3A_463, %get3A_469 : vector<16xf32>
        %mul3A_481 = arith.mulf %sub3A_479, %sub3A_479 : vector<16xf32>
        %add3A_482 = arith.addf %add3A_452, %mul3A_481 : vector<16xf32>
        %mul3A_483 = arith.mulf %sub3A_480, %sub3A_480 : vector<16xf32>
        %add3A_484 = arith.addf %add3A_454, %mul3A_483 : vector<16xf32>
        %get3A_485 = arith.index_cast %scan3A_418 : i32 to index
        %get3A_486 = arith.constant 32 : index
        %get3A_487 = tpu.vector_load %arg12[%get3A_485, %get3A_486] {strides = array<i32>} : memref<64x128xf32, #tpu.memory_space<vmem>>, vector<16xf32>,
        %get3A_488 = arith.index_cast %scan3A_418 : i32 to index
        %get3A_489 = arith.constant 32 : index
        %get3A_490 = tpu.vector_load %arg13[%get3A_488, %get3A_489] {strides = array<i32>} : memref<64x128xf32, #tpu.memory_space<vmem>>, vector<16xf32>,
        %get3A_491 = arith.index_cast %scan3A_418 : i32 to index
        %get3A_492 = arith.constant 32 : index
        %get3A_493 = tpu.vector_load %arg14[%get3A_491, %get3A_492] {strides = array<i32>} : memref<64x128xf32, #tpu.memory_space<vmem>>, vector<16xf32>,
        %get3A_494 = arith.index_cast %scan3A_418 : i32 to index
        %get3A_495 = arith.constant 32 : index
        %get3A_496 = tpu.vector_load %arg15[%get3A_494, %get3A_495] {strides = array<i32>} : memref<64x128xf32, #tpu.memory_space<vmem>>, vector<16xf32>,
        %get3A_497 = arith.index_cast %scan3A_418 : i32 to index
        %get3A_498 = arith.constant 32 : index
        %get3A_499 = tpu.vector_load %arg16[%get3A_497, %get3A_498] {strides = array<i32>} : memref<64x128xf32, #tpu.memory_space<vmem>>, vector<16xf32>,
        %add3A_500 = arith.addf %get3A_490, %get3A_496 : vector<16xf32>
        %add3A_501 = arith.addf %get3A_493, %get3A_499 : vector<16xf32>
        %sub3A_502 = arith.subf %add3A_500, %add3A_501 : vector<16xf32>
        %mul3A_503 = arith.constant 5.000000e-01 : f32
        %mul3A_504 = vector.broadcast %mul3A_503 : f32 to vector<16xf32>
        %mul3A_505 = arith.mulf %mul3A_504, %sub3A_502 : vector<16xf32>
        %add3A_506 = arith.addf %mul3A_505, %get3A_487 : vector<16xf32>
        %abs3A_507 = math.absf %add3A_506 : vector<16xf32>
        %add3A_508 = arith.addf %add3A_478, %abs3A_507 : vector<16xf32>
        %sub3A_509 = arith.subf %get3A_490, %get3A_496 : vector<16xf32>
        %sub3A_510 = arith.subf %get3A_493, %get3A_499 : vector<16xf32>
        %mul3A_511 = arith.mulf %sub3A_509, %sub3A_509 : vector<16xf32>
        %add3A_512 = arith.addf %add3A_482, %mul3A_511 : vector<16xf32>
        %mul3A_513 = arith.mulf %sub3A_510, %sub3A_510 : vector<16xf32>
        %add3A_514 = arith.addf %add3A_484, %mul3A_513 : vector<16xf32>
        %get3A_515 = arith.index_cast %scan3A_418 : i32 to index
        %get3A_516 = arith.constant 48 : index
        %get3A_517 = tpu.vector_load %arg12[%get3A_515, %get3A_516] {strides = array<i32>} : memref<64x128xf32, #tpu.memory_space<vmem>>, vector<16xf32>,
        %get3A_518 = arith.index_cast %scan3A_418 : i32 to index
        %get3A_519 = arith.constant 48 : index
        %get3A_520 = tpu.vector_load %arg13[%get3A_518, %get3A_519] {strides = array<i32>} : memref<64x128xf32, #tpu.memory_space<vmem>>, vector<16xf32>,
        %get3A_521 = arith.index_cast %scan3A_418 : i32 to index
        %get3A_522 = arith.constant 48 : index
        %get3A_523 = tpu.vector_load %arg14[%get3A_521, %get3A_522] {strides = array<i32>} : memref<64x128xf32, #tpu.memory_space<vmem>>, vector<16xf32>,
        %get3A_524 = arith.index_cast %scan3A_418 : i32 to index
        %get3A_525 = arith.constant 48 : index
        %get3A_526 = tpu.vector_load %arg15[%get3A_524, %get3A_525] {strides = array<i32>} : memref<64x128xf32, #tpu.memory_space<vmem>>, vector<16xf32>,
        %get3A_527 = arith.index_cast %scan3A_418 : i32 to index
        %get3A_528 = arith.constant 48 : index
        %get3A_529 = tpu.vector_load %arg16[%get3A_527, %get3A_528] {strides = array<i32>} : memref<64x128xf32, #tpu.memory_space<vmem>>, vector<16xf32>,
        %add3A_530 = arith.addf %get3A_520, %get3A_526 : vector<16xf32>
        %add3A_531 = arith.addf %get3A_523, %get3A_529 : vector<16xf32>
        %sub3A_532 = arith.subf %add3A_530, %add3A_531 : vector<16xf32>
        %mul3A_533 = arith.constant 5.000000e-01 : f32
        %mul3A_534 = vector.broadcast %mul3A_533 : f32 to vector<16xf32>
        %mul3A_535 = arith.mulf %mul3A_534, %sub3A_532 : vector<16xf32>
        %add3A_536 = arith.addf %mul3A_535, %get3A_517 : vector<16xf32>
        %abs3A_537 = math.absf %add3A_536 : vector<16xf32>
        %add3A_538 = arith.addf %add3A_508, %abs3A_537 : vector<16xf32>
        %sub3A_539 = arith.subf %get3A_520, %get3A_526 : vector<16xf32>
        %sub3A_540 = arith.subf %get3A_523, %get3A_529 : vector<16xf32>
        %mul3A_541 = arith.mulf %sub3A_539, %sub3A_539 : vector<16xf32>
        %add3A_542 = arith.addf %add3A_512, %mul3A_541 : vector<16xf32>
        %mul3A_543 = arith.mulf %sub3A_540, %sub3A_540 : vector<16xf32>
        %add3A_544 = arith.addf %add3A_514, %mul3A_543 : vector<16xf32>
        %get3A_545 = arith.index_cast %scan3A_418 : i32 to index
        %get3A_546 = arith.constant 64 : index
        %get3A_547 = tpu.vector_load %arg12[%get3A_545, %get3A_546] {strides = array<i32>} : memref<64x128xf32, #tpu.memory_space<vmem>>, vector<16xf32>,
        %get3A_548 = arith.index_cast %scan3A_418 : i32 to index
        %get3A_549 = arith.constant 64 : index
        %get3A_550 = tpu.vector_load %arg13[%get3A_548, %get3A_549] {strides = array<i32>} : memref<64x128xf32, #tpu.memory_space<vmem>>, vector<16xf32>,
        %get3A_551 = arith.index_cast %scan3A_418 : i32 to index
        %get3A_552 = arith.constant 64 : index
        %get3A_553 = tpu.vector_load %arg14[%get3A_551, %get3A_552] {strides = array<i32>} : memref<64x128xf32, #tpu.memory_space<vmem>>, vector<16xf32>,
        %get3A_554 = arith.index_cast %scan3A_418 : i32 to index
        %get3A_555 = arith.constant 64 : index
        %get3A_556 = tpu.vector_load %arg15[%get3A_554, %get3A_555] {strides = array<i32>} : memref<64x128xf32, #tpu.memory_space<vmem>>, vector<16xf32>,
        %get3A_557 = arith.index_cast %scan3A_418 : i32 to index
        %get3A_558 = arith.constant 64 : index
        %get3A_559 = tpu.vector_load %arg16[%get3A_557, %get3A_558] {strides = array<i32>} : memref<64x128xf32, #tpu.memory_space<vmem>>, vector<16xf32>,
        %add3A_560 = arith.addf %get3A_550, %get3A_556 : vector<16xf32>
        %add3A_561 = arith.addf %get3A_553, %get3A_559 : vector<16xf32>
        %sub3A_562 = arith.subf %add3A_560, %add3A_561 : vector<16xf32>
        %mul3A_563 = arith.constant 5.000000e-01 : f32
        %mul3A_564 = vector.broadcast %mul3A_563 : f32 to vector<16xf32>
        %mul3A_565 = arith.mulf %mul3A_564, %sub3A_562 : vector<16xf32>
        %add3A_566 = arith.addf %mul3A_565, %get3A_547 : vector<16xf32>
        %abs3A_567 = math.absf %add3A_566 : vector<16xf32>
        %add3A_568 = arith.addf %add3A_538, %abs3A_567 : vector<16xf32>
        %sub3A_569 = arith.subf %get3A_550, %get3A_556 : vector<16xf32>
        %sub3A_570 = arith.subf %get3A_553, %get3A_559 : vector<16xf32>
        %mul3A_571 = arith.mulf %sub3A_569, %sub3A_569 : vector<16xf32>
        %add3A_572 = arith.addf %add3A_542, %mul3A_571 : vector<16xf32>
        %mul3A_573 = arith.mulf %sub3A_570, %sub3A_570 : vector<16xf32>
        %add3A_574 = arith.addf %add3A_544, %mul3A_573 : vector<16xf32>
        %get3A_575 = arith.index_cast %scan3A_418 : i32 to index
        %get3A_576 = arith.constant 80 : index
        %get3A_577 = tpu.vector_load %arg12[%get3A_575, %get3A_576] {strides = array<i32>} : memref<64x128xf32, #tpu.memory_space<vmem>>, vector<16xf32>,
        %get3A_578 = arith.index_cast %scan3A_418 : i32 to index
        %get3A_579 = arith.constant 80 : index
        %get3A_580 = tpu.vector_load %arg13[%get3A_578, %get3A_579] {strides = array<i32>} : memref<64x128xf32, #tpu.memory_space<vmem>>, vector<16xf32>,
        %get3A_581 = arith.index_cast %scan3A_418 : i32 to index
        %get3A_582 = arith.constant 80 : index
        %get3A_583 = tpu.vector_load %arg14[%get3A_581, %get3A_582] {strides = array<i32>} : memref<64x128xf32, #tpu.memory_space<vmem>>, vector<16xf32>,
        %get3A_584 = arith.index_cast %scan3A_418 : i32 to index
        %get3A_585 = arith.constant 80 : index
        %get3A_586 = tpu.vector_load %arg15[%get3A_584, %get3A_585] {strides = array<i32>} : memref<64x128xf32, #tpu.memory_space<vmem>>, vector<16xf32>,
        %get3A_587 = arith.index_cast %scan3A_418 : i32 to index
        %get3A_588 = arith.constant 80 : index
        %get3A_589 = tpu.vector_load %arg16[%get3A_587, %get3A_588] {strides = array<i32>} : memref<64x128xf32, #tpu.memory_space<vmem>>, vector<16xf32>,
        %add3A_590 = arith.addf %get3A_580, %get3A_586 : vector<16xf32>
        %add3A_591 = arith.addf %get3A_583, %get3A_589 : vector<16xf32>
        %sub3A_592 = arith.subf %add3A_590, %add3A_591 : vector<16xf32>
        %mul3A_593 = arith.constant 5.000000e-01 : f32
        %mul3A_594 = vector.broadcast %mul3A_593 : f32 to vector<16xf32>
        %mul3A_595 = arith.mulf %mul3A_594, %sub3A_592 : vector<16xf32>
        %add3A_596 = arith.addf %mul3A_595, %get3A_577 : vector<16xf32>
        %abs3A_597 = math.absf %add3A_596 : vector<16xf32>
        %add3A_598 = arith.addf %add3A_568, %abs3A_597 : vector<16xf32>
        %sub3A_599 = arith.subf %get3A_580, %get3A_586 : vector<16xf32>
        %sub3A_600 = arith.subf %get3A_583, %get3A_589 : vector<16xf32>
        %mul3A_601 = arith.mulf %sub3A_599, %sub3A_599 : vector<16xf32>
        %add3A_602 = arith.addf %add3A_572, %mul3A_601 : vector<16xf32>
        %mul3A_603 = arith.mulf %sub3A_600, %sub3A_600 : vector<16xf32>
        %add3A_604 = arith.addf %add3A_574, %mul3A_603 : vector<16xf32>
        %get3A_605 = arith.index_cast %scan3A_418 : i32 to index
        %get3A_606 = arith.constant 96 : index
        %get3A_607 = tpu.vector_load %arg12[%get3A_605, %get3A_606] {strides = array<i32>} : memref<64x128xf32, #tpu.memory_space<vmem>>, vector<16xf32>,
        %get3A_608 = arith.index_cast %scan3A_418 : i32 to index
        %get3A_609 = arith.constant 96 : index
        %get3A_610 = tpu.vector_load %arg13[%get3A_608, %get3A_609] {strides = array<i32>} : memref<64x128xf32, #tpu.memory_space<vmem>>, vector<16xf32>,
        %get3A_611 = arith.index_cast %scan3A_418 : i32 to index
        %get3A_612 = arith.constant 96 : index
        %get3A_613 = tpu.vector_load %arg14[%get3A_611, %get3A_612] {strides = array<i32>} : memref<64x128xf32, #tpu.memory_space<vmem>>, vector<16xf32>,
        %get3A_614 = arith.index_cast %scan3A_418 : i32 to index
        %get3A_615 = arith.constant 96 : index
        %get3A_616 = tpu.vector_load %arg15[%get3A_614, %get3A_615] {strides = array<i32>} : memref<64x128xf32, #tpu.memory_space<vmem>>, vector<16xf32>,
        %get3A_617 = arith.index_cast %scan3A_418 : i32 to index
        %get3A_618 = arith.constant 96 : index
        %get3A_619 = tpu.vector_load %arg16[%get3A_617, %get3A_618] {strides = array<i32>} : memref<64x128xf32, #tpu.memory_space<vmem>>, vector<16xf32>,
        %add3A_620 = arith.addf %get3A_610, %get3A_616 : vector<16xf32>
        %add3A_621 = arith.addf %get3A_613, %get3A_619 : vector<16xf32>
        %sub3A_622 = arith.subf %add3A_620, %add3A_621 : vector<16xf32>
        %mul3A_623 = arith.constant 5.000000e-01 : f32
        %mul3A_624 = vector.broadcast %mul3A_623 : f32 to vector<16xf32>
        %mul3A_625 = arith.mulf %mul3A_624, %sub3A_622 : vector<16xf32>
        %add3A_626 = arith.addf %mul3A_625, %get3A_607 : vector<16xf32>
        %abs3A_627 = math.absf %add3A_626 : vector<16xf32>
        %add3A_628 = arith.addf %add3A_598, %abs3A_627 : vector<16xf32>
        %sub3A_629 = arith.subf %get3A_610, %get3A_616 : vector<16xf32>
        %sub3A_630 = arith.subf %get3A_613, %get3A_619 : vector<16xf32>
        %mul3A_631 = arith.mulf %sub3A_629, %sub3A_629 : vector<16xf32>
        %add3A_632 = arith.addf %add3A_602, %mul3A_631 : vector<16xf32>
        %mul3A_633 = arith.mulf %sub3A_630, %sub3A_630 : vector<16xf32>
        %add3A_634 = arith.addf %add3A_604, %mul3A_633 : vector<16xf32>
        %get3A_635 = arith.index_cast %scan3A_418 : i32 to index
        %get3A_636 = arith.constant 112 : index
        %get3A_637 = tpu.vector_load %arg12[%get3A_635, %get3A_636] {strides = array<i32>} : memref<64x128xf32, #tpu.memory_space<vmem>>, vector<16xf32>,
        %get3A_638 = arith.index_cast %scan3A_418 : i32 to index
        %get3A_639 = arith.constant 112 : index
        %get3A_640 = tpu.vector_load %arg13[%get3A_638, %get3A_639] {strides = array<i32>} : memref<64x128xf32, #tpu.memory_space<vmem>>, vector<16xf32>,
        %get3A_641 = arith.index_cast %scan3A_418 : i32 to index
        %get3A_642 = arith.constant 112 : index
        %get3A_643 = tpu.vector_load %arg14[%get3A_641, %get3A_642] {strides = array<i32>} : memref<64x128xf32, #tpu.memory_space<vmem>>, vector<16xf32>,
        %get3A_644 = arith.index_cast %scan3A_418 : i32 to index
        %get3A_645 = arith.constant 112 : index
        %get3A_646 = tpu.vector_load %arg15[%get3A_644, %get3A_645] {strides = array<i32>} : memref<64x128xf32, #tpu.memory_space<vmem>>, vector<16xf32>,
        %get3A_647 = arith.index_cast %scan3A_418 : i32 to index
        %get3A_648 = arith.constant 112 : index
        %get3A_649 = tpu.vector_load %arg16[%get3A_647, %get3A_648] {strides = array<i32>} : memref<64x128xf32, #tpu.memory_space<vmem>>, vector<16xf32>,
        %add3A_650 = arith.addf %get3A_640, %get3A_646 : vector<16xf32>
        %add3A_651 = arith.addf %get3A_643, %get3A_649 : vector<16xf32>
        %sub3A_652 = arith.subf %add3A_650, %add3A_651 : vector<16xf32>
        %mul3A_653 = arith.constant 5.000000e-01 : f32
        %mul3A_654 = vector.broadcast %mul3A_653 : f32 to vector<16xf32>
        %mul3A_655 = arith.mulf %mul3A_654, %sub3A_652 : vector<16xf32>
        %add3A_656 = arith.addf %mul3A_655, %get3A_637 : vector<16xf32>
        %abs3A_657 = math.absf %add3A_656 : vector<16xf32>
        %add3A_658 = arith.addf %add3A_628, %abs3A_657 : vector<16xf32>
        %sub3A_659 = arith.subf %get3A_640, %get3A_646 : vector<16xf32>
        %sub3A_660 = arith.subf %get3A_643, %get3A_649 : vector<16xf32>
        %mul3A_661 = arith.mulf %sub3A_659, %sub3A_659 : vector<16xf32>
        %add3A_662 = arith.addf %add3A_632, %mul3A_661 : vector<16xf32>
        %mul3A_663 = arith.mulf %sub3A_660, %sub3A_660 : vector<16xf32>
        %add3A_664 = arith.addf %add3A_634, %mul3A_663 : vector<16xf32>
        %and3A_665 = arith.constant 15 : i32
        %and3A_666 = arith.andi %scan3A_418, %and3A_665 : i32
        %eq3A_667 = vector.broadcast %and3A_666 : i32 to vector<16xi32>
        %eq3A_668 = arith.cmpi eq, %iota3A, %eq3A_667 : vector<16xi32>
        %reduce_sum3A_669 = arith.constant true
        %reduce_sum3A_670 = vector.broadcast %reduce_sum3A_669 : i1 to vector<16xi1>
        %reduce_sum3A_671 = tpu.scan <sum>, %add3A_658 masked %reduce_sum3A_670 : vector<16xf32>, vector<16xi1> -> vector<16xf32>
        %reduce_sum3A_672 = vector.extract %reduce_sum3A_671[15] : f32 from vector<16xf32>
        %broadcast_in_dim3A_673 = vector.broadcast %reduce_sum3A_672 : f32 to vector<16xf32>
        %select_n3A_674 = arith.select %eq3A_668, %broadcast_in_dim3A_673, %select_n3A : vector<16xi1>, vector<16xf32>
        %reduce_sum3A_675 = arith.constant true
        %reduce_sum3A_676 = vector.broadcast %reduce_sum3A_675 : i1 to vector<16xi1>
        %reduce_sum3A_677 = tpu.scan <sum>, %add3A_662 masked %reduce_sum3A_676 : vector<16xf32>, vector<16xi1> -> vector<16xf32>
        %reduce_sum3A_678 = vector.extract %reduce_sum3A_677[15] : f32 from vector<16xf32>
        %broadcast_in_dim3A_679 = vector.broadcast %reduce_sum3A_678 : f32 to vector<16xf32>
        %select_n3A_680 = arith.select %eq3A_668, %broadcast_in_dim3A_679, %select_n3A_403 : vector<16xi1>, vector<16xf32>
        %reduce_sum3A_681 = arith.constant true
        %reduce_sum3A_682 = vector.broadcast %reduce_sum3A_681 : i1 to vector<16xi1>
        %reduce_sum3A_683 = tpu.scan <sum>, %add3A_664 masked %reduce_sum3A_682 : vector<16xf32>, vector<16xi1> -> vector<16xf32>
        %reduce_sum3A_684 = vector.extract %reduce_sum3A_683[15] : f32 from vector<16xf32>
        %broadcast_in_dim3A_685 = vector.broadcast %reduce_sum3A_684 : f32 to vector<16xf32>
        %select_n3A_686 = arith.select %eq3A_668, %broadcast_in_dim3A_685, %select_n3A_409 : vector<16xi1>, vector<16xf32>
        %and3A_687 = arith.constant 15 : i32
        %and3A_688 = arith.andi %scan3A_418, %and3A_687 : i32
        %eq3A_689 = arith.constant 15 : i32
        %eq3A_690 = arith.cmpi eq, %and3A_688, %eq3A_689 : i32
        %convert_element_type3A_691 = arith.extui %eq3A_690 : i1 to i32
        %cond3A_692 = arith.constant 0 : i32
        %cond3A_693 = arith.cmpi ne, %convert_element_type3A_691, %cond3A_692 : i32
        scf.if %cond3A_693 {
          %sub3A_1248 = arith.constant 1.200000e+01 : f32
          %sub3A_1249 = vector.broadcast %sub3A_1248 : f32 to vector<16xf32>
          %sub3A_1250 = arith.subf %sub3A_1249, %select_n3A_674 : vector<16xf32>
          %mul3A_1251 = arith.constant 1.000000e+00 : f32
          %mul3A_1252 = vector.broadcast %mul3A_1251 : f32 to vector<16xf32>
          %mul3A_1253 = arith.mulf %mul3A_1252, %sub3A_1250 : vector<16xf32>
          %bitcast_convert_type3A = tpu.bitcast %select_n3A_680 : vector<16xf32> -> vector<16xi32>
          %shift_right_logical3A = arith.constant 1 : i32
          %shift_right_logical3A_1254 = vector.broadcast %shift_right_logical3A : i32 to vector<16xi32>
          %shift_right_logical3A_1255 = arith.shrui %bitcast_convert_type3A, %shift_right_logical3A_1254 : vector<16xi32>
          %sub3A_1256 = arith.constant 1597463007 : i32
          %sub3A_1257 = vector.broadcast %sub3A_1256 : i32 to vector<16xi32>
          %sub3A_1258 = arith.subi %sub3A_1257, %shift_right_logical3A_1255 : vector<16xi32>
          %bitcast_convert_type3A_1259 = tpu.bitcast %sub3A_1258 : vector<16xi32> -> vector<16xf32>
          %mul3A_1260 = arith.constant 5.000000e-01 : f32
          %mul3A_1261 = vector.broadcast %mul3A_1260 : f32 to vector<16xf32>
          %mul3A_1262 = arith.mulf %mul3A_1261, %select_n3A_680 : vector<16xf32>
          %mul3A_1263 = arith.mulf %mul3A_1262, %bitcast_convert_type3A_1259 : vector<16xf32>
          %mul3A_1264 = arith.mulf %mul3A_1263, %bitcast_convert_type3A_1259 : vector<16xf32>
          %sub3A_1265 = arith.constant 1.500000e+00 : f32
          %sub3A_1266 = vector.broadcast %sub3A_1265 : f32 to vector<16xf32>
          %sub3A_1267 = arith.subf %sub3A_1266, %mul3A_1264 : vector<16xf32>
          %mul3A_1268 = arith.mulf %bitcast_convert_type3A_1259, %sub3A_1267 : vector<16xf32>
          %mul3A_1269 = arith.constant 5.000000e-01 : f32
          %mul3A_1270 = vector.broadcast %mul3A_1269 : f32 to vector<16xf32>
          %mul3A_1271 = arith.mulf %mul3A_1270, %select_n3A_680 : vector<16xf32>
          %mul3A_1272 = arith.mulf %mul3A_1271, %mul3A_1268 : vector<16xf32>
          %mul3A_1273 = arith.mulf %mul3A_1272, %mul3A_1268 : vector<16xf32>
          %sub3A_1274 = arith.constant 1.500000e+00 : f32
          %sub3A_1275 = vector.broadcast %sub3A_1274 : f32 to vector<16xf32>
          %sub3A_1276 = arith.subf %sub3A_1275, %mul3A_1273 : vector<16xf32>
          %mul3A_1277 = arith.mulf %mul3A_1268, %sub3A_1276 : vector<16xf32>
          %mul3A_1278 = arith.constant 5.000000e-01 : f32
          %mul3A_1279 = vector.broadcast %mul3A_1278 : f32 to vector<16xf32>
          %mul3A_1280 = arith.mulf %mul3A_1279, %select_n3A_680 : vector<16xf32>
          %mul3A_1281 = arith.mulf %mul3A_1280, %mul3A_1277 : vector<16xf32>
          %mul3A_1282 = arith.mulf %mul3A_1281, %mul3A_1277 : vector<16xf32>
          %sub3A_1283 = arith.constant 1.500000e+00 : f32
          %sub3A_1284 = vector.broadcast %sub3A_1283 : f32 to vector<16xf32>
          %sub3A_1285 = arith.subf %sub3A_1284, %mul3A_1282 : vector<16xf32>
          %mul3A_1286 = arith.mulf %mul3A_1277, %sub3A_1285 : vector<16xf32>
          %gt3A = arith.constant 0.000000e+00 : f32
          %gt3A_1287 = vector.broadcast %gt3A : f32 to vector<16xf32>
          %gt3A_1288 = arith.cmpf ogt, %select_n3A_680, %gt3A_1287 : vector<16xf32>
          %mul3A_1289 = arith.mulf %select_n3A_680, %mul3A_1286 : vector<16xf32>
          %jit3A = arith.constant 0.000000e+00 : f32
          %broadcast_in_dim3A_1290 = vector.broadcast %jit3A : f32 to vector<16xf32>
          %select_n3A_1291 = arith.select %gt3A_1288, %mul3A_1289, %broadcast_in_dim3A_1290 : vector<16xi1>, vector<16xf32>
          %bitcast_convert_type3A_1292 = tpu.bitcast %select_n3A_686 : vector<16xf32> -> vector<16xi32>
          %shift_right_logical3A_1293 = arith.constant 1 : i32
          %shift_right_logical3A_1294 = vector.broadcast %shift_right_logical3A_1293 : i32 to vector<16xi32>
          %shift_right_logical3A_1295 = arith.shrui %bitcast_convert_type3A_1292, %shift_right_logical3A_1294 : vector<16xi32>
          %sub3A_1296 = arith.constant 1597463007 : i32
          %sub3A_1297 = vector.broadcast %sub3A_1296 : i32 to vector<16xi32>
          %sub3A_1298 = arith.subi %sub3A_1297, %shift_right_logical3A_1295 : vector<16xi32>
          %bitcast_convert_type3A_1299 = tpu.bitcast %sub3A_1298 : vector<16xi32> -> vector<16xf32>
          %mul3A_1300 = arith.constant 5.000000e-01 : f32
          %mul3A_1301 = vector.broadcast %mul3A_1300 : f32 to vector<16xf32>
          %mul3A_1302 = arith.mulf %mul3A_1301, %select_n3A_686 : vector<16xf32>
          %mul3A_1303 = arith.mulf %mul3A_1302, %bitcast_convert_type3A_1299 : vector<16xf32>
          %mul3A_1304 = arith.mulf %mul3A_1303, %bitcast_convert_type3A_1299 : vector<16xf32>
          %sub3A_1305 = arith.constant 1.500000e+00 : f32
          %sub3A_1306 = vector.broadcast %sub3A_1305 : f32 to vector<16xf32>
          %sub3A_1307 = arith.subf %sub3A_1306, %mul3A_1304 : vector<16xf32>
          %mul3A_1308 = arith.mulf %bitcast_convert_type3A_1299, %sub3A_1307 : vector<16xf32>
          %mul3A_1309 = arith.constant 5.000000e-01 : f32
          %mul3A_1310 = vector.broadcast %mul3A_1309 : f32 to vector<16xf32>
          %mul3A_1311 = arith.mulf %mul3A_1310, %select_n3A_686 : vector<16xf32>
          %mul3A_1312 = arith.mulf %mul3A_1311, %mul3A_1308 : vector<16xf32>
          %mul3A_1313 = arith.mulf %mul3A_1312, %mul3A_1308 : vector<16xf32>
          %sub3A_1314 = arith.constant 1.500000e+00 : f32
          %sub3A_1315 = vector.broadcast %sub3A_1314 : f32 to vector<16xf32>
          %sub3A_1316 = arith.subf %sub3A_1315, %mul3A_1313 : vector<16xf32>
          %mul3A_1317 = arith.mulf %mul3A_1308, %sub3A_1316 : vector<16xf32>
          %mul3A_1318 = arith.constant 5.000000e-01 : f32
          %mul3A_1319 = vector.broadcast %mul3A_1318 : f32 to vector<16xf32>
          %mul3A_1320 = arith.mulf %mul3A_1319, %select_n3A_686 : vector<16xf32>
          %mul3A_1321 = arith.mulf %mul3A_1320, %mul3A_1317 : vector<16xf32>
          %mul3A_1322 = arith.mulf %mul3A_1321, %mul3A_1317 : vector<16xf32>
          %sub3A_1323 = arith.constant 1.500000e+00 : f32
          %sub3A_1324 = vector.broadcast %sub3A_1323 : f32 to vector<16xf32>
          %sub3A_1325 = arith.subf %sub3A_1324, %mul3A_1322 : vector<16xf32>
          %mul3A_1326 = arith.mulf %mul3A_1317, %sub3A_1325 : vector<16xf32>
          %gt3A_1327 = arith.constant 0.000000e+00 : f32
          %gt3A_1328 = vector.broadcast %gt3A_1327 : f32 to vector<16xf32>
          %gt3A_1329 = arith.cmpf ogt, %select_n3A_686, %gt3A_1328 : vector<16xf32>
          %mul3A_1330 = arith.mulf %select_n3A_686, %mul3A_1326 : vector<16xf32>
          %jit3A_1331 = arith.constant 0.000000e+00 : f32
          %broadcast_in_dim3A_1332 = vector.broadcast %jit3A_1331 : f32 to vector<16xf32>
          %select_n3A_1333 = arith.select %gt3A_1329, %mul3A_1330, %broadcast_in_dim3A_1332 : vector<16xi1>, vector<16xf32>
          %add3A_1334 = arith.addf %select_n3A_1291, %select_n3A_1333 : vector<16xf32>
          %mul3A_1335 = arith.constant 2.500000e-01 : f32
          %mul3A_1336 = vector.broadcast %mul3A_1335 : f32 to vector<16xf32>
          %mul3A_1337 = arith.mulf %mul3A_1336, %add3A_1334 : vector<16xf32>
          %sub3A_1338 = arith.subf %mul3A_1253, %mul3A_1337 : vector<16xf32>
          %add3A_1339 = arith.addi %mul3A_94, %scan3A_418 : i32
          %sub3A_1340 = arith.constant 15 : i32
          %sub3A_1341 = arith.subi %add3A_1339, %sub3A_1340 : i32
          %swap3A = arith.index_cast %sub3A_1341 : i32 to index
          %swap3A_1342 = tpu.vector_load %arg22[%swap3A] {strides = array<i32>} : memref<512xf32, #tpu.memory_space<vmem>>, vector<16xf32>,
          tpu.vector_store %arg22[%swap3A], %sub3A_1338 {strides = array<i32>} : memref<512xf32, #tpu.memory_space<vmem>>, vector<16xf32>,
        } else {
        }
        %scan3A_694 = arith.constant 2 : i32
        %scan3A_695 = arith.addi %scan3A_145, %scan3A_694 : i32
        %broadcast_in_dim3A_696 = arith.constant 0.000000e+00 : f32
        %broadcast_in_dim3A_697 = vector.broadcast %broadcast_in_dim3A_696 : f32 to vector<16xf32>
        %broadcast_in_dim3A_698 = arith.constant 0.000000e+00 : f32
        %broadcast_in_dim3A_699 = vector.broadcast %broadcast_in_dim3A_698 : f32 to vector<16xf32>
        %broadcast_in_dim3A_700 = arith.constant 0.000000e+00 : f32
        %broadcast_in_dim3A_701 = vector.broadcast %broadcast_in_dim3A_700 : f32 to vector<16xf32>
        %get3A_702 = arith.index_cast %scan3A_695 : i32 to index
        %get3A_703 = arith.constant 0 : index
        %get3A_704 = tpu.vector_load %arg12[%get3A_702, %get3A_703] {strides = array<i32>} : memref<64x128xf32, #tpu.memory_space<vmem>>, vector<16xf32>,
        %get3A_705 = arith.index_cast %scan3A_695 : i32 to index
        %get3A_706 = arith.constant 0 : index
        %get3A_707 = tpu.vector_load %arg13[%get3A_705, %get3A_706] {strides = array<i32>} : memref<64x128xf32, #tpu.memory_space<vmem>>, vector<16xf32>,
        %get3A_708 = arith.index_cast %scan3A_695 : i32 to index
        %get3A_709 = arith.constant 0 : index
        %get3A_710 = tpu.vector_load %arg14[%get3A_708, %get3A_709] {strides = array<i32>} : memref<64x128xf32, #tpu.memory_space<vmem>>, vector<16xf32>,
        %get3A_711 = arith.index_cast %scan3A_695 : i32 to index
        %get3A_712 = arith.constant 0 : index
        %get3A_713 = tpu.vector_load %arg15[%get3A_711, %get3A_712] {strides = array<i32>} : memref<64x128xf32, #tpu.memory_space<vmem>>, vector<16xf32>,
        %get3A_714 = arith.index_cast %scan3A_695 : i32 to index
        %get3A_715 = arith.constant 0 : index
        %get3A_716 = tpu.vector_load %arg16[%get3A_714, %get3A_715] {strides = array<i32>} : memref<64x128xf32, #tpu.memory_space<vmem>>, vector<16xf32>,
        %add3A_717 = arith.addf %get3A_707, %get3A_713 : vector<16xf32>
        %add3A_718 = arith.addf %get3A_710, %get3A_716 : vector<16xf32>
        %sub3A_719 = arith.subf %add3A_717, %add3A_718 : vector<16xf32>
        %mul3A_720 = arith.constant 5.000000e-01 : f32
        %mul3A_721 = vector.broadcast %mul3A_720 : f32 to vector<16xf32>
        %mul3A_722 = arith.mulf %mul3A_721, %sub3A_719 : vector<16xf32>
        %add3A_723 = arith.addf %mul3A_722, %get3A_704 : vector<16xf32>
        %abs3A_724 = math.absf %add3A_723 : vector<16xf32>
        %add3A_725 = arith.addf %broadcast_in_dim3A_697, %abs3A_724 : vector<16xf32>
        %sub3A_726 = arith.subf %get3A_707, %get3A_713 : vector<16xf32>
        %sub3A_727 = arith.subf %get3A_710, %get3A_716 : vector<16xf32>
        %mul3A_728 = arith.mulf %sub3A_726, %sub3A_726 : vector<16xf32>
        %add3A_729 = arith.addf %broadcast_in_dim3A_699, %mul3A_728 : vector<16xf32>
        %mul3A_730 = arith.mulf %sub3A_727, %sub3A_727 : vector<16xf32>
        %add3A_731 = arith.addf %broadcast_in_dim3A_701, %mul3A_730 : vector<16xf32>
        %get3A_732 = arith.index_cast %scan3A_695 : i32 to index
        %get3A_733 = arith.constant 16 : index
        %get3A_734 = tpu.vector_load %arg12[%get3A_732, %get3A_733] {strides = array<i32>} : memref<64x128xf32, #tpu.memory_space<vmem>>, vector<16xf32>,
        %get3A_735 = arith.index_cast %scan3A_695 : i32 to index
        %get3A_736 = arith.constant 16 : index
        %get3A_737 = tpu.vector_load %arg13[%get3A_735, %get3A_736] {strides = array<i32>} : memref<64x128xf32, #tpu.memory_space<vmem>>, vector<16xf32>,
        %get3A_738 = arith.index_cast %scan3A_695 : i32 to index
        %get3A_739 = arith.constant 16 : index
        %get3A_740 = tpu.vector_load %arg14[%get3A_738, %get3A_739] {strides = array<i32>} : memref<64x128xf32, #tpu.memory_space<vmem>>, vector<16xf32>,
        %get3A_741 = arith.index_cast %scan3A_695 : i32 to index
        %get3A_742 = arith.constant 16 : index
        %get3A_743 = tpu.vector_load %arg15[%get3A_741, %get3A_742] {strides = array<i32>} : memref<64x128xf32, #tpu.memory_space<vmem>>, vector<16xf32>,
        %get3A_744 = arith.index_cast %scan3A_695 : i32 to index
        %get3A_745 = arith.constant 16 : index
        %get3A_746 = tpu.vector_load %arg16[%get3A_744, %get3A_745] {strides = array<i32>} : memref<64x128xf32, #tpu.memory_space<vmem>>, vector<16xf32>,
        %add3A_747 = arith.addf %get3A_737, %get3A_743 : vector<16xf32>
        %add3A_748 = arith.addf %get3A_740, %get3A_746 : vector<16xf32>
        %sub3A_749 = arith.subf %add3A_747, %add3A_748 : vector<16xf32>
        %mul3A_750 = arith.constant 5.000000e-01 : f32
        %mul3A_751 = vector.broadcast %mul3A_750 : f32 to vector<16xf32>
        %mul3A_752 = arith.mulf %mul3A_751, %sub3A_749 : vector<16xf32>
        %add3A_753 = arith.addf %mul3A_752, %get3A_734 : vector<16xf32>
        %abs3A_754 = math.absf %add3A_753 : vector<16xf32>
        %add3A_755 = arith.addf %add3A_725, %abs3A_754 : vector<16xf32>
        %sub3A_756 = arith.subf %get3A_737, %get3A_743 : vector<16xf32>
        %sub3A_757 = arith.subf %get3A_740, %get3A_746 : vector<16xf32>
        %mul3A_758 = arith.mulf %sub3A_756, %sub3A_756 : vector<16xf32>
        %add3A_759 = arith.addf %add3A_729, %mul3A_758 : vector<16xf32>
        %mul3A_760 = arith.mulf %sub3A_757, %sub3A_757 : vector<16xf32>
        %add3A_761 = arith.addf %add3A_731, %mul3A_760 : vector<16xf32>
        %get3A_762 = arith.index_cast %scan3A_695 : i32 to index
        %get3A_763 = arith.constant 32 : index
        %get3A_764 = tpu.vector_load %arg12[%get3A_762, %get3A_763] {strides = array<i32>} : memref<64x128xf32, #tpu.memory_space<vmem>>, vector<16xf32>,
        %get3A_765 = arith.index_cast %scan3A_695 : i32 to index
        %get3A_766 = arith.constant 32 : index
        %get3A_767 = tpu.vector_load %arg13[%get3A_765, %get3A_766] {strides = array<i32>} : memref<64x128xf32, #tpu.memory_space<vmem>>, vector<16xf32>,
        %get3A_768 = arith.index_cast %scan3A_695 : i32 to index
        %get3A_769 = arith.constant 32 : index
        %get3A_770 = tpu.vector_load %arg14[%get3A_768, %get3A_769] {strides = array<i32>} : memref<64x128xf32, #tpu.memory_space<vmem>>, vector<16xf32>,
        %get3A_771 = arith.index_cast %scan3A_695 : i32 to index
        %get3A_772 = arith.constant 32 : index
        %get3A_773 = tpu.vector_load %arg15[%get3A_771, %get3A_772] {strides = array<i32>} : memref<64x128xf32, #tpu.memory_space<vmem>>, vector<16xf32>,
        %get3A_774 = arith.index_cast %scan3A_695 : i32 to index
        %get3A_775 = arith.constant 32 : index
        %get3A_776 = tpu.vector_load %arg16[%get3A_774, %get3A_775] {strides = array<i32>} : memref<64x128xf32, #tpu.memory_space<vmem>>, vector<16xf32>,
        %add3A_777 = arith.addf %get3A_767, %get3A_773 : vector<16xf32>
        %add3A_778 = arith.addf %get3A_770, %get3A_776 : vector<16xf32>
        %sub3A_779 = arith.subf %add3A_777, %add3A_778 : vector<16xf32>
        %mul3A_780 = arith.constant 5.000000e-01 : f32
        %mul3A_781 = vector.broadcast %mul3A_780 : f32 to vector<16xf32>
        %mul3A_782 = arith.mulf %mul3A_781, %sub3A_779 : vector<16xf32>
        %add3A_783 = arith.addf %mul3A_782, %get3A_764 : vector<16xf32>
        %abs3A_784 = math.absf %add3A_783 : vector<16xf32>
        %add3A_785 = arith.addf %add3A_755, %abs3A_784 : vector<16xf32>
        %sub3A_786 = arith.subf %get3A_767, %get3A_773 : vector<16xf32>
        %sub3A_787 = arith.subf %get3A_770, %get3A_776 : vector<16xf32>
        %mul3A_788 = arith.mulf %sub3A_786, %sub3A_786 : vector<16xf32>
        %add3A_789 = arith.addf %add3A_759, %mul3A_788 : vector<16xf32>
        %mul3A_790 = arith.mulf %sub3A_787, %sub3A_787 : vector<16xf32>
        %add3A_791 = arith.addf %add3A_761, %mul3A_790 : vector<16xf32>
        %get3A_792 = arith.index_cast %scan3A_695 : i32 to index
        %get3A_793 = arith.constant 48 : index
        %get3A_794 = tpu.vector_load %arg12[%get3A_792, %get3A_793] {strides = array<i32>} : memref<64x128xf32, #tpu.memory_space<vmem>>, vector<16xf32>,
        %get3A_795 = arith.index_cast %scan3A_695 : i32 to index
        %get3A_796 = arith.constant 48 : index
        %get3A_797 = tpu.vector_load %arg13[%get3A_795, %get3A_796] {strides = array<i32>} : memref<64x128xf32, #tpu.memory_space<vmem>>, vector<16xf32>,
        %get3A_798 = arith.index_cast %scan3A_695 : i32 to index
        %get3A_799 = arith.constant 48 : index
        %get3A_800 = tpu.vector_load %arg14[%get3A_798, %get3A_799] {strides = array<i32>} : memref<64x128xf32, #tpu.memory_space<vmem>>, vector<16xf32>,
        %get3A_801 = arith.index_cast %scan3A_695 : i32 to index
        %get3A_802 = arith.constant 48 : index
        %get3A_803 = tpu.vector_load %arg15[%get3A_801, %get3A_802] {strides = array<i32>} : memref<64x128xf32, #tpu.memory_space<vmem>>, vector<16xf32>,
        %get3A_804 = arith.index_cast %scan3A_695 : i32 to index
        %get3A_805 = arith.constant 48 : index
        %get3A_806 = tpu.vector_load %arg16[%get3A_804, %get3A_805] {strides = array<i32>} : memref<64x128xf32, #tpu.memory_space<vmem>>, vector<16xf32>,
        %add3A_807 = arith.addf %get3A_797, %get3A_803 : vector<16xf32>
        %add3A_808 = arith.addf %get3A_800, %get3A_806 : vector<16xf32>
        %sub3A_809 = arith.subf %add3A_807, %add3A_808 : vector<16xf32>
        %mul3A_810 = arith.constant 5.000000e-01 : f32
        %mul3A_811 = vector.broadcast %mul3A_810 : f32 to vector<16xf32>
        %mul3A_812 = arith.mulf %mul3A_811, %sub3A_809 : vector<16xf32>
        %add3A_813 = arith.addf %mul3A_812, %get3A_794 : vector<16xf32>
        %abs3A_814 = math.absf %add3A_813 : vector<16xf32>
        %add3A_815 = arith.addf %add3A_785, %abs3A_814 : vector<16xf32>
        %sub3A_816 = arith.subf %get3A_797, %get3A_803 : vector<16xf32>
        %sub3A_817 = arith.subf %get3A_800, %get3A_806 : vector<16xf32>
        %mul3A_818 = arith.mulf %sub3A_816, %sub3A_816 : vector<16xf32>
        %add3A_819 = arith.addf %add3A_789, %mul3A_818 : vector<16xf32>
        %mul3A_820 = arith.mulf %sub3A_817, %sub3A_817 : vector<16xf32>
        %add3A_821 = arith.addf %add3A_791, %mul3A_820 : vector<16xf32>
        %get3A_822 = arith.index_cast %scan3A_695 : i32 to index
        %get3A_823 = arith.constant 64 : index
        %get3A_824 = tpu.vector_load %arg12[%get3A_822, %get3A_823] {strides = array<i32>} : memref<64x128xf32, #tpu.memory_space<vmem>>, vector<16xf32>,
        %get3A_825 = arith.index_cast %scan3A_695 : i32 to index
        %get3A_826 = arith.constant 64 : index
        %get3A_827 = tpu.vector_load %arg13[%get3A_825, %get3A_826] {strides = array<i32>} : memref<64x128xf32, #tpu.memory_space<vmem>>, vector<16xf32>,
        %get3A_828 = arith.index_cast %scan3A_695 : i32 to index
        %get3A_829 = arith.constant 64 : index
        %get3A_830 = tpu.vector_load %arg14[%get3A_828, %get3A_829] {strides = array<i32>} : memref<64x128xf32, #tpu.memory_space<vmem>>, vector<16xf32>,
        %get3A_831 = arith.index_cast %scan3A_695 : i32 to index
        %get3A_832 = arith.constant 64 : index
        %get3A_833 = tpu.vector_load %arg15[%get3A_831, %get3A_832] {strides = array<i32>} : memref<64x128xf32, #tpu.memory_space<vmem>>, vector<16xf32>,
        %get3A_834 = arith.index_cast %scan3A_695 : i32 to index
        %get3A_835 = arith.constant 64 : index
        %get3A_836 = tpu.vector_load %arg16[%get3A_834, %get3A_835] {strides = array<i32>} : memref<64x128xf32, #tpu.memory_space<vmem>>, vector<16xf32>,
        %add3A_837 = arith.addf %get3A_827, %get3A_833 : vector<16xf32>
        %add3A_838 = arith.addf %get3A_830, %get3A_836 : vector<16xf32>
        %sub3A_839 = arith.subf %add3A_837, %add3A_838 : vector<16xf32>
        %mul3A_840 = arith.constant 5.000000e-01 : f32
        %mul3A_841 = vector.broadcast %mul3A_840 : f32 to vector<16xf32>
        %mul3A_842 = arith.mulf %mul3A_841, %sub3A_839 : vector<16xf32>
        %add3A_843 = arith.addf %mul3A_842, %get3A_824 : vector<16xf32>
        %abs3A_844 = math.absf %add3A_843 : vector<16xf32>
        %add3A_845 = arith.addf %add3A_815, %abs3A_844 : vector<16xf32>
        %sub3A_846 = arith.subf %get3A_827, %get3A_833 : vector<16xf32>
        %sub3A_847 = arith.subf %get3A_830, %get3A_836 : vector<16xf32>
        %mul3A_848 = arith.mulf %sub3A_846, %sub3A_846 : vector<16xf32>
        %add3A_849 = arith.addf %add3A_819, %mul3A_848 : vector<16xf32>
        %mul3A_850 = arith.mulf %sub3A_847, %sub3A_847 : vector<16xf32>
        %add3A_851 = arith.addf %add3A_821, %mul3A_850 : vector<16xf32>
        %get3A_852 = arith.index_cast %scan3A_695 : i32 to index
        %get3A_853 = arith.constant 80 : index
        %get3A_854 = tpu.vector_load %arg12[%get3A_852, %get3A_853] {strides = array<i32>} : memref<64x128xf32, #tpu.memory_space<vmem>>, vector<16xf32>,
        %get3A_855 = arith.index_cast %scan3A_695 : i32 to index
        %get3A_856 = arith.constant 80 : index
        %get3A_857 = tpu.vector_load %arg13[%get3A_855, %get3A_856] {strides = array<i32>} : memref<64x128xf32, #tpu.memory_space<vmem>>, vector<16xf32>,
        %get3A_858 = arith.index_cast %scan3A_695 : i32 to index
        %get3A_859 = arith.constant 80 : index
        %get3A_860 = tpu.vector_load %arg14[%get3A_858, %get3A_859] {strides = array<i32>} : memref<64x128xf32, #tpu.memory_space<vmem>>, vector<16xf32>,
        %get3A_861 = arith.index_cast %scan3A_695 : i32 to index
        %get3A_862 = arith.constant 80 : index
        %get3A_863 = tpu.vector_load %arg15[%get3A_861, %get3A_862] {strides = array<i32>} : memref<64x128xf32, #tpu.memory_space<vmem>>, vector<16xf32>,
        %get3A_864 = arith.index_cast %scan3A_695 : i32 to index
        %get3A_865 = arith.constant 80 : index
        %get3A_866 = tpu.vector_load %arg16[%get3A_864, %get3A_865] {strides = array<i32>} : memref<64x128xf32, #tpu.memory_space<vmem>>, vector<16xf32>,
        %add3A_867 = arith.addf %get3A_857, %get3A_863 : vector<16xf32>
        %add3A_868 = arith.addf %get3A_860, %get3A_866 : vector<16xf32>
        %sub3A_869 = arith.subf %add3A_867, %add3A_868 : vector<16xf32>
        %mul3A_870 = arith.constant 5.000000e-01 : f32
        %mul3A_871 = vector.broadcast %mul3A_870 : f32 to vector<16xf32>
        %mul3A_872 = arith.mulf %mul3A_871, %sub3A_869 : vector<16xf32>
        %add3A_873 = arith.addf %mul3A_872, %get3A_854 : vector<16xf32>
        %abs3A_874 = math.absf %add3A_873 : vector<16xf32>
        %add3A_875 = arith.addf %add3A_845, %abs3A_874 : vector<16xf32>
        %sub3A_876 = arith.subf %get3A_857, %get3A_863 : vector<16xf32>
        %sub3A_877 = arith.subf %get3A_860, %get3A_866 : vector<16xf32>
        %mul3A_878 = arith.mulf %sub3A_876, %sub3A_876 : vector<16xf32>
        %add3A_879 = arith.addf %add3A_849, %mul3A_878 : vector<16xf32>
        %mul3A_880 = arith.mulf %sub3A_877, %sub3A_877 : vector<16xf32>
        %add3A_881 = arith.addf %add3A_851, %mul3A_880 : vector<16xf32>
        %get3A_882 = arith.index_cast %scan3A_695 : i32 to index
        %get3A_883 = arith.constant 96 : index
        %get3A_884 = tpu.vector_load %arg12[%get3A_882, %get3A_883] {strides = array<i32>} : memref<64x128xf32, #tpu.memory_space<vmem>>, vector<16xf32>,
        %get3A_885 = arith.index_cast %scan3A_695 : i32 to index
        %get3A_886 = arith.constant 96 : index
        %get3A_887 = tpu.vector_load %arg13[%get3A_885, %get3A_886] {strides = array<i32>} : memref<64x128xf32, #tpu.memory_space<vmem>>, vector<16xf32>,
        %get3A_888 = arith.index_cast %scan3A_695 : i32 to index
        %get3A_889 = arith.constant 96 : index
        %get3A_890 = tpu.vector_load %arg14[%get3A_888, %get3A_889] {strides = array<i32>} : memref<64x128xf32, #tpu.memory_space<vmem>>, vector<16xf32>,
        %get3A_891 = arith.index_cast %scan3A_695 : i32 to index
        %get3A_892 = arith.constant 96 : index
        %get3A_893 = tpu.vector_load %arg15[%get3A_891, %get3A_892] {strides = array<i32>} : memref<64x128xf32, #tpu.memory_space<vmem>>, vector<16xf32>,
        %get3A_894 = arith.index_cast %scan3A_695 : i32 to index
        %get3A_895 = arith.constant 96 : index
        %get3A_896 = tpu.vector_load %arg16[%get3A_894, %get3A_895] {strides = array<i32>} : memref<64x128xf32, #tpu.memory_space<vmem>>, vector<16xf32>,
        %add3A_897 = arith.addf %get3A_887, %get3A_893 : vector<16xf32>
        %add3A_898 = arith.addf %get3A_890, %get3A_896 : vector<16xf32>
        %sub3A_899 = arith.subf %add3A_897, %add3A_898 : vector<16xf32>
        %mul3A_900 = arith.constant 5.000000e-01 : f32
        %mul3A_901 = vector.broadcast %mul3A_900 : f32 to vector<16xf32>
        %mul3A_902 = arith.mulf %mul3A_901, %sub3A_899 : vector<16xf32>
        %add3A_903 = arith.addf %mul3A_902, %get3A_884 : vector<16xf32>
        %abs3A_904 = math.absf %add3A_903 : vector<16xf32>
        %add3A_905 = arith.addf %add3A_875, %abs3A_904 : vector<16xf32>
        %sub3A_906 = arith.subf %get3A_887, %get3A_893 : vector<16xf32>
        %sub3A_907 = arith.subf %get3A_890, %get3A_896 : vector<16xf32>
        %mul3A_908 = arith.mulf %sub3A_906, %sub3A_906 : vector<16xf32>
        %add3A_909 = arith.addf %add3A_879, %mul3A_908 : vector<16xf32>
        %mul3A_910 = arith.mulf %sub3A_907, %sub3A_907 : vector<16xf32>
        %add3A_911 = arith.addf %add3A_881, %mul3A_910 : vector<16xf32>
        %get3A_912 = arith.index_cast %scan3A_695 : i32 to index
        %get3A_913 = arith.constant 112 : index
        %get3A_914 = tpu.vector_load %arg12[%get3A_912, %get3A_913] {strides = array<i32>} : memref<64x128xf32, #tpu.memory_space<vmem>>, vector<16xf32>,
        %get3A_915 = arith.index_cast %scan3A_695 : i32 to index
        %get3A_916 = arith.constant 112 : index
        %get3A_917 = tpu.vector_load %arg13[%get3A_915, %get3A_916] {strides = array<i32>} : memref<64x128xf32, #tpu.memory_space<vmem>>, vector<16xf32>,
        %get3A_918 = arith.index_cast %scan3A_695 : i32 to index
        %get3A_919 = arith.constant 112 : index
        %get3A_920 = tpu.vector_load %arg14[%get3A_918, %get3A_919] {strides = array<i32>} : memref<64x128xf32, #tpu.memory_space<vmem>>, vector<16xf32>,
        %get3A_921 = arith.index_cast %scan3A_695 : i32 to index
        %get3A_922 = arith.constant 112 : index
        %get3A_923 = tpu.vector_load %arg15[%get3A_921, %get3A_922] {strides = array<i32>} : memref<64x128xf32, #tpu.memory_space<vmem>>, vector<16xf32>,
        %get3A_924 = arith.index_cast %scan3A_695 : i32 to index
        %get3A_925 = arith.constant 112 : index
        %get3A_926 = tpu.vector_load %arg16[%get3A_924, %get3A_925] {strides = array<i32>} : memref<64x128xf32, #tpu.memory_space<vmem>>, vector<16xf32>,
        %add3A_927 = arith.addf %get3A_917, %get3A_923 : vector<16xf32>
        %add3A_928 = arith.addf %get3A_920, %get3A_926 : vector<16xf32>
        %sub3A_929 = arith.subf %add3A_927, %add3A_928 : vector<16xf32>
        %mul3A_930 = arith.constant 5.000000e-01 : f32
        %mul3A_931 = vector.broadcast %mul3A_930 : f32 to vector<16xf32>
        %mul3A_932 = arith.mulf %mul3A_931, %sub3A_929 : vector<16xf32>
        %add3A_933 = arith.addf %mul3A_932, %get3A_914 : vector<16xf32>
        %abs3A_934 = math.absf %add3A_933 : vector<16xf32>
        %add3A_935 = arith.addf %add3A_905, %abs3A_934 : vector<16xf32>
        %sub3A_936 = arith.subf %get3A_917, %get3A_923 : vector<16xf32>
        %sub3A_937 = arith.subf %get3A_920, %get3A_926 : vector<16xf32>
        %mul3A_938 = arith.mulf %sub3A_936, %sub3A_936 : vector<16xf32>
        %add3A_939 = arith.addf %add3A_909, %mul3A_938 : vector<16xf32>
        %mul3A_940 = arith.mulf %sub3A_937, %sub3A_937 : vector<16xf32>
        %add3A_941 = arith.addf %add3A_911, %mul3A_940 : vector<16xf32>
        %and3A_942 = arith.constant 15 : i32
        %and3A_943 = arith.andi %scan3A_695, %and3A_942 : i32
        %eq3A_944 = vector.broadcast %and3A_943 : i32 to vector<16xi32>
        %eq3A_945 = arith.cmpi eq, %iota3A, %eq3A_944 : vector<16xi32>
        %reduce_sum3A_946 = arith.constant true
        %reduce_sum3A_947 = vector.broadcast %reduce_sum3A_946 : i1 to vector<16xi1>
        %reduce_sum3A_948 = tpu.scan <sum>, %add3A_935 masked %reduce_sum3A_947 : vector<16xf32>, vector<16xi1> -> vector<16xf32>
        %reduce_sum3A_949 = vector.extract %reduce_sum3A_948[15] : f32 from vector<16xf32>
        %broadcast_in_dim3A_950 = vector.broadcast %reduce_sum3A_949 : f32 to vector<16xf32>
        %select_n3A_951 = arith.select %eq3A_945, %broadcast_in_dim3A_950, %select_n3A_674 : vector<16xi1>, vector<16xf32>
        %reduce_sum3A_952 = arith.constant true
        %reduce_sum3A_953 = vector.broadcast %reduce_sum3A_952 : i1 to vector<16xi1>
        %reduce_sum3A_954 = tpu.scan <sum>, %add3A_939 masked %reduce_sum3A_953 : vector<16xf32>, vector<16xi1> -> vector<16xf32>
        %reduce_sum3A_955 = vector.extract %reduce_sum3A_954[15] : f32 from vector<16xf32>
        %broadcast_in_dim3A_956 = vector.broadcast %reduce_sum3A_955 : f32 to vector<16xf32>
        %select_n3A_957 = arith.select %eq3A_945, %broadcast_in_dim3A_956, %select_n3A_680 : vector<16xi1>, vector<16xf32>
        %reduce_sum3A_958 = arith.constant true
        %reduce_sum3A_959 = vector.broadcast %reduce_sum3A_958 : i1 to vector<16xi1>
        %reduce_sum3A_960 = tpu.scan <sum>, %add3A_941 masked %reduce_sum3A_959 : vector<16xf32>, vector<16xi1> -> vector<16xf32>
        %reduce_sum3A_961 = vector.extract %reduce_sum3A_960[15] : f32 from vector<16xf32>
        %broadcast_in_dim3A_962 = vector.broadcast %reduce_sum3A_961 : f32 to vector<16xf32>
        %select_n3A_963 = arith.select %eq3A_945, %broadcast_in_dim3A_962, %select_n3A_686 : vector<16xi1>, vector<16xf32>
        %and3A_964 = arith.constant 15 : i32
        %and3A_965 = arith.andi %scan3A_695, %and3A_964 : i32
        %eq3A_966 = arith.constant 15 : i32
        %eq3A_967 = arith.cmpi eq, %and3A_965, %eq3A_966 : i32
        %convert_element_type3A_968 = arith.extui %eq3A_967 : i1 to i32
        %cond3A_969 = arith.constant 0 : i32
        %cond3A_970 = arith.cmpi ne, %convert_element_type3A_968, %cond3A_969 : i32
        scf.if %cond3A_970 {
          %sub3A_1248 = arith.constant 1.200000e+01 : f32
          %sub3A_1249 = vector.broadcast %sub3A_1248 : f32 to vector<16xf32>
          %sub3A_1250 = arith.subf %sub3A_1249, %select_n3A_951 : vector<16xf32>
          %mul3A_1251 = arith.constant 1.000000e+00 : f32
          %mul3A_1252 = vector.broadcast %mul3A_1251 : f32 to vector<16xf32>
          %mul3A_1253 = arith.mulf %mul3A_1252, %sub3A_1250 : vector<16xf32>
          %bitcast_convert_type3A = tpu.bitcast %select_n3A_957 : vector<16xf32> -> vector<16xi32>
          %shift_right_logical3A = arith.constant 1 : i32
          %shift_right_logical3A_1254 = vector.broadcast %shift_right_logical3A : i32 to vector<16xi32>
          %shift_right_logical3A_1255 = arith.shrui %bitcast_convert_type3A, %shift_right_logical3A_1254 : vector<16xi32>
          %sub3A_1256 = arith.constant 1597463007 : i32
          %sub3A_1257 = vector.broadcast %sub3A_1256 : i32 to vector<16xi32>
          %sub3A_1258 = arith.subi %sub3A_1257, %shift_right_logical3A_1255 : vector<16xi32>
          %bitcast_convert_type3A_1259 = tpu.bitcast %sub3A_1258 : vector<16xi32> -> vector<16xf32>
          %mul3A_1260 = arith.constant 5.000000e-01 : f32
          %mul3A_1261 = vector.broadcast %mul3A_1260 : f32 to vector<16xf32>
          %mul3A_1262 = arith.mulf %mul3A_1261, %select_n3A_957 : vector<16xf32>
          %mul3A_1263 = arith.mulf %mul3A_1262, %bitcast_convert_type3A_1259 : vector<16xf32>
          %mul3A_1264 = arith.mulf %mul3A_1263, %bitcast_convert_type3A_1259 : vector<16xf32>
          %sub3A_1265 = arith.constant 1.500000e+00 : f32
          %sub3A_1266 = vector.broadcast %sub3A_1265 : f32 to vector<16xf32>
          %sub3A_1267 = arith.subf %sub3A_1266, %mul3A_1264 : vector<16xf32>
          %mul3A_1268 = arith.mulf %bitcast_convert_type3A_1259, %sub3A_1267 : vector<16xf32>
          %mul3A_1269 = arith.constant 5.000000e-01 : f32
          %mul3A_1270 = vector.broadcast %mul3A_1269 : f32 to vector<16xf32>
          %mul3A_1271 = arith.mulf %mul3A_1270, %select_n3A_957 : vector<16xf32>
          %mul3A_1272 = arith.mulf %mul3A_1271, %mul3A_1268 : vector<16xf32>
          %mul3A_1273 = arith.mulf %mul3A_1272, %mul3A_1268 : vector<16xf32>
          %sub3A_1274 = arith.constant 1.500000e+00 : f32
          %sub3A_1275 = vector.broadcast %sub3A_1274 : f32 to vector<16xf32>
          %sub3A_1276 = arith.subf %sub3A_1275, %mul3A_1273 : vector<16xf32>
          %mul3A_1277 = arith.mulf %mul3A_1268, %sub3A_1276 : vector<16xf32>
          %mul3A_1278 = arith.constant 5.000000e-01 : f32
          %mul3A_1279 = vector.broadcast %mul3A_1278 : f32 to vector<16xf32>
          %mul3A_1280 = arith.mulf %mul3A_1279, %select_n3A_957 : vector<16xf32>
          %mul3A_1281 = arith.mulf %mul3A_1280, %mul3A_1277 : vector<16xf32>
          %mul3A_1282 = arith.mulf %mul3A_1281, %mul3A_1277 : vector<16xf32>
          %sub3A_1283 = arith.constant 1.500000e+00 : f32
          %sub3A_1284 = vector.broadcast %sub3A_1283 : f32 to vector<16xf32>
          %sub3A_1285 = arith.subf %sub3A_1284, %mul3A_1282 : vector<16xf32>
          %mul3A_1286 = arith.mulf %mul3A_1277, %sub3A_1285 : vector<16xf32>
          %gt3A = arith.constant 0.000000e+00 : f32
          %gt3A_1287 = vector.broadcast %gt3A : f32 to vector<16xf32>
          %gt3A_1288 = arith.cmpf ogt, %select_n3A_957, %gt3A_1287 : vector<16xf32>
          %mul3A_1289 = arith.mulf %select_n3A_957, %mul3A_1286 : vector<16xf32>
          %jit3A = arith.constant 0.000000e+00 : f32
          %broadcast_in_dim3A_1290 = vector.broadcast %jit3A : f32 to vector<16xf32>
          %select_n3A_1291 = arith.select %gt3A_1288, %mul3A_1289, %broadcast_in_dim3A_1290 : vector<16xi1>, vector<16xf32>
          %bitcast_convert_type3A_1292 = tpu.bitcast %select_n3A_963 : vector<16xf32> -> vector<16xi32>
          %shift_right_logical3A_1293 = arith.constant 1 : i32
          %shift_right_logical3A_1294 = vector.broadcast %shift_right_logical3A_1293 : i32 to vector<16xi32>
          %shift_right_logical3A_1295 = arith.shrui %bitcast_convert_type3A_1292, %shift_right_logical3A_1294 : vector<16xi32>
          %sub3A_1296 = arith.constant 1597463007 : i32
          %sub3A_1297 = vector.broadcast %sub3A_1296 : i32 to vector<16xi32>
          %sub3A_1298 = arith.subi %sub3A_1297, %shift_right_logical3A_1295 : vector<16xi32>
          %bitcast_convert_type3A_1299 = tpu.bitcast %sub3A_1298 : vector<16xi32> -> vector<16xf32>
          %mul3A_1300 = arith.constant 5.000000e-01 : f32
          %mul3A_1301 = vector.broadcast %mul3A_1300 : f32 to vector<16xf32>
          %mul3A_1302 = arith.mulf %mul3A_1301, %select_n3A_963 : vector<16xf32>
          %mul3A_1303 = arith.mulf %mul3A_1302, %bitcast_convert_type3A_1299 : vector<16xf32>
          %mul3A_1304 = arith.mulf %mul3A_1303, %bitcast_convert_type3A_1299 : vector<16xf32>
          %sub3A_1305 = arith.constant 1.500000e+00 : f32
          %sub3A_1306 = vector.broadcast %sub3A_1305 : f32 to vector<16xf32>
          %sub3A_1307 = arith.subf %sub3A_1306, %mul3A_1304 : vector<16xf32>
          %mul3A_1308 = arith.mulf %bitcast_convert_type3A_1299, %sub3A_1307 : vector<16xf32>
          %mul3A_1309 = arith.constant 5.000000e-01 : f32
          %mul3A_1310 = vector.broadcast %mul3A_1309 : f32 to vector<16xf32>
          %mul3A_1311 = arith.mulf %mul3A_1310, %select_n3A_963 : vector<16xf32>
          %mul3A_1312 = arith.mulf %mul3A_1311, %mul3A_1308 : vector<16xf32>
          %mul3A_1313 = arith.mulf %mul3A_1312, %mul3A_1308 : vector<16xf32>
          %sub3A_1314 = arith.constant 1.500000e+00 : f32
          %sub3A_1315 = vector.broadcast %sub3A_1314 : f32 to vector<16xf32>
          %sub3A_1316 = arith.subf %sub3A_1315, %mul3A_1313 : vector<16xf32>
          %mul3A_1317 = arith.mulf %mul3A_1308, %sub3A_1316 : vector<16xf32>
          %mul3A_1318 = arith.constant 5.000000e-01 : f32
          %mul3A_1319 = vector.broadcast %mul3A_1318 : f32 to vector<16xf32>
          %mul3A_1320 = arith.mulf %mul3A_1319, %select_n3A_963 : vector<16xf32>
          %mul3A_1321 = arith.mulf %mul3A_1320, %mul3A_1317 : vector<16xf32>
          %mul3A_1322 = arith.mulf %mul3A_1321, %mul3A_1317 : vector<16xf32>
          %sub3A_1323 = arith.constant 1.500000e+00 : f32
          %sub3A_1324 = vector.broadcast %sub3A_1323 : f32 to vector<16xf32>
          %sub3A_1325 = arith.subf %sub3A_1324, %mul3A_1322 : vector<16xf32>
          %mul3A_1326 = arith.mulf %mul3A_1317, %sub3A_1325 : vector<16xf32>
          %gt3A_1327 = arith.constant 0.000000e+00 : f32
          %gt3A_1328 = vector.broadcast %gt3A_1327 : f32 to vector<16xf32>
          %gt3A_1329 = arith.cmpf ogt, %select_n3A_963, %gt3A_1328 : vector<16xf32>
          %mul3A_1330 = arith.mulf %select_n3A_963, %mul3A_1326 : vector<16xf32>
          %jit3A_1331 = arith.constant 0.000000e+00 : f32
          %broadcast_in_dim3A_1332 = vector.broadcast %jit3A_1331 : f32 to vector<16xf32>
          %select_n3A_1333 = arith.select %gt3A_1329, %mul3A_1330, %broadcast_in_dim3A_1332 : vector<16xi1>, vector<16xf32>
          %add3A_1334 = arith.addf %select_n3A_1291, %select_n3A_1333 : vector<16xf32>
          %mul3A_1335 = arith.constant 2.500000e-01 : f32
          %mul3A_1336 = vector.broadcast %mul3A_1335 : f32 to vector<16xf32>
          %mul3A_1337 = arith.mulf %mul3A_1336, %add3A_1334 : vector<16xf32>
          %sub3A_1338 = arith.subf %mul3A_1253, %mul3A_1337 : vector<16xf32>
          %add3A_1339 = arith.addi %mul3A_94, %scan3A_695 : i32
          %sub3A_1340 = arith.constant 15 : i32
          %sub3A_1341 = arith.subi %add3A_1339, %sub3A_1340 : i32
          %swap3A = arith.index_cast %sub3A_1341 : i32 to index
          %swap3A_1342 = tpu.vector_load %arg22[%swap3A] {strides = array<i32>} : memref<512xf32, #tpu.memory_space<vmem>>, vector<16xf32>,
          tpu.vector_store %arg22[%swap3A], %sub3A_1338 {strides = array<i32>} : memref<512xf32, #tpu.memory_space<vmem>>, vector<16xf32>,
        } else {
        }
        %scan3A_971 = arith.constant 3 : i32
        %scan3A_972 = arith.addi %scan3A_145, %scan3A_971 : i32
        %broadcast_in_dim3A_973 = arith.constant 0.000000e+00 : f32
        %broadcast_in_dim3A_974 = vector.broadcast %broadcast_in_dim3A_973 : f32 to vector<16xf32>
        %broadcast_in_dim3A_975 = arith.constant 0.000000e+00 : f32
        %broadcast_in_dim3A_976 = vector.broadcast %broadcast_in_dim3A_975 : f32 to vector<16xf32>
        %broadcast_in_dim3A_977 = arith.constant 0.000000e+00 : f32
        %broadcast_in_dim3A_978 = vector.broadcast %broadcast_in_dim3A_977 : f32 to vector<16xf32>
        %get3A_979 = arith.index_cast %scan3A_972 : i32 to index
        %get3A_980 = arith.constant 0 : index
        %get3A_981 = tpu.vector_load %arg12[%get3A_979, %get3A_980] {strides = array<i32>} : memref<64x128xf32, #tpu.memory_space<vmem>>, vector<16xf32>,
        %get3A_982 = arith.index_cast %scan3A_972 : i32 to index
        %get3A_983 = arith.constant 0 : index
        %get3A_984 = tpu.vector_load %arg13[%get3A_982, %get3A_983] {strides = array<i32>} : memref<64x128xf32, #tpu.memory_space<vmem>>, vector<16xf32>,
        %get3A_985 = arith.index_cast %scan3A_972 : i32 to index
        %get3A_986 = arith.constant 0 : index
        %get3A_987 = tpu.vector_load %arg14[%get3A_985, %get3A_986] {strides = array<i32>} : memref<64x128xf32, #tpu.memory_space<vmem>>, vector<16xf32>,
        %get3A_988 = arith.index_cast %scan3A_972 : i32 to index
        %get3A_989 = arith.constant 0 : index
        %get3A_990 = tpu.vector_load %arg15[%get3A_988, %get3A_989] {strides = array<i32>} : memref<64x128xf32, #tpu.memory_space<vmem>>, vector<16xf32>,
        %get3A_991 = arith.index_cast %scan3A_972 : i32 to index
        %get3A_992 = arith.constant 0 : index
        %get3A_993 = tpu.vector_load %arg16[%get3A_991, %get3A_992] {strides = array<i32>} : memref<64x128xf32, #tpu.memory_space<vmem>>, vector<16xf32>,
        %add3A_994 = arith.addf %get3A_984, %get3A_990 : vector<16xf32>
        %add3A_995 = arith.addf %get3A_987, %get3A_993 : vector<16xf32>
        %sub3A_996 = arith.subf %add3A_994, %add3A_995 : vector<16xf32>
        %mul3A_997 = arith.constant 5.000000e-01 : f32
        %mul3A_998 = vector.broadcast %mul3A_997 : f32 to vector<16xf32>
        %mul3A_999 = arith.mulf %mul3A_998, %sub3A_996 : vector<16xf32>
        %add3A_1000 = arith.addf %mul3A_999, %get3A_981 : vector<16xf32>
        %abs3A_1001 = math.absf %add3A_1000 : vector<16xf32>
        %add3A_1002 = arith.addf %broadcast_in_dim3A_974, %abs3A_1001 : vector<16xf32>
        %sub3A_1003 = arith.subf %get3A_984, %get3A_990 : vector<16xf32>
        %sub3A_1004 = arith.subf %get3A_987, %get3A_993 : vector<16xf32>
        %mul3A_1005 = arith.mulf %sub3A_1003, %sub3A_1003 : vector<16xf32>
        %add3A_1006 = arith.addf %broadcast_in_dim3A_976, %mul3A_1005 : vector<16xf32>
        %mul3A_1007 = arith.mulf %sub3A_1004, %sub3A_1004 : vector<16xf32>
        %add3A_1008 = arith.addf %broadcast_in_dim3A_978, %mul3A_1007 : vector<16xf32>
        %get3A_1009 = arith.index_cast %scan3A_972 : i32 to index
        %get3A_1010 = arith.constant 16 : index
        %get3A_1011 = tpu.vector_load %arg12[%get3A_1009, %get3A_1010] {strides = array<i32>} : memref<64x128xf32, #tpu.memory_space<vmem>>, vector<16xf32>,
        %get3A_1012 = arith.index_cast %scan3A_972 : i32 to index
        %get3A_1013 = arith.constant 16 : index
        %get3A_1014 = tpu.vector_load %arg13[%get3A_1012, %get3A_1013] {strides = array<i32>} : memref<64x128xf32, #tpu.memory_space<vmem>>, vector<16xf32>,
        %get3A_1015 = arith.index_cast %scan3A_972 : i32 to index
        %get3A_1016 = arith.constant 16 : index
        %get3A_1017 = tpu.vector_load %arg14[%get3A_1015, %get3A_1016] {strides = array<i32>} : memref<64x128xf32, #tpu.memory_space<vmem>>, vector<16xf32>,
        %get3A_1018 = arith.index_cast %scan3A_972 : i32 to index
        %get3A_1019 = arith.constant 16 : index
        %get3A_1020 = tpu.vector_load %arg15[%get3A_1018, %get3A_1019] {strides = array<i32>} : memref<64x128xf32, #tpu.memory_space<vmem>>, vector<16xf32>,
        %get3A_1021 = arith.index_cast %scan3A_972 : i32 to index
        %get3A_1022 = arith.constant 16 : index
        %get3A_1023 = tpu.vector_load %arg16[%get3A_1021, %get3A_1022] {strides = array<i32>} : memref<64x128xf32, #tpu.memory_space<vmem>>, vector<16xf32>,
        %add3A_1024 = arith.addf %get3A_1014, %get3A_1020 : vector<16xf32>
        %add3A_1025 = arith.addf %get3A_1017, %get3A_1023 : vector<16xf32>
        %sub3A_1026 = arith.subf %add3A_1024, %add3A_1025 : vector<16xf32>
        %mul3A_1027 = arith.constant 5.000000e-01 : f32
        %mul3A_1028 = vector.broadcast %mul3A_1027 : f32 to vector<16xf32>
        %mul3A_1029 = arith.mulf %mul3A_1028, %sub3A_1026 : vector<16xf32>
        %add3A_1030 = arith.addf %mul3A_1029, %get3A_1011 : vector<16xf32>
        %abs3A_1031 = math.absf %add3A_1030 : vector<16xf32>
        %add3A_1032 = arith.addf %add3A_1002, %abs3A_1031 : vector<16xf32>
        %sub3A_1033 = arith.subf %get3A_1014, %get3A_1020 : vector<16xf32>
        %sub3A_1034 = arith.subf %get3A_1017, %get3A_1023 : vector<16xf32>
        %mul3A_1035 = arith.mulf %sub3A_1033, %sub3A_1033 : vector<16xf32>
        %add3A_1036 = arith.addf %add3A_1006, %mul3A_1035 : vector<16xf32>
        %mul3A_1037 = arith.mulf %sub3A_1034, %sub3A_1034 : vector<16xf32>
        %add3A_1038 = arith.addf %add3A_1008, %mul3A_1037 : vector<16xf32>
        %get3A_1039 = arith.index_cast %scan3A_972 : i32 to index
        %get3A_1040 = arith.constant 32 : index
        %get3A_1041 = tpu.vector_load %arg12[%get3A_1039, %get3A_1040] {strides = array<i32>} : memref<64x128xf32, #tpu.memory_space<vmem>>, vector<16xf32>,
        %get3A_1042 = arith.index_cast %scan3A_972 : i32 to index
        %get3A_1043 = arith.constant 32 : index
        %get3A_1044 = tpu.vector_load %arg13[%get3A_1042, %get3A_1043] {strides = array<i32>} : memref<64x128xf32, #tpu.memory_space<vmem>>, vector<16xf32>,
        %get3A_1045 = arith.index_cast %scan3A_972 : i32 to index
        %get3A_1046 = arith.constant 32 : index
        %get3A_1047 = tpu.vector_load %arg14[%get3A_1045, %get3A_1046] {strides = array<i32>} : memref<64x128xf32, #tpu.memory_space<vmem>>, vector<16xf32>,
        %get3A_1048 = arith.index_cast %scan3A_972 : i32 to index
        %get3A_1049 = arith.constant 32 : index
        %get3A_1050 = tpu.vector_load %arg15[%get3A_1048, %get3A_1049] {strides = array<i32>} : memref<64x128xf32, #tpu.memory_space<vmem>>, vector<16xf32>,
        %get3A_1051 = arith.index_cast %scan3A_972 : i32 to index
        %get3A_1052 = arith.constant 32 : index
        %get3A_1053 = tpu.vector_load %arg16[%get3A_1051, %get3A_1052] {strides = array<i32>} : memref<64x128xf32, #tpu.memory_space<vmem>>, vector<16xf32>,
        %add3A_1054 = arith.addf %get3A_1044, %get3A_1050 : vector<16xf32>
        %add3A_1055 = arith.addf %get3A_1047, %get3A_1053 : vector<16xf32>
        %sub3A_1056 = arith.subf %add3A_1054, %add3A_1055 : vector<16xf32>
        %mul3A_1057 = arith.constant 5.000000e-01 : f32
        %mul3A_1058 = vector.broadcast %mul3A_1057 : f32 to vector<16xf32>
        %mul3A_1059 = arith.mulf %mul3A_1058, %sub3A_1056 : vector<16xf32>
        %add3A_1060 = arith.addf %mul3A_1059, %get3A_1041 : vector<16xf32>
        %abs3A_1061 = math.absf %add3A_1060 : vector<16xf32>
        %add3A_1062 = arith.addf %add3A_1032, %abs3A_1061 : vector<16xf32>
        %sub3A_1063 = arith.subf %get3A_1044, %get3A_1050 : vector<16xf32>
        %sub3A_1064 = arith.subf %get3A_1047, %get3A_1053 : vector<16xf32>
        %mul3A_1065 = arith.mulf %sub3A_1063, %sub3A_1063 : vector<16xf32>
        %add3A_1066 = arith.addf %add3A_1036, %mul3A_1065 : vector<16xf32>
        %mul3A_1067 = arith.mulf %sub3A_1064, %sub3A_1064 : vector<16xf32>
        %add3A_1068 = arith.addf %add3A_1038, %mul3A_1067 : vector<16xf32>
        %get3A_1069 = arith.index_cast %scan3A_972 : i32 to index
        %get3A_1070 = arith.constant 48 : index
        %get3A_1071 = tpu.vector_load %arg12[%get3A_1069, %get3A_1070] {strides = array<i32>} : memref<64x128xf32, #tpu.memory_space<vmem>>, vector<16xf32>,
        %get3A_1072 = arith.index_cast %scan3A_972 : i32 to index
        %get3A_1073 = arith.constant 48 : index
        %get3A_1074 = tpu.vector_load %arg13[%get3A_1072, %get3A_1073] {strides = array<i32>} : memref<64x128xf32, #tpu.memory_space<vmem>>, vector<16xf32>,
        %get3A_1075 = arith.index_cast %scan3A_972 : i32 to index
        %get3A_1076 = arith.constant 48 : index
        %get3A_1077 = tpu.vector_load %arg14[%get3A_1075, %get3A_1076] {strides = array<i32>} : memref<64x128xf32, #tpu.memory_space<vmem>>, vector<16xf32>,
        %get3A_1078 = arith.index_cast %scan3A_972 : i32 to index
        %get3A_1079 = arith.constant 48 : index
        %get3A_1080 = tpu.vector_load %arg15[%get3A_1078, %get3A_1079] {strides = array<i32>} : memref<64x128xf32, #tpu.memory_space<vmem>>, vector<16xf32>,
        %get3A_1081 = arith.index_cast %scan3A_972 : i32 to index
        %get3A_1082 = arith.constant 48 : index
        %get3A_1083 = tpu.vector_load %arg16[%get3A_1081, %get3A_1082] {strides = array<i32>} : memref<64x128xf32, #tpu.memory_space<vmem>>, vector<16xf32>,
        %add3A_1084 = arith.addf %get3A_1074, %get3A_1080 : vector<16xf32>
        %add3A_1085 = arith.addf %get3A_1077, %get3A_1083 : vector<16xf32>
        %sub3A_1086 = arith.subf %add3A_1084, %add3A_1085 : vector<16xf32>
        %mul3A_1087 = arith.constant 5.000000e-01 : f32
        %mul3A_1088 = vector.broadcast %mul3A_1087 : f32 to vector<16xf32>
        %mul3A_1089 = arith.mulf %mul3A_1088, %sub3A_1086 : vector<16xf32>
        %add3A_1090 = arith.addf %mul3A_1089, %get3A_1071 : vector<16xf32>
        %abs3A_1091 = math.absf %add3A_1090 : vector<16xf32>
        %add3A_1092 = arith.addf %add3A_1062, %abs3A_1091 : vector<16xf32>
        %sub3A_1093 = arith.subf %get3A_1074, %get3A_1080 : vector<16xf32>
        %sub3A_1094 = arith.subf %get3A_1077, %get3A_1083 : vector<16xf32>
        %mul3A_1095 = arith.mulf %sub3A_1093, %sub3A_1093 : vector<16xf32>
        %add3A_1096 = arith.addf %add3A_1066, %mul3A_1095 : vector<16xf32>
        %mul3A_1097 = arith.mulf %sub3A_1094, %sub3A_1094 : vector<16xf32>
        %add3A_1098 = arith.addf %add3A_1068, %mul3A_1097 : vector<16xf32>
        %get3A_1099 = arith.index_cast %scan3A_972 : i32 to index
        %get3A_1100 = arith.constant 64 : index
        %get3A_1101 = tpu.vector_load %arg12[%get3A_1099, %get3A_1100] {strides = array<i32>} : memref<64x128xf32, #tpu.memory_space<vmem>>, vector<16xf32>,
        %get3A_1102 = arith.index_cast %scan3A_972 : i32 to index
        %get3A_1103 = arith.constant 64 : index
        %get3A_1104 = tpu.vector_load %arg13[%get3A_1102, %get3A_1103] {strides = array<i32>} : memref<64x128xf32, #tpu.memory_space<vmem>>, vector<16xf32>,
        %get3A_1105 = arith.index_cast %scan3A_972 : i32 to index
        %get3A_1106 = arith.constant 64 : index
        %get3A_1107 = tpu.vector_load %arg14[%get3A_1105, %get3A_1106] {strides = array<i32>} : memref<64x128xf32, #tpu.memory_space<vmem>>, vector<16xf32>,
        %get3A_1108 = arith.index_cast %scan3A_972 : i32 to index
        %get3A_1109 = arith.constant 64 : index
        %get3A_1110 = tpu.vector_load %arg15[%get3A_1108, %get3A_1109] {strides = array<i32>} : memref<64x128xf32, #tpu.memory_space<vmem>>, vector<16xf32>,
        %get3A_1111 = arith.index_cast %scan3A_972 : i32 to index
        %get3A_1112 = arith.constant 64 : index
        %get3A_1113 = tpu.vector_load %arg16[%get3A_1111, %get3A_1112] {strides = array<i32>} : memref<64x128xf32, #tpu.memory_space<vmem>>, vector<16xf32>,
        %add3A_1114 = arith.addf %get3A_1104, %get3A_1110 : vector<16xf32>
        %add3A_1115 = arith.addf %get3A_1107, %get3A_1113 : vector<16xf32>
        %sub3A_1116 = arith.subf %add3A_1114, %add3A_1115 : vector<16xf32>
        %mul3A_1117 = arith.constant 5.000000e-01 : f32
        %mul3A_1118 = vector.broadcast %mul3A_1117 : f32 to vector<16xf32>
        %mul3A_1119 = arith.mulf %mul3A_1118, %sub3A_1116 : vector<16xf32>
        %add3A_1120 = arith.addf %mul3A_1119, %get3A_1101 : vector<16xf32>
        %abs3A_1121 = math.absf %add3A_1120 : vector<16xf32>
        %add3A_1122 = arith.addf %add3A_1092, %abs3A_1121 : vector<16xf32>
        %sub3A_1123 = arith.subf %get3A_1104, %get3A_1110 : vector<16xf32>
        %sub3A_1124 = arith.subf %get3A_1107, %get3A_1113 : vector<16xf32>
        %mul3A_1125 = arith.mulf %sub3A_1123, %sub3A_1123 : vector<16xf32>
        %add3A_1126 = arith.addf %add3A_1096, %mul3A_1125 : vector<16xf32>
        %mul3A_1127 = arith.mulf %sub3A_1124, %sub3A_1124 : vector<16xf32>
        %add3A_1128 = arith.addf %add3A_1098, %mul3A_1127 : vector<16xf32>
        %get3A_1129 = arith.index_cast %scan3A_972 : i32 to index
        %get3A_1130 = arith.constant 80 : index
        %get3A_1131 = tpu.vector_load %arg12[%get3A_1129, %get3A_1130] {strides = array<i32>} : memref<64x128xf32, #tpu.memory_space<vmem>>, vector<16xf32>,
        %get3A_1132 = arith.index_cast %scan3A_972 : i32 to index
        %get3A_1133 = arith.constant 80 : index
        %get3A_1134 = tpu.vector_load %arg13[%get3A_1132, %get3A_1133] {strides = array<i32>} : memref<64x128xf32, #tpu.memory_space<vmem>>, vector<16xf32>,
        %get3A_1135 = arith.index_cast %scan3A_972 : i32 to index
        %get3A_1136 = arith.constant 80 : index
        %get3A_1137 = tpu.vector_load %arg14[%get3A_1135, %get3A_1136] {strides = array<i32>} : memref<64x128xf32, #tpu.memory_space<vmem>>, vector<16xf32>,
        %get3A_1138 = arith.index_cast %scan3A_972 : i32 to index
        %get3A_1139 = arith.constant 80 : index
        %get3A_1140 = tpu.vector_load %arg15[%get3A_1138, %get3A_1139] {strides = array<i32>} : memref<64x128xf32, #tpu.memory_space<vmem>>, vector<16xf32>,
        %get3A_1141 = arith.index_cast %scan3A_972 : i32 to index
        %get3A_1142 = arith.constant 80 : index
        %get3A_1143 = tpu.vector_load %arg16[%get3A_1141, %get3A_1142] {strides = array<i32>} : memref<64x128xf32, #tpu.memory_space<vmem>>, vector<16xf32>,
        %add3A_1144 = arith.addf %get3A_1134, %get3A_1140 : vector<16xf32>
        %add3A_1145 = arith.addf %get3A_1137, %get3A_1143 : vector<16xf32>
        %sub3A_1146 = arith.subf %add3A_1144, %add3A_1145 : vector<16xf32>
        %mul3A_1147 = arith.constant 5.000000e-01 : f32
        %mul3A_1148 = vector.broadcast %mul3A_1147 : f32 to vector<16xf32>
        %mul3A_1149 = arith.mulf %mul3A_1148, %sub3A_1146 : vector<16xf32>
        %add3A_1150 = arith.addf %mul3A_1149, %get3A_1131 : vector<16xf32>
        %abs3A_1151 = math.absf %add3A_1150 : vector<16xf32>
        %add3A_1152 = arith.addf %add3A_1122, %abs3A_1151 : vector<16xf32>
        %sub3A_1153 = arith.subf %get3A_1134, %get3A_1140 : vector<16xf32>
        %sub3A_1154 = arith.subf %get3A_1137, %get3A_1143 : vector<16xf32>
        %mul3A_1155 = arith.mulf %sub3A_1153, %sub3A_1153 : vector<16xf32>
        %add3A_1156 = arith.addf %add3A_1126, %mul3A_1155 : vector<16xf32>
        %mul3A_1157 = arith.mulf %sub3A_1154, %sub3A_1154 : vector<16xf32>
        %add3A_1158 = arith.addf %add3A_1128, %mul3A_1157 : vector<16xf32>
        %get3A_1159 = arith.index_cast %scan3A_972 : i32 to index
        %get3A_1160 = arith.constant 96 : index
        %get3A_1161 = tpu.vector_load %arg12[%get3A_1159, %get3A_1160] {strides = array<i32>} : memref<64x128xf32, #tpu.memory_space<vmem>>, vector<16xf32>,
        %get3A_1162 = arith.index_cast %scan3A_972 : i32 to index
        %get3A_1163 = arith.constant 96 : index
        %get3A_1164 = tpu.vector_load %arg13[%get3A_1162, %get3A_1163] {strides = array<i32>} : memref<64x128xf32, #tpu.memory_space<vmem>>, vector<16xf32>,
        %get3A_1165 = arith.index_cast %scan3A_972 : i32 to index
        %get3A_1166 = arith.constant 96 : index
        %get3A_1167 = tpu.vector_load %arg14[%get3A_1165, %get3A_1166] {strides = array<i32>} : memref<64x128xf32, #tpu.memory_space<vmem>>, vector<16xf32>,
        %get3A_1168 = arith.index_cast %scan3A_972 : i32 to index
        %get3A_1169 = arith.constant 96 : index
        %get3A_1170 = tpu.vector_load %arg15[%get3A_1168, %get3A_1169] {strides = array<i32>} : memref<64x128xf32, #tpu.memory_space<vmem>>, vector<16xf32>,
        %get3A_1171 = arith.index_cast %scan3A_972 : i32 to index
        %get3A_1172 = arith.constant 96 : index
        %get3A_1173 = tpu.vector_load %arg16[%get3A_1171, %get3A_1172] {strides = array<i32>} : memref<64x128xf32, #tpu.memory_space<vmem>>, vector<16xf32>,
        %add3A_1174 = arith.addf %get3A_1164, %get3A_1170 : vector<16xf32>
        %add3A_1175 = arith.addf %get3A_1167, %get3A_1173 : vector<16xf32>
        %sub3A_1176 = arith.subf %add3A_1174, %add3A_1175 : vector<16xf32>
        %mul3A_1177 = arith.constant 5.000000e-01 : f32
        %mul3A_1178 = vector.broadcast %mul3A_1177 : f32 to vector<16xf32>
        %mul3A_1179 = arith.mulf %mul3A_1178, %sub3A_1176 : vector<16xf32>
        %add3A_1180 = arith.addf %mul3A_1179, %get3A_1161 : vector<16xf32>
        %abs3A_1181 = math.absf %add3A_1180 : vector<16xf32>
        %add3A_1182 = arith.addf %add3A_1152, %abs3A_1181 : vector<16xf32>
        %sub3A_1183 = arith.subf %get3A_1164, %get3A_1170 : vector<16xf32>
        %sub3A_1184 = arith.subf %get3A_1167, %get3A_1173 : vector<16xf32>
        %mul3A_1185 = arith.mulf %sub3A_1183, %sub3A_1183 : vector<16xf32>
        %add3A_1186 = arith.addf %add3A_1156, %mul3A_1185 : vector<16xf32>
        %mul3A_1187 = arith.mulf %sub3A_1184, %sub3A_1184 : vector<16xf32>
        %add3A_1188 = arith.addf %add3A_1158, %mul3A_1187 : vector<16xf32>
        %get3A_1189 = arith.index_cast %scan3A_972 : i32 to index
        %get3A_1190 = arith.constant 112 : index
        %get3A_1191 = tpu.vector_load %arg12[%get3A_1189, %get3A_1190] {strides = array<i32>} : memref<64x128xf32, #tpu.memory_space<vmem>>, vector<16xf32>,
        %get3A_1192 = arith.index_cast %scan3A_972 : i32 to index
        %get3A_1193 = arith.constant 112 : index
        %get3A_1194 = tpu.vector_load %arg13[%get3A_1192, %get3A_1193] {strides = array<i32>} : memref<64x128xf32, #tpu.memory_space<vmem>>, vector<16xf32>,
        %get3A_1195 = arith.index_cast %scan3A_972 : i32 to index
        %get3A_1196 = arith.constant 112 : index
        %get3A_1197 = tpu.vector_load %arg14[%get3A_1195, %get3A_1196] {strides = array<i32>} : memref<64x128xf32, #tpu.memory_space<vmem>>, vector<16xf32>,
        %get3A_1198 = arith.index_cast %scan3A_972 : i32 to index
        %get3A_1199 = arith.constant 112 : index
        %get3A_1200 = tpu.vector_load %arg15[%get3A_1198, %get3A_1199] {strides = array<i32>} : memref<64x128xf32, #tpu.memory_space<vmem>>, vector<16xf32>,
        %get3A_1201 = arith.index_cast %scan3A_972 : i32 to index
        %get3A_1202 = arith.constant 112 : index
        %get3A_1203 = tpu.vector_load %arg16[%get3A_1201, %get3A_1202] {strides = array<i32>} : memref<64x128xf32, #tpu.memory_space<vmem>>, vector<16xf32>,
        %add3A_1204 = arith.addf %get3A_1194, %get3A_1200 : vector<16xf32>
        %add3A_1205 = arith.addf %get3A_1197, %get3A_1203 : vector<16xf32>
        %sub3A_1206 = arith.subf %add3A_1204, %add3A_1205 : vector<16xf32>
        %mul3A_1207 = arith.constant 5.000000e-01 : f32
        %mul3A_1208 = vector.broadcast %mul3A_1207 : f32 to vector<16xf32>
        %mul3A_1209 = arith.mulf %mul3A_1208, %sub3A_1206 : vector<16xf32>
        %add3A_1210 = arith.addf %mul3A_1209, %get3A_1191 : vector<16xf32>
        %abs3A_1211 = math.absf %add3A_1210 : vector<16xf32>
        %add3A_1212 = arith.addf %add3A_1182, %abs3A_1211 : vector<16xf32>
        %sub3A_1213 = arith.subf %get3A_1194, %get3A_1200 : vector<16xf32>
        %sub3A_1214 = arith.subf %get3A_1197, %get3A_1203 : vector<16xf32>
        %mul3A_1215 = arith.mulf %sub3A_1213, %sub3A_1213 : vector<16xf32>
        %add3A_1216 = arith.addf %add3A_1186, %mul3A_1215 : vector<16xf32>
        %mul3A_1217 = arith.mulf %sub3A_1214, %sub3A_1214 : vector<16xf32>
        %add3A_1218 = arith.addf %add3A_1188, %mul3A_1217 : vector<16xf32>
        %and3A_1219 = arith.constant 15 : i32
        %and3A_1220 = arith.andi %scan3A_972, %and3A_1219 : i32
        %eq3A_1221 = vector.broadcast %and3A_1220 : i32 to vector<16xi32>
        %eq3A_1222 = arith.cmpi eq, %iota3A, %eq3A_1221 : vector<16xi32>
        %reduce_sum3A_1223 = arith.constant true
        %reduce_sum3A_1224 = vector.broadcast %reduce_sum3A_1223 : i1 to vector<16xi1>
        %reduce_sum3A_1225 = tpu.scan <sum>, %add3A_1212 masked %reduce_sum3A_1224 : vector<16xf32>, vector<16xi1> -> vector<16xf32>
        %reduce_sum3A_1226 = vector.extract %reduce_sum3A_1225[15] : f32 from vector<16xf32>
        %broadcast_in_dim3A_1227 = vector.broadcast %reduce_sum3A_1226 : f32 to vector<16xf32>
        %select_n3A_1228 = arith.select %eq3A_1222, %broadcast_in_dim3A_1227, %select_n3A_951 : vector<16xi1>, vector<16xf32>
        %reduce_sum3A_1229 = arith.constant true
        %reduce_sum3A_1230 = vector.broadcast %reduce_sum3A_1229 : i1 to vector<16xi1>
        %reduce_sum3A_1231 = tpu.scan <sum>, %add3A_1216 masked %reduce_sum3A_1230 : vector<16xf32>, vector<16xi1> -> vector<16xf32>
        %reduce_sum3A_1232 = vector.extract %reduce_sum3A_1231[15] : f32 from vector<16xf32>
        %broadcast_in_dim3A_1233 = vector.broadcast %reduce_sum3A_1232 : f32 to vector<16xf32>
        %select_n3A_1234 = arith.select %eq3A_1222, %broadcast_in_dim3A_1233, %select_n3A_957 : vector<16xi1>, vector<16xf32>
        %reduce_sum3A_1235 = arith.constant true
        %reduce_sum3A_1236 = vector.broadcast %reduce_sum3A_1235 : i1 to vector<16xi1>
        %reduce_sum3A_1237 = tpu.scan <sum>, %add3A_1218 masked %reduce_sum3A_1236 : vector<16xf32>, vector<16xi1> -> vector<16xf32>
        %reduce_sum3A_1238 = vector.extract %reduce_sum3A_1237[15] : f32 from vector<16xf32>
        %broadcast_in_dim3A_1239 = vector.broadcast %reduce_sum3A_1238 : f32 to vector<16xf32>
        %select_n3A_1240 = arith.select %eq3A_1222, %broadcast_in_dim3A_1239, %select_n3A_963 : vector<16xi1>, vector<16xf32>
        %and3A_1241 = arith.constant 15 : i32
        %and3A_1242 = arith.andi %scan3A_972, %and3A_1241 : i32
        %eq3A_1243 = arith.constant 15 : i32
        %eq3A_1244 = arith.cmpi eq, %and3A_1242, %eq3A_1243 : i32
        %convert_element_type3A_1245 = arith.extui %eq3A_1244 : i1 to i32
        %cond3A_1246 = arith.constant 0 : i32
        %cond3A_1247 = arith.cmpi ne, %convert_element_type3A_1245, %cond3A_1246 : i32
        scf.if %cond3A_1247 {
          %sub3A_1248 = arith.constant 1.200000e+01 : f32
          %sub3A_1249 = vector.broadcast %sub3A_1248 : f32 to vector<16xf32>
          %sub3A_1250 = arith.subf %sub3A_1249, %select_n3A_1228 : vector<16xf32>
          %mul3A_1251 = arith.constant 1.000000e+00 : f32
          %mul3A_1252 = vector.broadcast %mul3A_1251 : f32 to vector<16xf32>
          %mul3A_1253 = arith.mulf %mul3A_1252, %sub3A_1250 : vector<16xf32>
          %bitcast_convert_type3A = tpu.bitcast %select_n3A_1234 : vector<16xf32> -> vector<16xi32>
          %shift_right_logical3A = arith.constant 1 : i32
          %shift_right_logical3A_1254 = vector.broadcast %shift_right_logical3A : i32 to vector<16xi32>
          %shift_right_logical3A_1255 = arith.shrui %bitcast_convert_type3A, %shift_right_logical3A_1254 : vector<16xi32>
          %sub3A_1256 = arith.constant 1597463007 : i32
          %sub3A_1257 = vector.broadcast %sub3A_1256 : i32 to vector<16xi32>
          %sub3A_1258 = arith.subi %sub3A_1257, %shift_right_logical3A_1255 : vector<16xi32>
          %bitcast_convert_type3A_1259 = tpu.bitcast %sub3A_1258 : vector<16xi32> -> vector<16xf32>
          %mul3A_1260 = arith.constant 5.000000e-01 : f32
          %mul3A_1261 = vector.broadcast %mul3A_1260 : f32 to vector<16xf32>
          %mul3A_1262 = arith.mulf %mul3A_1261, %select_n3A_1234 : vector<16xf32>
          %mul3A_1263 = arith.mulf %mul3A_1262, %bitcast_convert_type3A_1259 : vector<16xf32>
          %mul3A_1264 = arith.mulf %mul3A_1263, %bitcast_convert_type3A_1259 : vector<16xf32>
          %sub3A_1265 = arith.constant 1.500000e+00 : f32
          %sub3A_1266 = vector.broadcast %sub3A_1265 : f32 to vector<16xf32>
          %sub3A_1267 = arith.subf %sub3A_1266, %mul3A_1264 : vector<16xf32>
          %mul3A_1268 = arith.mulf %bitcast_convert_type3A_1259, %sub3A_1267 : vector<16xf32>
          %mul3A_1269 = arith.constant 5.000000e-01 : f32
          %mul3A_1270 = vector.broadcast %mul3A_1269 : f32 to vector<16xf32>
          %mul3A_1271 = arith.mulf %mul3A_1270, %select_n3A_1234 : vector<16xf32>
          %mul3A_1272 = arith.mulf %mul3A_1271, %mul3A_1268 : vector<16xf32>
          %mul3A_1273 = arith.mulf %mul3A_1272, %mul3A_1268 : vector<16xf32>
          %sub3A_1274 = arith.constant 1.500000e+00 : f32
          %sub3A_1275 = vector.broadcast %sub3A_1274 : f32 to vector<16xf32>
          %sub3A_1276 = arith.subf %sub3A_1275, %mul3A_1273 : vector<16xf32>
          %mul3A_1277 = arith.mulf %mul3A_1268, %sub3A_1276 : vector<16xf32>
          %mul3A_1278 = arith.constant 5.000000e-01 : f32
          %mul3A_1279 = vector.broadcast %mul3A_1278 : f32 to vector<16xf32>
          %mul3A_1280 = arith.mulf %mul3A_1279, %select_n3A_1234 : vector<16xf32>
          %mul3A_1281 = arith.mulf %mul3A_1280, %mul3A_1277 : vector<16xf32>
          %mul3A_1282 = arith.mulf %mul3A_1281, %mul3A_1277 : vector<16xf32>
          %sub3A_1283 = arith.constant 1.500000e+00 : f32
          %sub3A_1284 = vector.broadcast %sub3A_1283 : f32 to vector<16xf32>
          %sub3A_1285 = arith.subf %sub3A_1284, %mul3A_1282 : vector<16xf32>
          %mul3A_1286 = arith.mulf %mul3A_1277, %sub3A_1285 : vector<16xf32>
          %gt3A = arith.constant 0.000000e+00 : f32
          %gt3A_1287 = vector.broadcast %gt3A : f32 to vector<16xf32>
          %gt3A_1288 = arith.cmpf ogt, %select_n3A_1234, %gt3A_1287 : vector<16xf32>
          %mul3A_1289 = arith.mulf %select_n3A_1234, %mul3A_1286 : vector<16xf32>
          %jit3A = arith.constant 0.000000e+00 : f32
          %broadcast_in_dim3A_1290 = vector.broadcast %jit3A : f32 to vector<16xf32>
          %select_n3A_1291 = arith.select %gt3A_1288, %mul3A_1289, %broadcast_in_dim3A_1290 : vector<16xi1>, vector<16xf32>
          %bitcast_convert_type3A_1292 = tpu.bitcast %select_n3A_1240 : vector<16xf32> -> vector<16xi32>
          %shift_right_logical3A_1293 = arith.constant 1 : i32
          %shift_right_logical3A_1294 = vector.broadcast %shift_right_logical3A_1293 : i32 to vector<16xi32>
          %shift_right_logical3A_1295 = arith.shrui %bitcast_convert_type3A_1292, %shift_right_logical3A_1294 : vector<16xi32>
          %sub3A_1296 = arith.constant 1597463007 : i32
          %sub3A_1297 = vector.broadcast %sub3A_1296 : i32 to vector<16xi32>
          %sub3A_1298 = arith.subi %sub3A_1297, %shift_right_logical3A_1295 : vector<16xi32>
          %bitcast_convert_type3A_1299 = tpu.bitcast %sub3A_1298 : vector<16xi32> -> vector<16xf32>
          %mul3A_1300 = arith.constant 5.000000e-01 : f32
          %mul3A_1301 = vector.broadcast %mul3A_1300 : f32 to vector<16xf32>
          %mul3A_1302 = arith.mulf %mul3A_1301, %select_n3A_1240 : vector<16xf32>
          %mul3A_1303 = arith.mulf %mul3A_1302, %bitcast_convert_type3A_1299 : vector<16xf32>
          %mul3A_1304 = arith.mulf %mul3A_1303, %bitcast_convert_type3A_1299 : vector<16xf32>
          %sub3A_1305 = arith.constant 1.500000e+00 : f32
          %sub3A_1306 = vector.broadcast %sub3A_1305 : f32 to vector<16xf32>
          %sub3A_1307 = arith.subf %sub3A_1306, %mul3A_1304 : vector<16xf32>
          %mul3A_1308 = arith.mulf %bitcast_convert_type3A_1299, %sub3A_1307 : vector<16xf32>
          %mul3A_1309 = arith.constant 5.000000e-01 : f32
          %mul3A_1310 = vector.broadcast %mul3A_1309 : f32 to vector<16xf32>
          %mul3A_1311 = arith.mulf %mul3A_1310, %select_n3A_1240 : vector<16xf32>
          %mul3A_1312 = arith.mulf %mul3A_1311, %mul3A_1308 : vector<16xf32>
          %mul3A_1313 = arith.mulf %mul3A_1312, %mul3A_1308 : vector<16xf32>
          %sub3A_1314 = arith.constant 1.500000e+00 : f32
          %sub3A_1315 = vector.broadcast %sub3A_1314 : f32 to vector<16xf32>
          %sub3A_1316 = arith.subf %sub3A_1315, %mul3A_1313 : vector<16xf32>
          %mul3A_1317 = arith.mulf %mul3A_1308, %sub3A_1316 : vector<16xf32>
          %mul3A_1318 = arith.constant 5.000000e-01 : f32
          %mul3A_1319 = vector.broadcast %mul3A_1318 : f32 to vector<16xf32>
          %mul3A_1320 = arith.mulf %mul3A_1319, %select_n3A_1240 : vector<16xf32>
          %mul3A_1321 = arith.mulf %mul3A_1320, %mul3A_1317 : vector<16xf32>
          %mul3A_1322 = arith.mulf %mul3A_1321, %mul3A_1317 : vector<16xf32>
          %sub3A_1323 = arith.constant 1.500000e+00 : f32
          %sub3A_1324 = vector.broadcast %sub3A_1323 : f32 to vector<16xf32>
          %sub3A_1325 = arith.subf %sub3A_1324, %mul3A_1322 : vector<16xf32>
          %mul3A_1326 = arith.mulf %mul3A_1317, %sub3A_1325 : vector<16xf32>
          %gt3A_1327 = arith.constant 0.000000e+00 : f32
          %gt3A_1328 = vector.broadcast %gt3A_1327 : f32 to vector<16xf32>
          %gt3A_1329 = arith.cmpf ogt, %select_n3A_1240, %gt3A_1328 : vector<16xf32>
          %mul3A_1330 = arith.mulf %select_n3A_1240, %mul3A_1326 : vector<16xf32>
          %jit3A_1331 = arith.constant 0.000000e+00 : f32
          %broadcast_in_dim3A_1332 = vector.broadcast %jit3A_1331 : f32 to vector<16xf32>
          %select_n3A_1333 = arith.select %gt3A_1329, %mul3A_1330, %broadcast_in_dim3A_1332 : vector<16xi1>, vector<16xf32>
          %add3A_1334 = arith.addf %select_n3A_1291, %select_n3A_1333 : vector<16xf32>
          %mul3A_1335 = arith.constant 2.500000e-01 : f32
          %mul3A_1336 = vector.broadcast %mul3A_1335 : f32 to vector<16xf32>
          %mul3A_1337 = arith.mulf %mul3A_1336, %add3A_1334 : vector<16xf32>
          %sub3A_1338 = arith.subf %mul3A_1253, %mul3A_1337 : vector<16xf32>
          %add3A_1339 = arith.addi %mul3A_94, %scan3A_972 : i32
          %sub3A_1340 = arith.constant 15 : i32
          %sub3A_1341 = arith.subi %add3A_1339, %sub3A_1340 : i32
          %swap3A = arith.index_cast %sub3A_1341 : i32 to index
          %swap3A_1342 = tpu.vector_load %arg22[%swap3A] {strides = array<i32>} : memref<512xf32, #tpu.memory_space<vmem>>, vector<16xf32>,
          tpu.vector_store %arg22[%swap3A], %sub3A_1338 {strides = array<i32>} : memref<512xf32, #tpu.memory_space<vmem>>, vector<16xf32>,
        } else {
        }
        scf.yield %select_n3A_1228, %select_n3A_1234, %select_n3A_1240 : vector<16xf32>, vector<16xf32>, vector<16xf32>
      }
      %scan3A_101 = arith.constant 64 : i32
      %lt3A = arith.constant 3 : i32
      %lt3A_102 = arith.cmpi slt, %scan3A_68, %lt3A : i32
      %convert_element_type3A = arith.extui %lt3A_102 : i1 to i32
      %cond3A = arith.constant 0 : i32
      %cond3A_103 = arith.cmpi ne, %convert_element_type3A, %cond3A : i32
      scf.if %cond3A_103 {
        %add3A_145 = arith.constant 2 : i32
        %add3A_146 = arith.addi %mul3A_70, %add3A_145 : i32
        %mul3A_147 = arith.constant 64 : i32
        %mul3A_148 = arith.muli %add3A_146, %mul3A_147 : i32
        %dma_start3A_149 = tpu.memref_slice %arg10[%mul3A_148] : memref<512xi32, #tpu.memory_space<vmem>> -> memref<64xi32, #tpu.memory_space<vmem>>
        %dma_start3A_150 = arith.constant 0 : i32
        %dma_start3A_151 = arith.constant 0 : i32
        %dma_start3A_152 = tpu.memref_slice %arg2[%dma_start3A_150, %dma_start3A_151] : memref<100000x128xf32, #tpu.memory_space<hbm>> -> memref<100000x128xf32, #tpu.memory_space<hbm>>
        tpu.enqueue_indirect_dma source(%dma_start3A_152 : memref<100000x128xf32, #tpu.memory_space<hbm>>) target(%arg12 : memref<64x128xf32, #tpu.memory_space<vmem>>) offsets(%dma_start3A_149 : memref<64xi32, #tpu.memory_space<vmem>>) semaphore(%arg24 : memref<!tpu.dma_semaphore, #tpu.memory_space<semaphore_mem>>)
        %dma_start3A_153 = tpu.memref_slice %arg9[%mul3A_148] : memref<512xi32, #tpu.memory_space<vmem>> -> memref<64xi32, #tpu.memory_space<vmem>>
        %dma_start3A_154 = arith.constant 0 : i32
        %dma_start3A_155 = arith.constant 0 : i32
        %dma_start3A_156 = tpu.memref_slice %arg3[%dma_start3A_154, %dma_start3A_155] : memref<100000x128xf32, #tpu.memory_space<hbm>> -> memref<100000x128xf32, #tpu.memory_space<hbm>>
        tpu.enqueue_indirect_dma source(%dma_start3A_156 : memref<100000x128xf32, #tpu.memory_space<hbm>>) target(%arg13 : memref<64x128xf32, #tpu.memory_space<vmem>>) offsets(%dma_start3A_153 : memref<64xi32, #tpu.memory_space<vmem>>) semaphore(%arg24 : memref<!tpu.dma_semaphore, #tpu.memory_space<semaphore_mem>>)
        %dma_start3A_157 = tpu.memref_slice %arg11[%mul3A_148] : memref<512xi32, #tpu.memory_space<vmem>> -> memref<64xi32, #tpu.memory_space<vmem>>
        %dma_start3A_158 = arith.constant 0 : i32
        %dma_start3A_159 = arith.constant 0 : i32
        %dma_start3A_160 = tpu.memref_slice %arg3[%dma_start3A_158, %dma_start3A_159] : memref<100000x128xf32, #tpu.memory_space<hbm>> -> memref<100000x128xf32, #tpu.memory_space<hbm>>
        tpu.enqueue_indirect_dma source(%dma_start3A_160 : memref<100000x128xf32, #tpu.memory_space<hbm>>) target(%arg14 : memref<64x128xf32, #tpu.memory_space<vmem>>) offsets(%dma_start3A_157 : memref<64xi32, #tpu.memory_space<vmem>>) semaphore(%arg24 : memref<!tpu.dma_semaphore, #tpu.memory_space<semaphore_mem>>)
        %dma_start3A_161 = tpu.memref_slice %arg9[%mul3A_148] : memref<512xi32, #tpu.memory_space<vmem>> -> memref<64xi32, #tpu.memory_space<vmem>>
        %dma_start3A_162 = arith.constant 0 : i32
        %dma_start3A_163 = arith.constant 0 : i32
        %dma_start3A_164 = tpu.memref_slice %arg4[%dma_start3A_162, %dma_start3A_163] : memref<100000x128xf32, #tpu.memory_space<hbm>> -> memref<100000x128xf32, #tpu.memory_space<hbm>>
        tpu.enqueue_indirect_dma source(%dma_start3A_164 : memref<100000x128xf32, #tpu.memory_space<hbm>>) target(%arg15 : memref<64x128xf32, #tpu.memory_space<vmem>>) offsets(%dma_start3A_161 : memref<64xi32, #tpu.memory_space<vmem>>) semaphore(%arg24 : memref<!tpu.dma_semaphore, #tpu.memory_space<semaphore_mem>>)
        %dma_start3A_165 = tpu.memref_slice %arg11[%mul3A_148] : memref<512xi32, #tpu.memory_space<vmem>> -> memref<64xi32, #tpu.memory_space<vmem>>
        %dma_start3A_166 = arith.constant 0 : i32
        %dma_start3A_167 = arith.constant 0 : i32
        %dma_start3A_168 = tpu.memref_slice %arg4[%dma_start3A_166, %dma_start3A_167] : memref<100000x128xf32, #tpu.memory_space<hbm>> -> memref<100000x128xf32, #tpu.memory_space<hbm>>
        tpu.enqueue_indirect_dma source(%dma_start3A_168 : memref<100000x128xf32, #tpu.memory_space<hbm>>) target(%arg16 : memref<64x128xf32, #tpu.memory_space<vmem>>) offsets(%dma_start3A_165 : memref<64xi32, #tpu.memory_space<vmem>>) semaphore(%arg24 : memref<!tpu.dma_semaphore, #tpu.memory_space<semaphore_mem>>)
      } else {
      }
      %add3A_104 = arith.constant 1 : i32
      %add3A_105 = arith.addi %mul3A_70, %add3A_104 : i32
      %mul3A_106 = arith.constant 64 : i32
      %mul3A_107 = arith.muli %add3A_105, %mul3A_106 : i32
      %dma_wait3A_108 = tpu.memref_slice %arg10[%mul3A_107] : memref<512xi32, #tpu.memory_space<vmem>> -> memref<64xi32, #tpu.memory_space<vmem>>
      %dma_wait3A_109 = arith.constant 0 : i32
      %dma_wait3A_110 = arith.constant 0 : i32
      %dma_wait3A_111 = tpu.memref_slice %arg2[%dma_wait3A_109, %dma_wait3A_110] : memref<100000x128xf32, #tpu.memory_space<hbm>> -> memref<100000x128xf32, #tpu.memory_space<hbm>>
      tpu.wait_indirect_dma semaphore(%arg25 : memref<!tpu.dma_semaphore, #tpu.memory_space<semaphore_mem>>) src(%dma_wait3A_111 : memref<100000x128xf32, #tpu.memory_space<hbm>>) dst(%arg17 : memref<64x128xf32, #tpu.memory_space<vmem>>)
      %dma_wait3A_112 = tpu.memref_slice %arg9[%mul3A_107] : memref<512xi32, #tpu.memory_space<vmem>> -> memref<64xi32, #tpu.memory_space<vmem>>
      %dma_wait3A_113 = arith.constant 0 : i32
      %dma_wait3A_114 = arith.constant 0 : i32
      %dma_wait3A_115 = tpu.memref_slice %arg3[%dma_wait3A_113, %dma_wait3A_114] : memref<100000x128xf32, #tpu.memory_space<hbm>> -> memref<100000x128xf32, #tpu.memory_space<hbm>>
      tpu.wait_indirect_dma semaphore(%arg25 : memref<!tpu.dma_semaphore, #tpu.memory_space<semaphore_mem>>) src(%dma_wait3A_115 : memref<100000x128xf32, #tpu.memory_space<hbm>>) dst(%arg18 : memref<64x128xf32, #tpu.memory_space<vmem>>)
      %dma_wait3A_116 = tpu.memref_slice %arg11[%mul3A_107] : memref<512xi32, #tpu.memory_space<vmem>> -> memref<64xi32, #tpu.memory_space<vmem>>
      %dma_wait3A_117 = arith.constant 0 : i32
      %dma_wait3A_118 = arith.constant 0 : i32
      %dma_wait3A_119 = tpu.memref_slice %arg3[%dma_wait3A_117, %dma_wait3A_118] : memref<100000x128xf32, #tpu.memory_space<hbm>> -> memref<100000x128xf32, #tpu.memory_space<hbm>>
      tpu.wait_indirect_dma semaphore(%arg25 : memref<!tpu.dma_semaphore, #tpu.memory_space<semaphore_mem>>) src(%dma_wait3A_119 : memref<100000x128xf32, #tpu.memory_space<hbm>>) dst(%arg19 : memref<64x128xf32, #tpu.memory_space<vmem>>)
      %dma_wait3A_120 = tpu.memref_slice %arg9[%mul3A_107] : memref<512xi32, #tpu.memory_space<vmem>> -> memref<64xi32, #tpu.memory_space<vmem>>
      %dma_wait3A_121 = arith.constant 0 : i32
      %dma_wait3A_122 = arith.constant 0 : i32
      %dma_wait3A_123 = tpu.memref_slice %arg4[%dma_wait3A_121, %dma_wait3A_122] : memref<100000x128xf32, #tpu.memory_space<hbm>> -> memref<100000x128xf32, #tpu.memory_space<hbm>>
      tpu.wait_indirect_dma semaphore(%arg25 : memref<!tpu.dma_semaphore, #tpu.memory_space<semaphore_mem>>) src(%dma_wait3A_123 : memref<100000x128xf32, #tpu.memory_space<hbm>>) dst(%arg20 : memref<64x128xf32, #tpu.memory_space<vmem>>)
      %dma_wait3A_124 = tpu.memref_slice %arg11[%mul3A_107] : memref<512xi32, #tpu.memory_space<vmem>> -> memref<64xi32, #tpu.memory_space<vmem>>
      %dma_wait3A_125 = arith.constant 0 : i32
      %dma_wait3A_126 = arith.constant 0 : i32
      %dma_wait3A_127 = tpu.memref_slice %arg4[%dma_wait3A_125, %dma_wait3A_126] : memref<100000x128xf32, #tpu.memory_space<hbm>> -> memref<100000x128xf32, #tpu.memory_space<hbm>>
      tpu.wait_indirect_dma semaphore(%arg25 : memref<!tpu.dma_semaphore, #tpu.memory_space<semaphore_mem>>) src(%dma_wait3A_127 : memref<100000x128xf32, #tpu.memory_space<hbm>>) dst(%arg21 : memref<64x128xf32, #tpu.memory_space<vmem>>)
      %add3A_128 = arith.constant 1 : i32
      %add3A_129 = arith.addi %mul3A_70, %add3A_128 : i32
      %mul3A_130 = arith.constant 64 : i32
      %mul3A_131 = arith.muli %add3A_129, %mul3A_130 : i32
      %broadcast_in_dim3A_132 = arith.constant 0.000000e+00 : f32
      %broadcast_in_dim3A_133 = vector.broadcast %broadcast_in_dim3A_132 : f32 to vector<16xf32>
      %scan3A_134 = arith.constant 0 : i32
      %scan3A_135 = arith.constant 64 : i32
      %scan3A_136 = arith.addi %scan3A_134, %scan3A_135 : i32
      %scan3A_137 = arith.constant 4 : i32
      %scan3A_138:3 = scf.for %scan3A_145 = %scan3A_134 to %scan3A_136 step %scan3A_137 iter_args(%scan3A_146 = %broadcast_in_dim3A_133, %scan3A_147 = %broadcast_in_dim3A_133, %scan3A_148 = %broadcast_in_dim3A_133) -> (vector<16xf32>, vector<16xf32>, vector<16xf32>)  : i32 {
        %broadcast_in_dim3A_149 = arith.constant 0.000000e+00 : f32
        %broadcast_in_dim3A_150 = vector.broadcast %broadcast_in_dim3A_149 : f32 to vector<16xf32>
        %broadcast_in_dim3A_151 = arith.constant 0.000000e+00 : f32
        %broadcast_in_dim3A_152 = vector.broadcast %broadcast_in_dim3A_151 : f32 to vector<16xf32>
        %broadcast_in_dim3A_153 = arith.constant 0.000000e+00 : f32
        %broadcast_in_dim3A_154 = vector.broadcast %broadcast_in_dim3A_153 : f32 to vector<16xf32>
        %get3A = arith.index_cast %scan3A_145 : i32 to index
        %get3A_155 = arith.constant 0 : index
        %get3A_156 = tpu.vector_load %arg17[%get3A, %get3A_155] {strides = array<i32>} : memref<64x128xf32, #tpu.memory_space<vmem>>, vector<16xf32>,
        %get3A_157 = arith.index_cast %scan3A_145 : i32 to index
        %get3A_158 = arith.constant 0 : index
        %get3A_159 = tpu.vector_load %arg18[%get3A_157, %get3A_158] {strides = array<i32>} : memref<64x128xf32, #tpu.memory_space<vmem>>, vector<16xf32>,
        %get3A_160 = arith.index_cast %scan3A_145 : i32 to index
        %get3A_161 = arith.constant 0 : index
        %get3A_162 = tpu.vector_load %arg19[%get3A_160, %get3A_161] {strides = array<i32>} : memref<64x128xf32, #tpu.memory_space<vmem>>, vector<16xf32>,
        %get3A_163 = arith.index_cast %scan3A_145 : i32 to index
        %get3A_164 = arith.constant 0 : index
        %get3A_165 = tpu.vector_load %arg20[%get3A_163, %get3A_164] {strides = array<i32>} : memref<64x128xf32, #tpu.memory_space<vmem>>, vector<16xf32>,
        %get3A_166 = arith.index_cast %scan3A_145 : i32 to index
        %get3A_167 = arith.constant 0 : index
        %get3A_168 = tpu.vector_load %arg21[%get3A_166, %get3A_167] {strides = array<i32>} : memref<64x128xf32, #tpu.memory_space<vmem>>, vector<16xf32>,
        %add3A_169 = arith.addf %get3A_159, %get3A_165 : vector<16xf32>
        %add3A_170 = arith.addf %get3A_162, %get3A_168 : vector<16xf32>
        %sub3A = arith.subf %add3A_169, %add3A_170 : vector<16xf32>
        %mul3A_171 = arith.constant 5.000000e-01 : f32
        %mul3A_172 = vector.broadcast %mul3A_171 : f32 to vector<16xf32>
        %mul3A_173 = arith.mulf %mul3A_172, %sub3A : vector<16xf32>
        %add3A_174 = arith.addf %mul3A_173, %get3A_156 : vector<16xf32>
        %abs3A = math.absf %add3A_174 : vector<16xf32>
        %add3A_175 = arith.addf %broadcast_in_dim3A_150, %abs3A : vector<16xf32>
        %sub3A_176 = arith.subf %get3A_159, %get3A_165 : vector<16xf32>
        %sub3A_177 = arith.subf %get3A_162, %get3A_168 : vector<16xf32>
        %mul3A_178 = arith.mulf %sub3A_176, %sub3A_176 : vector<16xf32>
        %add3A_179 = arith.addf %broadcast_in_dim3A_152, %mul3A_178 : vector<16xf32>
        %mul3A_180 = arith.mulf %sub3A_177, %sub3A_177 : vector<16xf32>
        %add3A_181 = arith.addf %broadcast_in_dim3A_154, %mul3A_180 : vector<16xf32>
        %get3A_182 = arith.index_cast %scan3A_145 : i32 to index
        %get3A_183 = arith.constant 16 : index
        %get3A_184 = tpu.vector_load %arg17[%get3A_182, %get3A_183] {strides = array<i32>} : memref<64x128xf32, #tpu.memory_space<vmem>>, vector<16xf32>,
        %get3A_185 = arith.index_cast %scan3A_145 : i32 to index
        %get3A_186 = arith.constant 16 : index
        %get3A_187 = tpu.vector_load %arg18[%get3A_185, %get3A_186] {strides = array<i32>} : memref<64x128xf32, #tpu.memory_space<vmem>>, vector<16xf32>,
        %get3A_188 = arith.index_cast %scan3A_145 : i32 to index
        %get3A_189 = arith.constant 16 : index
        %get3A_190 = tpu.vector_load %arg19[%get3A_188, %get3A_189] {strides = array<i32>} : memref<64x128xf32, #tpu.memory_space<vmem>>, vector<16xf32>,
        %get3A_191 = arith.index_cast %scan3A_145 : i32 to index
        %get3A_192 = arith.constant 16 : index
        %get3A_193 = tpu.vector_load %arg20[%get3A_191, %get3A_192] {strides = array<i32>} : memref<64x128xf32, #tpu.memory_space<vmem>>, vector<16xf32>,
        %get3A_194 = arith.index_cast %scan3A_145 : i32 to index
        %get3A_195 = arith.constant 16 : index
        %get3A_196 = tpu.vector_load %arg21[%get3A_194, %get3A_195] {strides = array<i32>} : memref<64x128xf32, #tpu.memory_space<vmem>>, vector<16xf32>,
        %add3A_197 = arith.addf %get3A_187, %get3A_193 : vector<16xf32>
        %add3A_198 = arith.addf %get3A_190, %get3A_196 : vector<16xf32>
        %sub3A_199 = arith.subf %add3A_197, %add3A_198 : vector<16xf32>
        %mul3A_200 = arith.constant 5.000000e-01 : f32
        %mul3A_201 = vector.broadcast %mul3A_200 : f32 to vector<16xf32>
        %mul3A_202 = arith.mulf %mul3A_201, %sub3A_199 : vector<16xf32>
        %add3A_203 = arith.addf %mul3A_202, %get3A_184 : vector<16xf32>
        %abs3A_204 = math.absf %add3A_203 : vector<16xf32>
        %add3A_205 = arith.addf %add3A_175, %abs3A_204 : vector<16xf32>
        %sub3A_206 = arith.subf %get3A_187, %get3A_193 : vector<16xf32>
        %sub3A_207 = arith.subf %get3A_190, %get3A_196 : vector<16xf32>
        %mul3A_208 = arith.mulf %sub3A_206, %sub3A_206 : vector<16xf32>
        %add3A_209 = arith.addf %add3A_179, %mul3A_208 : vector<16xf32>
        %mul3A_210 = arith.mulf %sub3A_207, %sub3A_207 : vector<16xf32>
        %add3A_211 = arith.addf %add3A_181, %mul3A_210 : vector<16xf32>
        %get3A_212 = arith.index_cast %scan3A_145 : i32 to index
        %get3A_213 = arith.constant 32 : index
        %get3A_214 = tpu.vector_load %arg17[%get3A_212, %get3A_213] {strides = array<i32>} : memref<64x128xf32, #tpu.memory_space<vmem>>, vector<16xf32>,
        %get3A_215 = arith.index_cast %scan3A_145 : i32 to index
        %get3A_216 = arith.constant 32 : index
        %get3A_217 = tpu.vector_load %arg18[%get3A_215, %get3A_216] {strides = array<i32>} : memref<64x128xf32, #tpu.memory_space<vmem>>, vector<16xf32>,
        %get3A_218 = arith.index_cast %scan3A_145 : i32 to index
        %get3A_219 = arith.constant 32 : index
        %get3A_220 = tpu.vector_load %arg19[%get3A_218, %get3A_219] {strides = array<i32>} : memref<64x128xf32, #tpu.memory_space<vmem>>, vector<16xf32>,
        %get3A_221 = arith.index_cast %scan3A_145 : i32 to index
        %get3A_222 = arith.constant 32 : index
        %get3A_223 = tpu.vector_load %arg20[%get3A_221, %get3A_222] {strides = array<i32>} : memref<64x128xf32, #tpu.memory_space<vmem>>, vector<16xf32>,
        %get3A_224 = arith.index_cast %scan3A_145 : i32 to index
        %get3A_225 = arith.constant 32 : index
        %get3A_226 = tpu.vector_load %arg21[%get3A_224, %get3A_225] {strides = array<i32>} : memref<64x128xf32, #tpu.memory_space<vmem>>, vector<16xf32>,
        %add3A_227 = arith.addf %get3A_217, %get3A_223 : vector<16xf32>
        %add3A_228 = arith.addf %get3A_220, %get3A_226 : vector<16xf32>
        %sub3A_229 = arith.subf %add3A_227, %add3A_228 : vector<16xf32>
        %mul3A_230 = arith.constant 5.000000e-01 : f32
        %mul3A_231 = vector.broadcast %mul3A_230 : f32 to vector<16xf32>
        %mul3A_232 = arith.mulf %mul3A_231, %sub3A_229 : vector<16xf32>
        %add3A_233 = arith.addf %mul3A_232, %get3A_214 : vector<16xf32>
        %abs3A_234 = math.absf %add3A_233 : vector<16xf32>
        %add3A_235 = arith.addf %add3A_205, %abs3A_234 : vector<16xf32>
        %sub3A_236 = arith.subf %get3A_217, %get3A_223 : vector<16xf32>
        %sub3A_237 = arith.subf %get3A_220, %get3A_226 : vector<16xf32>
        %mul3A_238 = arith.mulf %sub3A_236, %sub3A_236 : vector<16xf32>
        %add3A_239 = arith.addf %add3A_209, %mul3A_238 : vector<16xf32>
        %mul3A_240 = arith.mulf %sub3A_237, %sub3A_237 : vector<16xf32>
        %add3A_241 = arith.addf %add3A_211, %mul3A_240 : vector<16xf32>
        %get3A_242 = arith.index_cast %scan3A_145 : i32 to index
        %get3A_243 = arith.constant 48 : index
        %get3A_244 = tpu.vector_load %arg17[%get3A_242, %get3A_243] {strides = array<i32>} : memref<64x128xf32, #tpu.memory_space<vmem>>, vector<16xf32>,
        %get3A_245 = arith.index_cast %scan3A_145 : i32 to index
        %get3A_246 = arith.constant 48 : index
        %get3A_247 = tpu.vector_load %arg18[%get3A_245, %get3A_246] {strides = array<i32>} : memref<64x128xf32, #tpu.memory_space<vmem>>, vector<16xf32>,
        %get3A_248 = arith.index_cast %scan3A_145 : i32 to index
        %get3A_249 = arith.constant 48 : index
        %get3A_250 = tpu.vector_load %arg19[%get3A_248, %get3A_249] {strides = array<i32>} : memref<64x128xf32, #tpu.memory_space<vmem>>, vector<16xf32>,
        %get3A_251 = arith.index_cast %scan3A_145 : i32 to index
        %get3A_252 = arith.constant 48 : index
        %get3A_253 = tpu.vector_load %arg20[%get3A_251, %get3A_252] {strides = array<i32>} : memref<64x128xf32, #tpu.memory_space<vmem>>, vector<16xf32>,
        %get3A_254 = arith.index_cast %scan3A_145 : i32 to index
        %get3A_255 = arith.constant 48 : index
        %get3A_256 = tpu.vector_load %arg21[%get3A_254, %get3A_255] {strides = array<i32>} : memref<64x128xf32, #tpu.memory_space<vmem>>, vector<16xf32>,
        %add3A_257 = arith.addf %get3A_247, %get3A_253 : vector<16xf32>
        %add3A_258 = arith.addf %get3A_250, %get3A_256 : vector<16xf32>
        %sub3A_259 = arith.subf %add3A_257, %add3A_258 : vector<16xf32>
        %mul3A_260 = arith.constant 5.000000e-01 : f32
        %mul3A_261 = vector.broadcast %mul3A_260 : f32 to vector<16xf32>
        %mul3A_262 = arith.mulf %mul3A_261, %sub3A_259 : vector<16xf32>
        %add3A_263 = arith.addf %mul3A_262, %get3A_244 : vector<16xf32>
        %abs3A_264 = math.absf %add3A_263 : vector<16xf32>
        %add3A_265 = arith.addf %add3A_235, %abs3A_264 : vector<16xf32>
        %sub3A_266 = arith.subf %get3A_247, %get3A_253 : vector<16xf32>
        %sub3A_267 = arith.subf %get3A_250, %get3A_256 : vector<16xf32>
        %mul3A_268 = arith.mulf %sub3A_266, %sub3A_266 : vector<16xf32>
        %add3A_269 = arith.addf %add3A_239, %mul3A_268 : vector<16xf32>
        %mul3A_270 = arith.mulf %sub3A_267, %sub3A_267 : vector<16xf32>
        %add3A_271 = arith.addf %add3A_241, %mul3A_270 : vector<16xf32>
        %get3A_272 = arith.index_cast %scan3A_145 : i32 to index
        %get3A_273 = arith.constant 64 : index
        %get3A_274 = tpu.vector_load %arg17[%get3A_272, %get3A_273] {strides = array<i32>} : memref<64x128xf32, #tpu.memory_space<vmem>>, vector<16xf32>,
        %get3A_275 = arith.index_cast %scan3A_145 : i32 to index
        %get3A_276 = arith.constant 64 : index
        %get3A_277 = tpu.vector_load %arg18[%get3A_275, %get3A_276] {strides = array<i32>} : memref<64x128xf32, #tpu.memory_space<vmem>>, vector<16xf32>,
        %get3A_278 = arith.index_cast %scan3A_145 : i32 to index
        %get3A_279 = arith.constant 64 : index
        %get3A_280 = tpu.vector_load %arg19[%get3A_278, %get3A_279] {strides = array<i32>} : memref<64x128xf32, #tpu.memory_space<vmem>>, vector<16xf32>,
        %get3A_281 = arith.index_cast %scan3A_145 : i32 to index
        %get3A_282 = arith.constant 64 : index
        %get3A_283 = tpu.vector_load %arg20[%get3A_281, %get3A_282] {strides = array<i32>} : memref<64x128xf32, #tpu.memory_space<vmem>>, vector<16xf32>,
        %get3A_284 = arith.index_cast %scan3A_145 : i32 to index
        %get3A_285 = arith.constant 64 : index
        %get3A_286 = tpu.vector_load %arg21[%get3A_284, %get3A_285] {strides = array<i32>} : memref<64x128xf32, #tpu.memory_space<vmem>>, vector<16xf32>,
        %add3A_287 = arith.addf %get3A_277, %get3A_283 : vector<16xf32>
        %add3A_288 = arith.addf %get3A_280, %get3A_286 : vector<16xf32>
        %sub3A_289 = arith.subf %add3A_287, %add3A_288 : vector<16xf32>
        %mul3A_290 = arith.constant 5.000000e-01 : f32
        %mul3A_291 = vector.broadcast %mul3A_290 : f32 to vector<16xf32>
        %mul3A_292 = arith.mulf %mul3A_291, %sub3A_289 : vector<16xf32>
        %add3A_293 = arith.addf %mul3A_292, %get3A_274 : vector<16xf32>
        %abs3A_294 = math.absf %add3A_293 : vector<16xf32>
        %add3A_295 = arith.addf %add3A_265, %abs3A_294 : vector<16xf32>
        %sub3A_296 = arith.subf %get3A_277, %get3A_283 : vector<16xf32>
        %sub3A_297 = arith.subf %get3A_280, %get3A_286 : vector<16xf32>
        %mul3A_298 = arith.mulf %sub3A_296, %sub3A_296 : vector<16xf32>
        %add3A_299 = arith.addf %add3A_269, %mul3A_298 : vector<16xf32>
        %mul3A_300 = arith.mulf %sub3A_297, %sub3A_297 : vector<16xf32>
        %add3A_301 = arith.addf %add3A_271, %mul3A_300 : vector<16xf32>
        %get3A_302 = arith.index_cast %scan3A_145 : i32 to index
        %get3A_303 = arith.constant 80 : index
        %get3A_304 = tpu.vector_load %arg17[%get3A_302, %get3A_303] {strides = array<i32>} : memref<64x128xf32, #tpu.memory_space<vmem>>, vector<16xf32>,
        %get3A_305 = arith.index_cast %scan3A_145 : i32 to index
        %get3A_306 = arith.constant 80 : index
        %get3A_307 = tpu.vector_load %arg18[%get3A_305, %get3A_306] {strides = array<i32>} : memref<64x128xf32, #tpu.memory_space<vmem>>, vector<16xf32>,
        %get3A_308 = arith.index_cast %scan3A_145 : i32 to index
        %get3A_309 = arith.constant 80 : index
        %get3A_310 = tpu.vector_load %arg19[%get3A_308, %get3A_309] {strides = array<i32>} : memref<64x128xf32, #tpu.memory_space<vmem>>, vector<16xf32>,
        %get3A_311 = arith.index_cast %scan3A_145 : i32 to index
        %get3A_312 = arith.constant 80 : index
        %get3A_313 = tpu.vector_load %arg20[%get3A_311, %get3A_312] {strides = array<i32>} : memref<64x128xf32, #tpu.memory_space<vmem>>, vector<16xf32>,
        %get3A_314 = arith.index_cast %scan3A_145 : i32 to index
        %get3A_315 = arith.constant 80 : index
        %get3A_316 = tpu.vector_load %arg21[%get3A_314, %get3A_315] {strides = array<i32>} : memref<64x128xf32, #tpu.memory_space<vmem>>, vector<16xf32>,
        %add3A_317 = arith.addf %get3A_307, %get3A_313 : vector<16xf32>
        %add3A_318 = arith.addf %get3A_310, %get3A_316 : vector<16xf32>
        %sub3A_319 = arith.subf %add3A_317, %add3A_318 : vector<16xf32>
        %mul3A_320 = arith.constant 5.000000e-01 : f32
        %mul3A_321 = vector.broadcast %mul3A_320 : f32 to vector<16xf32>
        %mul3A_322 = arith.mulf %mul3A_321, %sub3A_319 : vector<16xf32>
        %add3A_323 = arith.addf %mul3A_322, %get3A_304 : vector<16xf32>
        %abs3A_324 = math.absf %add3A_323 : vector<16xf32>
        %add3A_325 = arith.addf %add3A_295, %abs3A_324 : vector<16xf32>
        %sub3A_326 = arith.subf %get3A_307, %get3A_313 : vector<16xf32>
        %sub3A_327 = arith.subf %get3A_310, %get3A_316 : vector<16xf32>
        %mul3A_328 = arith.mulf %sub3A_326, %sub3A_326 : vector<16xf32>
        %add3A_329 = arith.addf %add3A_299, %mul3A_328 : vector<16xf32>
        %mul3A_330 = arith.mulf %sub3A_327, %sub3A_327 : vector<16xf32>
        %add3A_331 = arith.addf %add3A_301, %mul3A_330 : vector<16xf32>
        %get3A_332 = arith.index_cast %scan3A_145 : i32 to index
        %get3A_333 = arith.constant 96 : index
        %get3A_334 = tpu.vector_load %arg17[%get3A_332, %get3A_333] {strides = array<i32>} : memref<64x128xf32, #tpu.memory_space<vmem>>, vector<16xf32>,
        %get3A_335 = arith.index_cast %scan3A_145 : i32 to index
        %get3A_336 = arith.constant 96 : index
        %get3A_337 = tpu.vector_load %arg18[%get3A_335, %get3A_336] {strides = array<i32>} : memref<64x128xf32, #tpu.memory_space<vmem>>, vector<16xf32>,
        %get3A_338 = arith.index_cast %scan3A_145 : i32 to index
        %get3A_339 = arith.constant 96 : index
        %get3A_340 = tpu.vector_load %arg19[%get3A_338, %get3A_339] {strides = array<i32>} : memref<64x128xf32, #tpu.memory_space<vmem>>, vector<16xf32>,
        %get3A_341 = arith.index_cast %scan3A_145 : i32 to index
        %get3A_342 = arith.constant 96 : index
        %get3A_343 = tpu.vector_load %arg20[%get3A_341, %get3A_342] {strides = array<i32>} : memref<64x128xf32, #tpu.memory_space<vmem>>, vector<16xf32>,
        %get3A_344 = arith.index_cast %scan3A_145 : i32 to index
        %get3A_345 = arith.constant 96 : index
        %get3A_346 = tpu.vector_load %arg21[%get3A_344, %get3A_345] {strides = array<i32>} : memref<64x128xf32, #tpu.memory_space<vmem>>, vector<16xf32>,
        %add3A_347 = arith.addf %get3A_337, %get3A_343 : vector<16xf32>
        %add3A_348 = arith.addf %get3A_340, %get3A_346 : vector<16xf32>
        %sub3A_349 = arith.subf %add3A_347, %add3A_348 : vector<16xf32>
        %mul3A_350 = arith.constant 5.000000e-01 : f32
        %mul3A_351 = vector.broadcast %mul3A_350 : f32 to vector<16xf32>
        %mul3A_352 = arith.mulf %mul3A_351, %sub3A_349 : vector<16xf32>
        %add3A_353 = arith.addf %mul3A_352, %get3A_334 : vector<16xf32>
        %abs3A_354 = math.absf %add3A_353 : vector<16xf32>
        %add3A_355 = arith.addf %add3A_325, %abs3A_354 : vector<16xf32>
        %sub3A_356 = arith.subf %get3A_337, %get3A_343 : vector<16xf32>
        %sub3A_357 = arith.subf %get3A_340, %get3A_346 : vector<16xf32>
        %mul3A_358 = arith.mulf %sub3A_356, %sub3A_356 : vector<16xf32>
        %add3A_359 = arith.addf %add3A_329, %mul3A_358 : vector<16xf32>
        %mul3A_360 = arith.mulf %sub3A_357, %sub3A_357 : vector<16xf32>
        %add3A_361 = arith.addf %add3A_331, %mul3A_360 : vector<16xf32>
        %get3A_362 = arith.index_cast %scan3A_145 : i32 to index
        %get3A_363 = arith.constant 112 : index
        %get3A_364 = tpu.vector_load %arg17[%get3A_362, %get3A_363] {strides = array<i32>} : memref<64x128xf32, #tpu.memory_space<vmem>>, vector<16xf32>,
        %get3A_365 = arith.index_cast %scan3A_145 : i32 to index
        %get3A_366 = arith.constant 112 : index
        %get3A_367 = tpu.vector_load %arg18[%get3A_365, %get3A_366] {strides = array<i32>} : memref<64x128xf32, #tpu.memory_space<vmem>>, vector<16xf32>,
        %get3A_368 = arith.index_cast %scan3A_145 : i32 to index
        %get3A_369 = arith.constant 112 : index
        %get3A_370 = tpu.vector_load %arg19[%get3A_368, %get3A_369] {strides = array<i32>} : memref<64x128xf32, #tpu.memory_space<vmem>>, vector<16xf32>,
        %get3A_371 = arith.index_cast %scan3A_145 : i32 to index
        %get3A_372 = arith.constant 112 : index
        %get3A_373 = tpu.vector_load %arg20[%get3A_371, %get3A_372] {strides = array<i32>} : memref<64x128xf32, #tpu.memory_space<vmem>>, vector<16xf32>,
        %get3A_374 = arith.index_cast %scan3A_145 : i32 to index
        %get3A_375 = arith.constant 112 : index
        %get3A_376 = tpu.vector_load %arg21[%get3A_374, %get3A_375] {strides = array<i32>} : memref<64x128xf32, #tpu.memory_space<vmem>>, vector<16xf32>,
        %add3A_377 = arith.addf %get3A_367, %get3A_373 : vector<16xf32>
        %add3A_378 = arith.addf %get3A_370, %get3A_376 : vector<16xf32>
        %sub3A_379 = arith.subf %add3A_377, %add3A_378 : vector<16xf32>
        %mul3A_380 = arith.constant 5.000000e-01 : f32
        %mul3A_381 = vector.broadcast %mul3A_380 : f32 to vector<16xf32>
        %mul3A_382 = arith.mulf %mul3A_381, %sub3A_379 : vector<16xf32>
        %add3A_383 = arith.addf %mul3A_382, %get3A_364 : vector<16xf32>
        %abs3A_384 = math.absf %add3A_383 : vector<16xf32>
        %add3A_385 = arith.addf %add3A_355, %abs3A_384 : vector<16xf32>
        %sub3A_386 = arith.subf %get3A_367, %get3A_373 : vector<16xf32>
        %sub3A_387 = arith.subf %get3A_370, %get3A_376 : vector<16xf32>
        %mul3A_388 = arith.mulf %sub3A_386, %sub3A_386 : vector<16xf32>
        %add3A_389 = arith.addf %add3A_359, %mul3A_388 : vector<16xf32>
        %mul3A_390 = arith.mulf %sub3A_387, %sub3A_387 : vector<16xf32>
        %add3A_391 = arith.addf %add3A_361, %mul3A_390 : vector<16xf32>
        %and3A = arith.constant 15 : i32
        %and3A_392 = arith.andi %scan3A_145, %and3A : i32
        %eq3A = vector.broadcast %and3A_392 : i32 to vector<16xi32>
        %eq3A_393 = arith.cmpi eq, %iota3A, %eq3A : vector<16xi32>
        %reduce_sum3A = arith.constant true
        %reduce_sum3A_394 = vector.broadcast %reduce_sum3A : i1 to vector<16xi1>
        %reduce_sum3A_395 = tpu.scan <sum>, %add3A_385 masked %reduce_sum3A_394 : vector<16xf32>, vector<16xi1> -> vector<16xf32>
        %reduce_sum3A_396 = vector.extract %reduce_sum3A_395[15] : f32 from vector<16xf32>
        %broadcast_in_dim3A_397 = vector.broadcast %reduce_sum3A_396 : f32 to vector<16xf32>
        %select_n3A = arith.select %eq3A_393, %broadcast_in_dim3A_397, %scan3A_146 : vector<16xi1>, vector<16xf32>
        %reduce_sum3A_398 = arith.constant true
        %reduce_sum3A_399 = vector.broadcast %reduce_sum3A_398 : i1 to vector<16xi1>
        %reduce_sum3A_400 = tpu.scan <sum>, %add3A_389 masked %reduce_sum3A_399 : vector<16xf32>, vector<16xi1> -> vector<16xf32>
        %reduce_sum3A_401 = vector.extract %reduce_sum3A_400[15] : f32 from vector<16xf32>
        %broadcast_in_dim3A_402 = vector.broadcast %reduce_sum3A_401 : f32 to vector<16xf32>
        %select_n3A_403 = arith.select %eq3A_393, %broadcast_in_dim3A_402, %scan3A_147 : vector<16xi1>, vector<16xf32>
        %reduce_sum3A_404 = arith.constant true
        %reduce_sum3A_405 = vector.broadcast %reduce_sum3A_404 : i1 to vector<16xi1>
        %reduce_sum3A_406 = tpu.scan <sum>, %add3A_391 masked %reduce_sum3A_405 : vector<16xf32>, vector<16xi1> -> vector<16xf32>
        %reduce_sum3A_407 = vector.extract %reduce_sum3A_406[15] : f32 from vector<16xf32>
        %broadcast_in_dim3A_408 = vector.broadcast %reduce_sum3A_407 : f32 to vector<16xf32>
        %select_n3A_409 = arith.select %eq3A_393, %broadcast_in_dim3A_408, %scan3A_148 : vector<16xi1>, vector<16xf32>
        %and3A_410 = arith.constant 15 : i32
        %and3A_411 = arith.andi %scan3A_145, %and3A_410 : i32
        %eq3A_412 = arith.constant 15 : i32
        %eq3A_413 = arith.cmpi eq, %and3A_411, %eq3A_412 : i32
        %convert_element_type3A_414 = arith.extui %eq3A_413 : i1 to i32
        %cond3A_415 = arith.constant 0 : i32
        %cond3A_416 = arith.cmpi ne, %convert_element_type3A_414, %cond3A_415 : i32
        scf.if %cond3A_416 {
          %sub3A_1248 = arith.constant 1.200000e+01 : f32
          %sub3A_1249 = vector.broadcast %sub3A_1248 : f32 to vector<16xf32>
          %sub3A_1250 = arith.subf %sub3A_1249, %select_n3A : vector<16xf32>
          %mul3A_1251 = arith.constant 1.000000e+00 : f32
          %mul3A_1252 = vector.broadcast %mul3A_1251 : f32 to vector<16xf32>
          %mul3A_1253 = arith.mulf %mul3A_1252, %sub3A_1250 : vector<16xf32>
          %bitcast_convert_type3A = tpu.bitcast %select_n3A_403 : vector<16xf32> -> vector<16xi32>
          %shift_right_logical3A = arith.constant 1 : i32
          %shift_right_logical3A_1254 = vector.broadcast %shift_right_logical3A : i32 to vector<16xi32>
          %shift_right_logical3A_1255 = arith.shrui %bitcast_convert_type3A, %shift_right_logical3A_1254 : vector<16xi32>
          %sub3A_1256 = arith.constant 1597463007 : i32
          %sub3A_1257 = vector.broadcast %sub3A_1256 : i32 to vector<16xi32>
          %sub3A_1258 = arith.subi %sub3A_1257, %shift_right_logical3A_1255 : vector<16xi32>
          %bitcast_convert_type3A_1259 = tpu.bitcast %sub3A_1258 : vector<16xi32> -> vector<16xf32>
          %mul3A_1260 = arith.constant 5.000000e-01 : f32
          %mul3A_1261 = vector.broadcast %mul3A_1260 : f32 to vector<16xf32>
          %mul3A_1262 = arith.mulf %mul3A_1261, %select_n3A_403 : vector<16xf32>
          %mul3A_1263 = arith.mulf %mul3A_1262, %bitcast_convert_type3A_1259 : vector<16xf32>
          %mul3A_1264 = arith.mulf %mul3A_1263, %bitcast_convert_type3A_1259 : vector<16xf32>
          %sub3A_1265 = arith.constant 1.500000e+00 : f32
          %sub3A_1266 = vector.broadcast %sub3A_1265 : f32 to vector<16xf32>
          %sub3A_1267 = arith.subf %sub3A_1266, %mul3A_1264 : vector<16xf32>
          %mul3A_1268 = arith.mulf %bitcast_convert_type3A_1259, %sub3A_1267 : vector<16xf32>
          %mul3A_1269 = arith.constant 5.000000e-01 : f32
          %mul3A_1270 = vector.broadcast %mul3A_1269 : f32 to vector<16xf32>
          %mul3A_1271 = arith.mulf %mul3A_1270, %select_n3A_403 : vector<16xf32>
          %mul3A_1272 = arith.mulf %mul3A_1271, %mul3A_1268 : vector<16xf32>
          %mul3A_1273 = arith.mulf %mul3A_1272, %mul3A_1268 : vector<16xf32>
          %sub3A_1274 = arith.constant 1.500000e+00 : f32
          %sub3A_1275 = vector.broadcast %sub3A_1274 : f32 to vector<16xf32>
          %sub3A_1276 = arith.subf %sub3A_1275, %mul3A_1273 : vector<16xf32>
          %mul3A_1277 = arith.mulf %mul3A_1268, %sub3A_1276 : vector<16xf32>
          %mul3A_1278 = arith.constant 5.000000e-01 : f32
          %mul3A_1279 = vector.broadcast %mul3A_1278 : f32 to vector<16xf32>
          %mul3A_1280 = arith.mulf %mul3A_1279, %select_n3A_403 : vector<16xf32>
          %mul3A_1281 = arith.mulf %mul3A_1280, %mul3A_1277 : vector<16xf32>
          %mul3A_1282 = arith.mulf %mul3A_1281, %mul3A_1277 : vector<16xf32>
          %sub3A_1283 = arith.constant 1.500000e+00 : f32
          %sub3A_1284 = vector.broadcast %sub3A_1283 : f32 to vector<16xf32>
          %sub3A_1285 = arith.subf %sub3A_1284, %mul3A_1282 : vector<16xf32>
          %mul3A_1286 = arith.mulf %mul3A_1277, %sub3A_1285 : vector<16xf32>
          %gt3A = arith.constant 0.000000e+00 : f32
          %gt3A_1287 = vector.broadcast %gt3A : f32 to vector<16xf32>
          %gt3A_1288 = arith.cmpf ogt, %select_n3A_403, %gt3A_1287 : vector<16xf32>
          %mul3A_1289 = arith.mulf %select_n3A_403, %mul3A_1286 : vector<16xf32>
          %jit3A = arith.constant 0.000000e+00 : f32
          %broadcast_in_dim3A_1290 = vector.broadcast %jit3A : f32 to vector<16xf32>
          %select_n3A_1291 = arith.select %gt3A_1288, %mul3A_1289, %broadcast_in_dim3A_1290 : vector<16xi1>, vector<16xf32>
          %bitcast_convert_type3A_1292 = tpu.bitcast %select_n3A_409 : vector<16xf32> -> vector<16xi32>
          %shift_right_logical3A_1293 = arith.constant 1 : i32
          %shift_right_logical3A_1294 = vector.broadcast %shift_right_logical3A_1293 : i32 to vector<16xi32>
          %shift_right_logical3A_1295 = arith.shrui %bitcast_convert_type3A_1292, %shift_right_logical3A_1294 : vector<16xi32>
          %sub3A_1296 = arith.constant 1597463007 : i32
          %sub3A_1297 = vector.broadcast %sub3A_1296 : i32 to vector<16xi32>
          %sub3A_1298 = arith.subi %sub3A_1297, %shift_right_logical3A_1295 : vector<16xi32>
          %bitcast_convert_type3A_1299 = tpu.bitcast %sub3A_1298 : vector<16xi32> -> vector<16xf32>
          %mul3A_1300 = arith.constant 5.000000e-01 : f32
          %mul3A_1301 = vector.broadcast %mul3A_1300 : f32 to vector<16xf32>
          %mul3A_1302 = arith.mulf %mul3A_1301, %select_n3A_409 : vector<16xf32>
          %mul3A_1303 = arith.mulf %mul3A_1302, %bitcast_convert_type3A_1299 : vector<16xf32>
          %mul3A_1304 = arith.mulf %mul3A_1303, %bitcast_convert_type3A_1299 : vector<16xf32>
          %sub3A_1305 = arith.constant 1.500000e+00 : f32
          %sub3A_1306 = vector.broadcast %sub3A_1305 : f32 to vector<16xf32>
          %sub3A_1307 = arith.subf %sub3A_1306, %mul3A_1304 : vector<16xf32>
          %mul3A_1308 = arith.mulf %bitcast_convert_type3A_1299, %sub3A_1307 : vector<16xf32>
          %mul3A_1309 = arith.constant 5.000000e-01 : f32
          %mul3A_1310 = vector.broadcast %mul3A_1309 : f32 to vector<16xf32>
          %mul3A_1311 = arith.mulf %mul3A_1310, %select_n3A_409 : vector<16xf32>
          %mul3A_1312 = arith.mulf %mul3A_1311, %mul3A_1308 : vector<16xf32>
          %mul3A_1313 = arith.mulf %mul3A_1312, %mul3A_1308 : vector<16xf32>
          %sub3A_1314 = arith.constant 1.500000e+00 : f32
          %sub3A_1315 = vector.broadcast %sub3A_1314 : f32 to vector<16xf32>
          %sub3A_1316 = arith.subf %sub3A_1315, %mul3A_1313 : vector<16xf32>
          %mul3A_1317 = arith.mulf %mul3A_1308, %sub3A_1316 : vector<16xf32>
          %mul3A_1318 = arith.constant 5.000000e-01 : f32
          %mul3A_1319 = vector.broadcast %mul3A_1318 : f32 to vector<16xf32>
          %mul3A_1320 = arith.mulf %mul3A_1319, %select_n3A_409 : vector<16xf32>
          %mul3A_1321 = arith.mulf %mul3A_1320, %mul3A_1317 : vector<16xf32>
          %mul3A_1322 = arith.mulf %mul3A_1321, %mul3A_1317 : vector<16xf32>
          %sub3A_1323 = arith.constant 1.500000e+00 : f32
          %sub3A_1324 = vector.broadcast %sub3A_1323 : f32 to vector<16xf32>
          %sub3A_1325 = arith.subf %sub3A_1324, %mul3A_1322 : vector<16xf32>
          %mul3A_1326 = arith.mulf %mul3A_1317, %sub3A_1325 : vector<16xf32>
          %gt3A_1327 = arith.constant 0.000000e+00 : f32
          %gt3A_1328 = vector.broadcast %gt3A_1327 : f32 to vector<16xf32>
          %gt3A_1329 = arith.cmpf ogt, %select_n3A_409, %gt3A_1328 : vector<16xf32>
          %mul3A_1330 = arith.mulf %select_n3A_409, %mul3A_1326 : vector<16xf32>
          %jit3A_1331 = arith.constant 0.000000e+00 : f32
          %broadcast_in_dim3A_1332 = vector.broadcast %jit3A_1331 : f32 to vector<16xf32>
          %select_n3A_1333 = arith.select %gt3A_1329, %mul3A_1330, %broadcast_in_dim3A_1332 : vector<16xi1>, vector<16xf32>
          %add3A_1334 = arith.addf %select_n3A_1291, %select_n3A_1333 : vector<16xf32>
          %mul3A_1335 = arith.constant 2.500000e-01 : f32
          %mul3A_1336 = vector.broadcast %mul3A_1335 : f32 to vector<16xf32>
          %mul3A_1337 = arith.mulf %mul3A_1336, %add3A_1334 : vector<16xf32>
          %sub3A_1338 = arith.subf %mul3A_1253, %mul3A_1337 : vector<16xf32>
          %add3A_1339 = arith.addi %mul3A_131, %scan3A_145 : i32
          %sub3A_1340 = arith.constant 15 : i32
          %sub3A_1341 = arith.subi %add3A_1339, %sub3A_1340 : i32
          %swap3A = arith.index_cast %sub3A_1341 : i32 to index
          %swap3A_1342 = tpu.vector_load %arg22[%swap3A] {strides = array<i32>} : memref<512xf32, #tpu.memory_space<vmem>>, vector<16xf32>,
          tpu.vector_store %arg22[%swap3A], %sub3A_1338 {strides = array<i32>} : memref<512xf32, #tpu.memory_space<vmem>>, vector<16xf32>,
        } else {
        }
        %scan3A_417 = arith.constant 1 : i32
        %scan3A_418 = arith.addi %scan3A_145, %scan3A_417 : i32
        %broadcast_in_dim3A_419 = arith.constant 0.000000e+00 : f32
        %broadcast_in_dim3A_420 = vector.broadcast %broadcast_in_dim3A_419 : f32 to vector<16xf32>
        %broadcast_in_dim3A_421 = arith.constant 0.000000e+00 : f32
        %broadcast_in_dim3A_422 = vector.broadcast %broadcast_in_dim3A_421 : f32 to vector<16xf32>
        %broadcast_in_dim3A_423 = arith.constant 0.000000e+00 : f32
        %broadcast_in_dim3A_424 = vector.broadcast %broadcast_in_dim3A_423 : f32 to vector<16xf32>
        %get3A_425 = arith.index_cast %scan3A_418 : i32 to index
        %get3A_426 = arith.constant 0 : index
        %get3A_427 = tpu.vector_load %arg17[%get3A_425, %get3A_426] {strides = array<i32>} : memref<64x128xf32, #tpu.memory_space<vmem>>, vector<16xf32>,
        %get3A_428 = arith.index_cast %scan3A_418 : i32 to index
        %get3A_429 = arith.constant 0 : index
        %get3A_430 = tpu.vector_load %arg18[%get3A_428, %get3A_429] {strides = array<i32>} : memref<64x128xf32, #tpu.memory_space<vmem>>, vector<16xf32>,
        %get3A_431 = arith.index_cast %scan3A_418 : i32 to index
        %get3A_432 = arith.constant 0 : index
        %get3A_433 = tpu.vector_load %arg19[%get3A_431, %get3A_432] {strides = array<i32>} : memref<64x128xf32, #tpu.memory_space<vmem>>, vector<16xf32>,
        %get3A_434 = arith.index_cast %scan3A_418 : i32 to index
        %get3A_435 = arith.constant 0 : index
        %get3A_436 = tpu.vector_load %arg20[%get3A_434, %get3A_435] {strides = array<i32>} : memref<64x128xf32, #tpu.memory_space<vmem>>, vector<16xf32>,
        %get3A_437 = arith.index_cast %scan3A_418 : i32 to index
        %get3A_438 = arith.constant 0 : index
        %get3A_439 = tpu.vector_load %arg21[%get3A_437, %get3A_438] {strides = array<i32>} : memref<64x128xf32, #tpu.memory_space<vmem>>, vector<16xf32>,
        %add3A_440 = arith.addf %get3A_430, %get3A_436 : vector<16xf32>
        %add3A_441 = arith.addf %get3A_433, %get3A_439 : vector<16xf32>
        %sub3A_442 = arith.subf %add3A_440, %add3A_441 : vector<16xf32>
        %mul3A_443 = arith.constant 5.000000e-01 : f32
        %mul3A_444 = vector.broadcast %mul3A_443 : f32 to vector<16xf32>
        %mul3A_445 = arith.mulf %mul3A_444, %sub3A_442 : vector<16xf32>
        %add3A_446 = arith.addf %mul3A_445, %get3A_427 : vector<16xf32>
        %abs3A_447 = math.absf %add3A_446 : vector<16xf32>
        %add3A_448 = arith.addf %broadcast_in_dim3A_420, %abs3A_447 : vector<16xf32>
        %sub3A_449 = arith.subf %get3A_430, %get3A_436 : vector<16xf32>
        %sub3A_450 = arith.subf %get3A_433, %get3A_439 : vector<16xf32>
        %mul3A_451 = arith.mulf %sub3A_449, %sub3A_449 : vector<16xf32>
        %add3A_452 = arith.addf %broadcast_in_dim3A_422, %mul3A_451 : vector<16xf32>
        %mul3A_453 = arith.mulf %sub3A_450, %sub3A_450 : vector<16xf32>
        %add3A_454 = arith.addf %broadcast_in_dim3A_424, %mul3A_453 : vector<16xf32>
        %get3A_455 = arith.index_cast %scan3A_418 : i32 to index
        %get3A_456 = arith.constant 16 : index
        %get3A_457 = tpu.vector_load %arg17[%get3A_455, %get3A_456] {strides = array<i32>} : memref<64x128xf32, #tpu.memory_space<vmem>>, vector<16xf32>,
        %get3A_458 = arith.index_cast %scan3A_418 : i32 to index
        %get3A_459 = arith.constant 16 : index
        %get3A_460 = tpu.vector_load %arg18[%get3A_458, %get3A_459] {strides = array<i32>} : memref<64x128xf32, #tpu.memory_space<vmem>>, vector<16xf32>,
        %get3A_461 = arith.index_cast %scan3A_418 : i32 to index
        %get3A_462 = arith.constant 16 : index
        %get3A_463 = tpu.vector_load %arg19[%get3A_461, %get3A_462] {strides = array<i32>} : memref<64x128xf32, #tpu.memory_space<vmem>>, vector<16xf32>,
        %get3A_464 = arith.index_cast %scan3A_418 : i32 to index
        %get3A_465 = arith.constant 16 : index
        %get3A_466 = tpu.vector_load %arg20[%get3A_464, %get3A_465] {strides = array<i32>} : memref<64x128xf32, #tpu.memory_space<vmem>>, vector<16xf32>,
        %get3A_467 = arith.index_cast %scan3A_418 : i32 to index
        %get3A_468 = arith.constant 16 : index
        %get3A_469 = tpu.vector_load %arg21[%get3A_467, %get3A_468] {strides = array<i32>} : memref<64x128xf32, #tpu.memory_space<vmem>>, vector<16xf32>,
        %add3A_470 = arith.addf %get3A_460, %get3A_466 : vector<16xf32>
        %add3A_471 = arith.addf %get3A_463, %get3A_469 : vector<16xf32>
        %sub3A_472 = arith.subf %add3A_470, %add3A_471 : vector<16xf32>
        %mul3A_473 = arith.constant 5.000000e-01 : f32
        %mul3A_474 = vector.broadcast %mul3A_473 : f32 to vector<16xf32>
        %mul3A_475 = arith.mulf %mul3A_474, %sub3A_472 : vector<16xf32>
        %add3A_476 = arith.addf %mul3A_475, %get3A_457 : vector<16xf32>
        %abs3A_477 = math.absf %add3A_476 : vector<16xf32>
        %add3A_478 = arith.addf %add3A_448, %abs3A_477 : vector<16xf32>
        %sub3A_479 = arith.subf %get3A_460, %get3A_466 : vector<16xf32>
        %sub3A_480 = arith.subf %get3A_463, %get3A_469 : vector<16xf32>
        %mul3A_481 = arith.mulf %sub3A_479, %sub3A_479 : vector<16xf32>
        %add3A_482 = arith.addf %add3A_452, %mul3A_481 : vector<16xf32>
        %mul3A_483 = arith.mulf %sub3A_480, %sub3A_480 : vector<16xf32>
        %add3A_484 = arith.addf %add3A_454, %mul3A_483 : vector<16xf32>
        %get3A_485 = arith.index_cast %scan3A_418 : i32 to index
        %get3A_486 = arith.constant 32 : index
        %get3A_487 = tpu.vector_load %arg17[%get3A_485, %get3A_486] {strides = array<i32>} : memref<64x128xf32, #tpu.memory_space<vmem>>, vector<16xf32>,
        %get3A_488 = arith.index_cast %scan3A_418 : i32 to index
        %get3A_489 = arith.constant 32 : index
        %get3A_490 = tpu.vector_load %arg18[%get3A_488, %get3A_489] {strides = array<i32>} : memref<64x128xf32, #tpu.memory_space<vmem>>, vector<16xf32>,
        %get3A_491 = arith.index_cast %scan3A_418 : i32 to index
        %get3A_492 = arith.constant 32 : index
        %get3A_493 = tpu.vector_load %arg19[%get3A_491, %get3A_492] {strides = array<i32>} : memref<64x128xf32, #tpu.memory_space<vmem>>, vector<16xf32>,
        %get3A_494 = arith.index_cast %scan3A_418 : i32 to index
        %get3A_495 = arith.constant 32 : index
        %get3A_496 = tpu.vector_load %arg20[%get3A_494, %get3A_495] {strides = array<i32>} : memref<64x128xf32, #tpu.memory_space<vmem>>, vector<16xf32>,
        %get3A_497 = arith.index_cast %scan3A_418 : i32 to index
        %get3A_498 = arith.constant 32 : index
        %get3A_499 = tpu.vector_load %arg21[%get3A_497, %get3A_498] {strides = array<i32>} : memref<64x128xf32, #tpu.memory_space<vmem>>, vector<16xf32>,
        %add3A_500 = arith.addf %get3A_490, %get3A_496 : vector<16xf32>
        %add3A_501 = arith.addf %get3A_493, %get3A_499 : vector<16xf32>
        %sub3A_502 = arith.subf %add3A_500, %add3A_501 : vector<16xf32>
        %mul3A_503 = arith.constant 5.000000e-01 : f32
        %mul3A_504 = vector.broadcast %mul3A_503 : f32 to vector<16xf32>
        %mul3A_505 = arith.mulf %mul3A_504, %sub3A_502 : vector<16xf32>
        %add3A_506 = arith.addf %mul3A_505, %get3A_487 : vector<16xf32>
        %abs3A_507 = math.absf %add3A_506 : vector<16xf32>
        %add3A_508 = arith.addf %add3A_478, %abs3A_507 : vector<16xf32>
        %sub3A_509 = arith.subf %get3A_490, %get3A_496 : vector<16xf32>
        %sub3A_510 = arith.subf %get3A_493, %get3A_499 : vector<16xf32>
        %mul3A_511 = arith.mulf %sub3A_509, %sub3A_509 : vector<16xf32>
        %add3A_512 = arith.addf %add3A_482, %mul3A_511 : vector<16xf32>
        %mul3A_513 = arith.mulf %sub3A_510, %sub3A_510 : vector<16xf32>
        %add3A_514 = arith.addf %add3A_484, %mul3A_513 : vector<16xf32>
        %get3A_515 = arith.index_cast %scan3A_418 : i32 to index
        %get3A_516 = arith.constant 48 : index
        %get3A_517 = tpu.vector_load %arg17[%get3A_515, %get3A_516] {strides = array<i32>} : memref<64x128xf32, #tpu.memory_space<vmem>>, vector<16xf32>,
        %get3A_518 = arith.index_cast %scan3A_418 : i32 to index
        %get3A_519 = arith.constant 48 : index
        %get3A_520 = tpu.vector_load %arg18[%get3A_518, %get3A_519] {strides = array<i32>} : memref<64x128xf32, #tpu.memory_space<vmem>>, vector<16xf32>,
        %get3A_521 = arith.index_cast %scan3A_418 : i32 to index
        %get3A_522 = arith.constant 48 : index
        %get3A_523 = tpu.vector_load %arg19[%get3A_521, %get3A_522] {strides = array<i32>} : memref<64x128xf32, #tpu.memory_space<vmem>>, vector<16xf32>,
        %get3A_524 = arith.index_cast %scan3A_418 : i32 to index
        %get3A_525 = arith.constant 48 : index
        %get3A_526 = tpu.vector_load %arg20[%get3A_524, %get3A_525] {strides = array<i32>} : memref<64x128xf32, #tpu.memory_space<vmem>>, vector<16xf32>,
        %get3A_527 = arith.index_cast %scan3A_418 : i32 to index
        %get3A_528 = arith.constant 48 : index
        %get3A_529 = tpu.vector_load %arg21[%get3A_527, %get3A_528] {strides = array<i32>} : memref<64x128xf32, #tpu.memory_space<vmem>>, vector<16xf32>,
        %add3A_530 = arith.addf %get3A_520, %get3A_526 : vector<16xf32>
        %add3A_531 = arith.addf %get3A_523, %get3A_529 : vector<16xf32>
        %sub3A_532 = arith.subf %add3A_530, %add3A_531 : vector<16xf32>
        %mul3A_533 = arith.constant 5.000000e-01 : f32
        %mul3A_534 = vector.broadcast %mul3A_533 : f32 to vector<16xf32>
        %mul3A_535 = arith.mulf %mul3A_534, %sub3A_532 : vector<16xf32>
        %add3A_536 = arith.addf %mul3A_535, %get3A_517 : vector<16xf32>
        %abs3A_537 = math.absf %add3A_536 : vector<16xf32>
        %add3A_538 = arith.addf %add3A_508, %abs3A_537 : vector<16xf32>
        %sub3A_539 = arith.subf %get3A_520, %get3A_526 : vector<16xf32>
        %sub3A_540 = arith.subf %get3A_523, %get3A_529 : vector<16xf32>
        %mul3A_541 = arith.mulf %sub3A_539, %sub3A_539 : vector<16xf32>
        %add3A_542 = arith.addf %add3A_512, %mul3A_541 : vector<16xf32>
        %mul3A_543 = arith.mulf %sub3A_540, %sub3A_540 : vector<16xf32>
        %add3A_544 = arith.addf %add3A_514, %mul3A_543 : vector<16xf32>
        %get3A_545 = arith.index_cast %scan3A_418 : i32 to index
        %get3A_546 = arith.constant 64 : index
        %get3A_547 = tpu.vector_load %arg17[%get3A_545, %get3A_546] {strides = array<i32>} : memref<64x128xf32, #tpu.memory_space<vmem>>, vector<16xf32>,
        %get3A_548 = arith.index_cast %scan3A_418 : i32 to index
        %get3A_549 = arith.constant 64 : index
        %get3A_550 = tpu.vector_load %arg18[%get3A_548, %get3A_549] {strides = array<i32>} : memref<64x128xf32, #tpu.memory_space<vmem>>, vector<16xf32>,
        %get3A_551 = arith.index_cast %scan3A_418 : i32 to index
        %get3A_552 = arith.constant 64 : index
        %get3A_553 = tpu.vector_load %arg19[%get3A_551, %get3A_552] {strides = array<i32>} : memref<64x128xf32, #tpu.memory_space<vmem>>, vector<16xf32>,
        %get3A_554 = arith.index_cast %scan3A_418 : i32 to index
        %get3A_555 = arith.constant 64 : index
        %get3A_556 = tpu.vector_load %arg20[%get3A_554, %get3A_555] {strides = array<i32>} : memref<64x128xf32, #tpu.memory_space<vmem>>, vector<16xf32>,
        %get3A_557 = arith.index_cast %scan3A_418 : i32 to index
        %get3A_558 = arith.constant 64 : index
        %get3A_559 = tpu.vector_load %arg21[%get3A_557, %get3A_558] {strides = array<i32>} : memref<64x128xf32, #tpu.memory_space<vmem>>, vector<16xf32>,
        %add3A_560 = arith.addf %get3A_550, %get3A_556 : vector<16xf32>
        %add3A_561 = arith.addf %get3A_553, %get3A_559 : vector<16xf32>
        %sub3A_562 = arith.subf %add3A_560, %add3A_561 : vector<16xf32>
        %mul3A_563 = arith.constant 5.000000e-01 : f32
        %mul3A_564 = vector.broadcast %mul3A_563 : f32 to vector<16xf32>
        %mul3A_565 = arith.mulf %mul3A_564, %sub3A_562 : vector<16xf32>
        %add3A_566 = arith.addf %mul3A_565, %get3A_547 : vector<16xf32>
        %abs3A_567 = math.absf %add3A_566 : vector<16xf32>
        %add3A_568 = arith.addf %add3A_538, %abs3A_567 : vector<16xf32>
        %sub3A_569 = arith.subf %get3A_550, %get3A_556 : vector<16xf32>
        %sub3A_570 = arith.subf %get3A_553, %get3A_559 : vector<16xf32>
        %mul3A_571 = arith.mulf %sub3A_569, %sub3A_569 : vector<16xf32>
        %add3A_572 = arith.addf %add3A_542, %mul3A_571 : vector<16xf32>
        %mul3A_573 = arith.mulf %sub3A_570, %sub3A_570 : vector<16xf32>
        %add3A_574 = arith.addf %add3A_544, %mul3A_573 : vector<16xf32>
        %get3A_575 = arith.index_cast %scan3A_418 : i32 to index
        %get3A_576 = arith.constant 80 : index
        %get3A_577 = tpu.vector_load %arg17[%get3A_575, %get3A_576] {strides = array<i32>} : memref<64x128xf32, #tpu.memory_space<vmem>>, vector<16xf32>,
        %get3A_578 = arith.index_cast %scan3A_418 : i32 to index
        %get3A_579 = arith.constant 80 : index
        %get3A_580 = tpu.vector_load %arg18[%get3A_578, %get3A_579] {strides = array<i32>} : memref<64x128xf32, #tpu.memory_space<vmem>>, vector<16xf32>,
        %get3A_581 = arith.index_cast %scan3A_418 : i32 to index
        %get3A_582 = arith.constant 80 : index
        %get3A_583 = tpu.vector_load %arg19[%get3A_581, %get3A_582] {strides = array<i32>} : memref<64x128xf32, #tpu.memory_space<vmem>>, vector<16xf32>,
        %get3A_584 = arith.index_cast %scan3A_418 : i32 to index
        %get3A_585 = arith.constant 80 : index
        %get3A_586 = tpu.vector_load %arg20[%get3A_584, %get3A_585] {strides = array<i32>} : memref<64x128xf32, #tpu.memory_space<vmem>>, vector<16xf32>,
        %get3A_587 = arith.index_cast %scan3A_418 : i32 to index
        %get3A_588 = arith.constant 80 : index
        %get3A_589 = tpu.vector_load %arg21[%get3A_587, %get3A_588] {strides = array<i32>} : memref<64x128xf32, #tpu.memory_space<vmem>>, vector<16xf32>,
        %add3A_590 = arith.addf %get3A_580, %get3A_586 : vector<16xf32>
        %add3A_591 = arith.addf %get3A_583, %get3A_589 : vector<16xf32>
        %sub3A_592 = arith.subf %add3A_590, %add3A_591 : vector<16xf32>
        %mul3A_593 = arith.constant 5.000000e-01 : f32
        %mul3A_594 = vector.broadcast %mul3A_593 : f32 to vector<16xf32>
        %mul3A_595 = arith.mulf %mul3A_594, %sub3A_592 : vector<16xf32>
        %add3A_596 = arith.addf %mul3A_595, %get3A_577 : vector<16xf32>
        %abs3A_597 = math.absf %add3A_596 : vector<16xf32>
        %add3A_598 = arith.addf %add3A_568, %abs3A_597 : vector<16xf32>
        %sub3A_599 = arith.subf %get3A_580, %get3A_586 : vector<16xf32>
        %sub3A_600 = arith.subf %get3A_583, %get3A_589 : vector<16xf32>
        %mul3A_601 = arith.mulf %sub3A_599, %sub3A_599 : vector<16xf32>
        %add3A_602 = arith.addf %add3A_572, %mul3A_601 : vector<16xf32>
        %mul3A_603 = arith.mulf %sub3A_600, %sub3A_600 : vector<16xf32>
        %add3A_604 = arith.addf %add3A_574, %mul3A_603 : vector<16xf32>
        %get3A_605 = arith.index_cast %scan3A_418 : i32 to index
        %get3A_606 = arith.constant 96 : index
        %get3A_607 = tpu.vector_load %arg17[%get3A_605, %get3A_606] {strides = array<i32>} : memref<64x128xf32, #tpu.memory_space<vmem>>, vector<16xf32>,
        %get3A_608 = arith.index_cast %scan3A_418 : i32 to index
        %get3A_609 = arith.constant 96 : index
        %get3A_610 = tpu.vector_load %arg18[%get3A_608, %get3A_609] {strides = array<i32>} : memref<64x128xf32, #tpu.memory_space<vmem>>, vector<16xf32>,
        %get3A_611 = arith.index_cast %scan3A_418 : i32 to index
        %get3A_612 = arith.constant 96 : index
        %get3A_613 = tpu.vector_load %arg19[%get3A_611, %get3A_612] {strides = array<i32>} : memref<64x128xf32, #tpu.memory_space<vmem>>, vector<16xf32>,
        %get3A_614 = arith.index_cast %scan3A_418 : i32 to index
        %get3A_615 = arith.constant 96 : index
        %get3A_616 = tpu.vector_load %arg20[%get3A_614, %get3A_615] {strides = array<i32>} : memref<64x128xf32, #tpu.memory_space<vmem>>, vector<16xf32>,
        %get3A_617 = arith.index_cast %scan3A_418 : i32 to index
        %get3A_618 = arith.constant 96 : index
        %get3A_619 = tpu.vector_load %arg21[%get3A_617, %get3A_618] {strides = array<i32>} : memref<64x128xf32, #tpu.memory_space<vmem>>, vector<16xf32>,
        %add3A_620 = arith.addf %get3A_610, %get3A_616 : vector<16xf32>
        %add3A_621 = arith.addf %get3A_613, %get3A_619 : vector<16xf32>
        %sub3A_622 = arith.subf %add3A_620, %add3A_621 : vector<16xf32>
        %mul3A_623 = arith.constant 5.000000e-01 : f32
        %mul3A_624 = vector.broadcast %mul3A_623 : f32 to vector<16xf32>
        %mul3A_625 = arith.mulf %mul3A_624, %sub3A_622 : vector<16xf32>
        %add3A_626 = arith.addf %mul3A_625, %get3A_607 : vector<16xf32>
        %abs3A_627 = math.absf %add3A_626 : vector<16xf32>
        %add3A_628 = arith.addf %add3A_598, %abs3A_627 : vector<16xf32>
        %sub3A_629 = arith.subf %get3A_610, %get3A_616 : vector<16xf32>
        %sub3A_630 = arith.subf %get3A_613, %get3A_619 : vector<16xf32>
        %mul3A_631 = arith.mulf %sub3A_629, %sub3A_629 : vector<16xf32>
        %add3A_632 = arith.addf %add3A_602, %mul3A_631 : vector<16xf32>
        %mul3A_633 = arith.mulf %sub3A_630, %sub3A_630 : vector<16xf32>
        %add3A_634 = arith.addf %add3A_604, %mul3A_633 : vector<16xf32>
        %get3A_635 = arith.index_cast %scan3A_418 : i32 to index
        %get3A_636 = arith.constant 112 : index
        %get3A_637 = tpu.vector_load %arg17[%get3A_635, %get3A_636] {strides = array<i32>} : memref<64x128xf32, #tpu.memory_space<vmem>>, vector<16xf32>,
        %get3A_638 = arith.index_cast %scan3A_418 : i32 to index
        %get3A_639 = arith.constant 112 : index
        %get3A_640 = tpu.vector_load %arg18[%get3A_638, %get3A_639] {strides = array<i32>} : memref<64x128xf32, #tpu.memory_space<vmem>>, vector<16xf32>,
        %get3A_641 = arith.index_cast %scan3A_418 : i32 to index
        %get3A_642 = arith.constant 112 : index
        %get3A_643 = tpu.vector_load %arg19[%get3A_641, %get3A_642] {strides = array<i32>} : memref<64x128xf32, #tpu.memory_space<vmem>>, vector<16xf32>,
        %get3A_644 = arith.index_cast %scan3A_418 : i32 to index
        %get3A_645 = arith.constant 112 : index
        %get3A_646 = tpu.vector_load %arg20[%get3A_644, %get3A_645] {strides = array<i32>} : memref<64x128xf32, #tpu.memory_space<vmem>>, vector<16xf32>,
        %get3A_647 = arith.index_cast %scan3A_418 : i32 to index
        %get3A_648 = arith.constant 112 : index
        %get3A_649 = tpu.vector_load %arg21[%get3A_647, %get3A_648] {strides = array<i32>} : memref<64x128xf32, #tpu.memory_space<vmem>>, vector<16xf32>,
        %add3A_650 = arith.addf %get3A_640, %get3A_646 : vector<16xf32>
        %add3A_651 = arith.addf %get3A_643, %get3A_649 : vector<16xf32>
        %sub3A_652 = arith.subf %add3A_650, %add3A_651 : vector<16xf32>
        %mul3A_653 = arith.constant 5.000000e-01 : f32
        %mul3A_654 = vector.broadcast %mul3A_653 : f32 to vector<16xf32>
        %mul3A_655 = arith.mulf %mul3A_654, %sub3A_652 : vector<16xf32>
        %add3A_656 = arith.addf %mul3A_655, %get3A_637 : vector<16xf32>
        %abs3A_657 = math.absf %add3A_656 : vector<16xf32>
        %add3A_658 = arith.addf %add3A_628, %abs3A_657 : vector<16xf32>
        %sub3A_659 = arith.subf %get3A_640, %get3A_646 : vector<16xf32>
        %sub3A_660 = arith.subf %get3A_643, %get3A_649 : vector<16xf32>
        %mul3A_661 = arith.mulf %sub3A_659, %sub3A_659 : vector<16xf32>
        %add3A_662 = arith.addf %add3A_632, %mul3A_661 : vector<16xf32>
        %mul3A_663 = arith.mulf %sub3A_660, %sub3A_660 : vector<16xf32>
        %add3A_664 = arith.addf %add3A_634, %mul3A_663 : vector<16xf32>
        %and3A_665 = arith.constant 15 : i32
        %and3A_666 = arith.andi %scan3A_418, %and3A_665 : i32
        %eq3A_667 = vector.broadcast %and3A_666 : i32 to vector<16xi32>
        %eq3A_668 = arith.cmpi eq, %iota3A, %eq3A_667 : vector<16xi32>
        %reduce_sum3A_669 = arith.constant true
        %reduce_sum3A_670 = vector.broadcast %reduce_sum3A_669 : i1 to vector<16xi1>
        %reduce_sum3A_671 = tpu.scan <sum>, %add3A_658 masked %reduce_sum3A_670 : vector<16xf32>, vector<16xi1> -> vector<16xf32>
        %reduce_sum3A_672 = vector.extract %reduce_sum3A_671[15] : f32 from vector<16xf32>
        %broadcast_in_dim3A_673 = vector.broadcast %reduce_sum3A_672 : f32 to vector<16xf32>
        %select_n3A_674 = arith.select %eq3A_668, %broadcast_in_dim3A_673, %select_n3A : vector<16xi1>, vector<16xf32>
        %reduce_sum3A_675 = arith.constant true
        %reduce_sum3A_676 = vector.broadcast %reduce_sum3A_675 : i1 to vector<16xi1>
        %reduce_sum3A_677 = tpu.scan <sum>, %add3A_662 masked %reduce_sum3A_676 : vector<16xf32>, vector<16xi1> -> vector<16xf32>
        %reduce_sum3A_678 = vector.extract %reduce_sum3A_677[15] : f32 from vector<16xf32>
        %broadcast_in_dim3A_679 = vector.broadcast %reduce_sum3A_678 : f32 to vector<16xf32>
        %select_n3A_680 = arith.select %eq3A_668, %broadcast_in_dim3A_679, %select_n3A_403 : vector<16xi1>, vector<16xf32>
        %reduce_sum3A_681 = arith.constant true
        %reduce_sum3A_682 = vector.broadcast %reduce_sum3A_681 : i1 to vector<16xi1>
        %reduce_sum3A_683 = tpu.scan <sum>, %add3A_664 masked %reduce_sum3A_682 : vector<16xf32>, vector<16xi1> -> vector<16xf32>
        %reduce_sum3A_684 = vector.extract %reduce_sum3A_683[15] : f32 from vector<16xf32>
        %broadcast_in_dim3A_685 = vector.broadcast %reduce_sum3A_684 : f32 to vector<16xf32>
        %select_n3A_686 = arith.select %eq3A_668, %broadcast_in_dim3A_685, %select_n3A_409 : vector<16xi1>, vector<16xf32>
        %and3A_687 = arith.constant 15 : i32
        %and3A_688 = arith.andi %scan3A_418, %and3A_687 : i32
        %eq3A_689 = arith.constant 15 : i32
        %eq3A_690 = arith.cmpi eq, %and3A_688, %eq3A_689 : i32
        %convert_element_type3A_691 = arith.extui %eq3A_690 : i1 to i32
        %cond3A_692 = arith.constant 0 : i32
        %cond3A_693 = arith.cmpi ne, %convert_element_type3A_691, %cond3A_692 : i32
        scf.if %cond3A_693 {
          %sub3A_1248 = arith.constant 1.200000e+01 : f32
          %sub3A_1249 = vector.broadcast %sub3A_1248 : f32 to vector<16xf32>
          %sub3A_1250 = arith.subf %sub3A_1249, %select_n3A_674 : vector<16xf32>
          %mul3A_1251 = arith.constant 1.000000e+00 : f32
          %mul3A_1252 = vector.broadcast %mul3A_1251 : f32 to vector<16xf32>
          %mul3A_1253 = arith.mulf %mul3A_1252, %sub3A_1250 : vector<16xf32>
          %bitcast_convert_type3A = tpu.bitcast %select_n3A_680 : vector<16xf32> -> vector<16xi32>
          %shift_right_logical3A = arith.constant 1 : i32
          %shift_right_logical3A_1254 = vector.broadcast %shift_right_logical3A : i32 to vector<16xi32>
          %shift_right_logical3A_1255 = arith.shrui %bitcast_convert_type3A, %shift_right_logical3A_1254 : vector<16xi32>
          %sub3A_1256 = arith.constant 1597463007 : i32
          %sub3A_1257 = vector.broadcast %sub3A_1256 : i32 to vector<16xi32>
          %sub3A_1258 = arith.subi %sub3A_1257, %shift_right_logical3A_1255 : vector<16xi32>
          %bitcast_convert_type3A_1259 = tpu.bitcast %sub3A_1258 : vector<16xi32> -> vector<16xf32>
          %mul3A_1260 = arith.constant 5.000000e-01 : f32
          %mul3A_1261 = vector.broadcast %mul3A_1260 : f32 to vector<16xf32>
          %mul3A_1262 = arith.mulf %mul3A_1261, %select_n3A_680 : vector<16xf32>
          %mul3A_1263 = arith.mulf %mul3A_1262, %bitcast_convert_type3A_1259 : vector<16xf32>
          %mul3A_1264 = arith.mulf %mul3A_1263, %bitcast_convert_type3A_1259 : vector<16xf32>
          %sub3A_1265 = arith.constant 1.500000e+00 : f32
          %sub3A_1266 = vector.broadcast %sub3A_1265 : f32 to vector<16xf32>
          %sub3A_1267 = arith.subf %sub3A_1266, %mul3A_1264 : vector<16xf32>
          %mul3A_1268 = arith.mulf %bitcast_convert_type3A_1259, %sub3A_1267 : vector<16xf32>
          %mul3A_1269 = arith.constant 5.000000e-01 : f32
          %mul3A_1270 = vector.broadcast %mul3A_1269 : f32 to vector<16xf32>
          %mul3A_1271 = arith.mulf %mul3A_1270, %select_n3A_680 : vector<16xf32>
          %mul3A_1272 = arith.mulf %mul3A_1271, %mul3A_1268 : vector<16xf32>
          %mul3A_1273 = arith.mulf %mul3A_1272, %mul3A_1268 : vector<16xf32>
          %sub3A_1274 = arith.constant 1.500000e+00 : f32
          %sub3A_1275 = vector.broadcast %sub3A_1274 : f32 to vector<16xf32>
          %sub3A_1276 = arith.subf %sub3A_1275, %mul3A_1273 : vector<16xf32>
          %mul3A_1277 = arith.mulf %mul3A_1268, %sub3A_1276 : vector<16xf32>
          %mul3A_1278 = arith.constant 5.000000e-01 : f32
          %mul3A_1279 = vector.broadcast %mul3A_1278 : f32 to vector<16xf32>
          %mul3A_1280 = arith.mulf %mul3A_1279, %select_n3A_680 : vector<16xf32>
          %mul3A_1281 = arith.mulf %mul3A_1280, %mul3A_1277 : vector<16xf32>
          %mul3A_1282 = arith.mulf %mul3A_1281, %mul3A_1277 : vector<16xf32>
          %sub3A_1283 = arith.constant 1.500000e+00 : f32
          %sub3A_1284 = vector.broadcast %sub3A_1283 : f32 to vector<16xf32>
          %sub3A_1285 = arith.subf %sub3A_1284, %mul3A_1282 : vector<16xf32>
          %mul3A_1286 = arith.mulf %mul3A_1277, %sub3A_1285 : vector<16xf32>
          %gt3A = arith.constant 0.000000e+00 : f32
          %gt3A_1287 = vector.broadcast %gt3A : f32 to vector<16xf32>
          %gt3A_1288 = arith.cmpf ogt, %select_n3A_680, %gt3A_1287 : vector<16xf32>
          %mul3A_1289 = arith.mulf %select_n3A_680, %mul3A_1286 : vector<16xf32>
          %jit3A = arith.constant 0.000000e+00 : f32
          %broadcast_in_dim3A_1290 = vector.broadcast %jit3A : f32 to vector<16xf32>
          %select_n3A_1291 = arith.select %gt3A_1288, %mul3A_1289, %broadcast_in_dim3A_1290 : vector<16xi1>, vector<16xf32>
          %bitcast_convert_type3A_1292 = tpu.bitcast %select_n3A_686 : vector<16xf32> -> vector<16xi32>
          %shift_right_logical3A_1293 = arith.constant 1 : i32
          %shift_right_logical3A_1294 = vector.broadcast %shift_right_logical3A_1293 : i32 to vector<16xi32>
          %shift_right_logical3A_1295 = arith.shrui %bitcast_convert_type3A_1292, %shift_right_logical3A_1294 : vector<16xi32>
          %sub3A_1296 = arith.constant 1597463007 : i32
          %sub3A_1297 = vector.broadcast %sub3A_1296 : i32 to vector<16xi32>
          %sub3A_1298 = arith.subi %sub3A_1297, %shift_right_logical3A_1295 : vector<16xi32>
          %bitcast_convert_type3A_1299 = tpu.bitcast %sub3A_1298 : vector<16xi32> -> vector<16xf32>
          %mul3A_1300 = arith.constant 5.000000e-01 : f32
          %mul3A_1301 = vector.broadcast %mul3A_1300 : f32 to vector<16xf32>
          %mul3A_1302 = arith.mulf %mul3A_1301, %select_n3A_686 : vector<16xf32>
          %mul3A_1303 = arith.mulf %mul3A_1302, %bitcast_convert_type3A_1299 : vector<16xf32>
          %mul3A_1304 = arith.mulf %mul3A_1303, %bitcast_convert_type3A_1299 : vector<16xf32>
          %sub3A_1305 = arith.constant 1.500000e+00 : f32
          %sub3A_1306 = vector.broadcast %sub3A_1305 : f32 to vector<16xf32>
          %sub3A_1307 = arith.subf %sub3A_1306, %mul3A_1304 : vector<16xf32>
          %mul3A_1308 = arith.mulf %bitcast_convert_type3A_1299, %sub3A_1307 : vector<16xf32>
          %mul3A_1309 = arith.constant 5.000000e-01 : f32
          %mul3A_1310 = vector.broadcast %mul3A_1309 : f32 to vector<16xf32>
          %mul3A_1311 = arith.mulf %mul3A_1310, %select_n3A_686 : vector<16xf32>
          %mul3A_1312 = arith.mulf %mul3A_1311, %mul3A_1308 : vector<16xf32>
          %mul3A_1313 = arith.mulf %mul3A_1312, %mul3A_1308 : vector<16xf32>
          %sub3A_1314 = arith.constant 1.500000e+00 : f32
          %sub3A_1315 = vector.broadcast %sub3A_1314 : f32 to vector<16xf32>
          %sub3A_1316 = arith.subf %sub3A_1315, %mul3A_1313 : vector<16xf32>
          %mul3A_1317 = arith.mulf %mul3A_1308, %sub3A_1316 : vector<16xf32>
          %mul3A_1318 = arith.constant 5.000000e-01 : f32
          %mul3A_1319 = vector.broadcast %mul3A_1318 : f32 to vector<16xf32>
          %mul3A_1320 = arith.mulf %mul3A_1319, %select_n3A_686 : vector<16xf32>
          %mul3A_1321 = arith.mulf %mul3A_1320, %mul3A_1317 : vector<16xf32>
          %mul3A_1322 = arith.mulf %mul3A_1321, %mul3A_1317 : vector<16xf32>
          %sub3A_1323 = arith.constant 1.500000e+00 : f32
          %sub3A_1324 = vector.broadcast %sub3A_1323 : f32 to vector<16xf32>
          %sub3A_1325 = arith.subf %sub3A_1324, %mul3A_1322 : vector<16xf32>
          %mul3A_1326 = arith.mulf %mul3A_1317, %sub3A_1325 : vector<16xf32>
          %gt3A_1327 = arith.constant 0.000000e+00 : f32
          %gt3A_1328 = vector.broadcast %gt3A_1327 : f32 to vector<16xf32>
          %gt3A_1329 = arith.cmpf ogt, %select_n3A_686, %gt3A_1328 : vector<16xf32>
          %mul3A_1330 = arith.mulf %select_n3A_686, %mul3A_1326 : vector<16xf32>
          %jit3A_1331 = arith.constant 0.000000e+00 : f32
          %broadcast_in_dim3A_1332 = vector.broadcast %jit3A_1331 : f32 to vector<16xf32>
          %select_n3A_1333 = arith.select %gt3A_1329, %mul3A_1330, %broadcast_in_dim3A_1332 : vector<16xi1>, vector<16xf32>
          %add3A_1334 = arith.addf %select_n3A_1291, %select_n3A_1333 : vector<16xf32>
          %mul3A_1335 = arith.constant 2.500000e-01 : f32
          %mul3A_1336 = vector.broadcast %mul3A_1335 : f32 to vector<16xf32>
          %mul3A_1337 = arith.mulf %mul3A_1336, %add3A_1334 : vector<16xf32>
          %sub3A_1338 = arith.subf %mul3A_1253, %mul3A_1337 : vector<16xf32>
          %add3A_1339 = arith.addi %mul3A_131, %scan3A_418 : i32
          %sub3A_1340 = arith.constant 15 : i32
          %sub3A_1341 = arith.subi %add3A_1339, %sub3A_1340 : i32
          %swap3A = arith.index_cast %sub3A_1341 : i32 to index
          %swap3A_1342 = tpu.vector_load %arg22[%swap3A] {strides = array<i32>} : memref<512xf32, #tpu.memory_space<vmem>>, vector<16xf32>,
          tpu.vector_store %arg22[%swap3A], %sub3A_1338 {strides = array<i32>} : memref<512xf32, #tpu.memory_space<vmem>>, vector<16xf32>,
        } else {
        }
        %scan3A_694 = arith.constant 2 : i32
        %scan3A_695 = arith.addi %scan3A_145, %scan3A_694 : i32
        %broadcast_in_dim3A_696 = arith.constant 0.000000e+00 : f32
        %broadcast_in_dim3A_697 = vector.broadcast %broadcast_in_dim3A_696 : f32 to vector<16xf32>
        %broadcast_in_dim3A_698 = arith.constant 0.000000e+00 : f32
        %broadcast_in_dim3A_699 = vector.broadcast %broadcast_in_dim3A_698 : f32 to vector<16xf32>
        %broadcast_in_dim3A_700 = arith.constant 0.000000e+00 : f32
        %broadcast_in_dim3A_701 = vector.broadcast %broadcast_in_dim3A_700 : f32 to vector<16xf32>
        %get3A_702 = arith.index_cast %scan3A_695 : i32 to index
        %get3A_703 = arith.constant 0 : index
        %get3A_704 = tpu.vector_load %arg17[%get3A_702, %get3A_703] {strides = array<i32>} : memref<64x128xf32, #tpu.memory_space<vmem>>, vector<16xf32>,
        %get3A_705 = arith.index_cast %scan3A_695 : i32 to index
        %get3A_706 = arith.constant 0 : index
        %get3A_707 = tpu.vector_load %arg18[%get3A_705, %get3A_706] {strides = array<i32>} : memref<64x128xf32, #tpu.memory_space<vmem>>, vector<16xf32>,
        %get3A_708 = arith.index_cast %scan3A_695 : i32 to index
        %get3A_709 = arith.constant 0 : index
        %get3A_710 = tpu.vector_load %arg19[%get3A_708, %get3A_709] {strides = array<i32>} : memref<64x128xf32, #tpu.memory_space<vmem>>, vector<16xf32>,
        %get3A_711 = arith.index_cast %scan3A_695 : i32 to index
        %get3A_712 = arith.constant 0 : index
        %get3A_713 = tpu.vector_load %arg20[%get3A_711, %get3A_712] {strides = array<i32>} : memref<64x128xf32, #tpu.memory_space<vmem>>, vector<16xf32>,
        %get3A_714 = arith.index_cast %scan3A_695 : i32 to index
        %get3A_715 = arith.constant 0 : index
        %get3A_716 = tpu.vector_load %arg21[%get3A_714, %get3A_715] {strides = array<i32>} : memref<64x128xf32, #tpu.memory_space<vmem>>, vector<16xf32>,
        %add3A_717 = arith.addf %get3A_707, %get3A_713 : vector<16xf32>
        %add3A_718 = arith.addf %get3A_710, %get3A_716 : vector<16xf32>
        %sub3A_719 = arith.subf %add3A_717, %add3A_718 : vector<16xf32>
        %mul3A_720 = arith.constant 5.000000e-01 : f32
        %mul3A_721 = vector.broadcast %mul3A_720 : f32 to vector<16xf32>
        %mul3A_722 = arith.mulf %mul3A_721, %sub3A_719 : vector<16xf32>
        %add3A_723 = arith.addf %mul3A_722, %get3A_704 : vector<16xf32>
        %abs3A_724 = math.absf %add3A_723 : vector<16xf32>
        %add3A_725 = arith.addf %broadcast_in_dim3A_697, %abs3A_724 : vector<16xf32>
        %sub3A_726 = arith.subf %get3A_707, %get3A_713 : vector<16xf32>
        %sub3A_727 = arith.subf %get3A_710, %get3A_716 : vector<16xf32>
        %mul3A_728 = arith.mulf %sub3A_726, %sub3A_726 : vector<16xf32>
        %add3A_729 = arith.addf %broadcast_in_dim3A_699, %mul3A_728 : vector<16xf32>
        %mul3A_730 = arith.mulf %sub3A_727, %sub3A_727 : vector<16xf32>
        %add3A_731 = arith.addf %broadcast_in_dim3A_701, %mul3A_730 : vector<16xf32>
        %get3A_732 = arith.index_cast %scan3A_695 : i32 to index
        %get3A_733 = arith.constant 16 : index
        %get3A_734 = tpu.vector_load %arg17[%get3A_732, %get3A_733] {strides = array<i32>} : memref<64x128xf32, #tpu.memory_space<vmem>>, vector<16xf32>,
        %get3A_735 = arith.index_cast %scan3A_695 : i32 to index
        %get3A_736 = arith.constant 16 : index
        %get3A_737 = tpu.vector_load %arg18[%get3A_735, %get3A_736] {strides = array<i32>} : memref<64x128xf32, #tpu.memory_space<vmem>>, vector<16xf32>,
        %get3A_738 = arith.index_cast %scan3A_695 : i32 to index
        %get3A_739 = arith.constant 16 : index
        %get3A_740 = tpu.vector_load %arg19[%get3A_738, %get3A_739] {strides = array<i32>} : memref<64x128xf32, #tpu.memory_space<vmem>>, vector<16xf32>,
        %get3A_741 = arith.index_cast %scan3A_695 : i32 to index
        %get3A_742 = arith.constant 16 : index
        %get3A_743 = tpu.vector_load %arg20[%get3A_741, %get3A_742] {strides = array<i32>} : memref<64x128xf32, #tpu.memory_space<vmem>>, vector<16xf32>,
        %get3A_744 = arith.index_cast %scan3A_695 : i32 to index
        %get3A_745 = arith.constant 16 : index
        %get3A_746 = tpu.vector_load %arg21[%get3A_744, %get3A_745] {strides = array<i32>} : memref<64x128xf32, #tpu.memory_space<vmem>>, vector<16xf32>,
        %add3A_747 = arith.addf %get3A_737, %get3A_743 : vector<16xf32>
        %add3A_748 = arith.addf %get3A_740, %get3A_746 : vector<16xf32>
        %sub3A_749 = arith.subf %add3A_747, %add3A_748 : vector<16xf32>
        %mul3A_750 = arith.constant 5.000000e-01 : f32
        %mul3A_751 = vector.broadcast %mul3A_750 : f32 to vector<16xf32>
        %mul3A_752 = arith.mulf %mul3A_751, %sub3A_749 : vector<16xf32>
        %add3A_753 = arith.addf %mul3A_752, %get3A_734 : vector<16xf32>
        %abs3A_754 = math.absf %add3A_753 : vector<16xf32>
        %add3A_755 = arith.addf %add3A_725, %abs3A_754 : vector<16xf32>
        %sub3A_756 = arith.subf %get3A_737, %get3A_743 : vector<16xf32>
        %sub3A_757 = arith.subf %get3A_740, %get3A_746 : vector<16xf32>
        %mul3A_758 = arith.mulf %sub3A_756, %sub3A_756 : vector<16xf32>
        %add3A_759 = arith.addf %add3A_729, %mul3A_758 : vector<16xf32>
        %mul3A_760 = arith.mulf %sub3A_757, %sub3A_757 : vector<16xf32>
        %add3A_761 = arith.addf %add3A_731, %mul3A_760 : vector<16xf32>
        %get3A_762 = arith.index_cast %scan3A_695 : i32 to index
        %get3A_763 = arith.constant 32 : index
        %get3A_764 = tpu.vector_load %arg17[%get3A_762, %get3A_763] {strides = array<i32>} : memref<64x128xf32, #tpu.memory_space<vmem>>, vector<16xf32>,
        %get3A_765 = arith.index_cast %scan3A_695 : i32 to index
        %get3A_766 = arith.constant 32 : index
        %get3A_767 = tpu.vector_load %arg18[%get3A_765, %get3A_766] {strides = array<i32>} : memref<64x128xf32, #tpu.memory_space<vmem>>, vector<16xf32>,
        %get3A_768 = arith.index_cast %scan3A_695 : i32 to index
        %get3A_769 = arith.constant 32 : index
        %get3A_770 = tpu.vector_load %arg19[%get3A_768, %get3A_769] {strides = array<i32>} : memref<64x128xf32, #tpu.memory_space<vmem>>, vector<16xf32>,
        %get3A_771 = arith.index_cast %scan3A_695 : i32 to index
        %get3A_772 = arith.constant 32 : index
        %get3A_773 = tpu.vector_load %arg20[%get3A_771, %get3A_772] {strides = array<i32>} : memref<64x128xf32, #tpu.memory_space<vmem>>, vector<16xf32>,
        %get3A_774 = arith.index_cast %scan3A_695 : i32 to index
        %get3A_775 = arith.constant 32 : index
        %get3A_776 = tpu.vector_load %arg21[%get3A_774, %get3A_775] {strides = array<i32>} : memref<64x128xf32, #tpu.memory_space<vmem>>, vector<16xf32>,
        %add3A_777 = arith.addf %get3A_767, %get3A_773 : vector<16xf32>
        %add3A_778 = arith.addf %get3A_770, %get3A_776 : vector<16xf32>
        %sub3A_779 = arith.subf %add3A_777, %add3A_778 : vector<16xf32>
        %mul3A_780 = arith.constant 5.000000e-01 : f32
        %mul3A_781 = vector.broadcast %mul3A_780 : f32 to vector<16xf32>
        %mul3A_782 = arith.mulf %mul3A_781, %sub3A_779 : vector<16xf32>
        %add3A_783 = arith.addf %mul3A_782, %get3A_764 : vector<16xf32>
        %abs3A_784 = math.absf %add3A_783 : vector<16xf32>
        %add3A_785 = arith.addf %add3A_755, %abs3A_784 : vector<16xf32>
        %sub3A_786 = arith.subf %get3A_767, %get3A_773 : vector<16xf32>
        %sub3A_787 = arith.subf %get3A_770, %get3A_776 : vector<16xf32>
        %mul3A_788 = arith.mulf %sub3A_786, %sub3A_786 : vector<16xf32>
        %add3A_789 = arith.addf %add3A_759, %mul3A_788 : vector<16xf32>
        %mul3A_790 = arith.mulf %sub3A_787, %sub3A_787 : vector<16xf32>
        %add3A_791 = arith.addf %add3A_761, %mul3A_790 : vector<16xf32>
        %get3A_792 = arith.index_cast %scan3A_695 : i32 to index
        %get3A_793 = arith.constant 48 : index
        %get3A_794 = tpu.vector_load %arg17[%get3A_792, %get3A_793] {strides = array<i32>} : memref<64x128xf32, #tpu.memory_space<vmem>>, vector<16xf32>,
        %get3A_795 = arith.index_cast %scan3A_695 : i32 to index
        %get3A_796 = arith.constant 48 : index
        %get3A_797 = tpu.vector_load %arg18[%get3A_795, %get3A_796] {strides = array<i32>} : memref<64x128xf32, #tpu.memory_space<vmem>>, vector<16xf32>,
        %get3A_798 = arith.index_cast %scan3A_695 : i32 to index
        %get3A_799 = arith.constant 48 : index
        %get3A_800 = tpu.vector_load %arg19[%get3A_798, %get3A_799] {strides = array<i32>} : memref<64x128xf32, #tpu.memory_space<vmem>>, vector<16xf32>,
        %get3A_801 = arith.index_cast %scan3A_695 : i32 to index
        %get3A_802 = arith.constant 48 : index
        %get3A_803 = tpu.vector_load %arg20[%get3A_801, %get3A_802] {strides = array<i32>} : memref<64x128xf32, #tpu.memory_space<vmem>>, vector<16xf32>,
        %get3A_804 = arith.index_cast %scan3A_695 : i32 to index
        %get3A_805 = arith.constant 48 : index
        %get3A_806 = tpu.vector_load %arg21[%get3A_804, %get3A_805] {strides = array<i32>} : memref<64x128xf32, #tpu.memory_space<vmem>>, vector<16xf32>,
        %add3A_807 = arith.addf %get3A_797, %get3A_803 : vector<16xf32>
        %add3A_808 = arith.addf %get3A_800, %get3A_806 : vector<16xf32>
        %sub3A_809 = arith.subf %add3A_807, %add3A_808 : vector<16xf32>
        %mul3A_810 = arith.constant 5.000000e-01 : f32
        %mul3A_811 = vector.broadcast %mul3A_810 : f32 to vector<16xf32>
        %mul3A_812 = arith.mulf %mul3A_811, %sub3A_809 : vector<16xf32>
        %add3A_813 = arith.addf %mul3A_812, %get3A_794 : vector<16xf32>
        %abs3A_814 = math.absf %add3A_813 : vector<16xf32>
        %add3A_815 = arith.addf %add3A_785, %abs3A_814 : vector<16xf32>
        %sub3A_816 = arith.subf %get3A_797, %get3A_803 : vector<16xf32>
        %sub3A_817 = arith.subf %get3A_800, %get3A_806 : vector<16xf32>
        %mul3A_818 = arith.mulf %sub3A_816, %sub3A_816 : vector<16xf32>
        %add3A_819 = arith.addf %add3A_789, %mul3A_818 : vector<16xf32>
        %mul3A_820 = arith.mulf %sub3A_817, %sub3A_817 : vector<16xf32>
        %add3A_821 = arith.addf %add3A_791, %mul3A_820 : vector<16xf32>
        %get3A_822 = arith.index_cast %scan3A_695 : i32 to index
        %get3A_823 = arith.constant 64 : index
        %get3A_824 = tpu.vector_load %arg17[%get3A_822, %get3A_823] {strides = array<i32>} : memref<64x128xf32, #tpu.memory_space<vmem>>, vector<16xf32>,
        %get3A_825 = arith.index_cast %scan3A_695 : i32 to index
        %get3A_826 = arith.constant 64 : index
        %get3A_827 = tpu.vector_load %arg18[%get3A_825, %get3A_826] {strides = array<i32>} : memref<64x128xf32, #tpu.memory_space<vmem>>, vector<16xf32>,
        %get3A_828 = arith.index_cast %scan3A_695 : i32 to index
        %get3A_829 = arith.constant 64 : index
        %get3A_830 = tpu.vector_load %arg19[%get3A_828, %get3A_829] {strides = array<i32>} : memref<64x128xf32, #tpu.memory_space<vmem>>, vector<16xf32>,
        %get3A_831 = arith.index_cast %scan3A_695 : i32 to index
        %get3A_832 = arith.constant 64 : index
        %get3A_833 = tpu.vector_load %arg20[%get3A_831, %get3A_832] {strides = array<i32>} : memref<64x128xf32, #tpu.memory_space<vmem>>, vector<16xf32>,
        %get3A_834 = arith.index_cast %scan3A_695 : i32 to index
        %get3A_835 = arith.constant 64 : index
        %get3A_836 = tpu.vector_load %arg21[%get3A_834, %get3A_835] {strides = array<i32>} : memref<64x128xf32, #tpu.memory_space<vmem>>, vector<16xf32>,
        %add3A_837 = arith.addf %get3A_827, %get3A_833 : vector<16xf32>
        %add3A_838 = arith.addf %get3A_830, %get3A_836 : vector<16xf32>
        %sub3A_839 = arith.subf %add3A_837, %add3A_838 : vector<16xf32>
        %mul3A_840 = arith.constant 5.000000e-01 : f32
        %mul3A_841 = vector.broadcast %mul3A_840 : f32 to vector<16xf32>
        %mul3A_842 = arith.mulf %mul3A_841, %sub3A_839 : vector<16xf32>
        %add3A_843 = arith.addf %mul3A_842, %get3A_824 : vector<16xf32>
        %abs3A_844 = math.absf %add3A_843 : vector<16xf32>
        %add3A_845 = arith.addf %add3A_815, %abs3A_844 : vector<16xf32>
        %sub3A_846 = arith.subf %get3A_827, %get3A_833 : vector<16xf32>
        %sub3A_847 = arith.subf %get3A_830, %get3A_836 : vector<16xf32>
        %mul3A_848 = arith.mulf %sub3A_846, %sub3A_846 : vector<16xf32>
        %add3A_849 = arith.addf %add3A_819, %mul3A_848 : vector<16xf32>
        %mul3A_850 = arith.mulf %sub3A_847, %sub3A_847 : vector<16xf32>
        %add3A_851 = arith.addf %add3A_821, %mul3A_850 : vector<16xf32>
        %get3A_852 = arith.index_cast %scan3A_695 : i32 to index
        %get3A_853 = arith.constant 80 : index
        %get3A_854 = tpu.vector_load %arg17[%get3A_852, %get3A_853] {strides = array<i32>} : memref<64x128xf32, #tpu.memory_space<vmem>>, vector<16xf32>,
        %get3A_855 = arith.index_cast %scan3A_695 : i32 to index
        %get3A_856 = arith.constant 80 : index
        %get3A_857 = tpu.vector_load %arg18[%get3A_855, %get3A_856] {strides = array<i32>} : memref<64x128xf32, #tpu.memory_space<vmem>>, vector<16xf32>,
        %get3A_858 = arith.index_cast %scan3A_695 : i32 to index
        %get3A_859 = arith.constant 80 : index
        %get3A_860 = tpu.vector_load %arg19[%get3A_858, %get3A_859] {strides = array<i32>} : memref<64x128xf32, #tpu.memory_space<vmem>>, vector<16xf32>,
        %get3A_861 = arith.index_cast %scan3A_695 : i32 to index
        %get3A_862 = arith.constant 80 : index
        %get3A_863 = tpu.vector_load %arg20[%get3A_861, %get3A_862] {strides = array<i32>} : memref<64x128xf32, #tpu.memory_space<vmem>>, vector<16xf32>,
        %get3A_864 = arith.index_cast %scan3A_695 : i32 to index
        %get3A_865 = arith.constant 80 : index
        %get3A_866 = tpu.vector_load %arg21[%get3A_864, %get3A_865] {strides = array<i32>} : memref<64x128xf32, #tpu.memory_space<vmem>>, vector<16xf32>,
        %add3A_867 = arith.addf %get3A_857, %get3A_863 : vector<16xf32>
        %add3A_868 = arith.addf %get3A_860, %get3A_866 : vector<16xf32>
        %sub3A_869 = arith.subf %add3A_867, %add3A_868 : vector<16xf32>
        %mul3A_870 = arith.constant 5.000000e-01 : f32
        %mul3A_871 = vector.broadcast %mul3A_870 : f32 to vector<16xf32>
        %mul3A_872 = arith.mulf %mul3A_871, %sub3A_869 : vector<16xf32>
        %add3A_873 = arith.addf %mul3A_872, %get3A_854 : vector<16xf32>
        %abs3A_874 = math.absf %add3A_873 : vector<16xf32>
        %add3A_875 = arith.addf %add3A_845, %abs3A_874 : vector<16xf32>
        %sub3A_876 = arith.subf %get3A_857, %get3A_863 : vector<16xf32>
        %sub3A_877 = arith.subf %get3A_860, %get3A_866 : vector<16xf32>
        %mul3A_878 = arith.mulf %sub3A_876, %sub3A_876 : vector<16xf32>
        %add3A_879 = arith.addf %add3A_849, %mul3A_878 : vector<16xf32>
        %mul3A_880 = arith.mulf %sub3A_877, %sub3A_877 : vector<16xf32>
        %add3A_881 = arith.addf %add3A_851, %mul3A_880 : vector<16xf32>
        %get3A_882 = arith.index_cast %scan3A_695 : i32 to index
        %get3A_883 = arith.constant 96 : index
        %get3A_884 = tpu.vector_load %arg17[%get3A_882, %get3A_883] {strides = array<i32>} : memref<64x128xf32, #tpu.memory_space<vmem>>, vector<16xf32>,
        %get3A_885 = arith.index_cast %scan3A_695 : i32 to index
        %get3A_886 = arith.constant 96 : index
        %get3A_887 = tpu.vector_load %arg18[%get3A_885, %get3A_886] {strides = array<i32>} : memref<64x128xf32, #tpu.memory_space<vmem>>, vector<16xf32>,
        %get3A_888 = arith.index_cast %scan3A_695 : i32 to index
        %get3A_889 = arith.constant 96 : index
        %get3A_890 = tpu.vector_load %arg19[%get3A_888, %get3A_889] {strides = array<i32>} : memref<64x128xf32, #tpu.memory_space<vmem>>, vector<16xf32>,
        %get3A_891 = arith.index_cast %scan3A_695 : i32 to index
        %get3A_892 = arith.constant 96 : index
        %get3A_893 = tpu.vector_load %arg20[%get3A_891, %get3A_892] {strides = array<i32>} : memref<64x128xf32, #tpu.memory_space<vmem>>, vector<16xf32>,
        %get3A_894 = arith.index_cast %scan3A_695 : i32 to index
        %get3A_895 = arith.constant 96 : index
        %get3A_896 = tpu.vector_load %arg21[%get3A_894, %get3A_895] {strides = array<i32>} : memref<64x128xf32, #tpu.memory_space<vmem>>, vector<16xf32>,
        %add3A_897 = arith.addf %get3A_887, %get3A_893 : vector<16xf32>
        %add3A_898 = arith.addf %get3A_890, %get3A_896 : vector<16xf32>
        %sub3A_899 = arith.subf %add3A_897, %add3A_898 : vector<16xf32>
        %mul3A_900 = arith.constant 5.000000e-01 : f32
        %mul3A_901 = vector.broadcast %mul3A_900 : f32 to vector<16xf32>
        %mul3A_902 = arith.mulf %mul3A_901, %sub3A_899 : vector<16xf32>
        %add3A_903 = arith.addf %mul3A_902, %get3A_884 : vector<16xf32>
        %abs3A_904 = math.absf %add3A_903 : vector<16xf32>
        %add3A_905 = arith.addf %add3A_875, %abs3A_904 : vector<16xf32>
        %sub3A_906 = arith.subf %get3A_887, %get3A_893 : vector<16xf32>
        %sub3A_907 = arith.subf %get3A_890, %get3A_896 : vector<16xf32>
        %mul3A_908 = arith.mulf %sub3A_906, %sub3A_906 : vector<16xf32>
        %add3A_909 = arith.addf %add3A_879, %mul3A_908 : vector<16xf32>
        %mul3A_910 = arith.mulf %sub3A_907, %sub3A_907 : vector<16xf32>
        %add3A_911 = arith.addf %add3A_881, %mul3A_910 : vector<16xf32>
        %get3A_912 = arith.index_cast %scan3A_695 : i32 to index
        %get3A_913 = arith.constant 112 : index
        %get3A_914 = tpu.vector_load %arg17[%get3A_912, %get3A_913] {strides = array<i32>} : memref<64x128xf32, #tpu.memory_space<vmem>>, vector<16xf32>,
        %get3A_915 = arith.index_cast %scan3A_695 : i32 to index
        %get3A_916 = arith.constant 112 : index
        %get3A_917 = tpu.vector_load %arg18[%get3A_915, %get3A_916] {strides = array<i32>} : memref<64x128xf32, #tpu.memory_space<vmem>>, vector<16xf32>,
        %get3A_918 = arith.index_cast %scan3A_695 : i32 to index
        %get3A_919 = arith.constant 112 : index
        %get3A_920 = tpu.vector_load %arg19[%get3A_918, %get3A_919] {strides = array<i32>} : memref<64x128xf32, #tpu.memory_space<vmem>>, vector<16xf32>,
        %get3A_921 = arith.index_cast %scan3A_695 : i32 to index
        %get3A_922 = arith.constant 112 : index
        %get3A_923 = tpu.vector_load %arg20[%get3A_921, %get3A_922] {strides = array<i32>} : memref<64x128xf32, #tpu.memory_space<vmem>>, vector<16xf32>,
        %get3A_924 = arith.index_cast %scan3A_695 : i32 to index
        %get3A_925 = arith.constant 112 : index
        %get3A_926 = tpu.vector_load %arg21[%get3A_924, %get3A_925] {strides = array<i32>} : memref<64x128xf32, #tpu.memory_space<vmem>>, vector<16xf32>,
        %add3A_927 = arith.addf %get3A_917, %get3A_923 : vector<16xf32>
        %add3A_928 = arith.addf %get3A_920, %get3A_926 : vector<16xf32>
        %sub3A_929 = arith.subf %add3A_927, %add3A_928 : vector<16xf32>
        %mul3A_930 = arith.constant 5.000000e-01 : f32
        %mul3A_931 = vector.broadcast %mul3A_930 : f32 to vector<16xf32>
        %mul3A_932 = arith.mulf %mul3A_931, %sub3A_929 : vector<16xf32>
        %add3A_933 = arith.addf %mul3A_932, %get3A_914 : vector<16xf32>
        %abs3A_934 = math.absf %add3A_933 : vector<16xf32>
        %add3A_935 = arith.addf %add3A_905, %abs3A_934 : vector<16xf32>
        %sub3A_936 = arith.subf %get3A_917, %get3A_923 : vector<16xf32>
        %sub3A_937 = arith.subf %get3A_920, %get3A_926 : vector<16xf32>
        %mul3A_938 = arith.mulf %sub3A_936, %sub3A_936 : vector<16xf32>
        %add3A_939 = arith.addf %add3A_909, %mul3A_938 : vector<16xf32>
        %mul3A_940 = arith.mulf %sub3A_937, %sub3A_937 : vector<16xf32>
        %add3A_941 = arith.addf %add3A_911, %mul3A_940 : vector<16xf32>
        %and3A_942 = arith.constant 15 : i32
        %and3A_943 = arith.andi %scan3A_695, %and3A_942 : i32
        %eq3A_944 = vector.broadcast %and3A_943 : i32 to vector<16xi32>
        %eq3A_945 = arith.cmpi eq, %iota3A, %eq3A_944 : vector<16xi32>
        %reduce_sum3A_946 = arith.constant true
        %reduce_sum3A_947 = vector.broadcast %reduce_sum3A_946 : i1 to vector<16xi1>
        %reduce_sum3A_948 = tpu.scan <sum>, %add3A_935 masked %reduce_sum3A_947 : vector<16xf32>, vector<16xi1> -> vector<16xf32>
        %reduce_sum3A_949 = vector.extract %reduce_sum3A_948[15] : f32 from vector<16xf32>
        %broadcast_in_dim3A_950 = vector.broadcast %reduce_sum3A_949 : f32 to vector<16xf32>
        %select_n3A_951 = arith.select %eq3A_945, %broadcast_in_dim3A_950, %select_n3A_674 : vector<16xi1>, vector<16xf32>
        %reduce_sum3A_952 = arith.constant true
        %reduce_sum3A_953 = vector.broadcast %reduce_sum3A_952 : i1 to vector<16xi1>
        %reduce_sum3A_954 = tpu.scan <sum>, %add3A_939 masked %reduce_sum3A_953 : vector<16xf32>, vector<16xi1> -> vector<16xf32>
        %reduce_sum3A_955 = vector.extract %reduce_sum3A_954[15] : f32 from vector<16xf32>
        %broadcast_in_dim3A_956 = vector.broadcast %reduce_sum3A_955 : f32 to vector<16xf32>
        %select_n3A_957 = arith.select %eq3A_945, %broadcast_in_dim3A_956, %select_n3A_680 : vector<16xi1>, vector<16xf32>
        %reduce_sum3A_958 = arith.constant true
        %reduce_sum3A_959 = vector.broadcast %reduce_sum3A_958 : i1 to vector<16xi1>
        %reduce_sum3A_960 = tpu.scan <sum>, %add3A_941 masked %reduce_sum3A_959 : vector<16xf32>, vector<16xi1> -> vector<16xf32>
        %reduce_sum3A_961 = vector.extract %reduce_sum3A_960[15] : f32 from vector<16xf32>
        %broadcast_in_dim3A_962 = vector.broadcast %reduce_sum3A_961 : f32 to vector<16xf32>
        %select_n3A_963 = arith.select %eq3A_945, %broadcast_in_dim3A_962, %select_n3A_686 : vector<16xi1>, vector<16xf32>
        %and3A_964 = arith.constant 15 : i32
        %and3A_965 = arith.andi %scan3A_695, %and3A_964 : i32
        %eq3A_966 = arith.constant 15 : i32
        %eq3A_967 = arith.cmpi eq, %and3A_965, %eq3A_966 : i32
        %convert_element_type3A_968 = arith.extui %eq3A_967 : i1 to i32
        %cond3A_969 = arith.constant 0 : i32
        %cond3A_970 = arith.cmpi ne, %convert_element_type3A_968, %cond3A_969 : i32
        scf.if %cond3A_970 {
          %sub3A_1248 = arith.constant 1.200000e+01 : f32
          %sub3A_1249 = vector.broadcast %sub3A_1248 : f32 to vector<16xf32>
          %sub3A_1250 = arith.subf %sub3A_1249, %select_n3A_951 : vector<16xf32>
          %mul3A_1251 = arith.constant 1.000000e+00 : f32
          %mul3A_1252 = vector.broadcast %mul3A_1251 : f32 to vector<16xf32>
          %mul3A_1253 = arith.mulf %mul3A_1252, %sub3A_1250 : vector<16xf32>
          %bitcast_convert_type3A = tpu.bitcast %select_n3A_957 : vector<16xf32> -> vector<16xi32>
          %shift_right_logical3A = arith.constant 1 : i32
          %shift_right_logical3A_1254 = vector.broadcast %shift_right_logical3A : i32 to vector<16xi32>
          %shift_right_logical3A_1255 = arith.shrui %bitcast_convert_type3A, %shift_right_logical3A_1254 : vector<16xi32>
          %sub3A_1256 = arith.constant 1597463007 : i32
          %sub3A_1257 = vector.broadcast %sub3A_1256 : i32 to vector<16xi32>
          %sub3A_1258 = arith.subi %sub3A_1257, %shift_right_logical3A_1255 : vector<16xi32>
          %bitcast_convert_type3A_1259 = tpu.bitcast %sub3A_1258 : vector<16xi32> -> vector<16xf32>
          %mul3A_1260 = arith.constant 5.000000e-01 : f32
          %mul3A_1261 = vector.broadcast %mul3A_1260 : f32 to vector<16xf32>
          %mul3A_1262 = arith.mulf %mul3A_1261, %select_n3A_957 : vector<16xf32>
          %mul3A_1263 = arith.mulf %mul3A_1262, %bitcast_convert_type3A_1259 : vector<16xf32>
          %mul3A_1264 = arith.mulf %mul3A_1263, %bitcast_convert_type3A_1259 : vector<16xf32>
          %sub3A_1265 = arith.constant 1.500000e+00 : f32
          %sub3A_1266 = vector.broadcast %sub3A_1265 : f32 to vector<16xf32>
          %sub3A_1267 = arith.subf %sub3A_1266, %mul3A_1264 : vector<16xf32>
          %mul3A_1268 = arith.mulf %bitcast_convert_type3A_1259, %sub3A_1267 : vector<16xf32>
          %mul3A_1269 = arith.constant 5.000000e-01 : f32
          %mul3A_1270 = vector.broadcast %mul3A_1269 : f32 to vector<16xf32>
          %mul3A_1271 = arith.mulf %mul3A_1270, %select_n3A_957 : vector<16xf32>
          %mul3A_1272 = arith.mulf %mul3A_1271, %mul3A_1268 : vector<16xf32>
          %mul3A_1273 = arith.mulf %mul3A_1272, %mul3A_1268 : vector<16xf32>
          %sub3A_1274 = arith.constant 1.500000e+00 : f32
          %sub3A_1275 = vector.broadcast %sub3A_1274 : f32 to vector<16xf32>
          %sub3A_1276 = arith.subf %sub3A_1275, %mul3A_1273 : vector<16xf32>
          %mul3A_1277 = arith.mulf %mul3A_1268, %sub3A_1276 : vector<16xf32>
          %mul3A_1278 = arith.constant 5.000000e-01 : f32
          %mul3A_1279 = vector.broadcast %mul3A_1278 : f32 to vector<16xf32>
          %mul3A_1280 = arith.mulf %mul3A_1279, %select_n3A_957 : vector<16xf32>
          %mul3A_1281 = arith.mulf %mul3A_1280, %mul3A_1277 : vector<16xf32>
          %mul3A_1282 = arith.mulf %mul3A_1281, %mul3A_1277 : vector<16xf32>
          %sub3A_1283 = arith.constant 1.500000e+00 : f32
          %sub3A_1284 = vector.broadcast %sub3A_1283 : f32 to vector<16xf32>
          %sub3A_1285 = arith.subf %sub3A_1284, %mul3A_1282 : vector<16xf32>
          %mul3A_1286 = arith.mulf %mul3A_1277, %sub3A_1285 : vector<16xf32>
          %gt3A = arith.constant 0.000000e+00 : f32
          %gt3A_1287 = vector.broadcast %gt3A : f32 to vector<16xf32>
          %gt3A_1288 = arith.cmpf ogt, %select_n3A_957, %gt3A_1287 : vector<16xf32>
          %mul3A_1289 = arith.mulf %select_n3A_957, %mul3A_1286 : vector<16xf32>
          %jit3A = arith.constant 0.000000e+00 : f32
          %broadcast_in_dim3A_1290 = vector.broadcast %jit3A : f32 to vector<16xf32>
          %select_n3A_1291 = arith.select %gt3A_1288, %mul3A_1289, %broadcast_in_dim3A_1290 : vector<16xi1>, vector<16xf32>
          %bitcast_convert_type3A_1292 = tpu.bitcast %select_n3A_963 : vector<16xf32> -> vector<16xi32>
          %shift_right_logical3A_1293 = arith.constant 1 : i32
          %shift_right_logical3A_1294 = vector.broadcast %shift_right_logical3A_1293 : i32 to vector<16xi32>
          %shift_right_logical3A_1295 = arith.shrui %bitcast_convert_type3A_1292, %shift_right_logical3A_1294 : vector<16xi32>
          %sub3A_1296 = arith.constant 1597463007 : i32
          %sub3A_1297 = vector.broadcast %sub3A_1296 : i32 to vector<16xi32>
          %sub3A_1298 = arith.subi %sub3A_1297, %shift_right_logical3A_1295 : vector<16xi32>
          %bitcast_convert_type3A_1299 = tpu.bitcast %sub3A_1298 : vector<16xi32> -> vector<16xf32>
          %mul3A_1300 = arith.constant 5.000000e-01 : f32
          %mul3A_1301 = vector.broadcast %mul3A_1300 : f32 to vector<16xf32>
          %mul3A_1302 = arith.mulf %mul3A_1301, %select_n3A_963 : vector<16xf32>
          %mul3A_1303 = arith.mulf %mul3A_1302, %bitcast_convert_type3A_1299 : vector<16xf32>
          %mul3A_1304 = arith.mulf %mul3A_1303, %bitcast_convert_type3A_1299 : vector<16xf32>
          %sub3A_1305 = arith.constant 1.500000e+00 : f32
          %sub3A_1306 = vector.broadcast %sub3A_1305 : f32 to vector<16xf32>
          %sub3A_1307 = arith.subf %sub3A_1306, %mul3A_1304 : vector<16xf32>
          %mul3A_1308 = arith.mulf %bitcast_convert_type3A_1299, %sub3A_1307 : vector<16xf32>
          %mul3A_1309 = arith.constant 5.000000e-01 : f32
          %mul3A_1310 = vector.broadcast %mul3A_1309 : f32 to vector<16xf32>
          %mul3A_1311 = arith.mulf %mul3A_1310, %select_n3A_963 : vector<16xf32>
          %mul3A_1312 = arith.mulf %mul3A_1311, %mul3A_1308 : vector<16xf32>
          %mul3A_1313 = arith.mulf %mul3A_1312, %mul3A_1308 : vector<16xf32>
          %sub3A_1314 = arith.constant 1.500000e+00 : f32
          %sub3A_1315 = vector.broadcast %sub3A_1314 : f32 to vector<16xf32>
          %sub3A_1316 = arith.subf %sub3A_1315, %mul3A_1313 : vector<16xf32>
          %mul3A_1317 = arith.mulf %mul3A_1308, %sub3A_1316 : vector<16xf32>
          %mul3A_1318 = arith.constant 5.000000e-01 : f32
          %mul3A_1319 = vector.broadcast %mul3A_1318 : f32 to vector<16xf32>
          %mul3A_1320 = arith.mulf %mul3A_1319, %select_n3A_963 : vector<16xf32>
          %mul3A_1321 = arith.mulf %mul3A_1320, %mul3A_1317 : vector<16xf32>
          %mul3A_1322 = arith.mulf %mul3A_1321, %mul3A_1317 : vector<16xf32>
          %sub3A_1323 = arith.constant 1.500000e+00 : f32
          %sub3A_1324 = vector.broadcast %sub3A_1323 : f32 to vector<16xf32>
          %sub3A_1325 = arith.subf %sub3A_1324, %mul3A_1322 : vector<16xf32>
          %mul3A_1326 = arith.mulf %mul3A_1317, %sub3A_1325 : vector<16xf32>
          %gt3A_1327 = arith.constant 0.000000e+00 : f32
          %gt3A_1328 = vector.broadcast %gt3A_1327 : f32 to vector<16xf32>
          %gt3A_1329 = arith.cmpf ogt, %select_n3A_963, %gt3A_1328 : vector<16xf32>
          %mul3A_1330 = arith.mulf %select_n3A_963, %mul3A_1326 : vector<16xf32>
          %jit3A_1331 = arith.constant 0.000000e+00 : f32
          %broadcast_in_dim3A_1332 = vector.broadcast %jit3A_1331 : f32 to vector<16xf32>
          %select_n3A_1333 = arith.select %gt3A_1329, %mul3A_1330, %broadcast_in_dim3A_1332 : vector<16xi1>, vector<16xf32>
          %add3A_1334 = arith.addf %select_n3A_1291, %select_n3A_1333 : vector<16xf32>
          %mul3A_1335 = arith.constant 2.500000e-01 : f32
          %mul3A_1336 = vector.broadcast %mul3A_1335 : f32 to vector<16xf32>
          %mul3A_1337 = arith.mulf %mul3A_1336, %add3A_1334 : vector<16xf32>
          %sub3A_1338 = arith.subf %mul3A_1253, %mul3A_1337 : vector<16xf32>
          %add3A_1339 = arith.addi %mul3A_131, %scan3A_695 : i32
          %sub3A_1340 = arith.constant 15 : i32
          %sub3A_1341 = arith.subi %add3A_1339, %sub3A_1340 : i32
          %swap3A = arith.index_cast %sub3A_1341 : i32 to index
          %swap3A_1342 = tpu.vector_load %arg22[%swap3A] {strides = array<i32>} : memref<512xf32, #tpu.memory_space<vmem>>, vector<16xf32>,
          tpu.vector_store %arg22[%swap3A], %sub3A_1338 {strides = array<i32>} : memref<512xf32, #tpu.memory_space<vmem>>, vector<16xf32>,
        } else {
        }
        %scan3A_971 = arith.constant 3 : i32
        %scan3A_972 = arith.addi %scan3A_145, %scan3A_971 : i32
        %broadcast_in_dim3A_973 = arith.constant 0.000000e+00 : f32
        %broadcast_in_dim3A_974 = vector.broadcast %broadcast_in_dim3A_973 : f32 to vector<16xf32>
        %broadcast_in_dim3A_975 = arith.constant 0.000000e+00 : f32
        %broadcast_in_dim3A_976 = vector.broadcast %broadcast_in_dim3A_975 : f32 to vector<16xf32>
        %broadcast_in_dim3A_977 = arith.constant 0.000000e+00 : f32
        %broadcast_in_dim3A_978 = vector.broadcast %broadcast_in_dim3A_977 : f32 to vector<16xf32>
        %get3A_979 = arith.index_cast %scan3A_972 : i32 to index
        %get3A_980 = arith.constant 0 : index
        %get3A_981 = tpu.vector_load %arg17[%get3A_979, %get3A_980] {strides = array<i32>} : memref<64x128xf32, #tpu.memory_space<vmem>>, vector<16xf32>,
        %get3A_982 = arith.index_cast %scan3A_972 : i32 to index
        %get3A_983 = arith.constant 0 : index
        %get3A_984 = tpu.vector_load %arg18[%get3A_982, %get3A_983] {strides = array<i32>} : memref<64x128xf32, #tpu.memory_space<vmem>>, vector<16xf32>,
        %get3A_985 = arith.index_cast %scan3A_972 : i32 to index
        %get3A_986 = arith.constant 0 : index
        %get3A_987 = tpu.vector_load %arg19[%get3A_985, %get3A_986] {strides = array<i32>} : memref<64x128xf32, #tpu.memory_space<vmem>>, vector<16xf32>,
        %get3A_988 = arith.index_cast %scan3A_972 : i32 to index
        %get3A_989 = arith.constant 0 : index
        %get3A_990 = tpu.vector_load %arg20[%get3A_988, %get3A_989] {strides = array<i32>} : memref<64x128xf32, #tpu.memory_space<vmem>>, vector<16xf32>,
        %get3A_991 = arith.index_cast %scan3A_972 : i32 to index
        %get3A_992 = arith.constant 0 : index
        %get3A_993 = tpu.vector_load %arg21[%get3A_991, %get3A_992] {strides = array<i32>} : memref<64x128xf32, #tpu.memory_space<vmem>>, vector<16xf32>,
        %add3A_994 = arith.addf %get3A_984, %get3A_990 : vector<16xf32>
        %add3A_995 = arith.addf %get3A_987, %get3A_993 : vector<16xf32>
        %sub3A_996 = arith.subf %add3A_994, %add3A_995 : vector<16xf32>
        %mul3A_997 = arith.constant 5.000000e-01 : f32
        %mul3A_998 = vector.broadcast %mul3A_997 : f32 to vector<16xf32>
        %mul3A_999 = arith.mulf %mul3A_998, %sub3A_996 : vector<16xf32>
        %add3A_1000 = arith.addf %mul3A_999, %get3A_981 : vector<16xf32>
        %abs3A_1001 = math.absf %add3A_1000 : vector<16xf32>
        %add3A_1002 = arith.addf %broadcast_in_dim3A_974, %abs3A_1001 : vector<16xf32>
        %sub3A_1003 = arith.subf %get3A_984, %get3A_990 : vector<16xf32>
        %sub3A_1004 = arith.subf %get3A_987, %get3A_993 : vector<16xf32>
        %mul3A_1005 = arith.mulf %sub3A_1003, %sub3A_1003 : vector<16xf32>
        %add3A_1006 = arith.addf %broadcast_in_dim3A_976, %mul3A_1005 : vector<16xf32>
        %mul3A_1007 = arith.mulf %sub3A_1004, %sub3A_1004 : vector<16xf32>
        %add3A_1008 = arith.addf %broadcast_in_dim3A_978, %mul3A_1007 : vector<16xf32>
        %get3A_1009 = arith.index_cast %scan3A_972 : i32 to index
        %get3A_1010 = arith.constant 16 : index
        %get3A_1011 = tpu.vector_load %arg17[%get3A_1009, %get3A_1010] {strides = array<i32>} : memref<64x128xf32, #tpu.memory_space<vmem>>, vector<16xf32>,
        %get3A_1012 = arith.index_cast %scan3A_972 : i32 to index
        %get3A_1013 = arith.constant 16 : index
        %get3A_1014 = tpu.vector_load %arg18[%get3A_1012, %get3A_1013] {strides = array<i32>} : memref<64x128xf32, #tpu.memory_space<vmem>>, vector<16xf32>,
        %get3A_1015 = arith.index_cast %scan3A_972 : i32 to index
        %get3A_1016 = arith.constant 16 : index
        %get3A_1017 = tpu.vector_load %arg19[%get3A_1015, %get3A_1016] {strides = array<i32>} : memref<64x128xf32, #tpu.memory_space<vmem>>, vector<16xf32>,
        %get3A_1018 = arith.index_cast %scan3A_972 : i32 to index
        %get3A_1019 = arith.constant 16 : index
        %get3A_1020 = tpu.vector_load %arg20[%get3A_1018, %get3A_1019] {strides = array<i32>} : memref<64x128xf32, #tpu.memory_space<vmem>>, vector<16xf32>,
        %get3A_1021 = arith.index_cast %scan3A_972 : i32 to index
        %get3A_1022 = arith.constant 16 : index
        %get3A_1023 = tpu.vector_load %arg21[%get3A_1021, %get3A_1022] {strides = array<i32>} : memref<64x128xf32, #tpu.memory_space<vmem>>, vector<16xf32>,
        %add3A_1024 = arith.addf %get3A_1014, %get3A_1020 : vector<16xf32>
        %add3A_1025 = arith.addf %get3A_1017, %get3A_1023 : vector<16xf32>
        %sub3A_1026 = arith.subf %add3A_1024, %add3A_1025 : vector<16xf32>
        %mul3A_1027 = arith.constant 5.000000e-01 : f32
        %mul3A_1028 = vector.broadcast %mul3A_1027 : f32 to vector<16xf32>
        %mul3A_1029 = arith.mulf %mul3A_1028, %sub3A_1026 : vector<16xf32>
        %add3A_1030 = arith.addf %mul3A_1029, %get3A_1011 : vector<16xf32>
        %abs3A_1031 = math.absf %add3A_1030 : vector<16xf32>
        %add3A_1032 = arith.addf %add3A_1002, %abs3A_1031 : vector<16xf32>
        %sub3A_1033 = arith.subf %get3A_1014, %get3A_1020 : vector<16xf32>
        %sub3A_1034 = arith.subf %get3A_1017, %get3A_1023 : vector<16xf32>
        %mul3A_1035 = arith.mulf %sub3A_1033, %sub3A_1033 : vector<16xf32>
        %add3A_1036 = arith.addf %add3A_1006, %mul3A_1035 : vector<16xf32>
        %mul3A_1037 = arith.mulf %sub3A_1034, %sub3A_1034 : vector<16xf32>
        %add3A_1038 = arith.addf %add3A_1008, %mul3A_1037 : vector<16xf32>
        %get3A_1039 = arith.index_cast %scan3A_972 : i32 to index
        %get3A_1040 = arith.constant 32 : index
        %get3A_1041 = tpu.vector_load %arg17[%get3A_1039, %get3A_1040] {strides = array<i32>} : memref<64x128xf32, #tpu.memory_space<vmem>>, vector<16xf32>,
        %get3A_1042 = arith.index_cast %scan3A_972 : i32 to index
        %get3A_1043 = arith.constant 32 : index
        %get3A_1044 = tpu.vector_load %arg18[%get3A_1042, %get3A_1043] {strides = array<i32>} : memref<64x128xf32, #tpu.memory_space<vmem>>, vector<16xf32>,
        %get3A_1045 = arith.index_cast %scan3A_972 : i32 to index
        %get3A_1046 = arith.constant 32 : index
        %get3A_1047 = tpu.vector_load %arg19[%get3A_1045, %get3A_1046] {strides = array<i32>} : memref<64x128xf32, #tpu.memory_space<vmem>>, vector<16xf32>,
        %get3A_1048 = arith.index_cast %scan3A_972 : i32 to index
        %get3A_1049 = arith.constant 32 : index
        %get3A_1050 = tpu.vector_load %arg20[%get3A_1048, %get3A_1049] {strides = array<i32>} : memref<64x128xf32, #tpu.memory_space<vmem>>, vector<16xf32>,
        %get3A_1051 = arith.index_cast %scan3A_972 : i32 to index
        %get3A_1052 = arith.constant 32 : index
        %get3A_1053 = tpu.vector_load %arg21[%get3A_1051, %get3A_1052] {strides = array<i32>} : memref<64x128xf32, #tpu.memory_space<vmem>>, vector<16xf32>,
        %add3A_1054 = arith.addf %get3A_1044, %get3A_1050 : vector<16xf32>
        %add3A_1055 = arith.addf %get3A_1047, %get3A_1053 : vector<16xf32>
        %sub3A_1056 = arith.subf %add3A_1054, %add3A_1055 : vector<16xf32>
        %mul3A_1057 = arith.constant 5.000000e-01 : f32
        %mul3A_1058 = vector.broadcast %mul3A_1057 : f32 to vector<16xf32>
        %mul3A_1059 = arith.mulf %mul3A_1058, %sub3A_1056 : vector<16xf32>
        %add3A_1060 = arith.addf %mul3A_1059, %get3A_1041 : vector<16xf32>
        %abs3A_1061 = math.absf %add3A_1060 : vector<16xf32>
        %add3A_1062 = arith.addf %add3A_1032, %abs3A_1061 : vector<16xf32>
        %sub3A_1063 = arith.subf %get3A_1044, %get3A_1050 : vector<16xf32>
        %sub3A_1064 = arith.subf %get3A_1047, %get3A_1053 : vector<16xf32>
        %mul3A_1065 = arith.mulf %sub3A_1063, %sub3A_1063 : vector<16xf32>
        %add3A_1066 = arith.addf %add3A_1036, %mul3A_1065 : vector<16xf32>
        %mul3A_1067 = arith.mulf %sub3A_1064, %sub3A_1064 : vector<16xf32>
        %add3A_1068 = arith.addf %add3A_1038, %mul3A_1067 : vector<16xf32>
        %get3A_1069 = arith.index_cast %scan3A_972 : i32 to index
        %get3A_1070 = arith.constant 48 : index
        %get3A_1071 = tpu.vector_load %arg17[%get3A_1069, %get3A_1070] {strides = array<i32>} : memref<64x128xf32, #tpu.memory_space<vmem>>, vector<16xf32>,
        %get3A_1072 = arith.index_cast %scan3A_972 : i32 to index
        %get3A_1073 = arith.constant 48 : index
        %get3A_1074 = tpu.vector_load %arg18[%get3A_1072, %get3A_1073] {strides = array<i32>} : memref<64x128xf32, #tpu.memory_space<vmem>>, vector<16xf32>,
        %get3A_1075 = arith.index_cast %scan3A_972 : i32 to index
        %get3A_1076 = arith.constant 48 : index
        %get3A_1077 = tpu.vector_load %arg19[%get3A_1075, %get3A_1076] {strides = array<i32>} : memref<64x128xf32, #tpu.memory_space<vmem>>, vector<16xf32>,
        %get3A_1078 = arith.index_cast %scan3A_972 : i32 to index
        %get3A_1079 = arith.constant 48 : index
        %get3A_1080 = tpu.vector_load %arg20[%get3A_1078, %get3A_1079] {strides = array<i32>} : memref<64x128xf32, #tpu.memory_space<vmem>>, vector<16xf32>,
        %get3A_1081 = arith.index_cast %scan3A_972 : i32 to index
        %get3A_1082 = arith.constant 48 : index
        %get3A_1083 = tpu.vector_load %arg21[%get3A_1081, %get3A_1082] {strides = array<i32>} : memref<64x128xf32, #tpu.memory_space<vmem>>, vector<16xf32>,
        %add3A_1084 = arith.addf %get3A_1074, %get3A_1080 : vector<16xf32>
        %add3A_1085 = arith.addf %get3A_1077, %get3A_1083 : vector<16xf32>
        %sub3A_1086 = arith.subf %add3A_1084, %add3A_1085 : vector<16xf32>
        %mul3A_1087 = arith.constant 5.000000e-01 : f32
        %mul3A_1088 = vector.broadcast %mul3A_1087 : f32 to vector<16xf32>
        %mul3A_1089 = arith.mulf %mul3A_1088, %sub3A_1086 : vector<16xf32>
        %add3A_1090 = arith.addf %mul3A_1089, %get3A_1071 : vector<16xf32>
        %abs3A_1091 = math.absf %add3A_1090 : vector<16xf32>
        %add3A_1092 = arith.addf %add3A_1062, %abs3A_1091 : vector<16xf32>
        %sub3A_1093 = arith.subf %get3A_1074, %get3A_1080 : vector<16xf32>
        %sub3A_1094 = arith.subf %get3A_1077, %get3A_1083 : vector<16xf32>
        %mul3A_1095 = arith.mulf %sub3A_1093, %sub3A_1093 : vector<16xf32>
        %add3A_1096 = arith.addf %add3A_1066, %mul3A_1095 : vector<16xf32>
        %mul3A_1097 = arith.mulf %sub3A_1094, %sub3A_1094 : vector<16xf32>
        %add3A_1098 = arith.addf %add3A_1068, %mul3A_1097 : vector<16xf32>
        %get3A_1099 = arith.index_cast %scan3A_972 : i32 to index
        %get3A_1100 = arith.constant 64 : index
        %get3A_1101 = tpu.vector_load %arg17[%get3A_1099, %get3A_1100] {strides = array<i32>} : memref<64x128xf32, #tpu.memory_space<vmem>>, vector<16xf32>,
        %get3A_1102 = arith.index_cast %scan3A_972 : i32 to index
        %get3A_1103 = arith.constant 64 : index
        %get3A_1104 = tpu.vector_load %arg18[%get3A_1102, %get3A_1103] {strides = array<i32>} : memref<64x128xf32, #tpu.memory_space<vmem>>, vector<16xf32>,
        %get3A_1105 = arith.index_cast %scan3A_972 : i32 to index
        %get3A_1106 = arith.constant 64 : index
        %get3A_1107 = tpu.vector_load %arg19[%get3A_1105, %get3A_1106] {strides = array<i32>} : memref<64x128xf32, #tpu.memory_space<vmem>>, vector<16xf32>,
        %get3A_1108 = arith.index_cast %scan3A_972 : i32 to index
        %get3A_1109 = arith.constant 64 : index
        %get3A_1110 = tpu.vector_load %arg20[%get3A_1108, %get3A_1109] {strides = array<i32>} : memref<64x128xf32, #tpu.memory_space<vmem>>, vector<16xf32>,
        %get3A_1111 = arith.index_cast %scan3A_972 : i32 to index
        %get3A_1112 = arith.constant 64 : index
        %get3A_1113 = tpu.vector_load %arg21[%get3A_1111, %get3A_1112] {strides = array<i32>} : memref<64x128xf32, #tpu.memory_space<vmem>>, vector<16xf32>,
        %add3A_1114 = arith.addf %get3A_1104, %get3A_1110 : vector<16xf32>
        %add3A_1115 = arith.addf %get3A_1107, %get3A_1113 : vector<16xf32>
        %sub3A_1116 = arith.subf %add3A_1114, %add3A_1115 : vector<16xf32>
        %mul3A_1117 = arith.constant 5.000000e-01 : f32
        %mul3A_1118 = vector.broadcast %mul3A_1117 : f32 to vector<16xf32>
        %mul3A_1119 = arith.mulf %mul3A_1118, %sub3A_1116 : vector<16xf32>
        %add3A_1120 = arith.addf %mul3A_1119, %get3A_1101 : vector<16xf32>
        %abs3A_1121 = math.absf %add3A_1120 : vector<16xf32>
        %add3A_1122 = arith.addf %add3A_1092, %abs3A_1121 : vector<16xf32>
        %sub3A_1123 = arith.subf %get3A_1104, %get3A_1110 : vector<16xf32>
        %sub3A_1124 = arith.subf %get3A_1107, %get3A_1113 : vector<16xf32>
        %mul3A_1125 = arith.mulf %sub3A_1123, %sub3A_1123 : vector<16xf32>
        %add3A_1126 = arith.addf %add3A_1096, %mul3A_1125 : vector<16xf32>
        %mul3A_1127 = arith.mulf %sub3A_1124, %sub3A_1124 : vector<16xf32>
        %add3A_1128 = arith.addf %add3A_1098, %mul3A_1127 : vector<16xf32>
        %get3A_1129 = arith.index_cast %scan3A_972 : i32 to index
        %get3A_1130 = arith.constant 80 : index
        %get3A_1131 = tpu.vector_load %arg17[%get3A_1129, %get3A_1130] {strides = array<i32>} : memref<64x128xf32, #tpu.memory_space<vmem>>, vector<16xf32>,
        %get3A_1132 = arith.index_cast %scan3A_972 : i32 to index
        %get3A_1133 = arith.constant 80 : index
        %get3A_1134 = tpu.vector_load %arg18[%get3A_1132, %get3A_1133] {strides = array<i32>} : memref<64x128xf32, #tpu.memory_space<vmem>>, vector<16xf32>,
        %get3A_1135 = arith.index_cast %scan3A_972 : i32 to index
        %get3A_1136 = arith.constant 80 : index
        %get3A_1137 = tpu.vector_load %arg19[%get3A_1135, %get3A_1136] {strides = array<i32>} : memref<64x128xf32, #tpu.memory_space<vmem>>, vector<16xf32>,
        %get3A_1138 = arith.index_cast %scan3A_972 : i32 to index
        %get3A_1139 = arith.constant 80 : index
        %get3A_1140 = tpu.vector_load %arg20[%get3A_1138, %get3A_1139] {strides = array<i32>} : memref<64x128xf32, #tpu.memory_space<vmem>>, vector<16xf32>,
        %get3A_1141 = arith.index_cast %scan3A_972 : i32 to index
        %get3A_1142 = arith.constant 80 : index
        %get3A_1143 = tpu.vector_load %arg21[%get3A_1141, %get3A_1142] {strides = array<i32>} : memref<64x128xf32, #tpu.memory_space<vmem>>, vector<16xf32>,
        %add3A_1144 = arith.addf %get3A_1134, %get3A_1140 : vector<16xf32>
        %add3A_1145 = arith.addf %get3A_1137, %get3A_1143 : vector<16xf32>
        %sub3A_1146 = arith.subf %add3A_1144, %add3A_1145 : vector<16xf32>
        %mul3A_1147 = arith.constant 5.000000e-01 : f32
        %mul3A_1148 = vector.broadcast %mul3A_1147 : f32 to vector<16xf32>
        %mul3A_1149 = arith.mulf %mul3A_1148, %sub3A_1146 : vector<16xf32>
        %add3A_1150 = arith.addf %mul3A_1149, %get3A_1131 : vector<16xf32>
        %abs3A_1151 = math.absf %add3A_1150 : vector<16xf32>
        %add3A_1152 = arith.addf %add3A_1122, %abs3A_1151 : vector<16xf32>
        %sub3A_1153 = arith.subf %get3A_1134, %get3A_1140 : vector<16xf32>
        %sub3A_1154 = arith.subf %get3A_1137, %get3A_1143 : vector<16xf32>
        %mul3A_1155 = arith.mulf %sub3A_1153, %sub3A_1153 : vector<16xf32>
        %add3A_1156 = arith.addf %add3A_1126, %mul3A_1155 : vector<16xf32>
        %mul3A_1157 = arith.mulf %sub3A_1154, %sub3A_1154 : vector<16xf32>
        %add3A_1158 = arith.addf %add3A_1128, %mul3A_1157 : vector<16xf32>
        %get3A_1159 = arith.index_cast %scan3A_972 : i32 to index
        %get3A_1160 = arith.constant 96 : index
        %get3A_1161 = tpu.vector_load %arg17[%get3A_1159, %get3A_1160] {strides = array<i32>} : memref<64x128xf32, #tpu.memory_space<vmem>>, vector<16xf32>,
        %get3A_1162 = arith.index_cast %scan3A_972 : i32 to index
        %get3A_1163 = arith.constant 96 : index
        %get3A_1164 = tpu.vector_load %arg18[%get3A_1162, %get3A_1163] {strides = array<i32>} : memref<64x128xf32, #tpu.memory_space<vmem>>, vector<16xf32>,
        %get3A_1165 = arith.index_cast %scan3A_972 : i32 to index
        %get3A_1166 = arith.constant 96 : index
        %get3A_1167 = tpu.vector_load %arg19[%get3A_1165, %get3A_1166] {strides = array<i32>} : memref<64x128xf32, #tpu.memory_space<vmem>>, vector<16xf32>,
        %get3A_1168 = arith.index_cast %scan3A_972 : i32 to index
        %get3A_1169 = arith.constant 96 : index
        %get3A_1170 = tpu.vector_load %arg20[%get3A_1168, %get3A_1169] {strides = array<i32>} : memref<64x128xf32, #tpu.memory_space<vmem>>, vector<16xf32>,
        %get3A_1171 = arith.index_cast %scan3A_972 : i32 to index
        %get3A_1172 = arith.constant 96 : index
        %get3A_1173 = tpu.vector_load %arg21[%get3A_1171, %get3A_1172] {strides = array<i32>} : memref<64x128xf32, #tpu.memory_space<vmem>>, vector<16xf32>,
        %add3A_1174 = arith.addf %get3A_1164, %get3A_1170 : vector<16xf32>
        %add3A_1175 = arith.addf %get3A_1167, %get3A_1173 : vector<16xf32>
        %sub3A_1176 = arith.subf %add3A_1174, %add3A_1175 : vector<16xf32>
        %mul3A_1177 = arith.constant 5.000000e-01 : f32
        %mul3A_1178 = vector.broadcast %mul3A_1177 : f32 to vector<16xf32>
        %mul3A_1179 = arith.mulf %mul3A_1178, %sub3A_1176 : vector<16xf32>
        %add3A_1180 = arith.addf %mul3A_1179, %get3A_1161 : vector<16xf32>
        %abs3A_1181 = math.absf %add3A_1180 : vector<16xf32>
        %add3A_1182 = arith.addf %add3A_1152, %abs3A_1181 : vector<16xf32>
        %sub3A_1183 = arith.subf %get3A_1164, %get3A_1170 : vector<16xf32>
        %sub3A_1184 = arith.subf %get3A_1167, %get3A_1173 : vector<16xf32>
        %mul3A_1185 = arith.mulf %sub3A_1183, %sub3A_1183 : vector<16xf32>
        %add3A_1186 = arith.addf %add3A_1156, %mul3A_1185 : vector<16xf32>
        %mul3A_1187 = arith.mulf %sub3A_1184, %sub3A_1184 : vector<16xf32>
        %add3A_1188 = arith.addf %add3A_1158, %mul3A_1187 : vector<16xf32>
        %get3A_1189 = arith.index_cast %scan3A_972 : i32 to index
        %get3A_1190 = arith.constant 112 : index
        %get3A_1191 = tpu.vector_load %arg17[%get3A_1189, %get3A_1190] {strides = array<i32>} : memref<64x128xf32, #tpu.memory_space<vmem>>, vector<16xf32>,
        %get3A_1192 = arith.index_cast %scan3A_972 : i32 to index
        %get3A_1193 = arith.constant 112 : index
        %get3A_1194 = tpu.vector_load %arg18[%get3A_1192, %get3A_1193] {strides = array<i32>} : memref<64x128xf32, #tpu.memory_space<vmem>>, vector<16xf32>,
        %get3A_1195 = arith.index_cast %scan3A_972 : i32 to index
        %get3A_1196 = arith.constant 112 : index
        %get3A_1197 = tpu.vector_load %arg19[%get3A_1195, %get3A_1196] {strides = array<i32>} : memref<64x128xf32, #tpu.memory_space<vmem>>, vector<16xf32>,
        %get3A_1198 = arith.index_cast %scan3A_972 : i32 to index
        %get3A_1199 = arith.constant 112 : index
        %get3A_1200 = tpu.vector_load %arg20[%get3A_1198, %get3A_1199] {strides = array<i32>} : memref<64x128xf32, #tpu.memory_space<vmem>>, vector<16xf32>,
        %get3A_1201 = arith.index_cast %scan3A_972 : i32 to index
        %get3A_1202 = arith.constant 112 : index
        %get3A_1203 = tpu.vector_load %arg21[%get3A_1201, %get3A_1202] {strides = array<i32>} : memref<64x128xf32, #tpu.memory_space<vmem>>, vector<16xf32>,
        %add3A_1204 = arith.addf %get3A_1194, %get3A_1200 : vector<16xf32>
        %add3A_1205 = arith.addf %get3A_1197, %get3A_1203 : vector<16xf32>
        %sub3A_1206 = arith.subf %add3A_1204, %add3A_1205 : vector<16xf32>
        %mul3A_1207 = arith.constant 5.000000e-01 : f32
        %mul3A_1208 = vector.broadcast %mul3A_1207 : f32 to vector<16xf32>
        %mul3A_1209 = arith.mulf %mul3A_1208, %sub3A_1206 : vector<16xf32>
        %add3A_1210 = arith.addf %mul3A_1209, %get3A_1191 : vector<16xf32>
        %abs3A_1211 = math.absf %add3A_1210 : vector<16xf32>
        %add3A_1212 = arith.addf %add3A_1182, %abs3A_1211 : vector<16xf32>
        %sub3A_1213 = arith.subf %get3A_1194, %get3A_1200 : vector<16xf32>
        %sub3A_1214 = arith.subf %get3A_1197, %get3A_1203 : vector<16xf32>
        %mul3A_1215 = arith.mulf %sub3A_1213, %sub3A_1213 : vector<16xf32>
        %add3A_1216 = arith.addf %add3A_1186, %mul3A_1215 : vector<16xf32>
        %mul3A_1217 = arith.mulf %sub3A_1214, %sub3A_1214 : vector<16xf32>
        %add3A_1218 = arith.addf %add3A_1188, %mul3A_1217 : vector<16xf32>
        %and3A_1219 = arith.constant 15 : i32
        %and3A_1220 = arith.andi %scan3A_972, %and3A_1219 : i32
        %eq3A_1221 = vector.broadcast %and3A_1220 : i32 to vector<16xi32>
        %eq3A_1222 = arith.cmpi eq, %iota3A, %eq3A_1221 : vector<16xi32>
        %reduce_sum3A_1223 = arith.constant true
        %reduce_sum3A_1224 = vector.broadcast %reduce_sum3A_1223 : i1 to vector<16xi1>
        %reduce_sum3A_1225 = tpu.scan <sum>, %add3A_1212 masked %reduce_sum3A_1224 : vector<16xf32>, vector<16xi1> -> vector<16xf32>
        %reduce_sum3A_1226 = vector.extract %reduce_sum3A_1225[15] : f32 from vector<16xf32>
        %broadcast_in_dim3A_1227 = vector.broadcast %reduce_sum3A_1226 : f32 to vector<16xf32>
        %select_n3A_1228 = arith.select %eq3A_1222, %broadcast_in_dim3A_1227, %select_n3A_951 : vector<16xi1>, vector<16xf32>
        %reduce_sum3A_1229 = arith.constant true
        %reduce_sum3A_1230 = vector.broadcast %reduce_sum3A_1229 : i1 to vector<16xi1>
        %reduce_sum3A_1231 = tpu.scan <sum>, %add3A_1216 masked %reduce_sum3A_1230 : vector<16xf32>, vector<16xi1> -> vector<16xf32>
        %reduce_sum3A_1232 = vector.extract %reduce_sum3A_1231[15] : f32 from vector<16xf32>
        %broadcast_in_dim3A_1233 = vector.broadcast %reduce_sum3A_1232 : f32 to vector<16xf32>
        %select_n3A_1234 = arith.select %eq3A_1222, %broadcast_in_dim3A_1233, %select_n3A_957 : vector<16xi1>, vector<16xf32>
        %reduce_sum3A_1235 = arith.constant true
        %reduce_sum3A_1236 = vector.broadcast %reduce_sum3A_1235 : i1 to vector<16xi1>
        %reduce_sum3A_1237 = tpu.scan <sum>, %add3A_1218 masked %reduce_sum3A_1236 : vector<16xf32>, vector<16xi1> -> vector<16xf32>
        %reduce_sum3A_1238 = vector.extract %reduce_sum3A_1237[15] : f32 from vector<16xf32>
        %broadcast_in_dim3A_1239 = vector.broadcast %reduce_sum3A_1238 : f32 to vector<16xf32>
        %select_n3A_1240 = arith.select %eq3A_1222, %broadcast_in_dim3A_1239, %select_n3A_963 : vector<16xi1>, vector<16xf32>
        %and3A_1241 = arith.constant 15 : i32
        %and3A_1242 = arith.andi %scan3A_972, %and3A_1241 : i32
        %eq3A_1243 = arith.constant 15 : i32
        %eq3A_1244 = arith.cmpi eq, %and3A_1242, %eq3A_1243 : i32
        %convert_element_type3A_1245 = arith.extui %eq3A_1244 : i1 to i32
        %cond3A_1246 = arith.constant 0 : i32
        %cond3A_1247 = arith.cmpi ne, %convert_element_type3A_1245, %cond3A_1246 : i32
        scf.if %cond3A_1247 {
          %sub3A_1248 = arith.constant 1.200000e+01 : f32
          %sub3A_1249 = vector.broadcast %sub3A_1248 : f32 to vector<16xf32>
          %sub3A_1250 = arith.subf %sub3A_1249, %select_n3A_1228 : vector<16xf32>
          %mul3A_1251 = arith.constant 1.000000e+00 : f32
          %mul3A_1252 = vector.broadcast %mul3A_1251 : f32 to vector<16xf32>
          %mul3A_1253 = arith.mulf %mul3A_1252, %sub3A_1250 : vector<16xf32>
          %bitcast_convert_type3A = tpu.bitcast %select_n3A_1234 : vector<16xf32> -> vector<16xi32>
          %shift_right_logical3A = arith.constant 1 : i32
          %shift_right_logical3A_1254 = vector.broadcast %shift_right_logical3A : i32 to vector<16xi32>
          %shift_right_logical3A_1255 = arith.shrui %bitcast_convert_type3A, %shift_right_logical3A_1254 : vector<16xi32>
          %sub3A_1256 = arith.constant 1597463007 : i32
          %sub3A_1257 = vector.broadcast %sub3A_1256 : i32 to vector<16xi32>
          %sub3A_1258 = arith.subi %sub3A_1257, %shift_right_logical3A_1255 : vector<16xi32>
          %bitcast_convert_type3A_1259 = tpu.bitcast %sub3A_1258 : vector<16xi32> -> vector<16xf32>
          %mul3A_1260 = arith.constant 5.000000e-01 : f32
          %mul3A_1261 = vector.broadcast %mul3A_1260 : f32 to vector<16xf32>
          %mul3A_1262 = arith.mulf %mul3A_1261, %select_n3A_1234 : vector<16xf32>
          %mul3A_1263 = arith.mulf %mul3A_1262, %bitcast_convert_type3A_1259 : vector<16xf32>
          %mul3A_1264 = arith.mulf %mul3A_1263, %bitcast_convert_type3A_1259 : vector<16xf32>
          %sub3A_1265 = arith.constant 1.500000e+00 : f32
          %sub3A_1266 = vector.broadcast %sub3A_1265 : f32 to vector<16xf32>
          %sub3A_1267 = arith.subf %sub3A_1266, %mul3A_1264 : vector<16xf32>
          %mul3A_1268 = arith.mulf %bitcast_convert_type3A_1259, %sub3A_1267 : vector<16xf32>
          %mul3A_1269 = arith.constant 5.000000e-01 : f32
          %mul3A_1270 = vector.broadcast %mul3A_1269 : f32 to vector<16xf32>
          %mul3A_1271 = arith.mulf %mul3A_1270, %select_n3A_1234 : vector<16xf32>
          %mul3A_1272 = arith.mulf %mul3A_1271, %mul3A_1268 : vector<16xf32>
          %mul3A_1273 = arith.mulf %mul3A_1272, %mul3A_1268 : vector<16xf32>
          %sub3A_1274 = arith.constant 1.500000e+00 : f32
          %sub3A_1275 = vector.broadcast %sub3A_1274 : f32 to vector<16xf32>
          %sub3A_1276 = arith.subf %sub3A_1275, %mul3A_1273 : vector<16xf32>
          %mul3A_1277 = arith.mulf %mul3A_1268, %sub3A_1276 : vector<16xf32>
          %mul3A_1278 = arith.constant 5.000000e-01 : f32
          %mul3A_1279 = vector.broadcast %mul3A_1278 : f32 to vector<16xf32>
          %mul3A_1280 = arith.mulf %mul3A_1279, %select_n3A_1234 : vector<16xf32>
          %mul3A_1281 = arith.mulf %mul3A_1280, %mul3A_1277 : vector<16xf32>
          %mul3A_1282 = arith.mulf %mul3A_1281, %mul3A_1277 : vector<16xf32>
          %sub3A_1283 = arith.constant 1.500000e+00 : f32
          %sub3A_1284 = vector.broadcast %sub3A_1283 : f32 to vector<16xf32>
          %sub3A_1285 = arith.subf %sub3A_1284, %mul3A_1282 : vector<16xf32>
          %mul3A_1286 = arith.mulf %mul3A_1277, %sub3A_1285 : vector<16xf32>
          %gt3A = arith.constant 0.000000e+00 : f32
          %gt3A_1287 = vector.broadcast %gt3A : f32 to vector<16xf32>
          %gt3A_1288 = arith.cmpf ogt, %select_n3A_1234, %gt3A_1287 : vector<16xf32>
          %mul3A_1289 = arith.mulf %select_n3A_1234, %mul3A_1286 : vector<16xf32>
          %jit3A = arith.constant 0.000000e+00 : f32
          %broadcast_in_dim3A_1290 = vector.broadcast %jit3A : f32 to vector<16xf32>
          %select_n3A_1291 = arith.select %gt3A_1288, %mul3A_1289, %broadcast_in_dim3A_1290 : vector<16xi1>, vector<16xf32>
          %bitcast_convert_type3A_1292 = tpu.bitcast %select_n3A_1240 : vector<16xf32> -> vector<16xi32>
          %shift_right_logical3A_1293 = arith.constant 1 : i32
          %shift_right_logical3A_1294 = vector.broadcast %shift_right_logical3A_1293 : i32 to vector<16xi32>
          %shift_right_logical3A_1295 = arith.shrui %bitcast_convert_type3A_1292, %shift_right_logical3A_1294 : vector<16xi32>
          %sub3A_1296 = arith.constant 1597463007 : i32
          %sub3A_1297 = vector.broadcast %sub3A_1296 : i32 to vector<16xi32>
          %sub3A_1298 = arith.subi %sub3A_1297, %shift_right_logical3A_1295 : vector<16xi32>
          %bitcast_convert_type3A_1299 = tpu.bitcast %sub3A_1298 : vector<16xi32> -> vector<16xf32>
          %mul3A_1300 = arith.constant 5.000000e-01 : f32
          %mul3A_1301 = vector.broadcast %mul3A_1300 : f32 to vector<16xf32>
          %mul3A_1302 = arith.mulf %mul3A_1301, %select_n3A_1240 : vector<16xf32>
          %mul3A_1303 = arith.mulf %mul3A_1302, %bitcast_convert_type3A_1299 : vector<16xf32>
          %mul3A_1304 = arith.mulf %mul3A_1303, %bitcast_convert_type3A_1299 : vector<16xf32>
          %sub3A_1305 = arith.constant 1.500000e+00 : f32
          %sub3A_1306 = vector.broadcast %sub3A_1305 : f32 to vector<16xf32>
          %sub3A_1307 = arith.subf %sub3A_1306, %mul3A_1304 : vector<16xf32>
          %mul3A_1308 = arith.mulf %bitcast_convert_type3A_1299, %sub3A_1307 : vector<16xf32>
          %mul3A_1309 = arith.constant 5.000000e-01 : f32
          %mul3A_1310 = vector.broadcast %mul3A_1309 : f32 to vector<16xf32>
          %mul3A_1311 = arith.mulf %mul3A_1310, %select_n3A_1240 : vector<16xf32>
          %mul3A_1312 = arith.mulf %mul3A_1311, %mul3A_1308 : vector<16xf32>
          %mul3A_1313 = arith.mulf %mul3A_1312, %mul3A_1308 : vector<16xf32>
          %sub3A_1314 = arith.constant 1.500000e+00 : f32
          %sub3A_1315 = vector.broadcast %sub3A_1314 : f32 to vector<16xf32>
          %sub3A_1316 = arith.subf %sub3A_1315, %mul3A_1313 : vector<16xf32>
          %mul3A_1317 = arith.mulf %mul3A_1308, %sub3A_1316 : vector<16xf32>
          %mul3A_1318 = arith.constant 5.000000e-01 : f32
          %mul3A_1319 = vector.broadcast %mul3A_1318 : f32 to vector<16xf32>
          %mul3A_1320 = arith.mulf %mul3A_1319, %select_n3A_1240 : vector<16xf32>
          %mul3A_1321 = arith.mulf %mul3A_1320, %mul3A_1317 : vector<16xf32>
          %mul3A_1322 = arith.mulf %mul3A_1321, %mul3A_1317 : vector<16xf32>
          %sub3A_1323 = arith.constant 1.500000e+00 : f32
          %sub3A_1324 = vector.broadcast %sub3A_1323 : f32 to vector<16xf32>
          %sub3A_1325 = arith.subf %sub3A_1324, %mul3A_1322 : vector<16xf32>
          %mul3A_1326 = arith.mulf %mul3A_1317, %sub3A_1325 : vector<16xf32>
          %gt3A_1327 = arith.constant 0.000000e+00 : f32
          %gt3A_1328 = vector.broadcast %gt3A_1327 : f32 to vector<16xf32>
          %gt3A_1329 = arith.cmpf ogt, %select_n3A_1240, %gt3A_1328 : vector<16xf32>
          %mul3A_1330 = arith.mulf %select_n3A_1240, %mul3A_1326 : vector<16xf32>
          %jit3A_1331 = arith.constant 0.000000e+00 : f32
          %broadcast_in_dim3A_1332 = vector.broadcast %jit3A_1331 : f32 to vector<16xf32>
          %select_n3A_1333 = arith.select %gt3A_1329, %mul3A_1330, %broadcast_in_dim3A_1332 : vector<16xi1>, vector<16xf32>
          %add3A_1334 = arith.addf %select_n3A_1291, %select_n3A_1333 : vector<16xf32>
          %mul3A_1335 = arith.constant 2.500000e-01 : f32
          %mul3A_1336 = vector.broadcast %mul3A_1335 : f32 to vector<16xf32>
          %mul3A_1337 = arith.mulf %mul3A_1336, %add3A_1334 : vector<16xf32>
          %sub3A_1338 = arith.subf %mul3A_1253, %mul3A_1337 : vector<16xf32>
          %add3A_1339 = arith.addi %mul3A_131, %scan3A_972 : i32
          %sub3A_1340 = arith.constant 15 : i32
          %sub3A_1341 = arith.subi %add3A_1339, %sub3A_1340 : i32
          %swap3A = arith.index_cast %sub3A_1341 : i32 to index
          %swap3A_1342 = tpu.vector_load %arg22[%swap3A] {strides = array<i32>} : memref<512xf32, #tpu.memory_space<vmem>>, vector<16xf32>,
          tpu.vector_store %arg22[%swap3A], %sub3A_1338 {strides = array<i32>} : memref<512xf32, #tpu.memory_space<vmem>>, vector<16xf32>,
        } else {
        }
        scf.yield %select_n3A_1228, %select_n3A_1234, %select_n3A_1240 : vector<16xf32>, vector<16xf32>, vector<16xf32>
      }
      %scan3A_139 = arith.constant 64 : i32
      %lt3A_140 = arith.constant 3 : i32
      %lt3A_141 = arith.cmpi slt, %scan3A_68, %lt3A_140 : i32
      %convert_element_type3A_142 = arith.extui %lt3A_141 : i1 to i32
      %cond3A_143 = arith.constant 0 : i32
      %cond3A_144 = arith.cmpi ne, %convert_element_type3A_142, %cond3A_143 : i32
      scf.if %cond3A_144 {
        %add3A_145 = arith.constant 3 : i32
        %add3A_146 = arith.addi %mul3A_70, %add3A_145 : i32
        %mul3A_147 = arith.constant 64 : i32
        %mul3A_148 = arith.muli %add3A_146, %mul3A_147 : i32
        %dma_start3A_149 = tpu.memref_slice %arg10[%mul3A_148] : memref<512xi32, #tpu.memory_space<vmem>> -> memref<64xi32, #tpu.memory_space<vmem>>
        %dma_start3A_150 = arith.constant 0 : i32
        %dma_start3A_151 = arith.constant 0 : i32
        %dma_start3A_152 = tpu.memref_slice %arg2[%dma_start3A_150, %dma_start3A_151] : memref<100000x128xf32, #tpu.memory_space<hbm>> -> memref<100000x128xf32, #tpu.memory_space<hbm>>
        tpu.enqueue_indirect_dma source(%dma_start3A_152 : memref<100000x128xf32, #tpu.memory_space<hbm>>) target(%arg17 : memref<64x128xf32, #tpu.memory_space<vmem>>) offsets(%dma_start3A_149 : memref<64xi32, #tpu.memory_space<vmem>>) semaphore(%arg25 : memref<!tpu.dma_semaphore, #tpu.memory_space<semaphore_mem>>)
        %dma_start3A_153 = tpu.memref_slice %arg9[%mul3A_148] : memref<512xi32, #tpu.memory_space<vmem>> -> memref<64xi32, #tpu.memory_space<vmem>>
        %dma_start3A_154 = arith.constant 0 : i32
        %dma_start3A_155 = arith.constant 0 : i32
        %dma_start3A_156 = tpu.memref_slice %arg3[%dma_start3A_154, %dma_start3A_155] : memref<100000x128xf32, #tpu.memory_space<hbm>> -> memref<100000x128xf32, #tpu.memory_space<hbm>>
        tpu.enqueue_indirect_dma source(%dma_start3A_156 : memref<100000x128xf32, #tpu.memory_space<hbm>>) target(%arg18 : memref<64x128xf32, #tpu.memory_space<vmem>>) offsets(%dma_start3A_153 : memref<64xi32, #tpu.memory_space<vmem>>) semaphore(%arg25 : memref<!tpu.dma_semaphore, #tpu.memory_space<semaphore_mem>>)
        %dma_start3A_157 = tpu.memref_slice %arg11[%mul3A_148] : memref<512xi32, #tpu.memory_space<vmem>> -> memref<64xi32, #tpu.memory_space<vmem>>
        %dma_start3A_158 = arith.constant 0 : i32
        %dma_start3A_159 = arith.constant 0 : i32
        %dma_start3A_160 = tpu.memref_slice %arg3[%dma_start3A_158, %dma_start3A_159] : memref<100000x128xf32, #tpu.memory_space<hbm>> -> memref<100000x128xf32, #tpu.memory_space<hbm>>
        tpu.enqueue_indirect_dma source(%dma_start3A_160 : memref<100000x128xf32, #tpu.memory_space<hbm>>) target(%arg19 : memref<64x128xf32, #tpu.memory_space<vmem>>) offsets(%dma_start3A_157 : memref<64xi32, #tpu.memory_space<vmem>>) semaphore(%arg25 : memref<!tpu.dma_semaphore, #tpu.memory_space<semaphore_mem>>)
        %dma_start3A_161 = tpu.memref_slice %arg9[%mul3A_148] : memref<512xi32, #tpu.memory_space<vmem>> -> memref<64xi32, #tpu.memory_space<vmem>>
        %dma_start3A_162 = arith.constant 0 : i32
        %dma_start3A_163 = arith.constant 0 : i32
        %dma_start3A_164 = tpu.memref_slice %arg4[%dma_start3A_162, %dma_start3A_163] : memref<100000x128xf32, #tpu.memory_space<hbm>> -> memref<100000x128xf32, #tpu.memory_space<hbm>>
        tpu.enqueue_indirect_dma source(%dma_start3A_164 : memref<100000x128xf32, #tpu.memory_space<hbm>>) target(%arg20 : memref<64x128xf32, #tpu.memory_space<vmem>>) offsets(%dma_start3A_161 : memref<64xi32, #tpu.memory_space<vmem>>) semaphore(%arg25 : memref<!tpu.dma_semaphore, #tpu.memory_space<semaphore_mem>>)
        %dma_start3A_165 = tpu.memref_slice %arg11[%mul3A_148] : memref<512xi32, #tpu.memory_space<vmem>> -> memref<64xi32, #tpu.memory_space<vmem>>
        %dma_start3A_166 = arith.constant 0 : i32
        %dma_start3A_167 = arith.constant 0 : i32
        %dma_start3A_168 = tpu.memref_slice %arg4[%dma_start3A_166, %dma_start3A_167] : memref<100000x128xf32, #tpu.memory_space<hbm>> -> memref<100000x128xf32, #tpu.memory_space<hbm>>
        tpu.enqueue_indirect_dma source(%dma_start3A_168 : memref<100000x128xf32, #tpu.memory_space<hbm>>) target(%arg21 : memref<64x128xf32, #tpu.memory_space<vmem>>) offsets(%dma_start3A_165 : memref<64xi32, #tpu.memory_space<vmem>>) semaphore(%arg25 : memref<!tpu.dma_semaphore, #tpu.memory_space<semaphore_mem>>)
      } else {
      }
    }
    %scan3A_67 = arith.constant 4 : i32
    "tpu.region"() ({
      %run_scoped3A = tpu.sem_alloc : memref<!tpu.dma_semaphore, #tpu.memory_space<semaphore_mem>>
      %dma_start3A_68 = tpu.memref_slice %arg8[%mul3A_2] : memref<16384xf32, #tpu.memory_space<hbm>> -> memref<512xf32, #tpu.memory_space<hbm>>
      %dma_start3A_69 = tpu.memref_slice %arg8[%mul3A_2] : memref<16384xf32, #tpu.memory_space<hbm>> -> memref<512xf32, #tpu.memory_space<hbm>>
      tpu.enqueue_dma source(%arg22 : memref<512xf32, #tpu.memory_space<vmem>>) target(%dma_start3A_69 : memref<512xf32, #tpu.memory_space<hbm>>) target_semaphore(%run_scoped3A : memref<!tpu.dma_semaphore, #tpu.memory_space<semaphore_mem>>)
      %dma_wait3A_70 = tpu.memref_slice %arg8[%mul3A_2] : memref<16384xf32, #tpu.memory_space<hbm>> -> memref<512xf32, #tpu.memory_space<hbm>>
      %dma_wait3A_71 = tpu.memref_slice %arg8[%mul3A_2] : memref<16384xf32, #tpu.memory_space<hbm>> -> memref<512xf32, #tpu.memory_space<hbm>>
      tpu.wait_dma2 semaphore(%run_scoped3A : memref<!tpu.dma_semaphore, #tpu.memory_space<semaphore_mem>>) src(%arg22 : memref<512xf32, #tpu.memory_space<vmem>>) dst(%dma_wait3A_71 : memref<512xf32, #tpu.memory_space<hbm>>)
      tpu.yield
    }) : () -> ()
    return
  }
}

</mosaic_0001>

<sc_bundles>
// kernel: kernel.3.cloned.1.call-start
scs
__scs_entry_jumppad:
0x0: {  	(pc) =	sbr.rel $0x88, $3  }
0x1: {  	(tag) =	ssettag $0x0;
	lr =	simm.s32 $0x1  }
0x2: {  	[smem:$0x3F9D] =	sst lr;
	_ =	strace $0xD0000000  }
0x3: {  	_ = 	snop  }
0x4: {  	_ = 	snop  }
0x5: {  	_ = 	snop  }
0x6: {  	_ = 	snop  }
0x7: {  	_ = 	snop  }
__scs_overlays_trampoline_lowered:
0x8: {  	[smem:$0x3FAC] =	sst s0  }
0x9: {  	[smem:$0x3FAD] =	sst s1  }
0xa: {  	[smem:$0x3FAE] =	sst s2  }
0xb: {  	[smem:$0x3FAF] =	sst s3  }
0xc: {  	[smem:$0x3FB0] =	sst s4  }
0xd: {  	[smem:$0x3FB1] =	sst s5  }
0xe: {  	[smem:$0x3FB2] =	sst s6  }
0xf: {  	[smem:$0x3FB3] =	sst s7  }
0x10: {  	[smem:$0x3FB4] =	sst s8  }
0x11: {  	[smem:$0x3FB5] =	sst s9;
	s0 =	simm.s32 @!p0 $0x0  }
0x12: {  	s1 =	sld [smem:$0x3F9B];
	s0 =	simm.s32 @p0 $0x1  }
0x13: {  	[smem:$0x3FB6] =	sst s0;
	s0 =	simm.s32 @!p1 $0x0  }
0x14: {  	s2 =	sld [smem:$0x3F9A];
	s0 =	simm.s32 @p1 $0x1  }
0x15: {  	[smem:$0x3FB7] =	sst s0;
	s0 =	simm.s32 @!p2 $0x0  }
0x16: {  	s3 =	sld [smem:$0x3FDB];
	s0 =	simm.s32 @p2 $0x1  }
0x17: {  	s4 =	simm.s32 $0x1BF5;
	[smem:$0x3FB9] =	sst s0  }
0x18: {  	s0 =	sld [smem:$0x3F9C];
	_ =	swait.ge [sflag:s4], $0x0  }
0x19: {  	s7 =	sld [smem:$0x3F9D]  }
0x1a: {  	s8 =	sadd.s32 $0xFFFFE003, lr  }
0x1b: {  	s9 =	sadd.s32 $0xFFFFFEF7, lr;
	s5 =	simm.s32 $0xFFFFFFFF;
	p2 =	slt.u32 s8, $0xFFFFF086  }
0x1c: {  	p1 =	slt.u32 s9, $0xF7A;
	s5 =	simm.s32 @!p2 $0x0  }
0x1d: {  	s5 =	simm.s32 @p1 $0x1;
	p0 =	seq.s32 s7, s2  }
0x1e: {  	s7 =	smul.u32 @!p0 $0xF7A, s2;
	p2 =	seq.s32 @!p0 s5, $0x0  }
0x1f: {  	s9 =	smul.u32 $0xF7A, s1;
	s8 =	simm.s32 @!p0 $0x1BF5;
	p2 =	por !p2, p0  }
0x20: {  	[sflag:s8] =	ssyncset.s32 @!p0 $0xFFFFF086;
	s6 =	sadd.s32 @!p0 s3, s7;
	s7 =	simm.s32 @!p0 $0x108  }
0x21: {  	s3 =	sadd.s32 s3, s9;
	s6 =	sadd.s32 @!p0 $0x88, s6;
	s7 =	simm.s32 @p2 $0x1082  }
0x22: {  	[simem:s7], [sflag:s8] =	dma.local @!p0 [hbm:s6], $0xF7A  }
0x23: {  	s9 =	sor.u32 $0xD0000000, s2;
	s6 =	simm.s32 $0x108;
	_ =	swait.ge @!p0 [sflag:s8], $0x0  }
0x24: {  	s3 =	sadd.s32 $0x88, s3;
	s6 =	simm.s32 @!p1 $0x1082;
	[sflag:s4] =	ssyncset.s32 $0xFFFFF086  }
0x25: {  	[simem:s6], [sflag:s4] =	dma.local [hbm:s3], $0xF7A  }
0x26: {  	[smem:$0x3F9D] =	sst s1;
	(tag) =	ssettag s2;
	_ =	strace s9  }
0x27: {  	s1 =	sld [smem:$0x3FAD]  }
0x28: {  	s2 =	sld [smem:$0x3FAE]  }
0x29: {  	s4 =	sld [smem:$0x3FB0]  }
0x2a: {  	p0 =	seq.s32 s5, $0x0;
	s5 =	sld [smem:$0x3FB1]  }
0x2b: {  	s6 =	sld [smem:$0x3FB2]  }
0x2c: {  	s7 =	sld [smem:$0x3FB3]  }
0x2d: {  	s3 =	simm.s32 $0x108;
	s8 =	sld [smem:$0x3FB4]  }
0x2e: {  	s3 =	simm.s32 @!p0 $0x1082;
	s9 =	sld [smem:$0x3FB5]  }
0x2f: {  	lr =	sadd.s32 s0, s3;
	s0 =	sld [smem:$0x3FAC]  }
0x30: {  	s3 =	sld [smem:$0x3FAF]  }
0x31: {  	[smem:$0x3FB8] =	sst s10  }
0x32: {  	s10 =	sld [smem:$0x3FB6];
	_ =	sdelay $0x3  }
0x33: {  	p0 =	seq.s32 s10, $0x1;
	s10 =	sld [smem:$0x3FB8];
	_ =	sdelay $0x3  }
0x34: {  	[smem:$0x3FB8] =	sst s10  }
0x35: {  	s10 =	sld [smem:$0x3FB7];
	_ =	sdelay $0x3  }
0x36: {  	p1 =	seq.s32 s10, $0x1;
	s10 =	sld [smem:$0x3FB8];
	_ =	sdelay $0x3  }
0x37: {  	[smem:$0x3FB8] =	sst s10  }
0x38: {  	s10 =	sld [smem:$0x3FB9]  }
0x39: {  	_ = 	snop;
	(pc) =	sbr.ind lr, $3  }
0x3a: {  	_ = 	snop  }
0x3b: {  	_ = 	snop  }
0x3c: {  	p2 =	seq.s32 s10, $0x1;
	s10 =	sld [smem:$0x3FB8]  }
0x3d: {  	_ =	shalt  }
0x3e: {  	_ =	shalt  }
0x3f: {  	_ =	shalt  }
0x40: {  	_ =	shalt  }
0x41: {  	_ =	shalt  }
0x42: {  	_ =	shalt  }
0x43: {  	_ =	shalt  }
0x44: {  	_ =	shalt  }
0x45: {  	_ =	shalt  }
0x46: {  	_ =	shalt  }
0x47: {  	_ =	shalt  }
0x48: {  	_ =	shalt  }
0x49: {  	_ =	shalt  }
0x4a: {  	_ =	shalt  }
0x4b: {  	_ =	shalt  }
0x4c: {  	_ =	shalt  }
0x4d: {  	_ =	shalt  }
0x4e: {  	_ =	shalt  }
0x4f: {  	_ =	shalt  }
0x50: {  	_ =	shalt  }
0x51: {  	_ =	shalt  }
0x52: {  	_ =	shalt  }
0x53: {  	_ =	shalt  }
0x54: {  	_ =	shalt  }
0x55: {  	_ =	shalt  }
0x56: {  	_ =	shalt  }
0x57: {  	_ =	shalt  }
0x58: {  	_ =	shalt  }
0x59: {  	_ =	shalt  }
0x5a: {  	_ =	shalt  }
0x5b: {  	_ =	shalt  }
0x5c: {  	_ =	shalt  }
0x5d: {  	_ =	shalt  }
0x5e: {  	_ =	shalt  }
0x5f: {  	_ =	shalt  }
0x60: {  	_ =	shalt  }
0x61: {  	_ =	shalt  }
0x62: {  	_ =	shalt  }
0x63: {  	_ =	shalt  }
0x64: {  	_ =	shalt  }
0x65: {  	_ =	shalt  }
0x66: {  	_ =	shalt  }
0x67: {  	_ =	shalt  }
0x68: {  	_ =	shalt  }
0x69: {  	_ =	shalt  }
0x6a: {  	_ =	shalt  }
0x6b: {  	_ =	shalt  }
0x6c: {  	_ =	shalt  }
0x6d: {  	_ =	shalt  }
0x6e: {  	_ =	shalt  }
0x6f: {  	_ =	shalt  }
0x70: {  	_ =	shalt  }
0x71: {  	_ =	shalt  }
0x72: {  	_ =	shalt  }
0x73: {  	_ =	shalt  }
0x74: {  	_ =	shalt  }
0x75: {  	_ =	shalt  }
0x76: {  	_ =	shalt  }
0x77: {  	_ =	shalt  }
0x78: {  	_ =	shalt  }
0x79: {  	_ =	shalt  }
0x7a: {  	_ =	shalt  }
0x7b: {  	_ =	shalt  }
0x7c: {  	_ =	shalt  }
0x7d: {  	_ =	shalt  }
0x7e: {  	_ =	shalt  }
0x7f: {  	_ =	shalt  }
0x80: {  	_ =	shalt  }
0x81: {  	_ =	shalt  }
0x82: {  	_ =	shalt  }
0x83: {  	_ =	shalt  }
0x84: {  	_ =	shalt  }
0x85: {  	_ =	shalt  }
0x86: {  	_ =	shalt  }
0x87: {  	_ =	shalt  }
.Lfunc_end0:
.L_simem_size_0:
called_computation_lowered:
.L_overlay_start_0:
0x88: {  	s2 =	sld [smem:$0x3FD9]  }
0x89: {  	s3 =	sld [smem:$0x3FFE];
	_ =	sdelay $0x1  }
0x8a: {  	s1 =	srdreg.scid  }
0x8b: {  	s0 =	sand.u32 $0x1, s1  }
0x8c: {  	s17 =	sshll.u32 s0, $0xA;
	s2 =	sadd.s32 s3, s2  }
0x8d: {  	s2 =	sadd.s32 s2, s17  }
0x8e: {  	[smem:$0x3FC4] =	sst s2  }
0x8f: {  	_ = 	snop  }
0x90: {  	s2 =	sld [smem:$0x3FC8]  }
0x91: {  	s18 =	sld [smem:$0x3FC7]  }
0x92: {  	s4 =	sld [smem:$0x3FC6]  }
0x93: {  	s5 =	sld [smem:$0x3FD0];
	(tm) =	ssettm $0x1  }
0x94: {  	s6 =	sld [smem:$0x3FFB];
	_ =	sdelay $0x3  }
0x95: {  	_ =	strace s6  }
0x96: {  	s6 =	sld [smem:$0x3FFC];
	_ =	sdelay $0x3  }
0x97: {  	_ =	strace s6  }
0x98: {  	s6 =	sld [smem:$0x3FFD];
	_ =	sdelay $0x3  }
0x99: {  	_ =	strace s6  }
0x9a: {  	_ =	strace $0x8FFFFFFF  }
0x9b: {  	s19 =	sld [smem:$0x3FDB];
	_ =	sdelay $0x1  }
0x9c: {  	s7 =	simm.s32 $_scs_section_size  }
0x9d: {  	s8 =	simm.s32 $_size__tile_overlayer_lowered;
	s9 =	simm.s32 $_tile_overlayer_lowered  }
0x9e: {  	s22 =	simm.s32 $0x1BFF;
	s21 =	sshll.u32 s9, $0x1;
	s6 =	sadd.s32 s7, s19  }
0x9f: {  	s10 =	simm.s32 $0x0;
	s20 =	sshll.u32 s8, $0x1;
	s8 =	sadd.s32 s21, s6  }
0xa0: {  	[timem:s10], [sflag:s22] =	dma.local [hbm:s8], s20  }
0xa1: {  	_ =	swait.ge [sflag:s22], s20  }
0xa2: {  	s7 =	ssub.s32 $0x0, s20;
	[sflag:s22] =	ssyncset.done $0x0  }
0xa3: {  	[sflag:s22] =	ssyncadd.s32 s7;
	_ =	sdelay $0x1  }
0xa4: {  	s23 =	simm.s32 $0x1B8B  }
0xa5: {  	_ =	swait.ge [sflag:s23], $0x1  }
0xa6: {  	[sflag:s23] =	ssyncset.done $0x0  }
0xa7: {  	s25 =	simm.s32 $0x1B8E;
	s24 =	sld [smem:$0x3FFE];
	[sflag:s23] =	ssyncadd.s32 $0xFFFFFFFF  }
0xa8: {  	s26 =	simm.s32 $execute0_lowered;
	[smem:$0x3FD2] =	sst s25  }
0xa9: {  	s8 =	sshll.u32 s26, $0x1;
	_ =	strace $0x80000046;
	[dreg:$0x1] =	wrdreg $0xFFFFFFFF  }
0xaa: {  	s28 =	simm.s32 $_size_execute0_lowered;
	s6 =	sadd.s32 s6, s8;
	[dreg:$0x0] =	wrdreg $0x0  }
0xab: {  	s8 =	sshll.u32 s28, $0x1;
	[dreg:$0x2] =	wrdreg s6  }
0xac: {  	[dreg:$0x3] =	wrdreg s8  }
0xad: {  	[dreg:$0x4] =	wrdreg $0xC0  }
0xae: {  	_ =	task [dreg:s10], $0x5FFFF  }
0xaf: {  	[dreg:$0x1] =	wrdreg $0xFFFFFFFF  }
0xb0: {  	[dreg:$0x0] =	wrdreg $0x60  }
0xb1: {  	[dreg:$0x2] =	wrdreg s2  }
0xb2: {  	[dreg:$0x3] =	wrdreg s18  }
0xb3: {  	[dreg:$0x4] =	wrdreg s4  }
0xb4: {  	[dreg:$0x5] =	wrdreg s24  }
0xb5: {  	[dreg:$0x6] =	wrdreg s5  }
0xb6: {  	[dreg:$0x7] =	wrdreg $0x9  }
0xb7: {  	_ =	task.clear_ibuf [dreg:s10], $0x8FFFF;
	_ =	strace $0x90000046  }
0xb8: {  	s29 =	simm.s32 $0x9;
	_ =	strace $0x80000048  }
0xb9: {  	_ =	swait.ge [sflag:s29], $0x1  }
0xba: {  	[sflag:s29] =	ssyncadd.s32 $0xFFFFFFFF  }
0xbb: {  	_ =	strace $0x90000048  }
0xbc: {  	_ =	sfence  }
0xbd: {  	s30 =	sld [smem:$0x0];
	_ =	sdelay $0x2  }
0xbe: {  	s31 =	sshll.u32 s1, $0xD;
	s1 =	sshrl.u32 s1, $0x2  }
0xbf: {  	s3 =	sand.u32 $0x4000, s31;
	s1 =	sadd.s32 s1, s30  }
0xc0: {  	s0 =	sor.u32 s3, s0;
	s1 =	sshll.u32 s1, $0x11  }
0xc1: {  	s0 =	sor.u32 s1, s0  }
0xc2: {  	s0 =	sadd.s32 $0x8F2B, s0  }
0xc3: {  	[sflag:s0] =	ssyncadd.remote.s32 $0x1  }
0xc4: {  	_ =	sfence.sel $0xFFFF  }
0xc5: {  	[dreg:$0x0] =	wrdreg $0xFFFFFFFF;
	(pc) =	sbr.abs _section_cstart, $3  }
0xc6: {  	[dreg:$0x1] =	wrdreg $0xFFFFFFFF  }
0xc7: {  	_ =	task.clear_ibuf [dreg:s10], $0x2FFFF;
	_ =	strace $0x9FFFFFFF  }
0xc8: {  	(tm) =	ssettm $0x7FFFFFFF  }
0xc9: {  	_ =	shalt  }
tec
execute0_lowered:
.L_overlay_start_1:
0x0: {  	(tag) =	ssettag $0x1  }
0x1: {  	s1 =	rddreg [dreg:$0x0]  }
0x2: {  	s2 =	rddreg [dreg:$0x1]  }
0x3: {  	s3 =	rddreg [dreg:$0x2]  }
0x4: {  	s0 =	rddreg [dreg:$0x3]  }
0x5: {  	s4 =	rddreg [dreg:$0x4];
	s5 =	srdreg.scid  }
0x6: {  	s7 =	stileid.u32;
	s12 =	simm.s32 $0x400;
	s13 =	simm.s32 $0x1  }
0x7: {  	s14 =	simm.s32 $0x40;
	s21 =	simm.s32 $0xA600;
	s22 =	simm.s32 $0xC600  }
0x8: {  	s24 =	simm.s32 $0xE600;
	s28 =	simm.s32 $0x2;
	s29 =	simm.s32 $0x3  }
0x9: {  	s31 =	simm.s32 $0x4;
	s6 =	sand.u32 $0x1, s5;
	s5 =	simm.s32 $0x0  }
0xa: {  	s7 =	sshll.u32 s7, $0x7;
	s8 =	sshll.u32 s6, $0x6;
	[smem:$0x7FF] =	sst s5  }
0xb: {  	s6 =	ssub.s32 $0x2, s6;
	s7 =	sor.u32 s8, s7;
	_ =	strace $0x80000047  }
.Ltmp0:
0xc: {  	s25 =	sshrl.u32 s6, $0x1;
	s0 =	sadd.s32 s7, s0;
	(pc) =	sbr.rel .LBB2_1-.Ltmp0, $4  }
0xd: {  	s6 =	ssub.s32 s6, s25;
	s9 =	sadd.s32 s4, s7;
	s26 =	sadd.s32 $0x1600, s0  }
0xe: {  	s25 =	simm.s32 $0x10600;
	s30 =	sadd.s32 $0xE00, s0;
	[dreg:$0x6] =	wrdreg s26  }
0xf: {  	s0 =	sadd.s32 $0x600, s0;
	s10 =	smax.u32 s6, $0x1;
	[dreg:$0x7] =	wrdreg s30  }
0x10: {  	[dreg:$0x8] =	wrdreg s0;
	s26 =	simm.s32 $0x12600;
	s0 =	simm.s32 $0x0  }
.LBB2_8:
0x11: {  	s0 =	sadd.s32 $0x1, s0  }
0x12: {  	p0 =	sne.s32 s0, s10  }
.Ltmp1:
0x13: {  	s4 =	simm.s32 $0x14600;
	(pc) =	sbr.rel @!p0 .LBB2_9-.Ltmp1, $4  }
0x14: {  	[hbm4b:s9+s5] =	stream.linear.scatter [tilespmem:s4], [sflag:$0x4], $0x200, $0x38;
	[tilespmem:$0x14800] =	vst v63  }
0x15: {  	_ =	swait.ge [sflag:s31], $0x200  }
0x16: {  	[sflag:s31] =	ssyncset.done $0x0  }
0x17: {  	[sflag:s31] =	ssyncadd.s32 $0xFFFFFE00  }
.LBB2_1:
0x18: {  	s4 =	rddreg [dreg:$0x6]  }
0x19: {  	[tilespmem:s5], [sflag:$0x1] =	stream.linear.gather [hbm4b:s4+s5], $0x200, $0x38;
	[tilespmem:$0x14800] =	vst v63  }
0x1a: {  	s11 =	rddreg [dreg:$0x7];
	s6 =	simm.s32 $0x200  }
0x1b: {  	[tilespmem:s6], [sflag:$0x1] =	stream.linear.gather [hbm4b:s11+s5], $0x200, $0x38;
	[tilespmem:$0x14800] =	vst v63  }
0x1c: {  	s15 =	rddreg [dreg:$0x8]  }
0x1d: {  	[tilespmem:s12], [sflag:$0x1] =	stream.linear.gather [hbm4b:s15+s5], $0x200, $0x38;
	[tilespmem:$0x14800] =	vst v63  }
0x1e: {  	_ =	swait.ge [sflag:s13], $0x200  }
0x1f: {  	[sflag:s13] =	ssyncset.done $0x0  }
0x20: {  	[sflag:s13] =	ssyncadd.s32 $0xFFFFFE00  }
0x21: {  	_ =	swait.ge [sflag:s13], $0x200  }
0x22: {  	[sflag:s13] =	ssyncset.done $0x0  }
0x23: {  	[sflag:s13] =	ssyncadd.s32 $0xFFFFFE00  }
0x24: {  	_ =	swait.ge [sflag:s13], $0x200  }
0x25: {  	[sflag:s13] =	ssyncset.done $0x0  }
0x26: {  	s16 =	simm.s32 $0x600;
	[sflag:s13] =	ssyncadd.s32 $0xFFFFFE00  }
0x27: {  	[tilespmem:s16], [sflag:$0x2] =	stream.indirect.gather [hbm4b:s1+s14], $0x80, s6, s14, $0xb8;
	[tilespmem:$0x14800] =	vst v63  }
0x28: {  	s17 =	simm.s32 $0x2600  }
0x29: {  	[tilespmem:s17], [sflag:$0x2] =	stream.indirect.gather [hbm4b:s2+s14], $0x80, s5, s14, $0xb8;
	[tilespmem:$0x14800] =	vst v63  }
0x2a: {  	s18 =	simm.s32 $0x4600  }
0x2b: {  	[tilespmem:s18], [sflag:$0x2] =	stream.indirect.gather [hbm4b:s2+s14], $0x80, s12, s14, $0xb8;
	[tilespmem:$0x14800] =	vst v63  }
0x2c: {  	s19 =	simm.s32 $0x6600  }
0x2d: {  	[tilespmem:s19], [sflag:$0x2] =	stream.indirect.gather [hbm4b:s3+s14], $0x80, s5, s14, $0xb8;
	[tilespmem:$0x14800] =	vst v63  }
0x2e: {  	s20 =	simm.s32 $0x8600  }
0x2f: {  	[tilespmem:s20], [sflag:$0x2] =	stream.indirect.gather [hbm4b:s3+s14], $0x80, s12, s14, $0xb8;
	[tilespmem:$0x14800] =	vst v63  }
0x30: {  	s23 =	simm.s32 $0x240  }
0x31: {  	[tilespmem:s21], [sflag:$0x3] =	stream.indirect.gather [hbm4b:s1+s14], $0x80, s23, s14, $0xb8;
	[tilespmem:$0x14800] =	vst v63  }
0x32: {  	_ = 	snop  }
0x33: {  	[tilespmem:s22], [sflag:$0x3] =	stream.indirect.gather [hbm4b:s2+s14], $0x80, s14, s14, $0xb8;
	[tilespmem:$0x14800] =	vst v63  }
0x34: {  	s30 =	simm.s32 $0x440  }
0x35: {  	[tilespmem:s24], [sflag:$0x3] =	stream.indirect.gather [hbm4b:s2+s14], $0x80, s30, s14, $0xb8;
	[tilespmem:$0x14800] =	vst v63  }
0x36: {  	_ = 	snop  }
0x37: {  	[tilespmem:s25], [sflag:$0x3] =	stream.indirect.gather [hbm4b:s3+s14], $0x80, s14, s14, $0xb8;
	[tilespmem:$0x14800] =	vst v63  }
0x38: {  	s4 =	simm.s32 $0x145F4;
	s16 =	simm.s32 $0x0;
	s23 =	simm.s32 $0x14634  }
0x39: {  	[tilespmem:s26], [sflag:$0x3] =	stream.indirect.gather [hbm4b:s3+s14], $0x80, s30, s14, $0xb8;
	[tilespmem:$0x14800] =	vst v63  }
.LBB2_2:
0x3a: {  	_ =	swait.ge [sflag:s28], $0x2000  }
0x3b: {  	[sflag:s28] =	ssyncset.done $0x0  }
0x3c: {  	[sflag:s28] =	ssyncadd.s32 $0xFFFFE000  }
0x3d: {  	_ =	swait.ge [sflag:s28], $0x2000  }
0x3e: {  	[sflag:s28] =	ssyncset.done $0x0  }
0x3f: {  	[sflag:s28] =	ssyncadd.s32 $0xFFFFE000  }
0x40: {  	_ =	swait.ge [sflag:s28], $0x2000  }
0x41: {  	[sflag:s28] =	ssyncset.done $0x0  }
0x42: {  	[sflag:s28] =	ssyncadd.s32 $0xFFFFE000  }
0x43: {  	_ =	swait.ge [sflag:s28], $0x2000  }
0x44: {  	[sflag:s28] =	ssyncset.done $0x0  }
0x45: {  	s15 =	simm.s32 $0xFFFFFFFC;
	[sflag:s28] =	ssyncadd.s32 $0xFFFFE000  }
0x46: {  	s17 =	simm.s32 $0x6700;
	s18 =	simm.s32 $0x8700;
	_ =	swait.ge [sflag:s28], $0x2000  }
0x47: {  	s19 =	simm.s32 $0x4700;
	s20 =	simm.s32 $0x2700;
	[sflag:s28] =	ssyncset.done $0x0  }
0x48: {  	v2 =	vimm.f32 $0.0e+00;
	s30 =	simm.s32 $0x700;
	s11 =	smov.u32 s4;
	v43 =	vimm.f32 $0.0e+00;
	v3 =	vimm.f32 $0.0e+00;
	[sflag:s28] =	ssyncadd.s32 $0xFFFFE000  }
.LBB2_3:
0x49: {  	v54 =	vld [tilespmem:s19+$0x0]  }
0x4a: {  	v55 =	vld [tilespmem:s18+$0x0]  }
0x4b: {  	v52 =	vld [tilespmem:s19+$0x10]  }
0x4c: {  	v53 =	vld [tilespmem:s18+$0x10]  }
0x4d: {  	v22 =	vld [tilespmem:s19+$0x20]  }
0x4e: {  	v51 =	vld [tilespmem:s18+$0x20]  }
0x4f: {  	v48 =	vld [tilespmem:s19+$0x30]  }
0x50: {  	v50 =	vld [tilespmem:s18+$0x30]  }
0x51: {  	v47 =	vld [tilespmem:s19+$0x40]  }
0x52: {  	v49 =	vld [tilespmem:s18+$0x40]  }
0x53: {  	v45 =	vld [tilespmem:s19+$0x50]  }
0x54: {  	v46 =	vld [tilespmem:s18+$0x50]  }
0x55: {  	v38 =	vld [tilespmem:s19+$0x60]  }
0x56: {  	v41 =	vld [tilespmem:s18+$0x60]  }
0x57: {  	v44 =	vld [tilespmem:s19+$0x70]  }
0x58: {  	v37 =	vld [tilespmem:s18+$0x70]  }
0x59: {  	v5 =	vld [tilespmem:s19+$0xFFFFFF80]  }
0x5a: {  	v4 =	vld [tilespmem:s18+$0xFFFFFF80]  }
0x5b: {  	v6 =	vld [tilespmem:s19+$0xFFFFFF90]  }
0x5c: {  	v33 =	vld [tilespmem:s18+$0xFFFFFF90]  }
0x5d: {  	v28 =	vld [tilespmem:s19+$0xFFFFFFA0]  }
0x5e: {  	v29 =	vld [tilespmem:s18+$0xFFFFFFA0]  }
0x5f: {  	v20 =	vld [tilespmem:s19+$0xFFFFFFB0]  }
0x60: {  	v27 =	vld [tilespmem:s18+$0xFFFFFFB0]  }
0x61: {  	v13 =	vld [tilespmem:s19+$0xFFFFFFC0]  }
0x62: {  	v21 =	vld [tilespmem:s18+$0xFFFFFFC0]  }
0x63: {  	v23 =	vld [tilespmem:s19+$0xFFFFFFD0]  }
0x64: {  	v26 =	vld [tilespmem:s18+$0xFFFFFFD0]  }
0x65: {  	v16 =	vld [tilespmem:s19+$0xFFFFFFE0]  }
0x66: {  	v18 =	vld [tilespmem:s18+$0xFFFFFFE0]  }
0x67: {  	v32 =	vld [tilespmem:s19+$0xFFFFFFF0]  }
0x68: {  	v36 =	vld [tilespmem:s18+$0xFFFFFFF0]  }
0x69: {  	v7 =	vld [tilespmem:s19+$0xFFFFFF00]  }
0x6a: {  	v15 =	vld [tilespmem:s18+$0xFFFFFF00]  }
0x6b: {  	v8 =	vld [tilespmem:s19+$0xFFFFFF10]  }
0x6c: {  	v14 =	vld [tilespmem:s18+$0xFFFFFF10]  }
0x6d: {  	v10 =	vld [tilespmem:s19+$0xFFFFFF20]  }
0x6e: {  	v11 =	vld [tilespmem:s18+$0xFFFFFF20]  }
0x6f: {  	v9 =	vld [tilespmem:s19+$0xFFFFFF30]  }
0x70: {  	v12 =	vld [tilespmem:s18+$0xFFFFFF30]  }
0x71: {  	v17 =	vld [tilespmem:s19+$0xFFFFFF40]  }
0x72: {  	v25 =	vld [tilespmem:s18+$0xFFFFFF40]  }
0x73: {  	v19 =	vld [tilespmem:s19+$0xFFFFFF50]  }
0x74: {  	v24 =	vld [tilespmem:s18+$0xFFFFFF50]  }
0x75: {  	v30 =	vld [tilespmem:s19+$0xFFFFFF60]  }
0x76: {  	[tilespmem:$0x1FFF0] =	vst v3;
	v31 =	vld [tilespmem:s18+$0xFFFFFF60]  }
0x77: {  	v39 =	vld [tilespmem:s19+$0xFFFFFF70];
	[tilespmem:$0x1FD90] =	vst v38  }
0x78: {  	v40 =	vld [tilespmem:s18+$0xFFFFFF70];
	[tilespmem:$0x1FDB0] =	vst v5  }
0x79: {  	v59 =	vld [tilespmem:s20+$0x0];
	[tilespmem:$0x1FDA0] =	vst v4;
	v0 =	vsub.f32 v54, v55;
	v1 =	vsub.f32 v52, v53  }
0x7a: {  	v34 =	vld [tilespmem:s17+$0x0];
	[tilespmem:$0x1FDD0] =	vst v6  }
0x7b: {  	v35 =	vld [tilespmem:s17+$0x10];
	[tilespmem:$0x1FDC0] =	vst v33;
	v3 =	vsub.f32 v22, v51;
	v0 =	vmul.f32 v0, v0;
	v1 =	vmul.f32 v1, v1  }
0x7c: {  	v56 =	vld [tilespmem:s20+$0x70];
	[tilespmem:$0x1FDF0] =	vst v28;
	v4 =	vsub.f32 v5, v4;
	v5 =	vsub.f32 v6, v33  }
0x7d: {  	v57 =	vld [tilespmem:s17+$0x70];
	[tilespmem:$0x1FDE0] =	vst v29;
	v0 =	vadd.f32 v1, v0;
	v1 =	vmul.f32 v3, v3;
	v3 =	vsub.f32 v48, v50  }
0x7e: {  	[tilespmem:$0x1FE20] =	vst v20;
	v58 =	vsub.f32 v28, v29;
	v33 =	vld [tilespmem:s20+$0x10];
	v4 =	vmul.f32 v4, v4;
	v5 =	vmul.f32 v5, v5  }
0x7f: {  	[tilespmem:$0x1FE10] =	vst v27;
	v60 =	vsub.f32 v20, v27;
	v20 =	vld [tilespmem:s20+$0x20];
	v0 =	vadd.f32 v1, v0;
	v1 =	vmul.f32 v3, v3  }
0x80: {  	[tilespmem:$0x1FE40] =	vst v13;
	v27 =	vld [tilespmem:s17+$0x20];
	v4 =	vadd.f32 v5, v4;
	v5 =	vmul.f32 v58, v58;
	v3 =	vsub.f32 v47, v49  }
0x81: {  	[tilespmem:$0x1FE30] =	vst v21;
	v62 =	vsub.f32 v8, v14;
	v29 =	vld [tilespmem:s17+$0x40];
	v0 =	vadd.f32 v1, v0  }
0x82: {  	[tilespmem:$0x1FE60] =	vst v23;
	v1 =	vmul.f32 v3, v3;
	v3 =	vadd.f32 v5, v4;
	v5 =	vsub.f32 v13, v21;
	v13 =	vld [tilespmem:s20+$0x30]  }
0x83: {  	[tilespmem:$0x1FEB0] =	vst v14;
	v61 =	vsub.f32 v7, v15;
	v14 =	vsub.f32 v10, v11;
	v21 =	vld [tilespmem:s17+$0x30]  }
0x84: {  	[tilespmem:$0x1FEA0] =	vst v7;
	v28 =	vld [tilespmem:s17+$0x50];
	v63 =	vmul.f32 v62, v62;
	v62 =	vsub.f32 v32, v36;
	v4 =	vmul.f32 v60, v60  }
0x85: {  	[tilespmem:$0x1FE90] =	vst v15;
	v15 =	vld [tilespmem:s20+$0x60];
	v0 =	vadd.f32 v1, v0;
	v1 =	vsub.f32 v45, v46  }
0x86: {  	[tilespmem:$0x1FEC0] =	vst v8;
	v8 =	vld [tilespmem:s17+$0x60];
	v3 =	vadd.f32 v4, v3;
	v4 =	vmul.f32 v5, v5;
	v5 =	vsub.f32 v23, v26  }
0x87: {  	[tilespmem:$0x1FED0] =	vst v11;
	v7 =	vld [tilespmem:s20+$0xFFFFFF90];
	v11 =	vmul.f32 v62, v62;
	v48 =	vadd.f32 v50, v48;
	v1 =	vmul.f32 v1, v1  }
0x88: {  	[tilespmem:$0x1FE50] =	vst v26;
	v62 =	vld [tilespmem:s20+$0xFFFFFF10];
	v3 =	vadd.f32 v4, v3;
	v4 =	vmul.f32 v5, v5;
	v60 =	vsub.f32 v13, v21  }
0x89: {  	[tilespmem:$0x1FE80] =	vst v16;
	v26 =	vld [tilespmem:s20+$0x40];
	v5 =	vmul.f32 v61, v61;
	v13 =	vadd.f32 v21, v13;
	v0 =	vadd.f32 v1, v0  }
0x8a: {  	[tilespmem:$0x1FE70] =	vst v18;
	v23 =	vld [tilespmem:s20+$0x50];
	v1 =	vadd.f32 v4, v3;
	v4 =	vsub.f32 v38, v41  }
0x8b: {  	[tilespmem:$0x1FF00] =	vst v9;
	v6 =	vmul.f32 v14, v14;
	v3 =	vadd.f32 v63, v5;
	v38 =	vsub.f32 v9, v12;
	v9 =	vld [tilespmem:s20+$0xFFFFFF80]  }
0x8c: {  	[tilespmem:$0x1FEF0] =	vst v12;
	v5 =	vsub.f32 v16, v18;
	v16 =	vsub.f32 v59, v34;
	v12 =	vld [tilespmem:s20+$0xFFFFFFB0];
	v4 =	vmul.f32 v4, v4  }
0x8d: {  	[tilespmem:$0x1FF50] =	vst v24;
	v18 =	vsub.f32 v33, v35;
	v63 =	vsub.f32 v19, v24;
	v24 =	vld [tilespmem:s17+$0xFFFFFFB0]  }
0x8e: {  	[tilespmem:$0x1FF60] =	vst v19;
	v19 =	vld [tilespmem:s17+$0xFFFFFFC0];
	v3 =	vadd.f32 v6, v3;
	v0 =	vadd.f32 v4, v0;
	v4 =	vmul.f32 v38, v38  }
0x8f: {  	v34 =	vadd.f32 v34, v59;
	v59 =	vld [tilespmem:s20+$0xFFFFFF50];
	v21 =	vsub.f32 v13, v48  }
0x90: {  	[tilespmem:$0x1FD80] =	vst v41;
	v13 =	vld [tilespmem:s20+$0xFFFFFF70];
	v5 =	vmul.f32 v5, v5;
	v3 =	vadd.f32 v4, v3;
	v4 =	vsub.f32 v17, v25  }
0x91: {  	[tilespmem:$0x1FEE0] =	vst v10;
	v42 =	vsub.f32 v20, v27;
	v48 =	vld [tilespmem:s30+$0x60];
	v41 =	vmul.f32 v16, v16;
	v10 =	vmul.f32 v18, v18  }
0x92: {  	v61 =	vsub.f32 v44, v37;
	v18 =	vld [tilespmem:s17+$0xFFFFFF80];
	v4 =	vmul.f32 v4, v4  }
0x93: {  	[tilespmem:$0x1FE00] =	vst v37;
	v58 =	vmul.f32 v42, v42;
	v16 =	vld [tilespmem:s17+$0xFFFFFF90];
	v1 =	vadd.f32 v5, v1;
	v5 =	vadd.f32 v10, v41  }
0x94: {  	[tilespmem:$0x1FF40] =	vst v32;
	v6 =	vmul.f32 v60, v60;
	v60 =	vld [tilespmem:s20+$0xFFFFFF20];
	v3 =	vadd.f32 v4, v3;
	v4 =	vmul.f32 v61, v61  }
0x95: {  	[tilespmem:$0x1FF30] =	vst v36;
	v32 =	vsub.f32 v26, v29;
	v36 =	vmul.f32 v63, v63;
	v63 =	vld [tilespmem:s17+$0xFFFFFF20];
	v5 =	vadd.f32 v58, v5  }
0x96: {  	[tilespmem:$0x1FF20] =	vst v17;
	v26 =	vadd.f32 v29, v26;
	v17 =	vld [tilespmem:s20+$0xFFFFFFA0];
	v0 =	vadd.f32 v4, v0  }
0x97: {  	[tilespmem:$0x1FF10] =	vst v25;
	v37 =	vmul.f32 v32, v32;
	v41 =	vsub.f32 v23, v28;
	v25 =	vld [tilespmem:s17+$0xFFFFFFA0];
	v5 =	vadd.f32 v6, v5  }
0x98: {  	v32 =	vld [tilespmem:s17+$0xFFFFFFE0];
	v38 =	vsub.f32 v30, v31;
	[tilespmem:$0x1FFB0] =	vst v0;
	v0 =	vadd.f32 v11, v1  }
0x99: {  	v58 =	vld [tilespmem:s20+$0xFFFFFF00];
	v14 =	vmul.f32 v41, v41;
	v41 =	vsub.f32 v12, v24;
	v4 =	vadd.f32 v37, v5  }
0x9a: {  	v61 =	vld [tilespmem:s17+$0xFFFFFF00];
	v5 =	vsub.f32 v7, v16;
	[tilespmem:$0x1FFC0] =	vst v0;
	v0 =	vsub.f32 v9, v18  }
0x9b: {  	v10 =	vld [tilespmem:s20+$0xFFFFFFC0];
	v6 =	vmul.f32 v38, v38;
	v3 =	vadd.f32 v36, v3;
	v37 =	vsub.f32 v15, v8  }
0x9c: {  	[tilespmem:$0x1FF80] =	vst v30;
	v30 =	vld [tilespmem:s20+$0xFFFFFFE0];
	v36 =	vsub.f32 v17, v25;
	v5 =	vmul.f32 v5, v5;
	v42 =	vmul.f32 v0, v0  }
0x9d: {  	v6 =	vadd.f32 v6, v3;
	v3 =	vadd.f32 v14, v4;
	v4 =	vmul.f32 v37, v37;
	v0 =	vld [tilespmem:s17+$0xFFFFFF10]  }
0x9e: {  	v17 =	vadd.f32 v25, v17;
	v1 =	vld [tilespmem:s20+$0xFFFFFFD0];
	v38 =	vmul.f32 v36, v36;
	v5 =	vadd.f32 v5, v42  }
0x9f: {  	v11 =	vld [tilespmem:s17+$0xFFFFFFD0];
	v29 =	vadd.f32 v61, v58;
	v36 =	vadd.f32 v4, v3  }
0xa0: {  	v4 =	vld [tilespmem:s20+$0xFFFFFFF0];
	v42 =	vmul.f32 v41, v41;
	v41 =	vsub.f32 v10, v19;
	v5 =	vadd.f32 v38, v5  }
0xa1: {  	v3 =	vsub.f32 v58, v61;
	v58 =	vld [tilespmem:$0x1FF30];
	v38 =	vsub.f32 v39, v40  }
0xa2: {  	v61 =	vld [tilespmem:s20+$0x80];
	v14 =	vmul.f32 v41, v41;
	v5 =	vadd.f32 v42, v5;
	v42 =	vsub.f32 v62, v0  }
0xa3: {  	[tilespmem:$0x1FFA0] =	vst v39;
	v25 =	vadd.f32 v32, v30;
	v37 =	vmul.f32 v3, v3;
	v3 =	vld [tilespmem:s20+$0xFFFFFF30];
	v39 =	vsub.f32 v56, v57  }
0xa4: {  	[tilespmem:$0x1FF70] =	vst v31;
	v38 =	vmul.f32 v38, v38;
	v31 =	vmul.f32 v42, v42;
	v42 =	vadd.f32 v14, v5;
	v5 =	vld [tilespmem:s17+$0xFFFFFF30]  }
0xa5: {  	[tilespmem:$0x1FF90] =	vst v40;
	v40 =	vsub.f32 v1, v11;
	v41 =	vsub.f32 v60, v63;
	v14 =	vld [tilespmem:s20+$0xFFFFFF40]  }
0xa6: {  	v6 =	vadd.f32 v38, v6;
	v38 =	vsub.f32 v30, v32;
	v30 =	vld [tilespmem:$0x1FE90]  }
0xa7: {  	v39 =	vmul.f32 v39, v39;
	v32 =	vld [tilespmem:$0x1FEA0]  }
0xa8: {  	v31 =	vadd.f32 v31, v37;
	v37 =	vmul.f32 v40, v40;
	v40 =	vmul.f32 v41, v41;
	[tilespmem:$0x1FFD0] =	vst v6;
	v6 =	vld [tilespmem:s17+$0xFFFFFF40]  }
0xa9: {  	v41 =	vadd.f32 v39, v36;
	v39 =	vadd.f32 v55, v54;
	v54 =	vld [tilespmem:s17+$0xFFFFFF50]  }
0xaa: {  	v36 =	vadd.f32 v37, v42;
	v37 =	vadd.f32 v40, v31;
	v31 =	vld [tilespmem:s17+$0xFFFFFFF0]  }
0xab: {  	v38 =	vmul.f32 v38, v38;
	[tilespmem:$0x1FFE0] =	vst v41;
	v41 =	vld [tilespmem:s30+$0x0];
	v40 =	vsub.f32 v3, v5  }
0xac: {  	v52 =	vadd.f32 v53, v52;
	v20 =	vadd.f32 v27, v20;
	v42 =	vld [tilespmem:s30+$0x10]  }
0xad: {  	v36 =	vadd.f32 v38, v36;
	v38 =	vld [tilespmem:$0x1FDE0];
	v53 =	vmul.f32 v40, v40;
	v40 =	vadd.f32 v51, v22  }
0xae: {  	v33 =	vadd.f32 v35, v33;
	v55 =	vsub.f32 v14, v6;
	v51 =	vld [tilespmem:s17+$0xFFFFFF60]  }
0xaf: {  	v20 =	vsub.f32 v20, v40;
	v40 =	vadd.f32 v46, v45;
	v45 =	vld [tilespmem:$0x1FD80]  }
0xb0: {  	v34 =	vsub.f32 v34, v39;
	v46 =	vld [tilespmem:$0x1FD90]  }
0xb1: {  	v33 =	vsub.f32 v33, v52;
	v35 =	vadd.f32 v53, v37;
	v52 =	vmul.f32 v55, v55;
	v37 =	vld [tilespmem:s30+$0xFFFFFF80]  }
0xb2: {  	v34 =	vmul.f32 $5.000000000e-01, v34;
	v53 =	vsub.f32 v4, v31;
	v4 =	vadd.f32 v31, v4;
	v31 =	vld [tilespmem:$0x1FF50]  }
0xb3: {  	v33 =	vmul.f32 $5.000000000e-01, v33;
	v55 =	vsub.f32 v59, v54;
	v35 =	vadd.f32 v52, v35;
	v52 =	vld [tilespmem:s20+$0xFFFFFF60]  }
0xb4: {  	v23 =	vadd.f32 v28, v23;
	v34 =	vadd.f32 v41, v34;
	v41 =	vmul.f32 v53, v53;
	v53 =	vld [tilespmem:s30+$0x30]  }
0xb5: {  	v49 =	vadd.f32 v49, v47;
	v33 =	vadd.f32 v42, v33;
	v42 =	vmul.f32 v55, v55;
	v55 =	vld [tilespmem:s30+$0x40]  }
0xb6: {  	v23 =	vsub.f32 v23, v40;
	v40 =	vld [tilespmem:s30+$0xFFFFFF90]  }
0xb7: {  	v26 =	vsub.f32 v26, v49;
	v22 =	vadd.f32 v41, v36;
	v41 =	vld [tilespmem:s30+$0x20]  }
0xb8: {  	v33 =	vand.u32 $0x7FFFFFFF, v33;
	v35 =	vadd.f32 v42, v35;
	v42 =	vand.u32 $0x7FFFFFFF, v34;
	v36 =	vld [tilespmem:$0x1FDD0]  }
0xb9: {  	v21 =	vmul.f32 $5.000000000e-01, v21;
	v27 =	vadd.f32 v33, v42;
	v42 =	vld [tilespmem:s30+$0x50]  }
0xba: {  	v26 =	vmul.f32 $5.000000000e-01, v26;
	v8 =	vadd.f32 v8, v15;
	v15 =	vadd.f32 v45, v46;
	v45 =	vld [tilespmem:$0x1FE10]  }
0xbb: {  	v46 =	vld [tilespmem:$0x1FE20]  }
0xbc: {  	v21 =	vadd.f32 v53, v21;
	v26 =	vadd.f32 v55, v26;
	v53 =	vld [tilespmem:$0x1FDA0]  }
0xbd: {  	v23 =	vmul.f32 $5.000000000e-01, v23;
	v55 =	vld [tilespmem:$0x1FDB0]  }
0xbe: {  	v12 =	vadd.f32 v24, v12;
	v20 =	vmul.f32 $5.000000000e-01, v20;
	v49 =	vand.u32 $0x7FFFFFFF, v26;
	v26 =	vld [tilespmem:$0x1FE70]  }
0xbf: {  	v50 =	vsub.f32 v52, v51;
	v23 =	vadd.f32 v42, v23;
	v42 =	vld [tilespmem:$0x1FE00]  }
0xc0: {  	v20 =	vadd.f32 v41, v20;
	v24 =	vadd.f32 v45, v46;
	v45 =	vld [tilespmem:s30+$0xFFFFFF20]  }
0xc1: {  	v8 =	vsub.f32 v8, v15;
	v39 =	vmul.f32 v50, v50;
	v46 =	vld [tilespmem:s30+$0xFFFFFF30]  }
0xc2: {  	v41 =	vand.u32 $0x7FFFFFFF, v20;
	v20 =	vld [tilespmem:s17+$0xFFFFFF70]  }
0xc3: {  	v33 =	vmul.f32 $5.000000000e-01, v8;
	v28 =	vadd.f32 v39, v35;
	v35 =	vld [tilespmem:$0x1FDC0]  }
0xc4: {  	v39 =	vld [tilespmem:$0x1FDF0]  }
0xc5: {  	v34 =	vadd.f32 v48, v33;
	v48 =	vld [tilespmem:$0x1FE30]  }
0xc6: {  	v33 =	vadd.f32 v0, v62;
	v62 =	vld [tilespmem:s17+$0x80]  }
0xc7: {  	v27 =	vadd.f32 v41, v27;
	v41 =	vadd.f32 v57, v56;
	v56 =	vld [tilespmem:$0x1FE50]  }
0xc8: {  	v21 =	vand.u32 $0x7FFFFFFF, v21;
	v57 =	vld [tilespmem:$0x1FE60]  }
0xc9: {  	v12 =	vsub.f32 v12, v24;
	v24 =	vand.u32 $0x7FFFFFFF, v34;
	v34 =	vld [tilespmem:s30+$0xFFFFFFE0];
	v21 =	vadd.f32 v21, v27  }
0xca: {  	v27 =	vld [tilespmem:$0x1FE80]  }
0xcb: {  	v15 =	vadd.f32 v49, v21;
	v49 =	vld [tilespmem:$0x1FE40]  }
0xcc: {  	v21 =	vadd.f32 v53, v55;
	v55 =	vld [tilespmem:s30+$0x70]  }
0xcd: {  	v7 =	vadd.f32 v16, v7;
	v16 =	vadd.f32 v35, v36;
	v35 =	vld [tilespmem:$0x1FEB0]  }
0xce: {  	v36 =	vld [tilespmem:$0x1FEC0]  }
0xcf: {  	v1 =	vadd.f32 v11, v1;
	v11 =	vadd.f32 v56, v57;
	v56 =	vld [tilespmem:s30+$0xFFFFFF60]  }
0xd0: {  	v9 =	vadd.f32 v18, v9;
	v47 =	vsub.f32 v13, v20;
	v57 =	vld [tilespmem:s30+$0x80]  }
0xd1: {  	v7 =	vsub.f32 v7, v16;
	v16 =	vadd.f32 v42, v44;
	v44 =	vld [tilespmem:s30+$0xFFFFFFA0]  }
0xd2: {  	v10 =	vadd.f32 v19, v10;
	v50 =	vmul.f32 v47, v47;
	v47 =	vld [tilespmem:s30+$0xFFFFFFB0]  }
0xd3: {  	v3 =	vadd.f32 v5, v3;
	v23 =	vand.u32 $0x7FFFFFFF, v23;
	v9 =	vsub.f32 v9, v21;
	v21 =	vld [tilespmem:s30+$0xFFFFFFD0]  }
0xd4: {  	v15 =	vadd.f32 v23, v15;
	v23 =	vadd.f32 v38, v39;
	v38 =	vld [tilespmem:s30+$0xFFFFFF10]  }
0xd5: {  	v6 =	vadd.f32 v6, v14;
	v13 =	vadd.f32 v20, v13;
	v42 =	vld [tilespmem:$0x1FEE0]  }
0xd6: {  	v1 =	vsub.f32 v1, v11;
	v8 =	vadd.f32 v50, v28;
	v50 =	vld [tilespmem:s30+$0xFFFFFFC0]  }
0xd7: {  	v17 =	vsub.f32 v17, v23;
	v16 =	vsub.f32 v41, v16;
	v41 =	vld [tilespmem:$0x1FED0]  }
0xd8: {  	v9 =	vmul.f32 $5.000000000e-01, v9;
	v7 =	vmul.f32 $5.000000000e-01, v7;
	v19 =	vadd.f32 v48, v49;
	v48 =	vld [tilespmem:$0x1FEF0]  }
0xd9: {  	v11 =	vadd.f32 v24, v15;
	v15 =	vadd.f32 v26, v27;
	v49 =	vld [tilespmem:$0x1FF00]  }
0xda: {  	v12 =	vmul.f32 $5.000000000e-01, v12;
	v9 =	vadd.f32 v37, v9;
	v7 =	vadd.f32 v40, v7;
	v37 =	vld [tilespmem:s30+$0xFFFFFF00]  }
0xdb: {  	v1 =	vmul.f32 $5.000000000e-01, v1;
	v28 =	vsub.f32 v25, v15;
	v40 =	vadd.f32 v63, v60;
	v60 =	vld [tilespmem:$0x1FF40]  }
0xdc: {  	v17 =	vmul.f32 $5.000000000e-01, v17;
	v15 =	vadd.f32 v30, v32;
	v63 =	vld [tilespmem:s18+$0x80];
	v30 =	vadd.f32 v54, v59  }
0xdd: {  	v16 =	vmul.f32 $5.000000000e-01, v16;
	v32 =	vld [tilespmem:$0x1FF60];
	v53 =	vsub.f32 v10, v19;
	v12 =	vadd.f32 v47, v12  }
0xde: {  	v59 =	vld [tilespmem:s30+$0xA0];
	v1 =	vadd.f32 v21, v1;
	v9 =	vand.u32 $0x7FFFFFFF, v9;
	v17 =	vadd.f32 v44, v17  }
0xdf: {  	v47 =	vld [tilespmem:s30+$0xFFFFFF40];
	v7 =	vand.u32 $0x7FFFFFFF, v7;
	v10 =	vadd.f32 v55, v16;
	v39 =	vsub.f32 v29, v15  }
0xe0: {  	v21 =	vld [tilespmem:s19+$0x80];
	v7 =	vadd.f32 v7, v9;
	v9 =	vmul.f32 $5.000000000e-01, v53;
	v15 =	vadd.f32 v41, v42  }
0xe1: {  	v55 =	vld [tilespmem:$0x1FF20];
	v17 =	vand.u32 $0x7FFFFFFF, v17;
	v0 =	vand.u32 $0x7FFFFFFF, v10;
	v10 =	vadd.f32 v35, v36  }
0xe2: {  	v12 =	vand.u32 $0x7FFFFFFF, v12;
	v53 =	vld [tilespmem:$0x1FF10];
	v7 =	vadd.f32 v17, v7;
	v9 =	vadd.f32 v50, v9  }
0xe3: {  	v35 =	vld [tilespmem:$0x1FF70];
	v0 =	vadd.f32 v0, v11;
	v11 =	vmul.f32 $5.000000000e-01, v39;
	v17 =	vadd.f32 v58, v60  }
0xe4: {  	v36 =	vld [tilespmem:$0x1FF80];
	v10 =	vsub.f32 v33, v10;
	v7 =	vadd.f32 v12, v7  }
0xe5: {  	v44 =	vld [tilespmem:s30+$0xFFFFFFF0];
	v12 =	vsub.f32 v40, v15;
	v11 =	vadd.f32 v37, v11  }
0xe6: {  	v29 =	vld [tilespmem:s18+$0xF0];
	v9 =	vand.u32 $0x7FFFFFFF, v9;
	v4 =	vsub.f32 v4, v17;
	v17 =	vadd.f32 v31, v32  }
0xe7: {  	v1 =	vand.u32 $0x7FFFFFFF, v1;
	v41 =	vld [tilespmem:s18+$0x90];
	v14 =	vadd.f32 v53, v55;
	v7 =	vadd.f32 v9, v7  }
0xe8: {  	v37 =	vld [tilespmem:s20+$0x90];
	v9 =	vmul.f32 $5.000000000e-01, v28;
	v5 =	vmul.f32 $5.000000000e-01, v12;
	v12 =	vadd.f32 v48, v49  }
0xe9: {  	v40 =	vld [tilespmem:s17+$0x90];
	v10 =	vmul.f32 $5.000000000e-01, v10;
	v25 =	vadd.f32 v35, v36;
	v6 =	vsub.f32 v6, v14  }
0xea: {  	v42 =	vld [tilespmem:$0x1FF90];
	v1 =	vadd.f32 v1, v7;
	v9 =	vadd.f32 v34, v9  }
0xeb: {  	v4 =	vmul.f32 $5.000000000e-01, v4;
	v48 =	vld [tilespmem:s19+$0xA0];
	v7 =	vadd.f32 v38, v10;
	v5 =	vadd.f32 v45, v5  }
0xec: {  	v11 =	vand.u32 $0x7FFFFFFF, v11;
	v49 =	vld [tilespmem:s17+$0xA0];
	v3 =	vsub.f32 v3, v12;
	v34 =	vadd.f32 v51, v52  }
0xed: {  	v38 =	vld [tilespmem:s19+$0x90];
	v4 =	vadd.f32 v44, v4;
	v10 =	vsub.f32 v21, v63;
	v6 =	vmul.f32 $5.000000000e-01, v6  }
0xee: {  	v44 =	vld [tilespmem:$0x1FFA0];
	v52 =	vadd.f32 v40, v37;
	v7 =	vand.u32 $0x7FFFFFFF, v7;
	v3 =	vmul.f32 $5.000000000e-01, v3  }
0xef: {  	v45 =	vld [tilespmem:s20+$0xA0];
	v9 =	vand.u32 $0x7FFFFFFF, v9;
	v39 =	vsub.f32 v34, v25;
	v7 =	vadd.f32 v7, v11  }
0xf0: {  	v51 =	vld [tilespmem:s18+$0xA0];
	v6 =	vadd.f32 v47, v6;
	v1 =	vadd.f32 v9, v1  }
0xf1: {  	v50 =	vld [tilespmem:s30+$0xFFFFFF50];
	v5 =	vand.u32 $0x7FFFFFFF, v5;
	v47 =	vadd.f32 v63, v21;
	v3 =	vadd.f32 v46, v3  }
0xf2: {  	v33 =	vld [tilespmem:s30+$0x90];
	v46 =	vadd.f32 v62, v61;
	v5 =	vadd.f32 v5, v7  }
0xf3: {  	v28 =	vld [tilespmem:s20+$0xB0];
	v4 =	vand.u32 $0x7FFFFFFF, v4;
	v16 =	vadd.f32 v42, v44;
	v53 =	vadd.f32 v41, v38  }
0xf4: {  	v34 =	vld [tilespmem:s18+$0xC0];
	v9 =	vmul.f32 $5.000000000e-01, v39;
	v1 =	vadd.f32 v4, v1;
	v7 =	vsub.f32 v61, v62  }
0xf5: {  	v21 =	vld [tilespmem:s19+$0xC0];
	v60 =	vadd.f32 v49, v45;
	v61 =	vadd.f32 v51, v48;
	v3 =	vand.u32 $0x7FFFFFFF, v3  }
0xf6: {  	v12 =	vld [tilespmem:s30+$0xFFFFFF70];
	v10 =	vmul.f32 v10, v10;
	v9 =	vadd.f32 v56, v9;
	v3 =	vadd.f32 v3, v5  }
0xf7: {  	v63 =	vld [tilespmem:s17+$0xC0];
	v6 =	vand.u32 $0x7FFFFFFF, v6;
	v5 =	vsub.f32 v30, v17;
	v13 =	vsub.f32 v13, v16  }
0xf8: {  	v62 =	vld [tilespmem:s20+$0xC0];
	v55 =	vsub.f32 v52, v53;
	v7 =	vmul.f32 v7, v7;
	v17 =	vsub.f32 v37, v40  }
0xf9: {  	v42 =	vld [tilespmem:s20+$0xD0];
	v14 =	vsub.f32 v60, v61;
	v40 =	vsub.f32 v45, v49;
	v9 =	vand.u32 $0x7FFFFFFF, v9  }
0xfa: {  	v56 =	vld [tilespmem:s17+$0xB0];
	v45 =	vadd.f32 v34, v21;
	v21 =	vsub.f32 v21, v34;
	v5 =	vmul.f32 $5.000000000e-01, v5  }
0xfb: {  	v52 =	vld [tilespmem:s20+$0xE0];
	v3 =	vadd.f32 v6, v3;
	v4 =	vmul.f32 $5.000000000e-01, v13;
	v6 =	vsub.f32 v38, v41  }
0xfc: {  	v61 =	vld [tilespmem:s20+$0xF0];
	v58 =	vmul.f32 $5.000000000e-01, v55;
	v41 =	vsub.f32 v48, v51;
	v5 =	vadd.f32 v50, v5  }
0xfd: {  	v35 =	vmul.f32 v17, v17;
	v48 =	vld [tilespmem:s17+$0xD0];
	v44 =	vadd.f32 v63, v62;
	v16 =	vsub.f32 v62, v63  }
0xfe: {  	v51 =	vld [tilespmem:s18+$0xD0];
	v50 =	vsub.f32 v46, v47;
	v4 =	vadd.f32 v12, v4;
	v5 =	vand.u32 $0x7FFFFFFF, v5  }
0xff: {  	v14 =	vmul.f32 $5.000000000e-01, v14;
	v63 =	vld [tilespmem:s17+$0xF0];
	v11 =	vadd.f32 v58, v33;
	v3 =	vadd.f32 v5, v3  }
0x100: {  	v32 =	vadd.f32 v56, v28;
	v7 =	vadd.f32 v35, v7;
	v6 =	vmul.f32 v6, v6;
	v5 =	vld [tilespmem:s19+$0xB0]  }
0x101: {  	v13 =	vadd.f32 v14, v59;
	v47 =	vmul.f32 v40, v40;
	v3 =	vadd.f32 v9, v3;
	v9 =	vld [tilespmem:s18+$0xB0]  }
0x102: {  	v62 =	vld [tilespmem:s19+$0xF0];
	v49 =	vmul.f32 v41, v41;
	v55 =	vsub.f32 v28, v56;
	v6 =	vadd.f32 v6, v10  }
0x103: {  	v46 =	vld [tilespmem:s19+$0xD0];
	v54 =	vmul.f32 $5.000000000e-01, v50;
	v50 =	vsub.f32 v44, v45;
	v7 =	vadd.f32 v47, v7  }
0x104: {  	v56 =	vld [tilespmem:s17+$0xE0];
	v59 =	vadd.f32 v48, v42;
	v15 =	vsub.f32 v42, v48  }
0x105: {  	v38 =	vld [tilespmem:s30+$0xC0];
	v11 =	vand.u32 $0x7FFFFFFF, v11;
	v57 =	vadd.f32 v54, v57;
	v6 =	vadd.f32 v49, v6  }
0x106: {  	v36 =	vld [tilespmem:s30+$0xB0];
	v13 =	vand.u32 $0x7FFFFFFF, v13;
	v35 =	vadd.f32 v63, v61;
	v33 =	vadd.f32 v9, v5  }
0x107: {  	v58 =	vld [tilespmem:s18+$0xE0];
	v53 =	vmul.f32 $5.000000000e-01, v50;
	v49 =	vsub.f32 v61, v63;
	v50 =	vsub.f32 v62, v29  }
0x108: {  	v54 =	vld [tilespmem:s19+$0xE0];
	v60 =	vadd.f32 v51, v46;
	v12 =	vand.u32 $0x7FFFFFFF, v57;
	v37 =	vsub.f32 v32, v33  }
0x109: {  	v4 =	vand.u32 $0x7FFFFFFF, v4;
	v10 =	vsub.f32 v52, v56;
	v11 =	vadd.f32 v11, v12  }
0x10a: {  	v57 =	vadd.f32 v53, v38;
	v23 =	vsub.f32 v59, v60;
	v12 =	vmul.f32 $5.000000000e-01, v37  }
0x10b: {  	v39 =	vld [tilespmem:s30+$0xD0];
	v3 =	vadd.f32 v4, v3;
	v11 =	vadd.f32 v13, v11  }
0x10c: {  	v30 =	vmul.f32 v21, v21;
	v41 =	vld [tilespmem:$0x1FFB0];
	v5 =	vsub.f32 v5, v9;
	v12 =	vadd.f32 v12, v36  }
0x10d: {  	v44 =	vld [tilespmem:$0x1FFC0];
	v31 =	vmul.f32 $5.000000000e-01, v23;
	v34 =	vadd.f32 v58, v54;
	v48 =	vsub.f32 v54, v58  }
0x10e: {  	v47 =	vld [tilespmem:$0x1FFE0];
	v5 =	vmul.f32 v5, v5;
	v33 =	vadd.f32 v56, v52;
	v12 =	vand.u32 $0x7FFFFFFF, v12  }
0x10f: {  	v9 =	vand.u32 $0x7FFFFFFF, v57;
	v37 =	vsub.f32 v46, v51;
	v46 =	vld [tilespmem:$0x1FFD0];
	v11 =	vadd.f32 v12, v11  }
0x110: {  	v38 =	vld [tilespmem:s30+$0xE0];
	v5 =	vadd.f32 v5, v6;
	v36 =	vadd.f32 v29, v62;
	v12 =	vmul.f32 v55, v55  }
0x111: {  	v28 =	vmul.f32 v16, v16;
	v9 =	vadd.f32 v9, v11;
	v11 =	vsub.f32 v33, v34  }
0x112: {  	v40 =	vld [tilespmem:s30+$0xF0];
	v15 =	vmul.f32 v15, v15;
	(xrf2) =	vadd.scan.msk.f32 $0xffff, v41;
	v32 =	vadd.f32 v31, v39;
	v7 =	vadd.f32 v12, v7  }
0x113: {  	(xrf2) =	vadd.scan.msk.f32 $0xffff, v44;
	v5 =	vadd.f32 v30, v5;
	v39 =	vsub.f32 v35, v36;
	v42 =	vmul.f32 $5.000000000e-01, v11  }
0x114: {  	v19 =	vmul.f32 v37, v37;
	(xrf2) =	vadd.scan.msk.f32 $0xffff, v46;
	v6 =	vadd.f32 v28, v7;
	v7 =	vand.u32 $0x7FFFFFFF, v32  }
0x115: {  	v45 =	vmul.f32 $5.000000000e-01, v39;
	(xrf2) =	vadd.scan.msk.f32 $0xffff, v47;
	v4 =	vadd.f32 v7, v9;
	v7 =	vadd.f32 v42, v38  }
0x116: {  	v10 =	vmul.f32 v10, v10;
	v51 =	vmul.f32 v48, v48;
	(xrf2) =	vadd.scan.msk.f32 $0xffff, v22;
	v6 =	vadd.f32 v15, v6  }
0x117: {  	v5 =	vadd.f32 v19, v5;
	(xrf2) =	vadd.scan.msk.f32 $0xffff, v8;
	v9 =	vadd.f32 v45, v40;
	v7 =	vand.u32 $0x7FFFFFFF, v7  }
0x118: {  	v54 =	vmul.f32 v49, v49;
	(xrf2) =	vadd.scan.msk.f32 $0xffff, v0;
	v0 =	vadd.f32 v10, v6;
	v4 =	vadd.f32 v7, v4  }
0x119: {  	(xrf2) =	vadd.scan.msk.f32 $0xffff, v1;
	v1 =	vadd.f32 v51, v5;
	v5 =	vmul.f32 v50, v50;
	v53 =	vand.u32 $0x7FFFFFFF, v9  }
0x11a: {  	v0 =	vadd.f32 v54, v0;
	v4 =	vadd.f32 v53, v4  }
0x11b: {  	(xrf2) =	vadd.scan.msk.f32 $0xffff, v3;
	v1 =	vadd.f32 v5, v1  }
0x11c: {  	(xrf2) =	vadd.scan.msk.f32 $0xffff, v4  }
0x11d: {  	v3, _, _ =	vpop (xrf2);
	(xrf2) =	vadd.scan.msk.f32 $0xffff, v0  }
0x11e: {  	v0, _, _ =	vpop (xrf2);
	(xrf2) =	vadd.scan.msk.f32 $0xffff, v1  }
0x11f: {  	v1, _, _ =	vpop (xrf2)  }
0x120: {  	s6 =	sadd.s32 $0x6, s15;
	v4, _, _ =	vpop (xrf2)  }
0x121: {  	s7 =	sadd.s32 $0x5, s15;
	s6 =	sand.u32 $0xE, s6;
	v5, _, _ =	vpop (xrf2)  }
0x122: {  	s7 =	sand.u32 $0xD, s7;
	v52 =	vlaneseq.u32;
	v56 =	vmov s6;
	s6 =	sadd.s32 $0x4, s15;
	v55, _, _ =	vpop (xrf2)  }
0x123: {  	v58 =	vmov s7;
	vm0 =	veq.s32 v56, v52;
	s8 =	sand.u32 $0xC, s6;
	v57, _, _ =	vpop (xrf2)  }
0x124: {  	vm1 =	veq.s32 v58, v52;
	v60 =	vmov s8;
	v1 =	vbroadcast v1, $0xF;
	v59, _, _ =	vpop (xrf2)  }
0x125: {  	vm2 =	veq.s32 v60, v52;
	v0 =	vbroadcast v0, $0xF;
	v6 =	vbroadcast v55, $0xF;
	v61, _, _ =	vpop (xrf2)  }
0x126: {  	s15 =	sadd.s32 $0x7, s15;
	v3 =	vbroadcast v3, $0xF;
	v1 =	vsel vm2, v1, v2;
	v2 =	vbroadcast v5, $0xF;
	v62, _, _ =	vpop (xrf2)  }
0x127: {  	s7 =	sand.u32 $0xF, s15;
	v0 =	vsel vm1, v0, v1;
	v1 =	vbroadcast v4, $0xF;
	v4 =	vsel vm2, v6, v43;
	v5, _, _ =	vpop (xrf2)  }
0x128: {  	v2 =	vsel vm1, v2, v4;
	v4 =	vmov s7;
	v5 =	vbroadcast v5, $0xF;
	v63, _, _ =	vpop (xrf2)  }
0x129: {  	v1 =	vsel vm0, v1, v2;
	vm3 =	veq.s32 v4, v52;
	v2 =	vbroadcast v63, $0xF  }
0x12a: {  	p0 =	sne.s32 s7, $0xF;
	v0 =	vsel vm0, v3, v0;
	v43 =	vsel vm3, v5, v1  }
0x12b: {  	v2 =	vsel vm3, v2, v0;
	v0 =	vshrl.u32 @!p0 v43, $0x1;
	v1 =	vmul.f32 @!p0 $5.000000000e-01, v43  }
0x12c: {  	v0 =	vsub.s32 @!p0 $0x5F3759DF, v0;
	v3 =	vshrl.u32 @!p0 v2, $0x1;
	v4 =	vmul.f32 @!p0 $5.000000000e-01, v2  }
0x12d: {  	v5 =	vmul.f32 @!p0 v0, v1;
	v3 =	vsub.s32 @!p0 $0x5F3759DF, v3  }
0x12e: {  	v6 =	vmul.f32 @!p0 v3, v4  }
0x12f: {  	v5 =	vmul.f32 @!p0 v0, v5  }
0x130: {  	v6 =	vmul.f32 @!p0 v3, v6  }
0x131: {  	v5 =	vsub.f32 @!p0 $1.500000000e+00, v5  }
0x132: {  	v6 =	vsub.f32 @!p0 $1.500000000e+00, v6  }
0x133: {  	v0 =	vmul.f32 @!p0 v0, v5  }
0x134: {  	v3 =	vmul.f32 @!p0 v3, v6  }
0x135: {  	v5 =	vmul.f32 @!p0 v0, v1  }
0x136: {  	v6 =	vmul.f32 @!p0 v3, v4  }
0x137: {  	v5 =	vmul.f32 @!p0 v5, v0  }
0x138: {  	v6 =	vmul.f32 @!p0 v6, v3  }
0x139: {  	v5 =	vsub.f32 @!p0 $1.500000000e+00, v5  }
0x13a: {  	v6 =	vsub.f32 @!p0 $1.500000000e+00, v6  }
0x13b: {  	v0 =	vmul.f32 @!p0 v5, v0  }
0x13c: {  	v3 =	vmul.f32 @!p0 v6, v3  }
0x13d: {  	v1 =	vmul.f32 @!p0 v0, v1  }
0x13e: {  	v4 =	vmul.f32 @!p0 v3, v4  }
0x13f: {  	v1 =	vmul.f32 @!p0 v1, v0  }
0x140: {  	v5 =	vld [tilespmem:$0x1FFF0];
	v4 =	vmul.f32 @!p0 v4, v3  }
0x141: {  	v1 =	vsub.f32 @!p0 $1.500000000e+00, v1  }
0x142: {  	v4 =	vsub.f32 @!p0 $1.500000000e+00, v4  }
0x143: {  	v0 =	vmul.f32 @!p0 v1, v0;
	v1 =	vbroadcast v61, $0xF  }
0x144: {  	v3 =	vmul.f32 @!p0 v4, v3  }
0x145: {  	v4 =	vbroadcast v59, $0xF;
	v1 =	vsel vm2, v1, v5  }
0x146: {  	v0 =	vmul.f32 @!p0 v0, v43;
	vm2 =	vgt.f32 @!p0 v2, $0.0e+00;
	v3 =	vmul.f32 @!p0 v3, v2  }
0x147: {  	v1 =	vsel vm1, v4, v1;
	v4 =	vbroadcast v57, $0xF;
	vm1 =	vgt.f32 @!p0 v43, $0.0e+00  }
0x148: {  	v5 =	vbroadcast v62, $0xF;
	v0 =	vnsel @!p0 vm1, $0x0, v0;
	v3 =	vnsel @!p0 vm2, $0x0, v3  }
0x149: {  	v1 =	vsel vm0, v4, v1;
	v0 =	vadd.f32 @!p0 v3, v0  }
0x14a: {  	v3 =	vsel vm3, v5, v1  }
0x14b: {  	v1 =	vsub.f32 @!p0 $1.200000000e+01, v3;
	v0 =	vmul.f32 @!p0 $-2.500000000e-01, v0;
	_ =	sdelay $0x1  }
0x14c: {  	v0 =	vadd.f32 @!p0 v0, v1;
	_ =	sdelay $0x1  }
0x14d: {  	[tilespmem:s11+$0x0] =	vst @!p0 v0;
	p0 =	slt.u32 s6, $0x3C  }
.Ltmp2:
0x14e: {  	_ = 	snop;
	(pc) =	sbr.rel @p0 .LBB2_3-.Ltmp2, $4  }
0x14f: {  	_ = 	snop  }
0x150: {  	s20 =	sadd.s32 $0x200, s20  }
0x151: {  	s17 =	sadd.s32 $0x200, s17;
	s19 =	sadd.s32 $0x200, s19;
	s18 =	sadd.s32 $0x200, s18  }
0x152: {  	s30 =	sadd.s32 $0x200, s30;
	s15 =	smov.u32 s6;
	s11 =	sadd.s32 $0x4, s11  }
0x153: {  	s17 =	sshll.u32 s16, $0x7;
	p0 =	seq.s32 s16, $0x3  }
0x154: {  	s6 =	sadd.s32 @!p0 $0x280, s17;
	s7 =	simm.s32 @!p0 $0x40;
	s11 =	simm.s32 @!p0 $0x600  }
0x155: {  	[tilespmem:s11], [sflag:$0x2] =	stream.indirect.gather @!p0 [hbm4b:s1+s7], $0x80, s6, s7, $0xb8;
	[tilespmem:$0x14800] =	vst v63  }
0x156: {  	s6 =	sadd.s32 @!p0 $0x80, s17;
	s11 =	simm.s32 @!p0 $0x2600  }
0x157: {  	[tilespmem:s11], [sflag:$0x2] =	stream.indirect.gather @!p0 [hbm4b:s2+s7], $0x80, s6, s7, $0xb8;
	[tilespmem:$0x14800] =	vst v63  }
0x158: {  	s15 =	simm.s32 @!p0 $0x4600;
	s11 =	sadd.s32 @!p0 $0x480, s17  }
0x159: {  	[tilespmem:s15], [sflag:$0x2] =	stream.indirect.gather @!p0 [hbm4b:s2+s7], $0x80, s11, s7, $0xb8;
	[tilespmem:$0x14800] =	vst v63  }
0x15a: {  	s15 =	simm.s32 @!p0 $0x6600  }
0x15b: {  	[tilespmem:s15], [sflag:$0x2] =	stream.indirect.gather @!p0 [hbm4b:s3+s7], $0x80, s6, s7, $0xb8;
	[tilespmem:$0x14800] =	vst v63  }
0x15c: {  	s6 =	simm.s32 @!p0 $0x8600  }
0x15d: {  	[tilespmem:s6], [sflag:$0x2] =	stream.indirect.gather @!p0 [hbm4b:s3+s7], $0x80, s11, s7, $0xb8;
	[tilespmem:$0x14800] =	vst v63  }
0x15e: {  	_ =	swait.ge [sflag:s29], $0x2000  }
0x15f: {  	[sflag:s29] =	ssyncset.done $0x0  }
0x160: {  	[sflag:s29] =	ssyncadd.s32 $0xFFFFE000  }
0x161: {  	_ =	swait.ge [sflag:s29], $0x2000  }
0x162: {  	[sflag:s29] =	ssyncset.done $0x0  }
0x163: {  	[sflag:s29] =	ssyncadd.s32 $0xFFFFE000  }
0x164: {  	_ =	swait.ge [sflag:s29], $0x2000  }
0x165: {  	[sflag:s29] =	ssyncset.done $0x0  }
0x166: {  	[sflag:s29] =	ssyncadd.s32 $0xFFFFE000  }
0x167: {  	_ =	swait.ge [sflag:s29], $0x2000  }
0x168: {  	[sflag:s29] =	ssyncset.done $0x0  }
0x169: {  	s18 =	simm.s32 $0x10700;
	[sflag:s29] =	ssyncadd.s32 $0xFFFFE000  }
0x16a: {  	s19 =	simm.s32 $0x12700;
	s20 =	simm.s32 $0xE700;
	_ =	swait.ge [sflag:s29], $0x2000  }
0x16b: {  	s30 =	simm.s32 $0xC700;
	s15 =	smov.u32 s23;
	[sflag:s29] =	ssyncset.done $0x0  }
0x16c: {  	v2 =	vimm.f32 $0.0e+00;
	v43 =	vimm.f32 $0.0e+00;
	v3 =	vimm.f32 $0.0e+00;
	s7 =	simm.s32 $0xFFFFFFFC;
	s11 =	simm.s32 $0xA700;
	[sflag:s29] =	ssyncadd.s32 $0xFFFFE000  }
.LBB2_5:
0x16d: {  	v54 =	vld [tilespmem:s20+$0x0]  }
0x16e: {  	v55 =	vld [tilespmem:s19+$0x0]  }
0x16f: {  	v52 =	vld [tilespmem:s20+$0x10]  }
0x170: {  	v53 =	vld [tilespmem:s19+$0x10]  }
0x171: {  	v22 =	vld [tilespmem:s20+$0x20]  }
0x172: {  	v51 =	vld [tilespmem:s19+$0x20]  }
0x173: {  	v48 =	vld [tilespmem:s20+$0x30]  }
0x174: {  	v50 =	vld [tilespmem:s19+$0x30]  }
0x175: {  	v47 =	vld [tilespmem:s20+$0x40]  }
0x176: {  	v49 =	vld [tilespmem:s19+$0x40]  }
0x177: {  	v45 =	vld [tilespmem:s20+$0x50]  }
0x178: {  	v46 =	vld [tilespmem:s19+$0x50]  }
0x179: {  	v38 =	vld [tilespmem:s20+$0x60]  }
0x17a: {  	v41 =	vld [tilespmem:s19+$0x60]  }
0x17b: {  	v44 =	vld [tilespmem:s20+$0x70]  }
0x17c: {  	v37 =	vld [tilespmem:s19+$0x70]  }
0x17d: {  	v5 =	vld [tilespmem:s20+$0xFFFFFF80]  }
0x17e: {  	v4 =	vld [tilespmem:s19+$0xFFFFFF80]  }
0x17f: {  	v6 =	vld [tilespmem:s20+$0xFFFFFF90]  }
0x180: {  	v33 =	vld [tilespmem:s19+$0xFFFFFF90]  }
0x181: {  	v28 =	vld [tilespmem:s20+$0xFFFFFFA0]  }
0x182: {  	v29 =	vld [tilespmem:s19+$0xFFFFFFA0]  }
0x183: {  	v20 =	vld [tilespmem:s20+$0xFFFFFFB0]  }
0x184: {  	v27 =	vld [tilespmem:s19+$0xFFFFFFB0]  }
0x185: {  	v13 =	vld [tilespmem:s20+$0xFFFFFFC0]  }
0x186: {  	v21 =	vld [tilespmem:s19+$0xFFFFFFC0]  }
0x187: {  	v23 =	vld [tilespmem:s20+$0xFFFFFFD0]  }
0x188: {  	v26 =	vld [tilespmem:s19+$0xFFFFFFD0]  }
0x189: {  	v16 =	vld [tilespmem:s20+$0xFFFFFFE0]  }
0x18a: {  	v18 =	vld [tilespmem:s19+$0xFFFFFFE0]  }
0x18b: {  	v32 =	vld [tilespmem:s20+$0xFFFFFFF0]  }
0x18c: {  	v36 =	vld [tilespmem:s19+$0xFFFFFFF0]  }
0x18d: {  	v7 =	vld [tilespmem:s20+$0xFFFFFF00]  }
0x18e: {  	v15 =	vld [tilespmem:s19+$0xFFFFFF00]  }
0x18f: {  	v8 =	vld [tilespmem:s20+$0xFFFFFF10]  }
0x190: {  	v14 =	vld [tilespmem:s19+$0xFFFFFF10]  }
0x191: {  	v10 =	vld [tilespmem:s20+$0xFFFFFF20]  }
0x192: {  	v11 =	vld [tilespmem:s19+$0xFFFFFF20]  }
0x193: {  	v9 =	vld [tilespmem:s20+$0xFFFFFF30]  }
0x194: {  	v12 =	vld [tilespmem:s19+$0xFFFFFF30]  }
0x195: {  	v17 =	vld [tilespmem:s20+$0xFFFFFF40]  }
0x196: {  	v25 =	vld [tilespmem:s19+$0xFFFFFF40]  }
0x197: {  	v19 =	vld [tilespmem:s20+$0xFFFFFF50]  }
0x198: {  	v24 =	vld [tilespmem:s19+$0xFFFFFF50]  }
0x199: {  	v30 =	vld [tilespmem:s20+$0xFFFFFF60]  }
0x19a: {  	[tilespmem:$0x1FD70] =	vst v3;
	v31 =	vld [tilespmem:s19+$0xFFFFFF60]  }
0x19b: {  	v39 =	vld [tilespmem:s20+$0xFFFFFF70];
	[tilespmem:$0x1FB10] =	vst v38  }
0x19c: {  	v40 =	vld [tilespmem:s19+$0xFFFFFF70];
	[tilespmem:$0x1FB30] =	vst v5  }
0x19d: {  	v59 =	vld [tilespmem:s30+$0x0];
	[tilespmem:$0x1FB20] =	vst v4;
	v0 =	vsub.f32 v54, v55;
	v1 =	vsub.f32 v52, v53  }
0x19e: {  	v34 =	vld [tilespmem:s18+$0x0];
	[tilespmem:$0x1FB50] =	vst v6  }
0x19f: {  	v35 =	vld [tilespmem:s18+$0x10];
	[tilespmem:$0x1FB40] =	vst v33;
	v3 =	vsub.f32 v22, v51;
	v0 =	vmul.f32 v0, v0;
	v1 =	vmul.f32 v1, v1  }
0x1a0: {  	v56 =	vld [tilespmem:s30+$0x70];
	[tilespmem:$0x1FB70] =	vst v28;
	v4 =	vsub.f32 v5, v4;
	v5 =	vsub.f32 v6, v33  }
0x1a1: {  	v57 =	vld [tilespmem:s18+$0x70];
	[tilespmem:$0x1FB60] =	vst v29;
	v0 =	vadd.f32 v1, v0;
	v1 =	vmul.f32 v3, v3;
	v3 =	vsub.f32 v48, v50  }
0x1a2: {  	[tilespmem:$0x1FBA0] =	vst v20;
	v58 =	vsub.f32 v28, v29;
	v33 =	vld [tilespmem:s30+$0x10];
	v4 =	vmul.f32 v4, v4;
	v5 =	vmul.f32 v5, v5  }
0x1a3: {  	[tilespmem:$0x1FB90] =	vst v27;
	v60 =	vsub.f32 v20, v27;
	v20 =	vld [tilespmem:s30+$0x20];
	v0 =	vadd.f32 v1, v0;
	v1 =	vmul.f32 v3, v3  }
0x1a4: {  	[tilespmem:$0x1FBC0] =	vst v13;
	v27 =	vld [tilespmem:s18+$0x20];
	v4 =	vadd.f32 v5, v4;
	v5 =	vmul.f32 v58, v58;
	v3 =	vsub.f32 v47, v49  }
0x1a5: {  	[tilespmem:$0x1FBB0] =	vst v21;
	v62 =	vsub.f32 v8, v14;
	v29 =	vld [tilespmem:s18+$0x40];
	v0 =	vadd.f32 v1, v0  }
0x1a6: {  	[tilespmem:$0x1FBE0] =	vst v23;
	v1 =	vmul.f32 v3, v3;
	v3 =	vadd.f32 v5, v4;
	v5 =	vsub.f32 v13, v21;
	v13 =	vld [tilespmem:s30+$0x30]  }
0x1a7: {  	[tilespmem:$0x1FC30] =	vst v14;
	v61 =	vsub.f32 v7, v15;
	v14 =	vsub.f32 v10, v11;
	v21 =	vld [tilespmem:s18+$0x30]  }
0x1a8: {  	[tilespmem:$0x1FC20] =	vst v7;
	v28 =	vld [tilespmem:s18+$0x50];
	v63 =	vmul.f32 v62, v62;
	v62 =	vsub.f32 v32, v36;
	v4 =	vmul.f32 v60, v60  }
0x1a9: {  	[tilespmem:$0x1FC10] =	vst v15;
	v15 =	vld [tilespmem:s30+$0x60];
	v0 =	vadd.f32 v1, v0;
	v1 =	vsub.f32 v45, v46  }
0x1aa: {  	[tilespmem:$0x1FC40] =	vst v8;
	v8 =	vld [tilespmem:s18+$0x60];
	v3 =	vadd.f32 v4, v3;
	v4 =	vmul.f32 v5, v5;
	v5 =	vsub.f32 v23, v26  }
0x1ab: {  	[tilespmem:$0x1FC50] =	vst v11;
	v7 =	vld [tilespmem:s30+$0xFFFFFF90];
	v11 =	vmul.f32 v62, v62;
	v48 =	vadd.f32 v50, v48;
	v1 =	vmul.f32 v1, v1  }
0x1ac: {  	[tilespmem:$0x1FBD0] =	vst v26;
	v62 =	vld [tilespmem:s30+$0xFFFFFF10];
	v3 =	vadd.f32 v4, v3;
	v4 =	vmul.f32 v5, v5;
	v60 =	vsub.f32 v13, v21  }
0x1ad: {  	[tilespmem:$0x1FC00] =	vst v16;
	v26 =	vld [tilespmem:s30+$0x40];
	v5 =	vmul.f32 v61, v61;
	v13 =	vadd.f32 v21, v13;
	v0 =	vadd.f32 v1, v0  }
0x1ae: {  	[tilespmem:$0x1FBF0] =	vst v18;
	v23 =	vld [tilespmem:s30+$0x50];
	v1 =	vadd.f32 v4, v3;
	v4 =	vsub.f32 v38, v41  }
0x1af: {  	[tilespmem:$0x1FC80] =	vst v9;
	v6 =	vmul.f32 v14, v14;
	v3 =	vadd.f32 v63, v5;
	v38 =	vsub.f32 v9, v12;
	v9 =	vld [tilespmem:s30+$0xFFFFFF80]  }
0x1b0: {  	[tilespmem:$0x1FC70] =	vst v12;
	v5 =	vsub.f32 v16, v18;
	v16 =	vsub.f32 v59, v34;
	v12 =	vld [tilespmem:s30+$0xFFFFFFB0];
	v4 =	vmul.f32 v4, v4  }
0x1b1: {  	[tilespmem:$0x1FCD0] =	vst v24;
	v18 =	vsub.f32 v33, v35;
	v63 =	vsub.f32 v19, v24;
	v24 =	vld [tilespmem:s18+$0xFFFFFFB0]  }
0x1b2: {  	[tilespmem:$0x1FCE0] =	vst v19;
	v19 =	vld [tilespmem:s18+$0xFFFFFFC0];
	v3 =	vadd.f32 v6, v3;
	v0 =	vadd.f32 v4, v0;
	v4 =	vmul.f32 v38, v38  }
0x1b3: {  	v34 =	vadd.f32 v34, v59;
	v59 =	vld [tilespmem:s30+$0xFFFFFF50];
	v21 =	vsub.f32 v13, v48  }
0x1b4: {  	[tilespmem:$0x1FB00] =	vst v41;
	v13 =	vld [tilespmem:s30+$0xFFFFFF70];
	v5 =	vmul.f32 v5, v5;
	v3 =	vadd.f32 v4, v3;
	v4 =	vsub.f32 v17, v25  }
0x1b5: {  	[tilespmem:$0x1FC60] =	vst v10;
	v42 =	vsub.f32 v20, v27;
	v48 =	vld [tilespmem:s11+$0x60];
	v41 =	vmul.f32 v16, v16;
	v10 =	vmul.f32 v18, v18  }
0x1b6: {  	v61 =	vsub.f32 v44, v37;
	v18 =	vld [tilespmem:s18+$0xFFFFFF80];
	v4 =	vmul.f32 v4, v4  }
0x1b7: {  	[tilespmem:$0x1FB80] =	vst v37;
	v58 =	vmul.f32 v42, v42;
	v16 =	vld [tilespmem:s18+$0xFFFFFF90];
	v1 =	vadd.f32 v5, v1;
	v5 =	vadd.f32 v10, v41  }
0x1b8: {  	[tilespmem:$0x1FCC0] =	vst v32;
	v6 =	vmul.f32 v60, v60;
	v60 =	vld [tilespmem:s30+$0xFFFFFF20];
	v3 =	vadd.f32 v4, v3;
	v4 =	vmul.f32 v61, v61  }
0x1b9: {  	[tilespmem:$0x1FCB0] =	vst v36;
	v32 =	vsub.f32 v26, v29;
	v36 =	vmul.f32 v63, v63;
	v63 =	vld [tilespmem:s18+$0xFFFFFF20];
	v5 =	vadd.f32 v58, v5  }
0x1ba: {  	[tilespmem:$0x1FCA0] =	vst v17;
	v26 =	vadd.f32 v29, v26;
	v17 =	vld [tilespmem:s30+$0xFFFFFFA0];
	v0 =	vadd.f32 v4, v0  }
0x1bb: {  	[tilespmem:$0x1FC90] =	vst v25;
	v37 =	vmul.f32 v32, v32;
	v41 =	vsub.f32 v23, v28;
	v25 =	vld [tilespmem:s18+$0xFFFFFFA0];
	v5 =	vadd.f32 v6, v5  }
0x1bc: {  	v32 =	vld [tilespmem:s18+$0xFFFFFFE0];
	v38 =	vsub.f32 v30, v31;
	[tilespmem:$0x1FD30] =	vst v0;
	v0 =	vadd.f32 v11, v1  }
0x1bd: {  	v58 =	vld [tilespmem:s30+$0xFFFFFF00];
	v14 =	vmul.f32 v41, v41;
	v41 =	vsub.f32 v12, v24;
	v4 =	vadd.f32 v37, v5  }
0x1be: {  	v61 =	vld [tilespmem:s18+$0xFFFFFF00];
	v5 =	vsub.f32 v7, v16;
	[tilespmem:$0x1FD40] =	vst v0;
	v0 =	vsub.f32 v9, v18  }
0x1bf: {  	v10 =	vld [tilespmem:s30+$0xFFFFFFC0];
	v6 =	vmul.f32 v38, v38;
	v3 =	vadd.f32 v36, v3;
	v37 =	vsub.f32 v15, v8  }
0x1c0: {  	[tilespmem:$0x1FD00] =	vst v30;
	v30 =	vld [tilespmem:s30+$0xFFFFFFE0];
	v36 =	vsub.f32 v17, v25;
	v5 =	vmul.f32 v5, v5;
	v42 =	vmul.f32 v0, v0  }
0x1c1: {  	v6 =	vadd.f32 v6, v3;
	v3 =	vadd.f32 v14, v4;
	v4 =	vmul.f32 v37, v37;
	v0 =	vld [tilespmem:s18+$0xFFFFFF10]  }
0x1c2: {  	v17 =	vadd.f32 v25, v17;
	v1 =	vld [tilespmem:s30+$0xFFFFFFD0];
	v38 =	vmul.f32 v36, v36;
	v5 =	vadd.f32 v5, v42  }
0x1c3: {  	v11 =	vld [tilespmem:s18+$0xFFFFFFD0];
	v29 =	vadd.f32 v61, v58;
	v36 =	vadd.f32 v4, v3  }
0x1c4: {  	v4 =	vld [tilespmem:s30+$0xFFFFFFF0];
	v42 =	vmul.f32 v41, v41;
	v41 =	vsub.f32 v10, v19;
	v5 =	vadd.f32 v38, v5  }
0x1c5: {  	v3 =	vsub.f32 v58, v61;
	v58 =	vld [tilespmem:$0x1FCB0];
	v38 =	vsub.f32 v39, v40  }
0x1c6: {  	v61 =	vld [tilespmem:s30+$0x80];
	v14 =	vmul.f32 v41, v41;
	v5 =	vadd.f32 v42, v5;
	v42 =	vsub.f32 v62, v0  }
0x1c7: {  	[tilespmem:$0x1FD20] =	vst v39;
	v25 =	vadd.f32 v32, v30;
	v37 =	vmul.f32 v3, v3;
	v3 =	vld [tilespmem:s30+$0xFFFFFF30];
	v39 =	vsub.f32 v56, v57  }
0x1c8: {  	[tilespmem:$0x1FCF0] =	vst v31;
	v38 =	vmul.f32 v38, v38;
	v31 =	vmul.f32 v42, v42;
	v42 =	vadd.f32 v14, v5;
	v5 =	vld [tilespmem:s18+$0xFFFFFF30]  }
0x1c9: {  	[tilespmem:$0x1FD10] =	vst v40;
	v40 =	vsub.f32 v1, v11;
	v41 =	vsub.f32 v60, v63;
	v14 =	vld [tilespmem:s30+$0xFFFFFF40]  }
0x1ca: {  	v6 =	vadd.f32 v38, v6;
	v38 =	vsub.f32 v30, v32;
	v30 =	vld [tilespmem:$0x1FC10]  }
0x1cb: {  	v39 =	vmul.f32 v39, v39;
	v32 =	vld [tilespmem:$0x1FC20]  }
0x1cc: {  	v31 =	vadd.f32 v31, v37;
	v37 =	vmul.f32 v40, v40;
	v40 =	vmul.f32 v41, v41;
	[tilespmem:$0x1FD50] =	vst v6;
	v6 =	vld [tilespmem:s18+$0xFFFFFF40]  }
0x1cd: {  	v41 =	vadd.f32 v39, v36;
	v39 =	vadd.f32 v55, v54;
	v54 =	vld [tilespmem:s18+$0xFFFFFF50]  }
0x1ce: {  	v36 =	vadd.f32 v37, v42;
	v37 =	vadd.f32 v40, v31;
	v31 =	vld [tilespmem:s18+$0xFFFFFFF0]  }
0x1cf: {  	v38 =	vmul.f32 v38, v38;
	[tilespmem:$0x1FD60] =	vst v41;
	v41 =	vld [tilespmem:s11+$0x0];
	v40 =	vsub.f32 v3, v5  }
0x1d0: {  	v52 =	vadd.f32 v53, v52;
	v20 =	vadd.f32 v27, v20;
	v42 =	vld [tilespmem:s11+$0x10]  }
0x1d1: {  	v36 =	vadd.f32 v38, v36;
	v38 =	vld [tilespmem:$0x1FB60];
	v53 =	vmul.f32 v40, v40;
	v40 =	vadd.f32 v51, v22  }
0x1d2: {  	v33 =	vadd.f32 v35, v33;
	v55 =	vsub.f32 v14, v6;
	v51 =	vld [tilespmem:s18+$0xFFFFFF60]  }
0x1d3: {  	v20 =	vsub.f32 v20, v40;
	v40 =	vadd.f32 v46, v45;
	v45 =	vld [tilespmem:$0x1FB00]  }
0x1d4: {  	v34 =	vsub.f32 v34, v39;
	v46 =	vld [tilespmem:$0x1FB10]  }
0x1d5: {  	v33 =	vsub.f32 v33, v52;
	v35 =	vadd.f32 v53, v37;
	v52 =	vmul.f32 v55, v55;
	v37 =	vld [tilespmem:s11+$0xFFFFFF80]  }
0x1d6: {  	v34 =	vmul.f32 $5.000000000e-01, v34;
	v53 =	vsub.f32 v4, v31;
	v4 =	vadd.f32 v31, v4;
	v31 =	vld [tilespmem:$0x1FCD0]  }
0x1d7: {  	v33 =	vmul.f32 $5.000000000e-01, v33;
	v55 =	vsub.f32 v59, v54;
	v35 =	vadd.f32 v52, v35;
	v52 =	vld [tilespmem:s30+$0xFFFFFF60]  }
0x1d8: {  	v23 =	vadd.f32 v28, v23;
	v34 =	vadd.f32 v41, v34;
	v41 =	vmul.f32 v53, v53;
	v53 =	vld [tilespmem:s11+$0x30]  }
0x1d9: {  	v49 =	vadd.f32 v49, v47;
	v33 =	vadd.f32 v42, v33;
	v42 =	vmul.f32 v55, v55;
	v55 =	vld [tilespmem:s11+$0x40]  }
0x1da: {  	v23 =	vsub.f32 v23, v40;
	v40 =	vld [tilespmem:s11+$0xFFFFFF90]  }
0x1db: {  	v26 =	vsub.f32 v26, v49;
	v22 =	vadd.f32 v41, v36;
	v41 =	vld [tilespmem:s11+$0x20]  }
0x1dc: {  	v33 =	vand.u32 $0x7FFFFFFF, v33;
	v35 =	vadd.f32 v42, v35;
	v42 =	vand.u32 $0x7FFFFFFF, v34;
	v36 =	vld [tilespmem:$0x1FB50]  }
0x1dd: {  	v21 =	vmul.f32 $5.000000000e-01, v21;
	v27 =	vadd.f32 v33, v42;
	v42 =	vld [tilespmem:s11+$0x50]  }
0x1de: {  	v26 =	vmul.f32 $5.000000000e-01, v26;
	v8 =	vadd.f32 v8, v15;
	v15 =	vadd.f32 v45, v46;
	v45 =	vld [tilespmem:$0x1FB90]  }
0x1df: {  	v46 =	vld [tilespmem:$0x1FBA0]  }
0x1e0: {  	v21 =	vadd.f32 v53, v21;
	v26 =	vadd.f32 v55, v26;
	v53 =	vld [tilespmem:$0x1FB20]  }
0x1e1: {  	v23 =	vmul.f32 $5.000000000e-01, v23;
	v55 =	vld [tilespmem:$0x1FB30]  }
0x1e2: {  	v12 =	vadd.f32 v24, v12;
	v20 =	vmul.f32 $5.000000000e-01, v20;
	v49 =	vand.u32 $0x7FFFFFFF, v26;
	v26 =	vld [tilespmem:$0x1FBF0]  }
0x1e3: {  	v50 =	vsub.f32 v52, v51;
	v23 =	vadd.f32 v42, v23;
	v42 =	vld [tilespmem:$0x1FB80]  }
0x1e4: {  	v20 =	vadd.f32 v41, v20;
	v24 =	vadd.f32 v45, v46;
	v45 =	vld [tilespmem:s11+$0xFFFFFF20]  }
0x1e5: {  	v8 =	vsub.f32 v8, v15;
	v39 =	vmul.f32 v50, v50;
	v46 =	vld [tilespmem:s11+$0xFFFFFF30]  }
0x1e6: {  	v41 =	vand.u32 $0x7FFFFFFF, v20;
	v20 =	vld [tilespmem:s18+$0xFFFFFF70]  }
0x1e7: {  	v33 =	vmul.f32 $5.000000000e-01, v8;
	v28 =	vadd.f32 v39, v35;
	v35 =	vld [tilespmem:$0x1FB40]  }
0x1e8: {  	v39 =	vld [tilespmem:$0x1FB70]  }
0x1e9: {  	v34 =	vadd.f32 v48, v33;
	v48 =	vld [tilespmem:$0x1FBB0]  }
0x1ea: {  	v33 =	vadd.f32 v0, v62;
	v62 =	vld [tilespmem:s18+$0x80]  }
0x1eb: {  	v27 =	vadd.f32 v41, v27;
	v41 =	vadd.f32 v57, v56;
	v56 =	vld [tilespmem:$0x1FBD0]  }
0x1ec: {  	v21 =	vand.u32 $0x7FFFFFFF, v21;
	v57 =	vld [tilespmem:$0x1FBE0]  }
0x1ed: {  	v12 =	vsub.f32 v12, v24;
	v24 =	vand.u32 $0x7FFFFFFF, v34;
	v34 =	vld [tilespmem:s11+$0xFFFFFFE0];
	v21 =	vadd.f32 v21, v27  }
0x1ee: {  	v27 =	vld [tilespmem:$0x1FC00]  }
0x1ef: {  	v15 =	vadd.f32 v49, v21;
	v49 =	vld [tilespmem:$0x1FBC0]  }
0x1f0: {  	v21 =	vadd.f32 v53, v55;
	v55 =	vld [tilespmem:s11+$0x70]  }
0x1f1: {  	v7 =	vadd.f32 v16, v7;
	v16 =	vadd.f32 v35, v36;
	v35 =	vld [tilespmem:$0x1FC30]  }
0x1f2: {  	v36 =	vld [tilespmem:$0x1FC40]  }
0x1f3: {  	v1 =	vadd.f32 v11, v1;
	v11 =	vadd.f32 v56, v57;
	v56 =	vld [tilespmem:s11+$0xFFFFFF60]  }
0x1f4: {  	v9 =	vadd.f32 v18, v9;
	v47 =	vsub.f32 v13, v20;
	v57 =	vld [tilespmem:s11+$0x80]  }
0x1f5: {  	v7 =	vsub.f32 v7, v16;
	v16 =	vadd.f32 v42, v44;
	v44 =	vld [tilespmem:s11+$0xFFFFFFA0]  }
0x1f6: {  	v10 =	vadd.f32 v19, v10;
	v50 =	vmul.f32 v47, v47;
	v47 =	vld [tilespmem:s11+$0xFFFFFFB0]  }
0x1f7: {  	v3 =	vadd.f32 v5, v3;
	v23 =	vand.u32 $0x7FFFFFFF, v23;
	v9 =	vsub.f32 v9, v21;
	v21 =	vld [tilespmem:s11+$0xFFFFFFD0]  }
0x1f8: {  	v15 =	vadd.f32 v23, v15;
	v23 =	vadd.f32 v38, v39;
	v38 =	vld [tilespmem:s11+$0xFFFFFF10]  }
0x1f9: {  	v6 =	vadd.f32 v6, v14;
	v13 =	vadd.f32 v20, v13;
	v42 =	vld [tilespmem:$0x1FC60]  }
0x1fa: {  	v1 =	vsub.f32 v1, v11;
	v8 =	vadd.f32 v50, v28;
	v50 =	vld [tilespmem:s11+$0xFFFFFFC0]  }
0x1fb: {  	v17 =	vsub.f32 v17, v23;
	v16 =	vsub.f32 v41, v16;
	v41 =	vld [tilespmem:$0x1FC50]  }
0x1fc: {  	v9 =	vmul.f32 $5.000000000e-01, v9;
	v7 =	vmul.f32 $5.000000000e-01, v7;
	v19 =	vadd.f32 v48, v49;
	v48 =	vld [tilespmem:$0x1FC70]  }
0x1fd: {  	v11 =	vadd.f32 v24, v15;
	v15 =	vadd.f32 v26, v27;
	v49 =	vld [tilespmem:$0x1FC80]  }
0x1fe: {  	v12 =	vmul.f32 $5.000000000e-01, v12;
	v9 =	vadd.f32 v37, v9;
	v7 =	vadd.f32 v40, v7;
	v37 =	vld [tilespmem:s11+$0xFFFFFF00]  }
0x1ff: {  	v1 =	vmul.f32 $5.000000000e-01, v1;
	v28 =	vsub.f32 v25, v15;
	v40 =	vadd.f32 v63, v60;
	v60 =	vld [tilespmem:$0x1FCC0]  }
0x200: {  	v17 =	vmul.f32 $5.000000000e-01, v17;
	v15 =	vadd.f32 v30, v32;
	v63 =	vld [tilespmem:s19+$0x80];
	v30 =	vadd.f32 v54, v59  }
0x201: {  	v16 =	vmul.f32 $5.000000000e-01, v16;
	v32 =	vld [tilespmem:$0x1FCE0];
	v53 =	vsub.f32 v10, v19;
	v12 =	vadd.f32 v47, v12  }
0x202: {  	v59 =	vld [tilespmem:s11+$0xA0];
	v1 =	vadd.f32 v21, v1;
	v9 =	vand.u32 $0x7FFFFFFF, v9;
	v17 =	vadd.f32 v44, v17  }
0x203: {  	v47 =	vld [tilespmem:s11+$0xFFFFFF40];
	v7 =	vand.u32 $0x7FFFFFFF, v7;
	v10 =	vadd.f32 v55, v16;
	v39 =	vsub.f32 v29, v15  }
0x204: {  	v21 =	vld [tilespmem:s20+$0x80];
	v7 =	vadd.f32 v7, v9;
	v9 =	vmul.f32 $5.000000000e-01, v53;
	v15 =	vadd.f32 v41, v42  }
0x205: {  	v55 =	vld [tilespmem:$0x1FCA0];
	v17 =	vand.u32 $0x7FFFFFFF, v17;
	v0 =	vand.u32 $0x7FFFFFFF, v10;
	v10 =	vadd.f32 v35, v36  }
0x206: {  	v12 =	vand.u32 $0x7FFFFFFF, v12;
	v53 =	vld [tilespmem:$0x1FC90];
	v7 =	vadd.f32 v17, v7;
	v9 =	vadd.f32 v50, v9  }
0x207: {  	v35 =	vld [tilespmem:$0x1FCF0];
	v0 =	vadd.f32 v0, v11;
	v11 =	vmul.f32 $5.000000000e-01, v39;
	v17 =	vadd.f32 v58, v60  }
0x208: {  	v36 =	vld [tilespmem:$0x1FD00];
	v10 =	vsub.f32 v33, v10;
	v7 =	vadd.f32 v12, v7  }
0x209: {  	v44 =	vld [tilespmem:s11+$0xFFFFFFF0];
	v12 =	vsub.f32 v40, v15;
	v11 =	vadd.f32 v37, v11  }
0x20a: {  	v29 =	vld [tilespmem:s19+$0xF0];
	v9 =	vand.u32 $0x7FFFFFFF, v9;
	v4 =	vsub.f32 v4, v17;
	v17 =	vadd.f32 v31, v32  }
0x20b: {  	v1 =	vand.u32 $0x7FFFFFFF, v1;
	v41 =	vld [tilespmem:s19+$0x90];
	v14 =	vadd.f32 v53, v55;
	v7 =	vadd.f32 v9, v7  }
0x20c: {  	v37 =	vld [tilespmem:s30+$0x90];
	v9 =	vmul.f32 $5.000000000e-01, v28;
	v5 =	vmul.f32 $5.000000000e-01, v12;
	v12 =	vadd.f32 v48, v49  }
0x20d: {  	v40 =	vld [tilespmem:s18+$0x90];
	v10 =	vmul.f32 $5.000000000e-01, v10;
	v25 =	vadd.f32 v35, v36;
	v6 =	vsub.f32 v6, v14  }
0x20e: {  	v42 =	vld [tilespmem:$0x1FD10];
	v1 =	vadd.f32 v1, v7;
	v9 =	vadd.f32 v34, v9  }
0x20f: {  	v4 =	vmul.f32 $5.000000000e-01, v4;
	v48 =	vld [tilespmem:s20+$0xA0];
	v7 =	vadd.f32 v38, v10;
	v5 =	vadd.f32 v45, v5  }
0x210: {  	v11 =	vand.u32 $0x7FFFFFFF, v11;
	v49 =	vld [tilespmem:s18+$0xA0];
	v3 =	vsub.f32 v3, v12;
	v34 =	vadd.f32 v51, v52  }
0x211: {  	v38 =	vld [tilespmem:s20+$0x90];
	v4 =	vadd.f32 v44, v4;
	v10 =	vsub.f32 v21, v63;
	v6 =	vmul.f32 $5.000000000e-01, v6  }
0x212: {  	v44 =	vld [tilespmem:$0x1FD20];
	v52 =	vadd.f32 v40, v37;
	v7 =	vand.u32 $0x7FFFFFFF, v7;
	v3 =	vmul.f32 $5.000000000e-01, v3  }
0x213: {  	v45 =	vld [tilespmem:s30+$0xA0];
	v9 =	vand.u32 $0x7FFFFFFF, v9;
	v39 =	vsub.f32 v34, v25;
	v7 =	vadd.f32 v7, v11  }
0x214: {  	v51 =	vld [tilespmem:s19+$0xA0];
	v6 =	vadd.f32 v47, v6;
	v1 =	vadd.f32 v9, v1  }
0x215: {  	v50 =	vld [tilespmem:s11+$0xFFFFFF50];
	v5 =	vand.u32 $0x7FFFFFFF, v5;
	v47 =	vadd.f32 v63, v21;
	v3 =	vadd.f32 v46, v3  }
0x216: {  	v33 =	vld [tilespmem:s11+$0x90];
	v46 =	vadd.f32 v62, v61;
	v5 =	vadd.f32 v5, v7  }
0x217: {  	v28 =	vld [tilespmem:s30+$0xB0];
	v4 =	vand.u32 $0x7FFFFFFF, v4;
	v16 =	vadd.f32 v42, v44;
	v53 =	vadd.f32 v41, v38  }
0x218: {  	v34 =	vld [tilespmem:s19+$0xC0];
	v9 =	vmul.f32 $5.000000000e-01, v39;
	v1 =	vadd.f32 v4, v1;
	v7 =	vsub.f32 v61, v62  }
0x219: {  	v21 =	vld [tilespmem:s20+$0xC0];
	v60 =	vadd.f32 v49, v45;
	v61 =	vadd.f32 v51, v48;
	v3 =	vand.u32 $0x7FFFFFFF, v3  }
0x21a: {  	v12 =	vld [tilespmem:s11+$0xFFFFFF70];
	v10 =	vmul.f32 v10, v10;
	v9 =	vadd.f32 v56, v9;
	v3 =	vadd.f32 v3, v5  }
0x21b: {  	v63 =	vld [tilespmem:s18+$0xC0];
	v6 =	vand.u32 $0x7FFFFFFF, v6;
	v5 =	vsub.f32 v30, v17;
	v13 =	vsub.f32 v13, v16  }
0x21c: {  	v62 =	vld [tilespmem:s30+$0xC0];
	v55 =	vsub.f32 v52, v53;
	v7 =	vmul.f32 v7, v7;
	v17 =	vsub.f32 v37, v40  }
0x21d: {  	v42 =	vld [tilespmem:s30+$0xD0];
	v14 =	vsub.f32 v60, v61;
	v40 =	vsub.f32 v45, v49;
	v9 =	vand.u32 $0x7FFFFFFF, v9  }
0x21e: {  	v56 =	vld [tilespmem:s18+$0xB0];
	v45 =	vadd.f32 v34, v21;
	v21 =	vsub.f32 v21, v34;
	v5 =	vmul.f32 $5.000000000e-01, v5  }
0x21f: {  	v52 =	vld [tilespmem:s30+$0xE0];
	v3 =	vadd.f32 v6, v3;
	v4 =	vmul.f32 $5.000000000e-01, v13;
	v6 =	vsub.f32 v38, v41  }
0x220: {  	v61 =	vld [tilespmem:s30+$0xF0];
	v58 =	vmul.f32 $5.000000000e-01, v55;
	v41 =	vsub.f32 v48, v51;
	v5 =	vadd.f32 v50, v5  }
0x221: {  	v35 =	vmul.f32 v17, v17;
	v48 =	vld [tilespmem:s18+$0xD0];
	v44 =	vadd.f32 v63, v62;
	v16 =	vsub.f32 v62, v63  }
0x222: {  	v51 =	vld [tilespmem:s19+$0xD0];
	v50 =	vsub.f32 v46, v47;
	v4 =	vadd.f32 v12, v4;
	v5 =	vand.u32 $0x7FFFFFFF, v5  }
0x223: {  	v14 =	vmul.f32 $5.000000000e-01, v14;
	v63 =	vld [tilespmem:s18+$0xF0];
	v11 =	vadd.f32 v58, v33;
	v3 =	vadd.f32 v5, v3  }
0x224: {  	v32 =	vadd.f32 v56, v28;
	v7 =	vadd.f32 v35, v7;
	v6 =	vmul.f32 v6, v6;
	v5 =	vld [tilespmem:s20+$0xB0]  }
0x225: {  	v13 =	vadd.f32 v14, v59;
	v47 =	vmul.f32 v40, v40;
	v3 =	vadd.f32 v9, v3;
	v9 =	vld [tilespmem:s19+$0xB0]  }
0x226: {  	v62 =	vld [tilespmem:s20+$0xF0];
	v49 =	vmul.f32 v41, v41;
	v55 =	vsub.f32 v28, v56;
	v6 =	vadd.f32 v6, v10  }
0x227: {  	v46 =	vld [tilespmem:s20+$0xD0];
	v54 =	vmul.f32 $5.000000000e-01, v50;
	v50 =	vsub.f32 v44, v45;
	v7 =	vadd.f32 v47, v7  }
0x228: {  	v56 =	vld [tilespmem:s18+$0xE0];
	v59 =	vadd.f32 v48, v42;
	v15 =	vsub.f32 v42, v48  }
0x229: {  	v38 =	vld [tilespmem:s11+$0xC0];
	v11 =	vand.u32 $0x7FFFFFFF, v11;
	v57 =	vadd.f32 v54, v57;
	v6 =	vadd.f32 v49, v6  }
0x22a: {  	v36 =	vld [tilespmem:s11+$0xB0];
	v13 =	vand.u32 $0x7FFFFFFF, v13;
	v35 =	vadd.f32 v63, v61;
	v33 =	vadd.f32 v9, v5  }
0x22b: {  	v58 =	vld [tilespmem:s19+$0xE0];
	v53 =	vmul.f32 $5.000000000e-01, v50;
	v49 =	vsub.f32 v61, v63;
	v50 =	vsub.f32 v62, v29  }
0x22c: {  	v54 =	vld [tilespmem:s20+$0xE0];
	v60 =	vadd.f32 v51, v46;
	v12 =	vand.u32 $0x7FFFFFFF, v57;
	v37 =	vsub.f32 v32, v33  }
0x22d: {  	v4 =	vand.u32 $0x7FFFFFFF, v4;
	v10 =	vsub.f32 v52, v56;
	v11 =	vadd.f32 v11, v12  }
0x22e: {  	v57 =	vadd.f32 v53, v38;
	v23 =	vsub.f32 v59, v60;
	v12 =	vmul.f32 $5.000000000e-01, v37  }
0x22f: {  	v39 =	vld [tilespmem:s11+$0xD0];
	v3 =	vadd.f32 v4, v3;
	v11 =	vadd.f32 v13, v11  }
0x230: {  	v30 =	vmul.f32 v21, v21;
	v41 =	vld [tilespmem:$0x1FD30];
	v5 =	vsub.f32 v5, v9;
	v12 =	vadd.f32 v12, v36  }
0x231: {  	v44 =	vld [tilespmem:$0x1FD40];
	v31 =	vmul.f32 $5.000000000e-01, v23;
	v34 =	vadd.f32 v58, v54;
	v48 =	vsub.f32 v54, v58  }
0x232: {  	v47 =	vld [tilespmem:$0x1FD60];
	v5 =	vmul.f32 v5, v5;
	v33 =	vadd.f32 v56, v52;
	v12 =	vand.u32 $0x7FFFFFFF, v12  }
0x233: {  	v9 =	vand.u32 $0x7FFFFFFF, v57;
	v37 =	vsub.f32 v46, v51;
	v46 =	vld [tilespmem:$0x1FD50];
	v11 =	vadd.f32 v12, v11  }
0x234: {  	v38 =	vld [tilespmem:s11+$0xE0];
	v5 =	vadd.f32 v5, v6;
	v36 =	vadd.f32 v29, v62;
	v12 =	vmul.f32 v55, v55  }
0x235: {  	v28 =	vmul.f32 v16, v16;
	v9 =	vadd.f32 v9, v11;
	v11 =	vsub.f32 v33, v34  }
0x236: {  	v40 =	vld [tilespmem:s11+$0xF0];
	v15 =	vmul.f32 v15, v15;
	(xrf2) =	vadd.scan.msk.f32 $0xffff, v41;
	v32 =	vadd.f32 v31, v39;
	v7 =	vadd.f32 v12, v7  }
0x237: {  	(xrf2) =	vadd.scan.msk.f32 $0xffff, v44;
	v5 =	vadd.f32 v30, v5;
	v39 =	vsub.f32 v35, v36;
	v42 =	vmul.f32 $5.000000000e-01, v11  }
0x238: {  	v19 =	vmul.f32 v37, v37;
	(xrf2) =	vadd.scan.msk.f32 $0xffff, v46;
	v6 =	vadd.f32 v28, v7;
	v7 =	vand.u32 $0x7FFFFFFF, v32  }
0x239: {  	v45 =	vmul.f32 $5.000000000e-01, v39;
	(xrf2) =	vadd.scan.msk.f32 $0xffff, v47;
	v4 =	vadd.f32 v7, v9;
	v7 =	vadd.f32 v42, v38  }
0x23a: {  	v10 =	vmul.f32 v10, v10;
	v51 =	vmul.f32 v48, v48;
	(xrf2) =	vadd.scan.msk.f32 $0xffff, v22;
	v6 =	vadd.f32 v15, v6  }
0x23b: {  	v5 =	vadd.f32 v19, v5;
	(xrf2) =	vadd.scan.msk.f32 $0xffff, v8;
	v9 =	vadd.f32 v45, v40;
	v7 =	vand.u32 $0x7FFFFFFF, v7  }
0x23c: {  	v54 =	vmul.f32 v49, v49;
	(xrf2) =	vadd.scan.msk.f32 $0xffff, v0;
	v0 =	vadd.f32 v10, v6;
	v4 =	vadd.f32 v7, v4  }
0x23d: {  	(xrf2) =	vadd.scan.msk.f32 $0xffff, v1;
	v1 =	vadd.f32 v51, v5;
	v5 =	vmul.f32 v50, v50;
	v53 =	vand.u32 $0x7FFFFFFF, v9  }
0x23e: {  	v0 =	vadd.f32 v54, v0;
	v4 =	vadd.f32 v53, v4  }
0x23f: {  	(xrf2) =	vadd.scan.msk.f32 $0xffff, v3;
	v1 =	vadd.f32 v5, v1  }
0x240: {  	(xrf2) =	vadd.scan.msk.f32 $0xffff, v4  }
0x241: {  	v3, _, _ =	vpop (xrf2);
	(xrf2) =	vadd.scan.msk.f32 $0xffff, v0  }
0x242: {  	v0, _, _ =	vpop (xrf2);
	(xrf2) =	vadd.scan.msk.f32 $0xffff, v1  }
0x243: {  	v1, _, _ =	vpop (xrf2)  }
0x244: {  	s6 =	sadd.s32 $0x6, s7;
	v4, _, _ =	vpop (xrf2)  }
0x245: {  	s8 =	sadd.s32 $0x5, s7;
	s6 =	sand.u32 $0xE, s6;
	v5, _, _ =	vpop (xrf2)  }
0x246: {  	s8 =	sand.u32 $0xD, s8;
	v52 =	vlaneseq.u32;
	v56 =	vmov s6;
	s6 =	sadd.s32 $0x4, s7;
	v55, _, _ =	vpop (xrf2)  }
0x247: {  	v58 =	vmov s8;
	vm0 =	veq.s32 v56, v52;
	s8 =	sand.u32 $0xC, s6;
	v57, _, _ =	vpop (xrf2)  }
0x248: {  	vm1 =	veq.s32 v58, v52;
	v60 =	vmov s8;
	v1 =	vbroadcast v1, $0xF;
	v59, _, _ =	vpop (xrf2)  }
0x249: {  	vm2 =	veq.s32 v60, v52;
	v0 =	vbroadcast v0, $0xF;
	v6 =	vbroadcast v55, $0xF;
	v61, _, _ =	vpop (xrf2)  }
0x24a: {  	s8 =	sadd.s32 $0x7, s7;
	v3 =	vbroadcast v3, $0xF;
	v1 =	vsel vm2, v1, v2;
	v2 =	vbroadcast v5, $0xF;
	v62, _, _ =	vpop (xrf2)  }
0x24b: {  	s7 =	sand.u32 $0xF, s8;
	v0 =	vsel vm1, v0, v1;
	v1 =	vbroadcast v4, $0xF;
	v4 =	vsel vm2, v6, v43;
	v5, _, _ =	vpop (xrf2)  }
0x24c: {  	v2 =	vsel vm1, v2, v4;
	v4 =	vmov s7;
	v5 =	vbroadcast v5, $0xF;
	v63, _, _ =	vpop (xrf2)  }
0x24d: {  	v1 =	vsel vm0, v1, v2;
	vm3 =	veq.s32 v4, v52;
	v2 =	vbroadcast v63, $0xF  }
0x24e: {  	p1 =	sne.s32 s7, $0xF;
	v0 =	vsel vm0, v3, v0;
	v43 =	vsel vm3, v5, v1  }
0x24f: {  	v2 =	vsel vm3, v2, v0;
	v0 =	vshrl.u32 @!p1 v43, $0x1;
	v1 =	vmul.f32 @!p1 $5.000000000e-01, v43  }
0x250: {  	v0 =	vsub.s32 @!p1 $0x5F3759DF, v0;
	v3 =	vshrl.u32 @!p1 v2, $0x1;
	v4 =	vmul.f32 @!p1 $5.000000000e-01, v2  }
0x251: {  	v5 =	vmul.f32 @!p1 v0, v1;
	v3 =	vsub.s32 @!p1 $0x5F3759DF, v3  }
0x252: {  	v6 =	vmul.f32 @!p1 v3, v4  }
0x253: {  	v5 =	vmul.f32 @!p1 v0, v5  }
0x254: {  	v6 =	vmul.f32 @!p1 v3, v6  }
0x255: {  	v5 =	vsub.f32 @!p1 $1.500000000e+00, v5  }
0x256: {  	v6 =	vsub.f32 @!p1 $1.500000000e+00, v6  }
0x257: {  	v0 =	vmul.f32 @!p1 v0, v5  }
0x258: {  	v3 =	vmul.f32 @!p1 v3, v6  }
0x259: {  	v5 =	vmul.f32 @!p1 v0, v1  }
0x25a: {  	v6 =	vmul.f32 @!p1 v3, v4  }
0x25b: {  	v5 =	vmul.f32 @!p1 v5, v0  }
0x25c: {  	v6 =	vmul.f32 @!p1 v6, v3  }
0x25d: {  	v5 =	vsub.f32 @!p1 $1.500000000e+00, v5  }
0x25e: {  	v6 =	vsub.f32 @!p1 $1.500000000e+00, v6  }
0x25f: {  	v0 =	vmul.f32 @!p1 v5, v0  }
0x260: {  	v3 =	vmul.f32 @!p1 v6, v3  }
0x261: {  	v1 =	vmul.f32 @!p1 v0, v1  }
0x262: {  	v4 =	vmul.f32 @!p1 v3, v4  }
0x263: {  	v1 =	vmul.f32 @!p1 v1, v0  }
0x264: {  	v5 =	vld [tilespmem:$0x1FD70];
	v4 =	vmul.f32 @!p1 v4, v3  }
0x265: {  	v1 =	vsub.f32 @!p1 $1.500000000e+00, v1  }
0x266: {  	v4 =	vsub.f32 @!p1 $1.500000000e+00, v4  }
0x267: {  	v0 =	vmul.f32 @!p1 v1, v0;
	v1 =	vbroadcast v61, $0xF  }
0x268: {  	v3 =	vmul.f32 @!p1 v4, v3  }
0x269: {  	v4 =	vbroadcast v59, $0xF;
	v1 =	vsel vm2, v1, v5  }
0x26a: {  	v0 =	vmul.f32 @!p1 v0, v43;
	vm2 =	vgt.f32 @!p1 v2, $0.0e+00;
	v3 =	vmul.f32 @!p1 v3, v2  }
0x26b: {  	v1 =	vsel vm1, v4, v1;
	v4 =	vbroadcast v57, $0xF;
	vm1 =	vgt.f32 @!p1 v43, $0.0e+00  }
0x26c: {  	v5 =	vbroadcast v62, $0xF;
	v0 =	vnsel @!p1 vm1, $0x0, v0;
	v3 =	vnsel @!p1 vm2, $0x0, v3  }
0x26d: {  	v1 =	vsel vm0, v4, v1;
	v0 =	vadd.f32 @!p1 v3, v0  }
0x26e: {  	v3 =	vsel vm3, v5, v1  }
0x26f: {  	v1 =	vsub.f32 @!p1 $1.200000000e+01, v3;
	v0 =	vmul.f32 @!p1 $-2.500000000e-01, v0;
	_ =	sdelay $0x1  }
0x270: {  	v0 =	vadd.f32 @!p1 v0, v1;
	_ =	sdelay $0x1  }
0x271: {  	[tilespmem:s15+$0x0] =	vst @!p1 v0;
	p1 =	slt.u32 s6, $0x3C  }
.Ltmp3:
0x272: {  	_ = 	snop;
	(pc) =	sbr.rel @p1 .LBB2_5-.Ltmp3, $4  }
0x273: {  	_ = 	snop  }
0x274: {  	s30 =	sadd.s32 $0x200, s30  }
0x275: {  	s18 =	sadd.s32 $0x200, s18;
	s20 =	sadd.s32 $0x200, s20;
	s19 =	sadd.s32 $0x200, s19  }
0x276: {  	s11 =	sadd.s32 $0x200, s11;
	s7 =	smov.u32 s6;
	s15 =	sadd.s32 $0x4, s15  }
.Ltmp4:
0x277: {  	(pc) =	sbr.rel @p0 .LBB2_8-.Ltmp4, $1  }
0x278: {  	_ =	sdelay $0x3  }
0x279: {  	s6 =	sadd.s32 $0x2C0, s17  }
0x27a: {  	[tilespmem:s21], [sflag:$0x3] =	stream.indirect.gather [hbm4b:s1+s14], $0x80, s6, s14, $0xb8;
	[tilespmem:$0x14800] =	vst v63  }
0x27b: {  	s30 =	sadd.s32 $0xC0, s17  }
0x27c: {  	[tilespmem:s22], [sflag:$0x3] =	stream.indirect.gather [hbm4b:s2+s14], $0x80, s30, s14, $0xb8;
	[tilespmem:$0x14800] =	vst v63  }
0x27d: {  	s7 =	sadd.s32 $0x4C0, s17  }
0x27e: {  	[tilespmem:s24], [sflag:$0x3] =	stream.indirect.gather [hbm4b:s2+s14], $0x80, s7, s14, $0xb8;
	[tilespmem:$0x14800] =	vst v63  }
.Ltmp5:
0x27f: {  	_ = 	snop;
	(pc) =	sbr.rel .LBB2_2-.Ltmp5, $4  }
0x280: {  	_ = 	snop  }
0x281: {  	[tilespmem:s25], [sflag:$0x3] =	stream.indirect.gather [hbm4b:s3+s14], $0x80, s30, s14, $0xb8;
	[tilespmem:$0x14800] =	vst v63  }
0x282: {  	s16 =	sadd.s32 $0x1, s16;
	s4 =	sadd.s32 $0x80, s4;
	s23 =	sadd.s32 $0x80, s23  }
0x283: {  	[tilespmem:s26], [sflag:$0x3] =	stream.indirect.gather [hbm4b:s3+s14], $0x80, s7, s14, $0xb8;
	[tilespmem:$0x14800] =	vst v63  }
.LBB2_9:
0x284: {  	_ =	sfence.sel $0x180000  }
0x285: {  	[bflag:$0x0] =	sbarrier.arrive $0xFFFF  }
0x286: {  	_ =	strace $0x90000047  }
0x287: {  	s0 =	stileid.u32;
	[bflag:$0x2] =	sbarrier.arrive $0xFFFF  }
0x288: {  	p0 =	sne.s32 s0, $0x0;
	s0 =	rddreg [dreg:$0x5]  }
0x289: {  	s0 =	sadd.s32 @!p0 $0x100000, s0  }
0x28a: {  	[sflag:s0] =	ssyncadd.tile.s32 @!p0 $0x1;
	_ =	shalt  }
.Lfunc_end2:
_tile_overlayer_lowered:
.L_overlay_start_2:
0x28b: {  	(tag) =	ssettag $0x2  }
0x28c: {  	s0 =	rddreg [dreg:$0x0];
	s2 =	stileid.u32  }
0x28d: {  	s1 =	rddreg [dreg:$0x1];
	p0 =	sne.s32 s2, $0x0  }
0x28e: {  	s3 =	rddreg [dreg:$0x2];
	[bflag:$0x3] =	sbarrier.arrive $0xFFFF;
	s2 =	simm.s32 @!p0 $0x1C04  }
0x28f: {  	[timem:s3], [sflag:s2] =	dma.local @!p0 [hbm:s0], s1  }
0x290: {  	s0 =	simm.s32 @!p0 $0x4  }
0x291: {  	_ =	swait.ge @!p0 [sflag:s0], s1  }
0x292: {  	s1 =	ssub.s32 @!p0 $0x0, s1;
	[sflag:s0] =	ssyncset.done @!p0 $0x0  }
0x293: {  	[sflag:s0] =	ssyncadd.s32 @!p0 s1  }
0x294: {  	[bflag:$0x3] =	sbarrier.arrive $0xFFFF  }
0x295: {  	_ =	shalt  }

</sc_bundles>
